<compile_context>
chip_gen: v7x
topology: tpu7x:2x2x1
jax: 0.10.2.dev20260603
libtpu: 0.0.44.dev20260713+nightly
codegen_flags: <defaults>
</compile_context>

<pallas_src>
import functools

import jax
import jax.numpy as jnp
from jax import lax
from jax.experimental import pallas as pl
from jax.experimental.pallas import tpu as pltpu
from jax.experimental.pallas import tpu_sc as plsc

N_NODES = 10000
N_EDGES = 320000
NPAD = 10016
ROWS_PER_TILE = NPAD // 16
PAD_DST = 10008
N_WORKERS = 32
EPW = N_EDGES // N_WORKERS
CHUNK = 128
CPW = 80
ZSIZES = (128, 128, 128, 128, 114)


def _make_seg_sum(d, with_deg, col_split, nb):
  cpw = 2 * CPW if col_split else CPW
  ng = cpw // nb
  mesh = plsc.VectorSubcoreMesh(core_axis_name="c", subcore_axis_name="s")
  out_type = [jax.ShapeDtypeStruct((2, NPAD, d), jnp.float32)]
  scratch = [
      pltpu.VMEM((cpw, CHUNK), jnp.int32),
      pltpu.VMEM((cpw, CHUNK), jnp.int32),
      pltpu.VMEM((nb, CHUNK, d), jnp.float32),
      pltpu.VMEM_SHARED((NPAD, d), jnp.float32),
      pltpu.SemaphoreType.DMA((nb,)),
      pltpu.SemaphoreType.DMA((nb,)),
  ]
  if with_deg:
    out_type.append(jax.ShapeDtypeStruct((2, NPAD, 16), jnp.float32))
    scratch += [
        pltpu.VMEM((CHUNK, 16), jnp.float32),
        pltpu.VMEM_SHARED((NPAD, 16), jnp.float32),
    ]

  def body(table, srcp, dstp, *rest):
    if with_deg:
      out, dego, sidx, didx, rows, acc, gsem, ssem, ones, dacc = rest
    else:
      out, sidx, didx, rows, acc, gsem, ssem = rest
    cc = lax.axis_index("c")
    ss = lax.axis_index("s")
    zvec = jnp.zeros((16,), jnp.float32)
    rbase = pl.multiple_of(ss * ROWS_PER_TILE, 2)

    widx = ss if col_split else cc * 16 + ss
    pltpu.async_copy(srcp.at[widx], sidx, gsem.at[0])
    pltpu.async_copy(dstp.at[widx], didx, gsem.at[1])

    def zrows(i, carry):
      for k in range(d // 16):
        rows[0, i, pl.ds(k * 16, 16)] = zvec
      return carry
    lax.fori_loop(0, CHUNK, zrows, 0)
    off = 0
    for sz in ZSIZES:
      pltpu.sync_copy(rows.at[0, pl.ds(0, sz)],
                      acc.at[pl.ds(rbase + off, sz)])
      off += sz
    if with_deg:
      def z16(i, carry):
        ones[i] = zvec
        return carry
      lax.fori_loop(0, CHUNK, z16, 0)
      off = 0
      for sz in ZSIZES:
        pltpu.sync_copy(ones.at[pl.ds(0, sz)],
                        dacc.at[pl.ds(rbase + off, sz)])
        off += sz
      def o16(i, carry):
        ones[i] = jnp.ones((16,), jnp.float32)
        return carry
      lax.fori_loop(0, CHUNK, o16, 0)

    pltpu.make_async_copy(srcp.at[widx], sidx, gsem.at[0]).wait()
    pltpu.make_async_copy(dstp.at[widx], didx, gsem.at[1]).wait()

    tbl = table.at[cc]

    def gather_start(b, j):
      pltpu.async_copy(tbl.at[sidx.at[j]], rows.at[b], gsem.at[b])

    def gather_wait(b):
      pltpu.make_async_copy(tbl.at[sidx.at[0]], rows.at[b],
                            gsem.at[b]).wait()

    def scatter_start(b, j):
      pltpu.async_copy(rows.at[b], acc.at[didx.at[j]], ssem.at[b],
                       add=True)
      if with_deg:
        pltpu.async_copy(ones, dacc.at[didx.at[j]], ssem.at[b], add=True)

    def scatter_wait(b):
      pltpu.make_async_copy(rows.at[b], acc.at[didx.at[0]],
                            ssem.at[b]).wait()
      if with_deg:
        pltpu.make_async_copy(ones, dacc.at[didx.at[0]],
                              ssem.at[b]).wait()

    plsc.subcore_barrier()

    for b in range(nb):
      gather_start(b, b)

    def group(g, carry):
      base = g * nb
      for b in range(nb):
        gather_wait(b)
        scatter_start(b, base + b)
      for b in range(nb):
        @pl.when(g < ng - 1)
        def _():
          scatter_wait(b)
          gather_start(b, base + nb + b)
      return carry
    lax.fori_loop(0, ng, group, 0)
    for b in range(nb):
      scatter_wait(b)

    plsc.subcore_barrier()
    pltpu.sync_copy(acc.at[pl.ds(rbase, ROWS_PER_TILE)],
                    out.at[cc, pl.ds(rbase, ROWS_PER_TILE)])
    if with_deg:
      pltpu.sync_copy(dacc.at[pl.ds(rbase, ROWS_PER_TILE)],
                      dego.at[cc, pl.ds(rbase, ROWS_PER_TILE)])

  return pl.kernel(
      body, mesh=mesh, out_type=out_type, scratch_types=scratch,
      compiler_params=pltpu.CompilerParams(use_tc_tiling_on_sc=False,
                                           needs_layout_passes=False))


_BLK = 1000
_GRID = N_NODES // _BLK


def _mm_body(x_ref, w_ref, o_ref):
  r = jnp.dot(x_ref[...], w_ref[...], preferred_element_type=jnp.float32)
  o_ref[0] = r
  o_ref[1] = r


def _project(x, w):
  din, dout = w.shape
  return pl.pallas_call(
      _mm_body,
      grid=(_GRID,),
      in_specs=[
          pl.BlockSpec((_BLK, din), lambda i: (i, 0)),
          pl.BlockSpec((din, dout), lambda i: (0, 0)),
      ],
      out_specs=pl.BlockSpec((2, _BLK, dout), lambda i: (0, i, 0)),
      out_shape=jax.ShapeDtypeStruct((2, N_NODES, dout), jnp.float32),
  )(x, w)


def _rdeg(dacc_blk):
  deg = dacc_blk[0, :, 0:1] + dacc_blk[1, :, 0:1]
  return 1.0 / jnp.clip(deg, 1.0, None)


def _comb1_body(agg_ref, dacc_ref, x_ref, w_ref, b_ref, oh_ref, of_ref):
  a = agg_ref[...]
  mean = (a[0] + a[1]) * _rdeg(dacc_ref[...])
  o = mean + jnp.dot(x_ref[...], w_ref[...],
                     preferred_element_type=jnp.float32) + b_ref[...]
  r = jnp.maximum(o, 0.0)
  h = r.shape[-1] // 2
  oh_ref[0] = r[:, :h]
  oh_ref[1] = r[:, h:]
  of_ref[...] = r


def _comb_body(relu, concat, halves, agg_ref, dacc_ref, h_ref, wl_ref,
               wr_ref, b_ref, *o_refs):
  a = agg_ref[...]
  if concat:
    s = jnp.concatenate([a[0], a[1]], axis=1)
  else:
    s = a[0] + a[1]
  mean = s * _rdeg(dacc_ref[...])
  o = (jnp.dot(mean, wl_ref[...], preferred_element_type=jnp.float32)
       + jnp.dot(h_ref[...], wr_ref[...], preferred_element_type=jnp.float32)
       + b_ref[...])
  r = jnp.maximum(o, 0.0) if relu else o
  if halves:
    hw = r.shape[-1] // 2
    o_refs[0][0] = r[:, :hw]
    o_refs[0][1] = r[:, hw:]
    o_refs[1][...] = r
  else:
    o_refs[0][...] = r


def _combine1(agg, dacc, x, w, b):
  dout = w.shape[1]
  return pl.pallas_call(
      _comb1_body,
      grid=(_GRID,),
      in_specs=[
          pl.BlockSpec((2, _BLK, dout), lambda i: (0, i, 0)),
          pl.BlockSpec((2, _BLK, 16), lambda i: (0, i, 0)),
          pl.BlockSpec((_BLK, w.shape[0]), lambda i: (i, 0)),
          pl.BlockSpec(w.shape, lambda i: (0, 0)),
          pl.BlockSpec((1, dout), lambda i: (0, 0)),
      ],
      out_specs=[
          pl.BlockSpec((2, _BLK, dout // 2), lambda i: (0, i, 0)),
          pl.BlockSpec((_BLK, dout), lambda i: (i, 0)),
      ],
      out_shape=[
          jax.ShapeDtypeStruct((2, N_NODES, dout // 2), jnp.float32),
          jax.ShapeDtypeStruct((N_NODES, dout), jnp.float32),
      ],
  )(agg, dacc, x, w, b.reshape(1, dout))


def _combine(agg, dacc, h, wl, wr, b, relu, concat=False, halves=False):
  din, dout = wl.shape
  dh = h.shape[1]
  da = din // 2 if concat else din
  if halves:
    out_specs = [
        pl.BlockSpec((2, _BLK, dout // 2), lambda i: (0, i, 0)),
        pl.BlockSpec((_BLK, dout), lambda i: (i, 0)),
    ]
    out_shape = [
        jax.ShapeDtypeStruct((2, N_NODES, dout // 2), jnp.float32),
        jax.ShapeDtypeStruct((N_NODES, dout), jnp.float32),
    ]
  else:
    out_specs = pl.BlockSpec((_BLK, dout), lambda i: (i, 0))
    out_shape = jax.ShapeDtypeStruct((N_NODES, dout), jnp.float32)
  return pl.pallas_call(
      functools.partial(_comb_body, relu, concat, halves),
      grid=(_GRID,),
      in_specs=[
          pl.BlockSpec((2, _BLK, da), lambda i: (0, i, 0)),
          pl.BlockSpec((2, _BLK, 16), lambda i: (0, i, 0)),
          pl.BlockSpec((_BLK, dh), lambda i: (i, 0)),
          pl.BlockSpec((din, dout), lambda i: (0, 0)),
          pl.BlockSpec((dh, dout), lambda i: (0, 0)),
          pl.BlockSpec((1, dout), lambda i: (0, 0)),
      ],
      out_specs=out_specs,
      out_shape=out_shape,
  )(agg, dacc, h, wl, wr, b.reshape(1, dout))


_seg64_deg = _make_seg_sum(64, with_deg=True, col_split=False, nb=5)
_seg32c = _make_seg_sum(32, with_deg=False, col_split=True, nb=8)
_seg64c = _make_seg_sum(64, with_deg=False, col_split=True, nb=5)


def kernel(x, edge_index, W1l, W1r, b1, W2l, W2r, b2, W3l, W3r, b3):
  src = edge_index[0].astype(jnp.int32).reshape(N_WORKERS, EPW)
  dst = edge_index[1].astype(jnp.int32).reshape(N_WORKERS, EPW)
  npad = CPW * CHUNK - EPW
  srcp = jnp.concatenate(
      [src, jnp.zeros((N_WORKERS, npad), jnp.int32)], axis=1
  ).reshape(N_WORKERS, CPW, CHUNK)
  dstp = jnp.concatenate(
      [dst, jnp.full((N_WORKERS, npad), PAD_DST, jnp.int32)], axis=1
  ).reshape(N_WORKERS, CPW, CHUNK)
  srcp2 = srcp.reshape(16, 2 * CPW, CHUNK)
  dstp2 = dstp.reshape(16, 2 * CPW, CHUNK)

  p1 = _project(x, W1l)
  agg1, dacc = _seg64_deg(p1, srcp, dstp)
  h1h, h1 = _combine1(agg1, dacc, x, W1r, b1)

  agg2, = _seg32c(h1h, srcp2, dstp2)
  h2h, h2 = _combine(agg2, dacc, h1, W2l, W2r, b2, relu=True,
                     concat=True, halves=True)

  agg3, = _seg64c(h2h, srcp2, dstp2)
  out = _combine(agg3, dacc, h2, W3l, W3r, b3, relu=False, concat=True)
  return out

# --- scband reference (transcript-rebuilt; emitter-appended) ---
"""Pipeline reference for scband-graph-encoder-10857677324489 (READ-ONLY COPY).

The authoritative reference and input builder live on the scoring server;
editing this copy changes nothing except your own understanding.
"""

import jax, jax.numpy as jnp
import numpy as np

N_NODES = 10000
N_EDGES = 320000

def _glorot(key, shape):
    fan_in, fan_out = shape[0], shape[1]
    lim = jnp.sqrt(6.0 / (fan_in + fan_out))
    return jax.random.uniform(key, shape, dtype=jnp.float32, minval=-lim, maxval=lim)

def setup_inputs(seed: int = 0) -> dict:
    key = jax.random.key(seed)
    ks = jax.random.split(key, 12)
    x = jax.random.normal(ks[0], (N_NODES, 128), dtype=jnp.float32)
    edge_index = jax.random.randint(ks[1], (2, N_EDGES), 0, N_NODES, dtype=jnp.int64)
    # SAGEConv layer 1: 128 -> 64 (W_l applied to aggregated neighbors, W_r to root)
    W1l = _glorot(ks[2], (128, 64)); W1r = _glorot(ks[3], (128, 64)); b1 = jnp.zeros((64,), jnp.float32)
    # SAGEConv layer 2: 64 -> 128
    W2l = _glorot(ks[4], (64, 128)); W2r = _glorot(ks[5], (64, 128)); b2 = jnp.zeros((128,), jnp.float32)
    # SAGEConv layer 3: 128 -> 128
    W3l = _glorot(ks[6], (128, 128)); W3r = _glorot(ks[7], (128, 128)); b3 = jnp.zeros((128,), jnp.float32)
    return {"x": x, "edge_index": edge_index,
            "W1l": W1l, "W1r": W1r, "b1": b1,
            "W2l": W2l, "W2r": W2r, "b2": b2,
            "W3l": W3l, "W3r": W3r, "b3": b3}

def _sage_conv(x, edge_index, Wl, Wr, b):
    src = edge_index[0]
    dst = edge_index[1]
    msgs = jnp.take(x, src, axis=0)                       # gather neighbor features
    agg = jax.ops.segment_sum(msgs, dst, num_segments=N_NODES)
    deg = jax.ops.segment_sum(jnp.ones((msgs.shape[0],), jnp.float32), dst, num_segments=N_NODES)
    agg = agg / jnp.clip(deg, 1.0, None)[:, None]         # mean aggregation
    return agg @ Wl + x @ Wr + b

def reference(x, edge_index, W1l, W1r, b1, W2l, W2r, b2, W3l, W3r, b3):
    h = jax.nn.relu(_sage_conv(x, edge_index, W1l, W1r, b1))
    h = jax.nn.relu(_sage_conv(h, edge_index, W2l, W2r, b2))
    out = _sage_conv(h, edge_index, W3l, W3r, b3)
    return out

if __name__ == "__main__":
    import jax
    _d = setup_inputs()
    print(jax.jit(kernel)(*tuple(_d.values())))

</pallas_src>

<mosaic_0001>
#map = affine_map<(d0, d1) -> (0, 0, 0)>
module attributes {stable_mosaic.version = 14 : i64} {
  func.func @body(%arg0: i32, %arg1: i32, %arg2: memref<2x10000x64xf32, #tpu.memory_space<hbm>>, %arg3: memref<32x80x128xi32, #tpu.memory_space<hbm>>, %arg4: memref<32x80x128xi32, #tpu.memory_space<hbm>>, %arg5: memref<2x10016x64xf32, #tpu.memory_space<hbm>>, %arg6: memref<2x10016x16xf32, #tpu.memory_space<hbm>>, %arg7: memref<80x128xi32, #tpu.memory_space<vmem>>, %arg8: memref<80x128xi32, #tpu.memory_space<vmem>>, %arg9: memref<5x128x64xf32, #tpu.memory_space<vmem>>, %arg10: memref<10016x64xf32, #tpu.memory_space<vmem_shared>>, %arg11: memref<5x!tpu.dma_semaphore, #tpu.memory_space<semaphore_mem>>, %arg12: memref<5x!tpu.dma_semaphore, #tpu.memory_space<semaphore_mem>>, %arg13: memref<128x16xf32, #tpu.memory_space<vmem>>, %arg14: memref<10016x16xf32, #tpu.memory_space<vmem_shared>>) attributes {dimension_semantics = [#tpu.dimension_semantics<core_parallel>, #tpu.dimension_semantics<subcore_parallel>], iteration_bounds = array<i64: 2, 16>, scalar_prefetch = 0 : i64, scratch_operands = 8 : i64, tpu.core_type = #tpu.core_type<sc_vector_subcore>, window_params = [{transform_indices = #map}, {transform_indices = #map}, {transform_indices = #map}, {transform_indices = #map}, {transform_indices = #map}]} {
    %broadcast_in_dim3A = arith.constant 0.000000e+00 : f32
    %broadcast_in_dim3A_0 = vector.broadcast %broadcast_in_dim3A : f32 to vector<16xf32>
    %mul3A = arith.constant 626 : i32
    %mul3A_1 = arith.muli %arg1, %mul3A : i32
    %multiple_of3A = tpu.assume_multiple %mul3A_1, 2 : i32
    %mul3A_2 = arith.constant 16 : i32
    %mul3A_3 = arith.muli %arg0, %mul3A_2 : i32
    %add3A = arith.addi %mul3A_3, %arg1 : i32
    %dma_start3A = arith.constant 0 : i32
    %dma_start3A_4 = arith.constant 0 : i32
    %dma_start3A_5 = arith.constant 0 : i32
    %dma_start3A_6 = tpu.memref_slice %arg3[%add3A, %dma_start3A_4, %dma_start3A_5] : memref<32x80x128xi32, #tpu.memory_space<hbm>> -> memref<1x80x128xi32, #tpu.memory_space<hbm>>
    %dma_start3A_7 = tpu.memref_squeeze %dma_start3A_6 : memref<1x80x128xi32, #tpu.memory_space<hbm>> -> memref<80x128xi32, #tpu.memory_space<hbm>>
    %dma_start3A_8 = tpu.memref_slice %arg11[%dma_start3A] : memref<5x!tpu.dma_semaphore, #tpu.memory_space<semaphore_mem>> -> memref<1x!tpu.dma_semaphore, #tpu.memory_space<semaphore_mem>>
    %dma_start3A_9 = tpu.memref_squeeze %dma_start3A_8 : memref<1x!tpu.dma_semaphore, #tpu.memory_space<semaphore_mem>> -> memref<!tpu.dma_semaphore, #tpu.memory_space<semaphore_mem>>
    %dma_start3A_10 = arith.constant 0 : i32
    %dma_start3A_11 = arith.constant 0 : i32
    %dma_start3A_12 = tpu.memref_slice %arg3[%add3A, %dma_start3A_10, %dma_start3A_11] : memref<32x80x128xi32, #tpu.memory_space<hbm>> -> memref<1x80x128xi32, #tpu.memory_space<hbm>>
    %dma_start3A_13 = tpu.memref_squeeze %dma_start3A_12 : memref<1x80x128xi32, #tpu.memory_space<hbm>> -> memref<80x128xi32, #tpu.memory_space<hbm>>
    tpu.enqueue_dma source(%dma_start3A_13 : memref<80x128xi32, #tpu.memory_space<hbm>>) target(%arg7 : memref<80x128xi32, #tpu.memory_space<vmem>>) target_semaphore(%dma_start3A_9 : memref<!tpu.dma_semaphore, #tpu.memory_space<semaphore_mem>>)
    %dma_start3A_14 = arith.constant 1 : i32
    %dma_start3A_15 = arith.constant 0 : i32
    %dma_start3A_16 = arith.constant 0 : i32
    %dma_start3A_17 = tpu.memref_slice %arg4[%add3A, %dma_start3A_15, %dma_start3A_16] : memref<32x80x128xi32, #tpu.memory_space<hbm>> -> memref<1x80x128xi32, #tpu.memory_space<hbm>>
    %dma_start3A_18 = tpu.memref_squeeze %dma_start3A_17 : memref<1x80x128xi32, #tpu.memory_space<hbm>> -> memref<80x128xi32, #tpu.memory_space<hbm>>
    %dma_start3A_19 = tpu.memref_slice %arg11[%dma_start3A_14] : memref<5x!tpu.dma_semaphore, #tpu.memory_space<semaphore_mem>> -> memref<1x!tpu.dma_semaphore, #tpu.memory_space<semaphore_mem>>
    %dma_start3A_20 = tpu.memref_squeeze %dma_start3A_19 : memref<1x!tpu.dma_semaphore, #tpu.memory_space<semaphore_mem>> -> memref<!tpu.dma_semaphore, #tpu.memory_space<semaphore_mem>>
    %dma_start3A_21 = arith.constant 0 : i32
    %dma_start3A_22 = arith.constant 0 : i32
    %dma_start3A_23 = tpu.memref_slice %arg4[%add3A, %dma_start3A_21, %dma_start3A_22] : memref<32x80x128xi32, #tpu.memory_space<hbm>> -> memref<1x80x128xi32, #tpu.memory_space<hbm>>
    %dma_start3A_24 = tpu.memref_squeeze %dma_start3A_23 : memref<1x80x128xi32, #tpu.memory_space<hbm>> -> memref<80x128xi32, #tpu.memory_space<hbm>>
    tpu.enqueue_dma source(%dma_start3A_24 : memref<80x128xi32, #tpu.memory_space<hbm>>) target(%arg8 : memref<80x128xi32, #tpu.memory_space<vmem>>) target_semaphore(%dma_start3A_20 : memref<!tpu.dma_semaphore, #tpu.memory_space<semaphore_mem>>)
    %scan3A = arith.constant 0 : i32
    %scan3A_25 = arith.constant 0 : i32
    %scan3A_26 = arith.constant 128 : i32
    %scan3A_27 = arith.addi %scan3A_25, %scan3A_26 : i32
    %scan3A_28 = arith.constant 1 : i32
    scf.for %scan3A_314 = %scan3A_25 to %scan3A_27 step %scan3A_28  : i32 {
      %swap3A = arith.constant 0 : i32
      %swap3A_315 = arith.index_cast %swap3A : i32 to index
      %swap3A_316 = arith.index_cast %scan3A_314 : i32 to index
      %swap3A_317 = arith.constant 0 : index
      %swap3A_318 = tpu.vector_load %arg9[%swap3A_315, %swap3A_316, %swap3A_317] {strides = array<i32>} : memref<5x128x64xf32, #tpu.memory_space<vmem>>, vector<16xf32>,
      tpu.vector_store %arg9[%swap3A_315, %swap3A_316, %swap3A_317], %broadcast_in_dim3A_0 {strides = array<i32>} : memref<5x128x64xf32, #tpu.memory_space<vmem>>, vector<16xf32>,
      %swap3A_319 = arith.constant 0 : i32
      %swap3A_320 = arith.index_cast %swap3A_319 : i32 to index
      %swap3A_321 = arith.index_cast %scan3A_314 : i32 to index
      %swap3A_322 = arith.constant 16 : index
      %swap3A_323 = tpu.vector_load %arg9[%swap3A_320, %swap3A_321, %swap3A_322] {strides = array<i32>} : memref<5x128x64xf32, #tpu.memory_space<vmem>>, vector<16xf32>,
      tpu.vector_store %arg9[%swap3A_320, %swap3A_321, %swap3A_322], %broadcast_in_dim3A_0 {strides = array<i32>} : memref<5x128x64xf32, #tpu.memory_space<vmem>>, vector<16xf32>,
      %swap3A_324 = arith.constant 0 : i32
      %swap3A_325 = arith.index_cast %swap3A_324 : i32 to index
      %swap3A_326 = arith.index_cast %scan3A_314 : i32 to index
      %swap3A_327 = arith.constant 32 : index
      %swap3A_328 = tpu.vector_load %arg9[%swap3A_325, %swap3A_326, %swap3A_327] {strides = array<i32>} : memref<5x128x64xf32, #tpu.memory_space<vmem>>, vector<16xf32>,
      tpu.vector_store %arg9[%swap3A_325, %swap3A_326, %swap3A_327], %broadcast_in_dim3A_0 {strides = array<i32>} : memref<5x128x64xf32, #tpu.memory_space<vmem>>, vector<16xf32>,
      %swap3A_329 = arith.constant 0 : i32
      %swap3A_330 = arith.index_cast %swap3A_329 : i32 to index
      %swap3A_331 = arith.index_cast %scan3A_314 : i32 to index
      %swap3A_332 = arith.constant 48 : index
      %swap3A_333 = tpu.vector_load %arg9[%swap3A_330, %swap3A_331, %swap3A_332] {strides = array<i32>} : memref<5x128x64xf32, #tpu.memory_space<vmem>>, vector<16xf32>,
      tpu.vector_store %arg9[%swap3A_330, %swap3A_331, %swap3A_332], %broadcast_in_dim3A_0 {strides = array<i32>} : memref<5x128x64xf32, #tpu.memory_space<vmem>>, vector<16xf32>,
    }
    %scan3A_29 = arith.constant 128 : i32
    %add3A_30 = arith.constant 0 : i32
    %add3A_31 = arith.addi %multiple_of3A, %add3A_30 : i32
    %run_scoped3A = arith.constant 0 : i32
    "tpu.region"() ({
      %run_scoped3A_314 = tpu.sem_alloc : memref<!tpu.dma_semaphore, #tpu.memory_space<semaphore_mem>>
      %dma_start3A_315 = arith.constant 0 : i32
      %dma_start3A_316 = arith.constant 0 : i32
      %dma_start3A_317 = tpu.memref_slice %arg9[%run_scoped3A, %dma_start3A_315, %dma_start3A_316] : memref<5x128x64xf32, #tpu.memory_space<vmem>> -> memref<1x128x64xf32, #tpu.memory_space<vmem>>
      %dma_start3A_318 = tpu.memref_squeeze %dma_start3A_317 : memref<1x128x64xf32, #tpu.memory_space<vmem>> -> memref<128x64xf32, #tpu.memory_space<vmem>>
      %dma_start3A_319 = arith.constant 0 : i32
      %dma_start3A_320 = tpu.memref_slice %arg10[%add3A_31, %dma_start3A_319] : memref<10016x64xf32, #tpu.memory_space<vmem_shared>> -> memref<128x64xf32, #tpu.memory_space<vmem_shared>>
      %dma_start3A_321 = arith.constant 0 : i32
      %dma_start3A_322 = tpu.memref_slice %arg10[%add3A_31, %dma_start3A_321] : memref<10016x64xf32, #tpu.memory_space<vmem_shared>> -> memref<128x64xf32, #tpu.memory_space<vmem_shared>>
      %dma_start3A_323 = arith.constant 0 : i32
      %dma_start3A_324 = arith.constant 0 : i32
      %dma_start3A_325 = tpu.memref_slice %arg9[%run_scoped3A, %dma_start3A_323, %dma_start3A_324] : memref<5x128x64xf32, #tpu.memory_space<vmem>> -> memref<1x128x64xf32, #tpu.memory_space<vmem>>
      %dma_start3A_326 = tpu.memref_squeeze %dma_start3A_325 : memref<1x128x64xf32, #tpu.memory_space<vmem>> -> memref<128x64xf32, #tpu.memory_space<vmem>>
      tpu.enqueue_dma source(%dma_start3A_326 : memref<128x64xf32, #tpu.memory_space<vmem>>) target(%dma_start3A_322 : memref<128x64xf32, #tpu.memory_space<vmem_shared>>) target_semaphore(%run_scoped3A_314 : memref<!tpu.dma_semaphore, #tpu.memory_space<semaphore_mem>>)
      %dma_wait3A_327 = arith.constant 0 : i32
      %dma_wait3A_328 = arith.constant 0 : i32
      %dma_wait3A_329 = tpu.memref_slice %arg9[%run_scoped3A, %dma_wait3A_327, %dma_wait3A_328] : memref<5x128x64xf32, #tpu.memory_space<vmem>> -> memref<1x128x64xf32, #tpu.memory_space<vmem>>
      %dma_wait3A_330 = tpu.memref_squeeze %dma_wait3A_329 : memref<1x128x64xf32, #tpu.memory_space<vmem>> -> memref<128x64xf32, #tpu.memory_space<vmem>>
      %dma_wait3A_331 = arith.constant 0 : i32
      %dma_wait3A_332 = tpu.memref_slice %arg10[%add3A_31, %dma_wait3A_331] : memref<10016x64xf32, #tpu.memory_space<vmem_shared>> -> memref<128x64xf32, #tpu.memory_space<vmem_shared>>
      %dma_wait3A_333 = arith.constant 0 : i32
      %dma_wait3A_334 = tpu.memref_slice %arg10[%add3A_31, %dma_wait3A_333] : memref<10016x64xf32, #tpu.memory_space<vmem_shared>> -> memref<128x64xf32, #tpu.memory_space<vmem_shared>>
      %dma_wait3A_335 = arith.constant 0 : i32
      %dma_wait3A_336 = arith.constant 0 : i32
      %dma_wait3A_337 = tpu.memref_slice %arg9[%run_scoped3A, %dma_wait3A_335, %dma_wait3A_336] : memref<5x128x64xf32, #tpu.memory_space<vmem>> -> memref<1x128x64xf32, #tpu.memory_space<vmem>>
      %dma_wait3A_338 = tpu.memref_squeeze %dma_wait3A_337 : memref<1x128x64xf32, #tpu.memory_space<vmem>> -> memref<128x64xf32, #tpu.memory_space<vmem>>
      tpu.wait_dma2 semaphore(%run_scoped3A_314 : memref<!tpu.dma_semaphore, #tpu.memory_space<semaphore_mem>>) src(%dma_wait3A_338 : memref<128x64xf32, #tpu.memory_space<vmem>>) dst(%dma_wait3A_334 : memref<128x64xf32, #tpu.memory_space<vmem_shared>>)
      tpu.yield
    }) : () -> ()
    %add3A_32 = arith.constant 128 : i32
    %add3A_33 = arith.addi %multiple_of3A, %add3A_32 : i32
    %run_scoped3A_34 = arith.constant 0 : i32
    "tpu.region"() ({
      %run_scoped3A_314 = tpu.sem_alloc : memref<!tpu.dma_semaphore, #tpu.memory_space<semaphore_mem>>
      %dma_start3A_315 = arith.constant 0 : i32
      %dma_start3A_316 = arith.constant 0 : i32
      %dma_start3A_317 = tpu.memref_slice %arg9[%run_scoped3A_34, %dma_start3A_315, %dma_start3A_316] : memref<5x128x64xf32, #tpu.memory_space<vmem>> -> memref<1x128x64xf32, #tpu.memory_space<vmem>>
      %dma_start3A_318 = tpu.memref_squeeze %dma_start3A_317 : memref<1x128x64xf32, #tpu.memory_space<vmem>> -> memref<128x64xf32, #tpu.memory_space<vmem>>
      %dma_start3A_319 = arith.constant 0 : i32
      %dma_start3A_320 = tpu.memref_slice %arg10[%add3A_33, %dma_start3A_319] : memref<10016x64xf32, #tpu.memory_space<vmem_shared>> -> memref<128x64xf32, #tpu.memory_space<vmem_shared>>
      %dma_start3A_321 = arith.constant 0 : i32
      %dma_start3A_322 = tpu.memref_slice %arg10[%add3A_33, %dma_start3A_321] : memref<10016x64xf32, #tpu.memory_space<vmem_shared>> -> memref<128x64xf32, #tpu.memory_space<vmem_shared>>
      %dma_start3A_323 = arith.constant 0 : i32
      %dma_start3A_324 = arith.constant 0 : i32
      %dma_start3A_325 = tpu.memref_slice %arg9[%run_scoped3A_34, %dma_start3A_323, %dma_start3A_324] : memref<5x128x64xf32, #tpu.memory_space<vmem>> -> memref<1x128x64xf32, #tpu.memory_space<vmem>>
      %dma_start3A_326 = tpu.memref_squeeze %dma_start3A_325 : memref<1x128x64xf32, #tpu.memory_space<vmem>> -> memref<128x64xf32, #tpu.memory_space<vmem>>
      tpu.enqueue_dma source(%dma_start3A_326 : memref<128x64xf32, #tpu.memory_space<vmem>>) target(%dma_start3A_322 : memref<128x64xf32, #tpu.memory_space<vmem_shared>>) target_semaphore(%run_scoped3A_314 : memref<!tpu.dma_semaphore, #tpu.memory_space<semaphore_mem>>)
      %dma_wait3A_327 = arith.constant 0 : i32
      %dma_wait3A_328 = arith.constant 0 : i32
      %dma_wait3A_329 = tpu.memref_slice %arg9[%run_scoped3A_34, %dma_wait3A_327, %dma_wait3A_328] : memref<5x128x64xf32, #tpu.memory_space<vmem>> -> memref<1x128x64xf32, #tpu.memory_space<vmem>>
      %dma_wait3A_330 = tpu.memref_squeeze %dma_wait3A_329 : memref<1x128x64xf32, #tpu.memory_space<vmem>> -> memref<128x64xf32, #tpu.memory_space<vmem>>
      %dma_wait3A_331 = arith.constant 0 : i32
      %dma_wait3A_332 = tpu.memref_slice %arg10[%add3A_33, %dma_wait3A_331] : memref<10016x64xf32, #tpu.memory_space<vmem_shared>> -> memref<128x64xf32, #tpu.memory_space<vmem_shared>>
      %dma_wait3A_333 = arith.constant 0 : i32
      %dma_wait3A_334 = tpu.memref_slice %arg10[%add3A_33, %dma_wait3A_333] : memref<10016x64xf32, #tpu.memory_space<vmem_shared>> -> memref<128x64xf32, #tpu.memory_space<vmem_shared>>
      %dma_wait3A_335 = arith.constant 0 : i32
      %dma_wait3A_336 = arith.constant 0 : i32
      %dma_wait3A_337 = tpu.memref_slice %arg9[%run_scoped3A_34, %dma_wait3A_335, %dma_wait3A_336] : memref<5x128x64xf32, #tpu.memory_space<vmem>> -> memref<1x128x64xf32, #tpu.memory_space<vmem>>
      %dma_wait3A_338 = tpu.memref_squeeze %dma_wait3A_337 : memref<1x128x64xf32, #tpu.memory_space<vmem>> -> memref<128x64xf32, #tpu.memory_space<vmem>>
      tpu.wait_dma2 semaphore(%run_scoped3A_314 : memref<!tpu.dma_semaphore, #tpu.memory_space<semaphore_mem>>) src(%dma_wait3A_338 : memref<128x64xf32, #tpu.memory_space<vmem>>) dst(%dma_wait3A_334 : memref<128x64xf32, #tpu.memory_space<vmem_shared>>)
      tpu.yield
    }) : () -> ()
    %add3A_35 = arith.constant 256 : i32
    %add3A_36 = arith.addi %multiple_of3A, %add3A_35 : i32
    %run_scoped3A_37 = arith.constant 0 : i32
    "tpu.region"() ({
      %run_scoped3A_314 = tpu.sem_alloc : memref<!tpu.dma_semaphore, #tpu.memory_space<semaphore_mem>>
      %dma_start3A_315 = arith.constant 0 : i32
      %dma_start3A_316 = arith.constant 0 : i32
      %dma_start3A_317 = tpu.memref_slice %arg9[%run_scoped3A_37, %dma_start3A_315, %dma_start3A_316] : memref<5x128x64xf32, #tpu.memory_space<vmem>> -> memref<1x128x64xf32, #tpu.memory_space<vmem>>
      %dma_start3A_318 = tpu.memref_squeeze %dma_start3A_317 : memref<1x128x64xf32, #tpu.memory_space<vmem>> -> memref<128x64xf32, #tpu.memory_space<vmem>>
      %dma_start3A_319 = arith.constant 0 : i32
      %dma_start3A_320 = tpu.memref_slice %arg10[%add3A_36, %dma_start3A_319] : memref<10016x64xf32, #tpu.memory_space<vmem_shared>> -> memref<128x64xf32, #tpu.memory_space<vmem_shared>>
      %dma_start3A_321 = arith.constant 0 : i32
      %dma_start3A_322 = tpu.memref_slice %arg10[%add3A_36, %dma_start3A_321] : memref<10016x64xf32, #tpu.memory_space<vmem_shared>> -> memref<128x64xf32, #tpu.memory_space<vmem_shared>>
      %dma_start3A_323 = arith.constant 0 : i32
      %dma_start3A_324 = arith.constant 0 : i32
      %dma_start3A_325 = tpu.memref_slice %arg9[%run_scoped3A_37, %dma_start3A_323, %dma_start3A_324] : memref<5x128x64xf32, #tpu.memory_space<vmem>> -> memref<1x128x64xf32, #tpu.memory_space<vmem>>
      %dma_start3A_326 = tpu.memref_squeeze %dma_start3A_325 : memref<1x128x64xf32, #tpu.memory_space<vmem>> -> memref<128x64xf32, #tpu.memory_space<vmem>>
      tpu.enqueue_dma source(%dma_start3A_326 : memref<128x64xf32, #tpu.memory_space<vmem>>) target(%dma_start3A_322 : memref<128x64xf32, #tpu.memory_space<vmem_shared>>) target_semaphore(%run_scoped3A_314 : memref<!tpu.dma_semaphore, #tpu.memory_space<semaphore_mem>>)
      %dma_wait3A_327 = arith.constant 0 : i32
      %dma_wait3A_328 = arith.constant 0 : i32
      %dma_wait3A_329 = tpu.memref_slice %arg9[%run_scoped3A_37, %dma_wait3A_327, %dma_wait3A_328] : memref<5x128x64xf32, #tpu.memory_space<vmem>> -> memref<1x128x64xf32, #tpu.memory_space<vmem>>
      %dma_wait3A_330 = tpu.memref_squeeze %dma_wait3A_329 : memref<1x128x64xf32, #tpu.memory_space<vmem>> -> memref<128x64xf32, #tpu.memory_space<vmem>>
      %dma_wait3A_331 = arith.constant 0 : i32
      %dma_wait3A_332 = tpu.memref_slice %arg10[%add3A_36, %dma_wait3A_331] : memref<10016x64xf32, #tpu.memory_space<vmem_shared>> -> memref<128x64xf32, #tpu.memory_space<vmem_shared>>
      %dma_wait3A_333 = arith.constant 0 : i32
      %dma_wait3A_334 = tpu.memref_slice %arg10[%add3A_36, %dma_wait3A_333] : memref<10016x64xf32, #tpu.memory_space<vmem_shared>> -> memref<128x64xf32, #tpu.memory_space<vmem_shared>>
      %dma_wait3A_335 = arith.constant 0 : i32
      %dma_wait3A_336 = arith.constant 0 : i32
      %dma_wait3A_337 = tpu.memref_slice %arg9[%run_scoped3A_37, %dma_wait3A_335, %dma_wait3A_336] : memref<5x128x64xf32, #tpu.memory_space<vmem>> -> memref<1x128x64xf32, #tpu.memory_space<vmem>>
      %dma_wait3A_338 = tpu.memref_squeeze %dma_wait3A_337 : memref<1x128x64xf32, #tpu.memory_space<vmem>> -> memref<128x64xf32, #tpu.memory_space<vmem>>
      tpu.wait_dma2 semaphore(%run_scoped3A_314 : memref<!tpu.dma_semaphore, #tpu.memory_space<semaphore_mem>>) src(%dma_wait3A_338 : memref<128x64xf32, #tpu.memory_space<vmem>>) dst(%dma_wait3A_334 : memref<128x64xf32, #tpu.memory_space<vmem_shared>>)
      tpu.yield
    }) : () -> ()
    %add3A_38 = arith.constant 384 : i32
    %add3A_39 = arith.addi %multiple_of3A, %add3A_38 : i32
    %run_scoped3A_40 = arith.constant 0 : i32
    "tpu.region"() ({
      %run_scoped3A_314 = tpu.sem_alloc : memref<!tpu.dma_semaphore, #tpu.memory_space<semaphore_mem>>
      %dma_start3A_315 = arith.constant 0 : i32
      %dma_start3A_316 = arith.constant 0 : i32
      %dma_start3A_317 = tpu.memref_slice %arg9[%run_scoped3A_40, %dma_start3A_315, %dma_start3A_316] : memref<5x128x64xf32, #tpu.memory_space<vmem>> -> memref<1x128x64xf32, #tpu.memory_space<vmem>>
      %dma_start3A_318 = tpu.memref_squeeze %dma_start3A_317 : memref<1x128x64xf32, #tpu.memory_space<vmem>> -> memref<128x64xf32, #tpu.memory_space<vmem>>
      %dma_start3A_319 = arith.constant 0 : i32
      %dma_start3A_320 = tpu.memref_slice %arg10[%add3A_39, %dma_start3A_319] : memref<10016x64xf32, #tpu.memory_space<vmem_shared>> -> memref<128x64xf32, #tpu.memory_space<vmem_shared>>
      %dma_start3A_321 = arith.constant 0 : i32
      %dma_start3A_322 = tpu.memref_slice %arg10[%add3A_39, %dma_start3A_321] : memref<10016x64xf32, #tpu.memory_space<vmem_shared>> -> memref<128x64xf32, #tpu.memory_space<vmem_shared>>
      %dma_start3A_323 = arith.constant 0 : i32
      %dma_start3A_324 = arith.constant 0 : i32
      %dma_start3A_325 = tpu.memref_slice %arg9[%run_scoped3A_40, %dma_start3A_323, %dma_start3A_324] : memref<5x128x64xf32, #tpu.memory_space<vmem>> -> memref<1x128x64xf32, #tpu.memory_space<vmem>>
      %dma_start3A_326 = tpu.memref_squeeze %dma_start3A_325 : memref<1x128x64xf32, #tpu.memory_space<vmem>> -> memref<128x64xf32, #tpu.memory_space<vmem>>
      tpu.enqueue_dma source(%dma_start3A_326 : memref<128x64xf32, #tpu.memory_space<vmem>>) target(%dma_start3A_322 : memref<128x64xf32, #tpu.memory_space<vmem_shared>>) target_semaphore(%run_scoped3A_314 : memref<!tpu.dma_semaphore, #tpu.memory_space<semaphore_mem>>)
      %dma_wait3A_327 = arith.constant 0 : i32
      %dma_wait3A_328 = arith.constant 0 : i32
      %dma_wait3A_329 = tpu.memref_slice %arg9[%run_scoped3A_40, %dma_wait3A_327, %dma_wait3A_328] : memref<5x128x64xf32, #tpu.memory_space<vmem>> -> memref<1x128x64xf32, #tpu.memory_space<vmem>>
      %dma_wait3A_330 = tpu.memref_squeeze %dma_wait3A_329 : memref<1x128x64xf32, #tpu.memory_space<vmem>> -> memref<128x64xf32, #tpu.memory_space<vmem>>
      %dma_wait3A_331 = arith.constant 0 : i32
      %dma_wait3A_332 = tpu.memref_slice %arg10[%add3A_39, %dma_wait3A_331] : memref<10016x64xf32, #tpu.memory_space<vmem_shared>> -> memref<128x64xf32, #tpu.memory_space<vmem_shared>>
      %dma_wait3A_333 = arith.constant 0 : i32
      %dma_wait3A_334 = tpu.memref_slice %arg10[%add3A_39, %dma_wait3A_333] : memref<10016x64xf32, #tpu.memory_space<vmem_shared>> -> memref<128x64xf32, #tpu.memory_space<vmem_shared>>
      %dma_wait3A_335 = arith.constant 0 : i32
      %dma_wait3A_336 = arith.constant 0 : i32
      %dma_wait3A_337 = tpu.memref_slice %arg9[%run_scoped3A_40, %dma_wait3A_335, %dma_wait3A_336] : memref<5x128x64xf32, #tpu.memory_space<vmem>> -> memref<1x128x64xf32, #tpu.memory_space<vmem>>
      %dma_wait3A_338 = tpu.memref_squeeze %dma_wait3A_337 : memref<1x128x64xf32, #tpu.memory_space<vmem>> -> memref<128x64xf32, #tpu.memory_space<vmem>>
      tpu.wait_dma2 semaphore(%run_scoped3A_314 : memref<!tpu.dma_semaphore, #tpu.memory_space<semaphore_mem>>) src(%dma_wait3A_338 : memref<128x64xf32, #tpu.memory_space<vmem>>) dst(%dma_wait3A_334 : memref<128x64xf32, #tpu.memory_space<vmem_shared>>)
      tpu.yield
    }) : () -> ()
    %add3A_41 = arith.constant 512 : i32
    %add3A_42 = arith.addi %multiple_of3A, %add3A_41 : i32
    %run_scoped3A_43 = arith.constant 0 : i32
    "tpu.region"() ({
      %run_scoped3A_314 = tpu.sem_alloc : memref<!tpu.dma_semaphore, #tpu.memory_space<semaphore_mem>>
      %dma_start3A_315 = arith.constant 0 : i32
      %dma_start3A_316 = arith.constant 0 : i32
      %dma_start3A_317 = tpu.memref_slice %arg9[%run_scoped3A_43, %dma_start3A_315, %dma_start3A_316] : memref<5x128x64xf32, #tpu.memory_space<vmem>> -> memref<1x114x64xf32, #tpu.memory_space<vmem>>
      %dma_start3A_318 = tpu.memref_squeeze %dma_start3A_317 : memref<1x114x64xf32, #tpu.memory_space<vmem>> -> memref<114x64xf32, #tpu.memory_space<vmem>>
      %dma_start3A_319 = arith.constant 0 : i32
      %dma_start3A_320 = tpu.memref_slice %arg10[%add3A_42, %dma_start3A_319] : memref<10016x64xf32, #tpu.memory_space<vmem_shared>> -> memref<114x64xf32, #tpu.memory_space<vmem_shared>>
      %dma_start3A_321 = arith.constant 0 : i32
      %dma_start3A_322 = tpu.memref_slice %arg10[%add3A_42, %dma_start3A_321] : memref<10016x64xf32, #tpu.memory_space<vmem_shared>> -> memref<114x64xf32, #tpu.memory_space<vmem_shared>>
      %dma_start3A_323 = arith.constant 0 : i32
      %dma_start3A_324 = arith.constant 0 : i32
      %dma_start3A_325 = tpu.memref_slice %arg9[%run_scoped3A_43, %dma_start3A_323, %dma_start3A_324] : memref<5x128x64xf32, #tpu.memory_space<vmem>> -> memref<1x114x64xf32, #tpu.memory_space<vmem>>
      %dma_start3A_326 = tpu.memref_squeeze %dma_start3A_325 : memref<1x114x64xf32, #tpu.memory_space<vmem>> -> memref<114x64xf32, #tpu.memory_space<vmem>>
      tpu.enqueue_dma source(%dma_start3A_326 : memref<114x64xf32, #tpu.memory_space<vmem>>) target(%dma_start3A_322 : memref<114x64xf32, #tpu.memory_space<vmem_shared>>) target_semaphore(%run_scoped3A_314 : memref<!tpu.dma_semaphore, #tpu.memory_space<semaphore_mem>>)
      %dma_wait3A_327 = arith.constant 0 : i32
      %dma_wait3A_328 = arith.constant 0 : i32
      %dma_wait3A_329 = tpu.memref_slice %arg9[%run_scoped3A_43, %dma_wait3A_327, %dma_wait3A_328] : memref<5x128x64xf32, #tpu.memory_space<vmem>> -> memref<1x114x64xf32, #tpu.memory_space<vmem>>
      %dma_wait3A_330 = tpu.memref_squeeze %dma_wait3A_329 : memref<1x114x64xf32, #tpu.memory_space<vmem>> -> memref<114x64xf32, #tpu.memory_space<vmem>>
      %dma_wait3A_331 = arith.constant 0 : i32
      %dma_wait3A_332 = tpu.memref_slice %arg10[%add3A_42, %dma_wait3A_331] : memref<10016x64xf32, #tpu.memory_space<vmem_shared>> -> memref<114x64xf32, #tpu.memory_space<vmem_shared>>
      %dma_wait3A_333 = arith.constant 0 : i32
      %dma_wait3A_334 = tpu.memref_slice %arg10[%add3A_42, %dma_wait3A_333] : memref<10016x64xf32, #tpu.memory_space<vmem_shared>> -> memref<114x64xf32, #tpu.memory_space<vmem_shared>>
      %dma_wait3A_335 = arith.constant 0 : i32
      %dma_wait3A_336 = arith.constant 0 : i32
      %dma_wait3A_337 = tpu.memref_slice %arg9[%run_scoped3A_43, %dma_wait3A_335, %dma_wait3A_336] : memref<5x128x64xf32, #tpu.memory_space<vmem>> -> memref<1x114x64xf32, #tpu.memory_space<vmem>>
      %dma_wait3A_338 = tpu.memref_squeeze %dma_wait3A_337 : memref<1x114x64xf32, #tpu.memory_space<vmem>> -> memref<114x64xf32, #tpu.memory_space<vmem>>
      tpu.wait_dma2 semaphore(%run_scoped3A_314 : memref<!tpu.dma_semaphore, #tpu.memory_space<semaphore_mem>>) src(%dma_wait3A_338 : memref<114x64xf32, #tpu.memory_space<vmem>>) dst(%dma_wait3A_334 : memref<114x64xf32, #tpu.memory_space<vmem_shared>>)
      tpu.yield
    }) : () -> ()
    %scan3A_44 = arith.constant 0 : i32
    %scan3A_45 = arith.constant 0 : i32
    %scan3A_46 = arith.constant 128 : i32
    %scan3A_47 = arith.addi %scan3A_45, %scan3A_46 : i32
    %scan3A_48 = arith.constant 1 : i32
    scf.for %scan3A_314 = %scan3A_45 to %scan3A_47 step %scan3A_48  : i32 {
      %swap3A = arith.index_cast %scan3A_314 : i32 to index
      %swap3A_315 = arith.constant 0 : index
      %swap3A_316 = tpu.vector_load %arg13[%swap3A, %swap3A_315] {strides = array<i32>} : memref<128x16xf32, #tpu.memory_space<vmem>>, vector<16xf32>,
      tpu.vector_store %arg13[%swap3A, %swap3A_315], %broadcast_in_dim3A_0 {strides = array<i32>} : memref<128x16xf32, #tpu.memory_space<vmem>>, vector<16xf32>,
    }
    %scan3A_49 = arith.constant 128 : i32
    %add3A_50 = arith.constant 0 : i32
    %add3A_51 = arith.addi %multiple_of3A, %add3A_50 : i32
    "tpu.region"() ({
      %run_scoped3A_314 = tpu.sem_alloc : memref<!tpu.dma_semaphore, #tpu.memory_space<semaphore_mem>>
      %dma_start3A_315 = arith.constant 0 : i32
      %dma_start3A_316 = arith.constant 0 : i32
      %dma_start3A_317 = tpu.memref_slice %arg13[%dma_start3A_315, %dma_start3A_316] : memref<128x16xf32, #tpu.memory_space<vmem>> -> memref<128x16xf32, #tpu.memory_space<vmem>>
      %dma_start3A_318 = arith.constant 0 : i32
      %dma_start3A_319 = tpu.memref_slice %arg14[%add3A_51, %dma_start3A_318] : memref<10016x16xf32, #tpu.memory_space<vmem_shared>> -> memref<128x16xf32, #tpu.memory_space<vmem_shared>>
      %dma_start3A_320 = arith.constant 0 : i32
      %dma_start3A_321 = tpu.memref_slice %arg14[%add3A_51, %dma_start3A_320] : memref<10016x16xf32, #tpu.memory_space<vmem_shared>> -> memref<128x16xf32, #tpu.memory_space<vmem_shared>>
      %dma_start3A_322 = arith.constant 0 : i32
      %dma_start3A_323 = arith.constant 0 : i32
      %dma_start3A_324 = tpu.memref_slice %arg13[%dma_start3A_322, %dma_start3A_323] : memref<128x16xf32, #tpu.memory_space<vmem>> -> memref<128x16xf32, #tpu.memory_space<vmem>>
      tpu.enqueue_dma source(%dma_start3A_324 : memref<128x16xf32, #tpu.memory_space<vmem>>) target(%dma_start3A_321 : memref<128x16xf32, #tpu.memory_space<vmem_shared>>) target_semaphore(%run_scoped3A_314 : memref<!tpu.dma_semaphore, #tpu.memory_space<semaphore_mem>>)
      %dma_wait3A_325 = arith.constant 0 : i32
      %dma_wait3A_326 = arith.constant 0 : i32
      %dma_wait3A_327 = tpu.memref_slice %arg13[%dma_wait3A_325, %dma_wait3A_326] : memref<128x16xf32, #tpu.memory_space<vmem>> -> memref<128x16xf32, #tpu.memory_space<vmem>>
      %dma_wait3A_328 = arith.constant 0 : i32
      %dma_wait3A_329 = tpu.memref_slice %arg14[%add3A_51, %dma_wait3A_328] : memref<10016x16xf32, #tpu.memory_space<vmem_shared>> -> memref<128x16xf32, #tpu.memory_space<vmem_shared>>
      %dma_wait3A_330 = arith.constant 0 : i32
      %dma_wait3A_331 = tpu.memref_slice %arg14[%add3A_51, %dma_wait3A_330] : memref<10016x16xf32, #tpu.memory_space<vmem_shared>> -> memref<128x16xf32, #tpu.memory_space<vmem_shared>>
      %dma_wait3A_332 = arith.constant 0 : i32
      %dma_wait3A_333 = arith.constant 0 : i32
      %dma_wait3A_334 = tpu.memref_slice %arg13[%dma_wait3A_332, %dma_wait3A_333] : memref<128x16xf32, #tpu.memory_space<vmem>> -> memref<128x16xf32, #tpu.memory_space<vmem>>
      tpu.wait_dma2 semaphore(%run_scoped3A_314 : memref<!tpu.dma_semaphore, #tpu.memory_space<semaphore_mem>>) src(%dma_wait3A_334 : memref<128x16xf32, #tpu.memory_space<vmem>>) dst(%dma_wait3A_331 : memref<128x16xf32, #tpu.memory_space<vmem_shared>>)
      tpu.yield
    }) : () -> ()
    %add3A_52 = arith.constant 128 : i32
    %add3A_53 = arith.addi %multiple_of3A, %add3A_52 : i32
    "tpu.region"() ({
      %run_scoped3A_314 = tpu.sem_alloc : memref<!tpu.dma_semaphore, #tpu.memory_space<semaphore_mem>>
      %dma_start3A_315 = arith.constant 0 : i32
      %dma_start3A_316 = arith.constant 0 : i32
      %dma_start3A_317 = tpu.memref_slice %arg13[%dma_start3A_315, %dma_start3A_316] : memref<128x16xf32, #tpu.memory_space<vmem>> -> memref<128x16xf32, #tpu.memory_space<vmem>>
      %dma_start3A_318 = arith.constant 0 : i32
      %dma_start3A_319 = tpu.memref_slice %arg14[%add3A_53, %dma_start3A_318] : memref<10016x16xf32, #tpu.memory_space<vmem_shared>> -> memref<128x16xf32, #tpu.memory_space<vmem_shared>>
      %dma_start3A_320 = arith.constant 0 : i32
      %dma_start3A_321 = tpu.memref_slice %arg14[%add3A_53, %dma_start3A_320] : memref<10016x16xf32, #tpu.memory_space<vmem_shared>> -> memref<128x16xf32, #tpu.memory_space<vmem_shared>>
      %dma_start3A_322 = arith.constant 0 : i32
      %dma_start3A_323 = arith.constant 0 : i32
      %dma_start3A_324 = tpu.memref_slice %arg13[%dma_start3A_322, %dma_start3A_323] : memref<128x16xf32, #tpu.memory_space<vmem>> -> memref<128x16xf32, #tpu.memory_space<vmem>>
      tpu.enqueue_dma source(%dma_start3A_324 : memref<128x16xf32, #tpu.memory_space<vmem>>) target(%dma_start3A_321 : memref<128x16xf32, #tpu.memory_space<vmem_shared>>) target_semaphore(%run_scoped3A_314 : memref<!tpu.dma_semaphore, #tpu.memory_space<semaphore_mem>>)
      %dma_wait3A_325 = arith.constant 0 : i32
      %dma_wait3A_326 = arith.constant 0 : i32
      %dma_wait3A_327 = tpu.memref_slice %arg13[%dma_wait3A_325, %dma_wait3A_326] : memref<128x16xf32, #tpu.memory_space<vmem>> -> memref<128x16xf32, #tpu.memory_space<vmem>>
      %dma_wait3A_328 = arith.constant 0 : i32
      %dma_wait3A_329 = tpu.memref_slice %arg14[%add3A_53, %dma_wait3A_328] : memref<10016x16xf32, #tpu.memory_space<vmem_shared>> -> memref<128x16xf32, #tpu.memory_space<vmem_shared>>
      %dma_wait3A_330 = arith.constant 0 : i32
      %dma_wait3A_331 = tpu.memref_slice %arg14[%add3A_53, %dma_wait3A_330] : memref<10016x16xf32, #tpu.memory_space<vmem_shared>> -> memref<128x16xf32, #tpu.memory_space<vmem_shared>>
      %dma_wait3A_332 = arith.constant 0 : i32
      %dma_wait3A_333 = arith.constant 0 : i32
      %dma_wait3A_334 = tpu.memref_slice %arg13[%dma_wait3A_332, %dma_wait3A_333] : memref<128x16xf32, #tpu.memory_space<vmem>> -> memref<128x16xf32, #tpu.memory_space<vmem>>
      tpu.wait_dma2 semaphore(%run_scoped3A_314 : memref<!tpu.dma_semaphore, #tpu.memory_space<semaphore_mem>>) src(%dma_wait3A_334 : memref<128x16xf32, #tpu.memory_space<vmem>>) dst(%dma_wait3A_331 : memref<128x16xf32, #tpu.memory_space<vmem_shared>>)
      tpu.yield
    }) : () -> ()
    %add3A_54 = arith.constant 256 : i32
    %add3A_55 = arith.addi %multiple_of3A, %add3A_54 : i32
    "tpu.region"() ({
      %run_scoped3A_314 = tpu.sem_alloc : memref<!tpu.dma_semaphore, #tpu.memory_space<semaphore_mem>>
      %dma_start3A_315 = arith.constant 0 : i32
      %dma_start3A_316 = arith.constant 0 : i32
      %dma_start3A_317 = tpu.memref_slice %arg13[%dma_start3A_315, %dma_start3A_316] : memref<128x16xf32, #tpu.memory_space<vmem>> -> memref<128x16xf32, #tpu.memory_space<vmem>>
      %dma_start3A_318 = arith.constant 0 : i32
      %dma_start3A_319 = tpu.memref_slice %arg14[%add3A_55, %dma_start3A_318] : memref<10016x16xf32, #tpu.memory_space<vmem_shared>> -> memref<128x16xf32, #tpu.memory_space<vmem_shared>>
      %dma_start3A_320 = arith.constant 0 : i32
      %dma_start3A_321 = tpu.memref_slice %arg14[%add3A_55, %dma_start3A_320] : memref<10016x16xf32, #tpu.memory_space<vmem_shared>> -> memref<128x16xf32, #tpu.memory_space<vmem_shared>>
      %dma_start3A_322 = arith.constant 0 : i32
      %dma_start3A_323 = arith.constant 0 : i32
      %dma_start3A_324 = tpu.memref_slice %arg13[%dma_start3A_322, %dma_start3A_323] : memref<128x16xf32, #tpu.memory_space<vmem>> -> memref<128x16xf32, #tpu.memory_space<vmem>>
      tpu.enqueue_dma source(%dma_start3A_324 : memref<128x16xf32, #tpu.memory_space<vmem>>) target(%dma_start3A_321 : memref<128x16xf32, #tpu.memory_space<vmem_shared>>) target_semaphore(%run_scoped3A_314 : memref<!tpu.dma_semaphore, #tpu.memory_space<semaphore_mem>>)
      %dma_wait3A_325 = arith.constant 0 : i32
      %dma_wait3A_326 = arith.constant 0 : i32
      %dma_wait3A_327 = tpu.memref_slice %arg13[%dma_wait3A_325, %dma_wait3A_326] : memref<128x16xf32, #tpu.memory_space<vmem>> -> memref<128x16xf32, #tpu.memory_space<vmem>>
      %dma_wait3A_328 = arith.constant 0 : i32
      %dma_wait3A_329 = tpu.memref_slice %arg14[%add3A_55, %dma_wait3A_328] : memref<10016x16xf32, #tpu.memory_space<vmem_shared>> -> memref<128x16xf32, #tpu.memory_space<vmem_shared>>
      %dma_wait3A_330 = arith.constant 0 : i32
      %dma_wait3A_331 = tpu.memref_slice %arg14[%add3A_55, %dma_wait3A_330] : memref<10016x16xf32, #tpu.memory_space<vmem_shared>> -> memref<128x16xf32, #tpu.memory_space<vmem_shared>>
      %dma_wait3A_332 = arith.constant 0 : i32
      %dma_wait3A_333 = arith.constant 0 : i32
      %dma_wait3A_334 = tpu.memref_slice %arg13[%dma_wait3A_332, %dma_wait3A_333] : memref<128x16xf32, #tpu.memory_space<vmem>> -> memref<128x16xf32, #tpu.memory_space<vmem>>
      tpu.wait_dma2 semaphore(%run_scoped3A_314 : memref<!tpu.dma_semaphore, #tpu.memory_space<semaphore_mem>>) src(%dma_wait3A_334 : memref<128x16xf32, #tpu.memory_space<vmem>>) dst(%dma_wait3A_331 : memref<128x16xf32, #tpu.memory_space<vmem_shared>>)
      tpu.yield
    }) : () -> ()
    %add3A_56 = arith.constant 384 : i32
    %add3A_57 = arith.addi %multiple_of3A, %add3A_56 : i32
    "tpu.region"() ({
      %run_scoped3A_314 = tpu.sem_alloc : memref<!tpu.dma_semaphore, #tpu.memory_space<semaphore_mem>>
      %dma_start3A_315 = arith.constant 0 : i32
      %dma_start3A_316 = arith.constant 0 : i32
      %dma_start3A_317 = tpu.memref_slice %arg13[%dma_start3A_315, %dma_start3A_316] : memref<128x16xf32, #tpu.memory_space<vmem>> -> memref<128x16xf32, #tpu.memory_space<vmem>>
      %dma_start3A_318 = arith.constant 0 : i32
      %dma_start3A_319 = tpu.memref_slice %arg14[%add3A_57, %dma_start3A_318] : memref<10016x16xf32, #tpu.memory_space<vmem_shared>> -> memref<128x16xf32, #tpu.memory_space<vmem_shared>>
      %dma_start3A_320 = arith.constant 0 : i32
      %dma_start3A_321 = tpu.memref_slice %arg14[%add3A_57, %dma_start3A_320] : memref<10016x16xf32, #tpu.memory_space<vmem_shared>> -> memref<128x16xf32, #tpu.memory_space<vmem_shared>>
      %dma_start3A_322 = arith.constant 0 : i32
      %dma_start3A_323 = arith.constant 0 : i32
      %dma_start3A_324 = tpu.memref_slice %arg13[%dma_start3A_322, %dma_start3A_323] : memref<128x16xf32, #tpu.memory_space<vmem>> -> memref<128x16xf32, #tpu.memory_space<vmem>>
      tpu.enqueue_dma source(%dma_start3A_324 : memref<128x16xf32, #tpu.memory_space<vmem>>) target(%dma_start3A_321 : memref<128x16xf32, #tpu.memory_space<vmem_shared>>) target_semaphore(%run_scoped3A_314 : memref<!tpu.dma_semaphore, #tpu.memory_space<semaphore_mem>>)
      %dma_wait3A_325 = arith.constant 0 : i32
      %dma_wait3A_326 = arith.constant 0 : i32
      %dma_wait3A_327 = tpu.memref_slice %arg13[%dma_wait3A_325, %dma_wait3A_326] : memref<128x16xf32, #tpu.memory_space<vmem>> -> memref<128x16xf32, #tpu.memory_space<vmem>>
      %dma_wait3A_328 = arith.constant 0 : i32
      %dma_wait3A_329 = tpu.memref_slice %arg14[%add3A_57, %dma_wait3A_328] : memref<10016x16xf32, #tpu.memory_space<vmem_shared>> -> memref<128x16xf32, #tpu.memory_space<vmem_shared>>
      %dma_wait3A_330 = arith.constant 0 : i32
      %dma_wait3A_331 = tpu.memref_slice %arg14[%add3A_57, %dma_wait3A_330] : memref<10016x16xf32, #tpu.memory_space<vmem_shared>> -> memref<128x16xf32, #tpu.memory_space<vmem_shared>>
      %dma_wait3A_332 = arith.constant 0 : i32
      %dma_wait3A_333 = arith.constant 0 : i32
      %dma_wait3A_334 = tpu.memref_slice %arg13[%dma_wait3A_332, %dma_wait3A_333] : memref<128x16xf32, #tpu.memory_space<vmem>> -> memref<128x16xf32, #tpu.memory_space<vmem>>
      tpu.wait_dma2 semaphore(%run_scoped3A_314 : memref<!tpu.dma_semaphore, #tpu.memory_space<semaphore_mem>>) src(%dma_wait3A_334 : memref<128x16xf32, #tpu.memory_space<vmem>>) dst(%dma_wait3A_331 : memref<128x16xf32, #tpu.memory_space<vmem_shared>>)
      tpu.yield
    }) : () -> ()
    %add3A_58 = arith.constant 512 : i32
    %add3A_59 = arith.addi %multiple_of3A, %add3A_58 : i32
    "tpu.region"() ({
      %run_scoped3A_314 = tpu.sem_alloc : memref<!tpu.dma_semaphore, #tpu.memory_space<semaphore_mem>>
      %dma_start3A_315 = arith.constant 0 : i32
      %dma_start3A_316 = arith.constant 0 : i32
      %dma_start3A_317 = tpu.memref_slice %arg13[%dma_start3A_315, %dma_start3A_316] : memref<128x16xf32, #tpu.memory_space<vmem>> -> memref<114x16xf32, #tpu.memory_space<vmem>>
      %dma_start3A_318 = arith.constant 0 : i32
      %dma_start3A_319 = tpu.memref_slice %arg14[%add3A_59, %dma_start3A_318] : memref<10016x16xf32, #tpu.memory_space<vmem_shared>> -> memref<114x16xf32, #tpu.memory_space<vmem_shared>>
      %dma_start3A_320 = arith.constant 0 : i32
      %dma_start3A_321 = tpu.memref_slice %arg14[%add3A_59, %dma_start3A_320] : memref<10016x16xf32, #tpu.memory_space<vmem_shared>> -> memref<114x16xf32, #tpu.memory_space<vmem_shared>>
      %dma_start3A_322 = arith.constant 0 : i32
      %dma_start3A_323 = arith.constant 0 : i32
      %dma_start3A_324 = tpu.memref_slice %arg13[%dma_start3A_322, %dma_start3A_323] : memref<128x16xf32, #tpu.memory_space<vmem>> -> memref<114x16xf32, #tpu.memory_space<vmem>>
      tpu.enqueue_dma source(%dma_start3A_324 : memref<114x16xf32, #tpu.memory_space<vmem>>) target(%dma_start3A_321 : memref<114x16xf32, #tpu.memory_space<vmem_shared>>) target_semaphore(%run_scoped3A_314 : memref<!tpu.dma_semaphore, #tpu.memory_space<semaphore_mem>>)
      %dma_wait3A_325 = arith.constant 0 : i32
      %dma_wait3A_326 = arith.constant 0 : i32
      %dma_wait3A_327 = tpu.memref_slice %arg13[%dma_wait3A_325, %dma_wait3A_326] : memref<128x16xf32, #tpu.memory_space<vmem>> -> memref<114x16xf32, #tpu.memory_space<vmem>>
      %dma_wait3A_328 = arith.constant 0 : i32
      %dma_wait3A_329 = tpu.memref_slice %arg14[%add3A_59, %dma_wait3A_328] : memref<10016x16xf32, #tpu.memory_space<vmem_shared>> -> memref<114x16xf32, #tpu.memory_space<vmem_shared>>
      %dma_wait3A_330 = arith.constant 0 : i32
      %dma_wait3A_331 = tpu.memref_slice %arg14[%add3A_59, %dma_wait3A_330] : memref<10016x16xf32, #tpu.memory_space<vmem_shared>> -> memref<114x16xf32, #tpu.memory_space<vmem_shared>>
      %dma_wait3A_332 = arith.constant 0 : i32
      %dma_wait3A_333 = arith.constant 0 : i32
      %dma_wait3A_334 = tpu.memref_slice %arg13[%dma_wait3A_332, %dma_wait3A_333] : memref<128x16xf32, #tpu.memory_space<vmem>> -> memref<114x16xf32, #tpu.memory_space<vmem>>
      tpu.wait_dma2 semaphore(%run_scoped3A_314 : memref<!tpu.dma_semaphore, #tpu.memory_space<semaphore_mem>>) src(%dma_wait3A_334 : memref<114x16xf32, #tpu.memory_space<vmem>>) dst(%dma_wait3A_331 : memref<114x16xf32, #tpu.memory_space<vmem_shared>>)
      tpu.yield
    }) : () -> ()
    %scan3A_60 = arith.constant 0 : i32
    %scan3A_61 = arith.constant 0 : i32
    %scan3A_62 = arith.constant 128 : i32
    %scan3A_63 = arith.addi %scan3A_61, %scan3A_62 : i32
    %scan3A_64 = arith.constant 1 : i32
    scf.for %scan3A_314 = %scan3A_61 to %scan3A_63 step %scan3A_64  : i32 {
      %broadcast_in_dim3A_315 = arith.constant 1.000000e+00 : f32
      %broadcast_in_dim3A_316 = vector.broadcast %broadcast_in_dim3A_315 : f32 to vector<16xf32>
      %swap3A = arith.index_cast %scan3A_314 : i32 to index
      %swap3A_317 = arith.constant 0 : index
      %swap3A_318 = tpu.vector_load %arg13[%swap3A, %swap3A_317] {strides = array<i32>} : memref<128x16xf32, #tpu.memory_space<vmem>>, vector<16xf32>,
      tpu.vector_store %arg13[%swap3A, %swap3A_317], %broadcast_in_dim3A_316 {strides = array<i32>} : memref<128x16xf32, #tpu.memory_space<vmem>>, vector<16xf32>,
    }
    %scan3A_65 = arith.constant 128 : i32
    %dma_wait3A = arith.constant 0 : i32
    %dma_wait3A_66 = arith.constant 0 : i32
    %dma_wait3A_67 = arith.constant 0 : i32
    %dma_wait3A_68 = tpu.memref_slice %arg3[%add3A, %dma_wait3A_66, %dma_wait3A_67] : memref<32x80x128xi32, #tpu.memory_space<hbm>> -> memref<1x80x128xi32, #tpu.memory_space<hbm>>
    %dma_wait3A_69 = tpu.memref_squeeze %dma_wait3A_68 : memref<1x80x128xi32, #tpu.memory_space<hbm>> -> memref<80x128xi32, #tpu.memory_space<hbm>>
    %dma_wait3A_70 = tpu.memref_slice %arg11[%dma_wait3A] : memref<5x!tpu.dma_semaphore, #tpu.memory_space<semaphore_mem>> -> memref<1x!tpu.dma_semaphore, #tpu.memory_space<semaphore_mem>>
    %dma_wait3A_71 = tpu.memref_squeeze %dma_wait3A_70 : memref<1x!tpu.dma_semaphore, #tpu.memory_space<semaphore_mem>> -> memref<!tpu.dma_semaphore, #tpu.memory_space<semaphore_mem>>
    %dma_wait3A_72 = arith.constant 0 : i32
    %dma_wait3A_73 = arith.constant 0 : i32
    %dma_wait3A_74 = tpu.memref_slice %arg3[%add3A, %dma_wait3A_72, %dma_wait3A_73] : memref<32x80x128xi32, #tpu.memory_space<hbm>> -> memref<1x80x128xi32, #tpu.memory_space<hbm>>
    %dma_wait3A_75 = tpu.memref_squeeze %dma_wait3A_74 : memref<1x80x128xi32, #tpu.memory_space<hbm>> -> memref<80x128xi32, #tpu.memory_space<hbm>>
    tpu.wait_dma2 semaphore(%dma_wait3A_71 : memref<!tpu.dma_semaphore, #tpu.memory_space<semaphore_mem>>) src(%dma_wait3A_75 : memref<80x128xi32, #tpu.memory_space<hbm>>) dst(%arg7 : memref<80x128xi32, #tpu.memory_space<vmem>>)
    %dma_wait3A_76 = arith.constant 1 : i32
    %dma_wait3A_77 = arith.constant 0 : i32
    %dma_wait3A_78 = arith.constant 0 : i32
    %dma_wait3A_79 = tpu.memref_slice %arg4[%add3A, %dma_wait3A_77, %dma_wait3A_78] : memref<32x80x128xi32, #tpu.memory_space<hbm>> -> memref<1x80x128xi32, #tpu.memory_space<hbm>>
    %dma_wait3A_80 = tpu.memref_squeeze %dma_wait3A_79 : memref<1x80x128xi32, #tpu.memory_space<hbm>> -> memref<80x128xi32, #tpu.memory_space<hbm>>
    %dma_wait3A_81 = tpu.memref_slice %arg11[%dma_wait3A_76] : memref<5x!tpu.dma_semaphore, #tpu.memory_space<semaphore_mem>> -> memref<1x!tpu.dma_semaphore, #tpu.memory_space<semaphore_mem>>
    %dma_wait3A_82 = tpu.memref_squeeze %dma_wait3A_81 : memref<1x!tpu.dma_semaphore, #tpu.memory_space<semaphore_mem>> -> memref<!tpu.dma_semaphore, #tpu.memory_space<semaphore_mem>>
    %dma_wait3A_83 = arith.constant 0 : i32
    %dma_wait3A_84 = arith.constant 0 : i32
    %dma_wait3A_85 = tpu.memref_slice %arg4[%add3A, %dma_wait3A_83, %dma_wait3A_84] : memref<32x80x128xi32, #tpu.memory_space<hbm>> -> memref<1x80x128xi32, #tpu.memory_space<hbm>>
    %dma_wait3A_86 = tpu.memref_squeeze %dma_wait3A_85 : memref<1x80x128xi32, #tpu.memory_space<hbm>> -> memref<80x128xi32, #tpu.memory_space<hbm>>
    tpu.wait_dma2 semaphore(%dma_wait3A_82 : memref<!tpu.dma_semaphore, #tpu.memory_space<semaphore_mem>>) src(%dma_wait3A_86 : memref<80x128xi32, #tpu.memory_space<hbm>>) dst(%arg8 : memref<80x128xi32, #tpu.memory_space<vmem>>)
    %barrier3A = arith.constant 0 : index
    tpu.barrier barrier_id(%barrier3A)
    %dma_start3A_87 = arith.constant 0 : i32
    %dma_start3A_88 = arith.constant 0 : i32
    %dma_start3A_89 = arith.constant 0 : i32
    %dma_start3A_90 = arith.constant 0 : i32
    %dma_start3A_91 = arith.constant 0 : i32
    %dma_start3A_92 = tpu.memref_slice %arg9[%dma_start3A_88, %dma_start3A_90, %dma_start3A_91] : memref<5x128x64xf32, #tpu.memory_space<vmem>> -> memref<1x128x64xf32, #tpu.memory_space<vmem>>
    %dma_start3A_93 = tpu.memref_squeeze %dma_start3A_92 : memref<1x128x64xf32, #tpu.memory_space<vmem>> -> memref<128x64xf32, #tpu.memory_space<vmem>>
    %dma_start3A_94 = arith.constant 0 : i32
    %dma_start3A_95 = tpu.memref_slice %arg7[%dma_start3A_87, %dma_start3A_94] : memref<80x128xi32, #tpu.memory_space<vmem>> -> memref<1x128xi32, #tpu.memory_space<vmem>>
    %dma_start3A_96 = tpu.memref_squeeze %dma_start3A_95 : memref<1x128xi32, #tpu.memory_space<vmem>> -> memref<128xi32, #tpu.memory_space<vmem>>
    %dma_start3A_97 = arith.constant 0 : i32
    %dma_start3A_98 = arith.constant 0 : i32
    %dma_start3A_99 = tpu.memref_slice %arg2[%arg0, %dma_start3A_97, %dma_start3A_98] : memref<2x10000x64xf32, #tpu.memory_space<hbm>> -> memref<1x10000x64xf32, #tpu.memory_space<hbm>>
    %dma_start3A_100 = tpu.memref_squeeze %dma_start3A_99 : memref<1x10000x64xf32, #tpu.memory_space<hbm>> -> memref<10000x64xf32, #tpu.memory_space<hbm>>
    %dma_start3A_101 = arith.constant 0 : i32
    %dma_start3A_102 = arith.constant 0 : i32
    %dma_start3A_103 = tpu.memref_slice %dma_start3A_100[%dma_start3A_101, %dma_start3A_102] : memref<10000x64xf32, #tpu.memory_space<hbm>> -> memref<10000x64xf32, #tpu.memory_space<hbm>>
    %dma_start3A_104 = tpu.memref_slice %arg11[%dma_start3A_89] : memref<5x!tpu.dma_semaphore, #tpu.memory_space<semaphore_mem>> -> memref<1x!tpu.dma_semaphore, #tpu.memory_space<semaphore_mem>>
    %dma_start3A_105 = tpu.memref_squeeze %dma_start3A_104 : memref<1x!tpu.dma_semaphore, #tpu.memory_space<semaphore_mem>> -> memref<!tpu.dma_semaphore, #tpu.memory_space<semaphore_mem>>
    tpu.enqueue_indirect_dma source(%dma_start3A_103 : memref<10000x64xf32, #tpu.memory_space<hbm>>) target(%dma_start3A_93 : memref<128x64xf32, #tpu.memory_space<vmem>>) offsets(%dma_start3A_96 : memref<128xi32, #tpu.memory_space<vmem>>) semaphore(%dma_start3A_105 : memref<!tpu.dma_semaphore, #tpu.memory_space<semaphore_mem>>)
    %dma_start3A_106 = arith.constant 1 : i32
    %dma_start3A_107 = arith.constant 1 : i32
    %dma_start3A_108 = arith.constant 1 : i32
    %dma_start3A_109 = arith.constant 0 : i32
    %dma_start3A_110 = arith.constant 0 : i32
    %dma_start3A_111 = tpu.memref_slice %arg9[%dma_start3A_107, %dma_start3A_109, %dma_start3A_110] : memref<5x128x64xf32, #tpu.memory_space<vmem>> -> memref<1x128x64xf32, #tpu.memory_space<vmem>>
    %dma_start3A_112 = tpu.memref_squeeze %dma_start3A_111 : memref<1x128x64xf32, #tpu.memory_space<vmem>> -> memref<128x64xf32, #tpu.memory_space<vmem>>
    %dma_start3A_113 = arith.constant 0 : i32
    %dma_start3A_114 = tpu.memref_slice %arg7[%dma_start3A_106, %dma_start3A_113] : memref<80x128xi32, #tpu.memory_space<vmem>> -> memref<1x128xi32, #tpu.memory_space<vmem>>
    %dma_start3A_115 = tpu.memref_squeeze %dma_start3A_114 : memref<1x128xi32, #tpu.memory_space<vmem>> -> memref<128xi32, #tpu.memory_space<vmem>>
    %dma_start3A_116 = arith.constant 0 : i32
    %dma_start3A_117 = arith.constant 0 : i32
    %dma_start3A_118 = tpu.memref_slice %arg2[%arg0, %dma_start3A_116, %dma_start3A_117] : memref<2x10000x64xf32, #tpu.memory_space<hbm>> -> memref<1x10000x64xf32, #tpu.memory_space<hbm>>
    %dma_start3A_119 = tpu.memref_squeeze %dma_start3A_118 : memref<1x10000x64xf32, #tpu.memory_space<hbm>> -> memref<10000x64xf32, #tpu.memory_space<hbm>>
    %dma_start3A_120 = arith.constant 0 : i32
    %dma_start3A_121 = arith.constant 0 : i32
    %dma_start3A_122 = tpu.memref_slice %dma_start3A_119[%dma_start3A_120, %dma_start3A_121] : memref<10000x64xf32, #tpu.memory_space<hbm>> -> memref<10000x64xf32, #tpu.memory_space<hbm>>
    %dma_start3A_123 = tpu.memref_slice %arg11[%dma_start3A_108] : memref<5x!tpu.dma_semaphore, #tpu.memory_space<semaphore_mem>> -> memref<1x!tpu.dma_semaphore, #tpu.memory_space<semaphore_mem>>
    %dma_start3A_124 = tpu.memref_squeeze %dma_start3A_123 : memref<1x!tpu.dma_semaphore, #tpu.memory_space<semaphore_mem>> -> memref<!tpu.dma_semaphore, #tpu.memory_space<semaphore_mem>>
    tpu.enqueue_indirect_dma source(%dma_start3A_122 : memref<10000x64xf32, #tpu.memory_space<hbm>>) target(%dma_start3A_112 : memref<128x64xf32, #tpu.memory_space<vmem>>) offsets(%dma_start3A_115 : memref<128xi32, #tpu.memory_space<vmem>>) semaphore(%dma_start3A_124 : memref<!tpu.dma_semaphore, #tpu.memory_space<semaphore_mem>>)
    %dma_start3A_125 = arith.constant 2 : i32
    %dma_start3A_126 = arith.constant 2 : i32
    %dma_start3A_127 = arith.constant 2 : i32
    %dma_start3A_128 = arith.constant 0 : i32
    %dma_start3A_129 = arith.constant 0 : i32
    %dma_start3A_130 = tpu.memref_slice %arg9[%dma_start3A_126, %dma_start3A_128, %dma_start3A_129] : memref<5x128x64xf32, #tpu.memory_space<vmem>> -> memref<1x128x64xf32, #tpu.memory_space<vmem>>
    %dma_start3A_131 = tpu.memref_squeeze %dma_start3A_130 : memref<1x128x64xf32, #tpu.memory_space<vmem>> -> memref<128x64xf32, #tpu.memory_space<vmem>>
    %dma_start3A_132 = arith.constant 0 : i32
    %dma_start3A_133 = tpu.memref_slice %arg7[%dma_start3A_125, %dma_start3A_132] : memref<80x128xi32, #tpu.memory_space<vmem>> -> memref<1x128xi32, #tpu.memory_space<vmem>>
    %dma_start3A_134 = tpu.memref_squeeze %dma_start3A_133 : memref<1x128xi32, #tpu.memory_space<vmem>> -> memref<128xi32, #tpu.memory_space<vmem>>
    %dma_start3A_135 = arith.constant 0 : i32
    %dma_start3A_136 = arith.constant 0 : i32
    %dma_start3A_137 = tpu.memref_slice %arg2[%arg0, %dma_start3A_135, %dma_start3A_136] : memref<2x10000x64xf32, #tpu.memory_space<hbm>> -> memref<1x10000x64xf32, #tpu.memory_space<hbm>>
    %dma_start3A_138 = tpu.memref_squeeze %dma_start3A_137 : memref<1x10000x64xf32, #tpu.memory_space<hbm>> -> memref<10000x64xf32, #tpu.memory_space<hbm>>
    %dma_start3A_139 = arith.constant 0 : i32
    %dma_start3A_140 = arith.constant 0 : i32
    %dma_start3A_141 = tpu.memref_slice %dma_start3A_138[%dma_start3A_139, %dma_start3A_140] : memref<10000x64xf32, #tpu.memory_space<hbm>> -> memref<10000x64xf32, #tpu.memory_space<hbm>>
    %dma_start3A_142 = tpu.memref_slice %arg11[%dma_start3A_127] : memref<5x!tpu.dma_semaphore, #tpu.memory_space<semaphore_mem>> -> memref<1x!tpu.dma_semaphore, #tpu.memory_space<semaphore_mem>>
    %dma_start3A_143 = tpu.memref_squeeze %dma_start3A_142 : memref<1x!tpu.dma_semaphore, #tpu.memory_space<semaphore_mem>> -> memref<!tpu.dma_semaphore, #tpu.memory_space<semaphore_mem>>
    tpu.enqueue_indirect_dma source(%dma_start3A_141 : memref<10000x64xf32, #tpu.memory_space<hbm>>) target(%dma_start3A_131 : memref<128x64xf32, #tpu.memory_space<vmem>>) offsets(%dma_start3A_134 : memref<128xi32, #tpu.memory_space<vmem>>) semaphore(%dma_start3A_143 : memref<!tpu.dma_semaphore, #tpu.memory_space<semaphore_mem>>)
    %dma_start3A_144 = arith.constant 3 : i32
    %dma_start3A_145 = arith.constant 3 : i32
    %dma_start3A_146 = arith.constant 3 : i32
    %dma_start3A_147 = arith.constant 0 : i32
    %dma_start3A_148 = arith.constant 0 : i32
    %dma_start3A_149 = tpu.memref_slice %arg9[%dma_start3A_145, %dma_start3A_147, %dma_start3A_148] : memref<5x128x64xf32, #tpu.memory_space<vmem>> -> memref<1x128x64xf32, #tpu.memory_space<vmem>>
    %dma_start3A_150 = tpu.memref_squeeze %dma_start3A_149 : memref<1x128x64xf32, #tpu.memory_space<vmem>> -> memref<128x64xf32, #tpu.memory_space<vmem>>
    %dma_start3A_151 = arith.constant 0 : i32
    %dma_start3A_152 = tpu.memref_slice %arg7[%dma_start3A_144, %dma_start3A_151] : memref<80x128xi32, #tpu.memory_space<vmem>> -> memref<1x128xi32, #tpu.memory_space<vmem>>
    %dma_start3A_153 = tpu.memref_squeeze %dma_start3A_152 : memref<1x128xi32, #tpu.memory_space<vmem>> -> memref<128xi32, #tpu.memory_space<vmem>>
    %dma_start3A_154 = arith.constant 0 : i32
    %dma_start3A_155 = arith.constant 0 : i32
    %dma_start3A_156 = tpu.memref_slice %arg2[%arg0, %dma_start3A_154, %dma_start3A_155] : memref<2x10000x64xf32, #tpu.memory_space<hbm>> -> memref<1x10000x64xf32, #tpu.memory_space<hbm>>
    %dma_start3A_157 = tpu.memref_squeeze %dma_start3A_156 : memref<1x10000x64xf32, #tpu.memory_space<hbm>> -> memref<10000x64xf32, #tpu.memory_space<hbm>>
    %dma_start3A_158 = arith.constant 0 : i32
    %dma_start3A_159 = arith.constant 0 : i32
    %dma_start3A_160 = tpu.memref_slice %dma_start3A_157[%dma_start3A_158, %dma_start3A_159] : memref<10000x64xf32, #tpu.memory_space<hbm>> -> memref<10000x64xf32, #tpu.memory_space<hbm>>
    %dma_start3A_161 = tpu.memref_slice %arg11[%dma_start3A_146] : memref<5x!tpu.dma_semaphore, #tpu.memory_space<semaphore_mem>> -> memref<1x!tpu.dma_semaphore, #tpu.memory_space<semaphore_mem>>
    %dma_start3A_162 = tpu.memref_squeeze %dma_start3A_161 : memref<1x!tpu.dma_semaphore, #tpu.memory_space<semaphore_mem>> -> memref<!tpu.dma_semaphore, #tpu.memory_space<semaphore_mem>>
    tpu.enqueue_indirect_dma source(%dma_start3A_160 : memref<10000x64xf32, #tpu.memory_space<hbm>>) target(%dma_start3A_150 : memref<128x64xf32, #tpu.memory_space<vmem>>) offsets(%dma_start3A_153 : memref<128xi32, #tpu.memory_space<vmem>>) semaphore(%dma_start3A_162 : memref<!tpu.dma_semaphore, #tpu.memory_space<semaphore_mem>>)
    %dma_start3A_163 = arith.constant 4 : i32
    %dma_start3A_164 = arith.constant 4 : i32
    %dma_start3A_165 = arith.constant 4 : i32
    %dma_start3A_166 = arith.constant 0 : i32
    %dma_start3A_167 = arith.constant 0 : i32
    %dma_start3A_168 = tpu.memref_slice %arg9[%dma_start3A_164, %dma_start3A_166, %dma_start3A_167] : memref<5x128x64xf32, #tpu.memory_space<vmem>> -> memref<1x128x64xf32, #tpu.memory_space<vmem>>
    %dma_start3A_169 = tpu.memref_squeeze %dma_start3A_168 : memref<1x128x64xf32, #tpu.memory_space<vmem>> -> memref<128x64xf32, #tpu.memory_space<vmem>>
    %dma_start3A_170 = arith.constant 0 : i32
    %dma_start3A_171 = tpu.memref_slice %arg7[%dma_start3A_163, %dma_start3A_170] : memref<80x128xi32, #tpu.memory_space<vmem>> -> memref<1x128xi32, #tpu.memory_space<vmem>>
    %dma_start3A_172 = tpu.memref_squeeze %dma_start3A_171 : memref<1x128xi32, #tpu.memory_space<vmem>> -> memref<128xi32, #tpu.memory_space<vmem>>
    %dma_start3A_173 = arith.constant 0 : i32
    %dma_start3A_174 = arith.constant 0 : i32
    %dma_start3A_175 = tpu.memref_slice %arg2[%arg0, %dma_start3A_173, %dma_start3A_174] : memref<2x10000x64xf32, #tpu.memory_space<hbm>> -> memref<1x10000x64xf32, #tpu.memory_space<hbm>>
    %dma_start3A_176 = tpu.memref_squeeze %dma_start3A_175 : memref<1x10000x64xf32, #tpu.memory_space<hbm>> -> memref<10000x64xf32, #tpu.memory_space<hbm>>
    %dma_start3A_177 = arith.constant 0 : i32
    %dma_start3A_178 = arith.constant 0 : i32
    %dma_start3A_179 = tpu.memref_slice %dma_start3A_176[%dma_start3A_177, %dma_start3A_178] : memref<10000x64xf32, #tpu.memory_space<hbm>> -> memref<10000x64xf32, #tpu.memory_space<hbm>>
    %dma_start3A_180 = tpu.memref_slice %arg11[%dma_start3A_165] : memref<5x!tpu.dma_semaphore, #tpu.memory_space<semaphore_mem>> -> memref<1x!tpu.dma_semaphore, #tpu.memory_space<semaphore_mem>>
    %dma_start3A_181 = tpu.memref_squeeze %dma_start3A_180 : memref<1x!tpu.dma_semaphore, #tpu.memory_space<semaphore_mem>> -> memref<!tpu.dma_semaphore, #tpu.memory_space<semaphore_mem>>
    tpu.enqueue_indirect_dma source(%dma_start3A_179 : memref<10000x64xf32, #tpu.memory_space<hbm>>) target(%dma_start3A_169 : memref<128x64xf32, #tpu.memory_space<vmem>>) offsets(%dma_start3A_172 : memref<128xi32, #tpu.memory_space<vmem>>) semaphore(%dma_start3A_181 : memref<!tpu.dma_semaphore, #tpu.memory_space<semaphore_mem>>)
    %scan3A_182 = arith.constant 0 : i32
    %scan3A_183 = arith.constant 0 : i32
    %scan3A_184 = arith.constant 16 : i32
    %scan3A_185 = arith.addi %scan3A_183, %scan3A_184 : i32
    %scan3A_186 = arith.constant 1 : i32
    scf.for %scan3A_314 = %scan3A_183 to %scan3A_185 step %scan3A_186  : i32 {
      %mul3A_315 = arith.constant 5 : i32
      %mul3A_316 = arith.muli %scan3A_314, %mul3A_315 : i32
      %dma_wait3A_317 = arith.constant 0 : i32
      %dma_wait3A_318 = arith.constant 0 : i32
      %dma_wait3A_319 = arith.constant 0 : i32
      %dma_wait3A_320 = arith.constant 0 : i32
      %dma_wait3A_321 = arith.constant 0 : i32
      %dma_wait3A_322 = tpu.memref_slice %arg9[%dma_wait3A_318, %dma_wait3A_320, %dma_wait3A_321] : memref<5x128x64xf32, #tpu.memory_space<vmem>> -> memref<1x128x64xf32, #tpu.memory_space<vmem>>
      %dma_wait3A_323 = tpu.memref_squeeze %dma_wait3A_322 : memref<1x128x64xf32, #tpu.memory_space<vmem>> -> memref<128x64xf32, #tpu.memory_space<vmem>>
      %dma_wait3A_324 = arith.constant 0 : i32
      %dma_wait3A_325 = tpu.memref_slice %arg7[%dma_wait3A_317, %dma_wait3A_324] : memref<80x128xi32, #tpu.memory_space<vmem>> -> memref<1x128xi32, #tpu.memory_space<vmem>>
      %dma_wait3A_326 = tpu.memref_squeeze %dma_wait3A_325 : memref<1x128xi32, #tpu.memory_space<vmem>> -> memref<128xi32, #tpu.memory_space<vmem>>
      %dma_wait3A_327 = arith.constant 0 : i32
      %dma_wait3A_328 = arith.constant 0 : i32
      %dma_wait3A_329 = tpu.memref_slice %arg2[%arg0, %dma_wait3A_327, %dma_wait3A_328] : memref<2x10000x64xf32, #tpu.memory_space<hbm>> -> memref<1x10000x64xf32, #tpu.memory_space<hbm>>
      %dma_wait3A_330 = tpu.memref_squeeze %dma_wait3A_329 : memref<1x10000x64xf32, #tpu.memory_space<hbm>> -> memref<10000x64xf32, #tpu.memory_space<hbm>>
      %dma_wait3A_331 = arith.constant 0 : i32
      %dma_wait3A_332 = arith.constant 0 : i32
      %dma_wait3A_333 = tpu.memref_slice %dma_wait3A_330[%dma_wait3A_331, %dma_wait3A_332] : memref<10000x64xf32, #tpu.memory_space<hbm>> -> memref<10000x64xf32, #tpu.memory_space<hbm>>
      %dma_wait3A_334 = tpu.memref_slice %arg11[%dma_wait3A_319] : memref<5x!tpu.dma_semaphore, #tpu.memory_space<semaphore_mem>> -> memref<1x!tpu.dma_semaphore, #tpu.memory_space<semaphore_mem>>
      %dma_wait3A_335 = tpu.memref_squeeze %dma_wait3A_334 : memref<1x!tpu.dma_semaphore, #tpu.memory_space<semaphore_mem>> -> memref<!tpu.dma_semaphore, #tpu.memory_space<semaphore_mem>>
      tpu.wait_indirect_dma semaphore(%dma_wait3A_335 : memref<!tpu.dma_semaphore, #tpu.memory_space<semaphore_mem>>) src(%dma_wait3A_333 : memref<10000x64xf32, #tpu.memory_space<hbm>>) dst(%dma_wait3A_323 : memref<128x64xf32, #tpu.memory_space<vmem>>)
      %add3A_336 = arith.constant 0 : i32
      %add3A_337 = arith.addi %mul3A_316, %add3A_336 : i32
      %dma_start3A_338 = arith.constant 0 : i32
      %dma_start3A_339 = arith.constant 0 : i32
      %dma_start3A_340 = arith.constant 0 : i32
      %dma_start3A_341 = arith.constant 0 : i32
      %dma_start3A_342 = tpu.memref_slice %arg9[%dma_start3A_338, %dma_start3A_340, %dma_start3A_341] : memref<5x128x64xf32, #tpu.memory_space<vmem>> -> memref<1x128x64xf32, #tpu.memory_space<vmem>>
      %dma_start3A_343 = tpu.memref_squeeze %dma_start3A_342 : memref<1x128x64xf32, #tpu.memory_space<vmem>> -> memref<128x64xf32, #tpu.memory_space<vmem>>
      %dma_start3A_344 = arith.constant 0 : i32
      %dma_start3A_345 = tpu.memref_slice %arg8[%add3A_337, %dma_start3A_344] : memref<80x128xi32, #tpu.memory_space<vmem>> -> memref<1x128xi32, #tpu.memory_space<vmem>>
      %dma_start3A_346 = tpu.memref_squeeze %dma_start3A_345 : memref<1x128xi32, #tpu.memory_space<vmem>> -> memref<128xi32, #tpu.memory_space<vmem>>
      %dma_start3A_347 = arith.constant 0 : i32
      %dma_start3A_348 = arith.constant 0 : i32
      %dma_start3A_349 = tpu.memref_slice %arg10[%dma_start3A_347, %dma_start3A_348] : memref<10016x64xf32, #tpu.memory_space<vmem_shared>> -> memref<10016x64xf32, #tpu.memory_space<vmem_shared>>
      %dma_start3A_350 = tpu.memref_slice %arg12[%dma_start3A_339] : memref<5x!tpu.dma_semaphore, #tpu.memory_space<semaphore_mem>> -> memref<1x!tpu.dma_semaphore, #tpu.memory_space<semaphore_mem>>
      %dma_start3A_351 = tpu.memref_squeeze %dma_start3A_350 : memref<1x!tpu.dma_semaphore, #tpu.memory_space<semaphore_mem>> -> memref<!tpu.dma_semaphore, #tpu.memory_space<semaphore_mem>>
      tpu.enqueue_indirect_dma source(%dma_start3A_343 : memref<128x64xf32, #tpu.memory_space<vmem>>) target(%dma_start3A_349 : memref<10016x64xf32, #tpu.memory_space<vmem_shared>>) offsets(%dma_start3A_346 : memref<128xi32, #tpu.memory_space<vmem>>) semaphore(%dma_start3A_351 : memref<!tpu.dma_semaphore, #tpu.memory_space<semaphore_mem>>) {add = true}
      %dma_start3A_352 = arith.constant 0 : i32
      %dma_start3A_353 = arith.constant 0 : i32
      %dma_start3A_354 = tpu.memref_slice %arg8[%add3A_337, %dma_start3A_353] : memref<80x128xi32, #tpu.memory_space<vmem>> -> memref<1x128xi32, #tpu.memory_space<vmem>>
      %dma_start3A_355 = tpu.memref_squeeze %dma_start3A_354 : memref<1x128xi32, #tpu.memory_space<vmem>> -> memref<128xi32, #tpu.memory_space<vmem>>
      %dma_start3A_356 = arith.constant 0 : i32
      %dma_start3A_357 = arith.constant 0 : i32
      %dma_start3A_358 = tpu.memref_slice %arg14[%dma_start3A_356, %dma_start3A_357] : memref<10016x16xf32, #tpu.memory_space<vmem_shared>> -> memref<10016x16xf32, #tpu.memory_space<vmem_shared>>
      %dma_start3A_359 = tpu.memref_slice %arg12[%dma_start3A_352] : memref<5x!tpu.dma_semaphore, #tpu.memory_space<semaphore_mem>> -> memref<1x!tpu.dma_semaphore, #tpu.memory_space<semaphore_mem>>
      %dma_start3A_360 = tpu.memref_squeeze %dma_start3A_359 : memref<1x!tpu.dma_semaphore, #tpu.memory_space<semaphore_mem>> -> memref<!tpu.dma_semaphore, #tpu.memory_space<semaphore_mem>>
      tpu.enqueue_indirect_dma source(%arg13 : memref<128x16xf32, #tpu.memory_space<vmem>>) target(%dma_start3A_358 : memref<10016x16xf32, #tpu.memory_space<vmem_shared>>) offsets(%dma_start3A_355 : memref<128xi32, #tpu.memory_space<vmem>>) semaphore(%dma_start3A_360 : memref<!tpu.dma_semaphore, #tpu.memory_space<semaphore_mem>>) {add = true}
      %dma_wait3A_361 = arith.constant 0 : i32
      %dma_wait3A_362 = arith.constant 1 : i32
      %dma_wait3A_363 = arith.constant 1 : i32
      %dma_wait3A_364 = arith.constant 0 : i32
      %dma_wait3A_365 = arith.constant 0 : i32
      %dma_wait3A_366 = tpu.memref_slice %arg9[%dma_wait3A_362, %dma_wait3A_364, %dma_wait3A_365] : memref<5x128x64xf32, #tpu.memory_space<vmem>> -> memref<1x128x64xf32, #tpu.memory_space<vmem>>
      %dma_wait3A_367 = tpu.memref_squeeze %dma_wait3A_366 : memref<1x128x64xf32, #tpu.memory_space<vmem>> -> memref<128x64xf32, #tpu.memory_space<vmem>>
      %dma_wait3A_368 = arith.constant 0 : i32
      %dma_wait3A_369 = tpu.memref_slice %arg7[%dma_wait3A_361, %dma_wait3A_368] : memref<80x128xi32, #tpu.memory_space<vmem>> -> memref<1x128xi32, #tpu.memory_space<vmem>>
      %dma_wait3A_370 = tpu.memref_squeeze %dma_wait3A_369 : memref<1x128xi32, #tpu.memory_space<vmem>> -> memref<128xi32, #tpu.memory_space<vmem>>
      %dma_wait3A_371 = arith.constant 0 : i32
      %dma_wait3A_372 = arith.constant 0 : i32
      %dma_wait3A_373 = tpu.memref_slice %arg2[%arg0, %dma_wait3A_371, %dma_wait3A_372] : memref<2x10000x64xf32, #tpu.memory_space<hbm>> -> memref<1x10000x64xf32, #tpu.memory_space<hbm>>
      %dma_wait3A_374 = tpu.memref_squeeze %dma_wait3A_373 : memref<1x10000x64xf32, #tpu.memory_space<hbm>> -> memref<10000x64xf32, #tpu.memory_space<hbm>>
      %dma_wait3A_375 = arith.constant 0 : i32
      %dma_wait3A_376 = arith.constant 0 : i32
      %dma_wait3A_377 = tpu.memref_slice %dma_wait3A_374[%dma_wait3A_375, %dma_wait3A_376] : memref<10000x64xf32, #tpu.memory_space<hbm>> -> memref<10000x64xf32, #tpu.memory_space<hbm>>
      %dma_wait3A_378 = tpu.memref_slice %arg11[%dma_wait3A_363] : memref<5x!tpu.dma_semaphore, #tpu.memory_space<semaphore_mem>> -> memref<1x!tpu.dma_semaphore, #tpu.memory_space<semaphore_mem>>
      %dma_wait3A_379 = tpu.memref_squeeze %dma_wait3A_378 : memref<1x!tpu.dma_semaphore, #tpu.memory_space<semaphore_mem>> -> memref<!tpu.dma_semaphore, #tpu.memory_space<semaphore_mem>>
      tpu.wait_indirect_dma semaphore(%dma_wait3A_379 : memref<!tpu.dma_semaphore, #tpu.memory_space<semaphore_mem>>) src(%dma_wait3A_377 : memref<10000x64xf32, #tpu.memory_space<hbm>>) dst(%dma_wait3A_367 : memref<128x64xf32, #tpu.memory_space<vmem>>)
      %add3A_380 = arith.constant 1 : i32
      %add3A_381 = arith.addi %mul3A_316, %add3A_380 : i32
      %dma_start3A_382 = arith.constant 1 : i32
      %dma_start3A_383 = arith.constant 1 : i32
      %dma_start3A_384 = arith.constant 0 : i32
      %dma_start3A_385 = arith.constant 0 : i32
      %dma_start3A_386 = tpu.memref_slice %arg9[%dma_start3A_382, %dma_start3A_384, %dma_start3A_385] : memref<5x128x64xf32, #tpu.memory_space<vmem>> -> memref<1x128x64xf32, #tpu.memory_space<vmem>>
      %dma_start3A_387 = tpu.memref_squeeze %dma_start3A_386 : memref<1x128x64xf32, #tpu.memory_space<vmem>> -> memref<128x64xf32, #tpu.memory_space<vmem>>
      %dma_start3A_388 = arith.constant 0 : i32
      %dma_start3A_389 = tpu.memref_slice %arg8[%add3A_381, %dma_start3A_388] : memref<80x128xi32, #tpu.memory_space<vmem>> -> memref<1x128xi32, #tpu.memory_space<vmem>>
      %dma_start3A_390 = tpu.memref_squeeze %dma_start3A_389 : memref<1x128xi32, #tpu.memory_space<vmem>> -> memref<128xi32, #tpu.memory_space<vmem>>
      %dma_start3A_391 = arith.constant 0 : i32
      %dma_start3A_392 = arith.constant 0 : i32
      %dma_start3A_393 = tpu.memref_slice %arg10[%dma_start3A_391, %dma_start3A_392] : memref<10016x64xf32, #tpu.memory_space<vmem_shared>> -> memref<10016x64xf32, #tpu.memory_space<vmem_shared>>
      %dma_start3A_394 = tpu.memref_slice %arg12[%dma_start3A_383] : memref<5x!tpu.dma_semaphore, #tpu.memory_space<semaphore_mem>> -> memref<1x!tpu.dma_semaphore, #tpu.memory_space<semaphore_mem>>
      %dma_start3A_395 = tpu.memref_squeeze %dma_start3A_394 : memref<1x!tpu.dma_semaphore, #tpu.memory_space<semaphore_mem>> -> memref<!tpu.dma_semaphore, #tpu.memory_space<semaphore_mem>>
      tpu.enqueue_indirect_dma source(%dma_start3A_387 : memref<128x64xf32, #tpu.memory_space<vmem>>) target(%dma_start3A_393 : memref<10016x64xf32, #tpu.memory_space<vmem_shared>>) offsets(%dma_start3A_390 : memref<128xi32, #tpu.memory_space<vmem>>) semaphore(%dma_start3A_395 : memref<!tpu.dma_semaphore, #tpu.memory_space<semaphore_mem>>) {add = true}
      %dma_start3A_396 = arith.constant 1 : i32
      %dma_start3A_397 = arith.constant 0 : i32
      %dma_start3A_398 = tpu.memref_slice %arg8[%add3A_381, %dma_start3A_397] : memref<80x128xi32, #tpu.memory_space<vmem>> -> memref<1x128xi32, #tpu.memory_space<vmem>>
      %dma_start3A_399 = tpu.memref_squeeze %dma_start3A_398 : memref<1x128xi32, #tpu.memory_space<vmem>> -> memref<128xi32, #tpu.memory_space<vmem>>
      %dma_start3A_400 = arith.constant 0 : i32
      %dma_start3A_401 = arith.constant 0 : i32
      %dma_start3A_402 = tpu.memref_slice %arg14[%dma_start3A_400, %dma_start3A_401] : memref<10016x16xf32, #tpu.memory_space<vmem_shared>> -> memref<10016x16xf32, #tpu.memory_space<vmem_shared>>
      %dma_start3A_403 = tpu.memref_slice %arg12[%dma_start3A_396] : memref<5x!tpu.dma_semaphore, #tpu.memory_space<semaphore_mem>> -> memref<1x!tpu.dma_semaphore, #tpu.memory_space<semaphore_mem>>
      %dma_start3A_404 = tpu.memref_squeeze %dma_start3A_403 : memref<1x!tpu.dma_semaphore, #tpu.memory_space<semaphore_mem>> -> memref<!tpu.dma_semaphore, #tpu.memory_space<semaphore_mem>>
      tpu.enqueue_indirect_dma source(%arg13 : memref<128x16xf32, #tpu.memory_space<vmem>>) target(%dma_start3A_402 : memref<10016x16xf32, #tpu.memory_space<vmem_shared>>) offsets(%dma_start3A_399 : memref<128xi32, #tpu.memory_space<vmem>>) semaphore(%dma_start3A_404 : memref<!tpu.dma_semaphore, #tpu.memory_space<semaphore_mem>>) {add = true}
      %dma_wait3A_405 = arith.constant 0 : i32
      %dma_wait3A_406 = arith.constant 2 : i32
      %dma_wait3A_407 = arith.constant 2 : i32
      %dma_wait3A_408 = arith.constant 0 : i32
      %dma_wait3A_409 = arith.constant 0 : i32
      %dma_wait3A_410 = tpu.memref_slice %arg9[%dma_wait3A_406, %dma_wait3A_408, %dma_wait3A_409] : memref<5x128x64xf32, #tpu.memory_space<vmem>> -> memref<1x128x64xf32, #tpu.memory_space<vmem>>
      %dma_wait3A_411 = tpu.memref_squeeze %dma_wait3A_410 : memref<1x128x64xf32, #tpu.memory_space<vmem>> -> memref<128x64xf32, #tpu.memory_space<vmem>>
      %dma_wait3A_412 = arith.constant 0 : i32
      %dma_wait3A_413 = tpu.memref_slice %arg7[%dma_wait3A_405, %dma_wait3A_412] : memref<80x128xi32, #tpu.memory_space<vmem>> -> memref<1x128xi32, #tpu.memory_space<vmem>>
      %dma_wait3A_414 = tpu.memref_squeeze %dma_wait3A_413 : memref<1x128xi32, #tpu.memory_space<vmem>> -> memref<128xi32, #tpu.memory_space<vmem>>
      %dma_wait3A_415 = arith.constant 0 : i32
      %dma_wait3A_416 = arith.constant 0 : i32
      %dma_wait3A_417 = tpu.memref_slice %arg2[%arg0, %dma_wait3A_415, %dma_wait3A_416] : memref<2x10000x64xf32, #tpu.memory_space<hbm>> -> memref<1x10000x64xf32, #tpu.memory_space<hbm>>
      %dma_wait3A_418 = tpu.memref_squeeze %dma_wait3A_417 : memref<1x10000x64xf32, #tpu.memory_space<hbm>> -> memref<10000x64xf32, #tpu.memory_space<hbm>>
      %dma_wait3A_419 = arith.constant 0 : i32
      %dma_wait3A_420 = arith.constant 0 : i32
      %dma_wait3A_421 = tpu.memref_slice %dma_wait3A_418[%dma_wait3A_419, %dma_wait3A_420] : memref<10000x64xf32, #tpu.memory_space<hbm>> -> memref<10000x64xf32, #tpu.memory_space<hbm>>
      %dma_wait3A_422 = tpu.memref_slice %arg11[%dma_wait3A_407] : memref<5x!tpu.dma_semaphore, #tpu.memory_space<semaphore_mem>> -> memref<1x!tpu.dma_semaphore, #tpu.memory_space<semaphore_mem>>
      %dma_wait3A_423 = tpu.memref_squeeze %dma_wait3A_422 : memref<1x!tpu.dma_semaphore, #tpu.memory_space<semaphore_mem>> -> memref<!tpu.dma_semaphore, #tpu.memory_space<semaphore_mem>>
      tpu.wait_indirect_dma semaphore(%dma_wait3A_423 : memref<!tpu.dma_semaphore, #tpu.memory_space<semaphore_mem>>) src(%dma_wait3A_421 : memref<10000x64xf32, #tpu.memory_space<hbm>>) dst(%dma_wait3A_411 : memref<128x64xf32, #tpu.memory_space<vmem>>)
      %add3A_424 = arith.constant 2 : i32
      %add3A_425 = arith.addi %mul3A_316, %add3A_424 : i32
      %dma_start3A_426 = arith.constant 2 : i32
      %dma_start3A_427 = arith.constant 2 : i32
      %dma_start3A_428 = arith.constant 0 : i32
      %dma_start3A_429 = arith.constant 0 : i32
      %dma_start3A_430 = tpu.memref_slice %arg9[%dma_start3A_426, %dma_start3A_428, %dma_start3A_429] : memref<5x128x64xf32, #tpu.memory_space<vmem>> -> memref<1x128x64xf32, #tpu.memory_space<vmem>>
      %dma_start3A_431 = tpu.memref_squeeze %dma_start3A_430 : memref<1x128x64xf32, #tpu.memory_space<vmem>> -> memref<128x64xf32, #tpu.memory_space<vmem>>
      %dma_start3A_432 = arith.constant 0 : i32
      %dma_start3A_433 = tpu.memref_slice %arg8[%add3A_425, %dma_start3A_432] : memref<80x128xi32, #tpu.memory_space<vmem>> -> memref<1x128xi32, #tpu.memory_space<vmem>>
      %dma_start3A_434 = tpu.memref_squeeze %dma_start3A_433 : memref<1x128xi32, #tpu.memory_space<vmem>> -> memref<128xi32, #tpu.memory_space<vmem>>
      %dma_start3A_435 = arith.constant 0 : i32
      %dma_start3A_436 = arith.constant 0 : i32
      %dma_start3A_437 = tpu.memref_slice %arg10[%dma_start3A_435, %dma_start3A_436] : memref<10016x64xf32, #tpu.memory_space<vmem_shared>> -> memref<10016x64xf32, #tpu.memory_space<vmem_shared>>
      %dma_start3A_438 = tpu.memref_slice %arg12[%dma_start3A_427] : memref<5x!tpu.dma_semaphore, #tpu.memory_space<semaphore_mem>> -> memref<1x!tpu.dma_semaphore, #tpu.memory_space<semaphore_mem>>
      %dma_start3A_439 = tpu.memref_squeeze %dma_start3A_438 : memref<1x!tpu.dma_semaphore, #tpu.memory_space<semaphore_mem>> -> memref<!tpu.dma_semaphore, #tpu.memory_space<semaphore_mem>>
      tpu.enqueue_indirect_dma source(%dma_start3A_431 : memref<128x64xf32, #tpu.memory_space<vmem>>) target(%dma_start3A_437 : memref<10016x64xf32, #tpu.memory_space<vmem_shared>>) offsets(%dma_start3A_434 : memref<128xi32, #tpu.memory_space<vmem>>) semaphore(%dma_start3A_439 : memref<!tpu.dma_semaphore, #tpu.memory_space<semaphore_mem>>) {add = true}
      %dma_start3A_440 = arith.constant 2 : i32
      %dma_start3A_441 = arith.constant 0 : i32
      %dma_start3A_442 = tpu.memref_slice %arg8[%add3A_425, %dma_start3A_441] : memref<80x128xi32, #tpu.memory_space<vmem>> -> memref<1x128xi32, #tpu.memory_space<vmem>>
      %dma_start3A_443 = tpu.memref_squeeze %dma_start3A_442 : memref<1x128xi32, #tpu.memory_space<vmem>> -> memref<128xi32, #tpu.memory_space<vmem>>
      %dma_start3A_444 = arith.constant 0 : i32
      %dma_start3A_445 = arith.constant 0 : i32
      %dma_start3A_446 = tpu.memref_slice %arg14[%dma_start3A_444, %dma_start3A_445] : memref<10016x16xf32, #tpu.memory_space<vmem_shared>> -> memref<10016x16xf32, #tpu.memory_space<vmem_shared>>
      %dma_start3A_447 = tpu.memref_slice %arg12[%dma_start3A_440] : memref<5x!tpu.dma_semaphore, #tpu.memory_space<semaphore_mem>> -> memref<1x!tpu.dma_semaphore, #tpu.memory_space<semaphore_mem>>
      %dma_start3A_448 = tpu.memref_squeeze %dma_start3A_447 : memref<1x!tpu.dma_semaphore, #tpu.memory_space<semaphore_mem>> -> memref<!tpu.dma_semaphore, #tpu.memory_space<semaphore_mem>>
      tpu.enqueue_indirect_dma source(%arg13 : memref<128x16xf32, #tpu.memory_space<vmem>>) target(%dma_start3A_446 : memref<10016x16xf32, #tpu.memory_space<vmem_shared>>) offsets(%dma_start3A_443 : memref<128xi32, #tpu.memory_space<vmem>>) semaphore(%dma_start3A_448 : memref<!tpu.dma_semaphore, #tpu.memory_space<semaphore_mem>>) {add = true}
      %dma_wait3A_449 = arith.constant 0 : i32
      %dma_wait3A_450 = arith.constant 3 : i32
      %dma_wait3A_451 = arith.constant 3 : i32
      %dma_wait3A_452 = arith.constant 0 : i32
      %dma_wait3A_453 = arith.constant 0 : i32
      %dma_wait3A_454 = tpu.memref_slice %arg9[%dma_wait3A_450, %dma_wait3A_452, %dma_wait3A_453] : memref<5x128x64xf32, #tpu.memory_space<vmem>> -> memref<1x128x64xf32, #tpu.memory_space<vmem>>
      %dma_wait3A_455 = tpu.memref_squeeze %dma_wait3A_454 : memref<1x128x64xf32, #tpu.memory_space<vmem>> -> memref<128x64xf32, #tpu.memory_space<vmem>>
      %dma_wait3A_456 = arith.constant 0 : i32
      %dma_wait3A_457 = tpu.memref_slice %arg7[%dma_wait3A_449, %dma_wait3A_456] : memref<80x128xi32, #tpu.memory_space<vmem>> -> memref<1x128xi32, #tpu.memory_space<vmem>>
      %dma_wait3A_458 = tpu.memref_squeeze %dma_wait3A_457 : memref<1x128xi32, #tpu.memory_space<vmem>> -> memref<128xi32, #tpu.memory_space<vmem>>
      %dma_wait3A_459 = arith.constant 0 : i32
      %dma_wait3A_460 = arith.constant 0 : i32
      %dma_wait3A_461 = tpu.memref_slice %arg2[%arg0, %dma_wait3A_459, %dma_wait3A_460] : memref<2x10000x64xf32, #tpu.memory_space<hbm>> -> memref<1x10000x64xf32, #tpu.memory_space<hbm>>
      %dma_wait3A_462 = tpu.memref_squeeze %dma_wait3A_461 : memref<1x10000x64xf32, #tpu.memory_space<hbm>> -> memref<10000x64xf32, #tpu.memory_space<hbm>>
      %dma_wait3A_463 = arith.constant 0 : i32
      %dma_wait3A_464 = arith.constant 0 : i32
      %dma_wait3A_465 = tpu.memref_slice %dma_wait3A_462[%dma_wait3A_463, %dma_wait3A_464] : memref<10000x64xf32, #tpu.memory_space<hbm>> -> memref<10000x64xf32, #tpu.memory_space<hbm>>
      %dma_wait3A_466 = tpu.memref_slice %arg11[%dma_wait3A_451] : memref<5x!tpu.dma_semaphore, #tpu.memory_space<semaphore_mem>> -> memref<1x!tpu.dma_semaphore, #tpu.memory_space<semaphore_mem>>
      %dma_wait3A_467 = tpu.memref_squeeze %dma_wait3A_466 : memref<1x!tpu.dma_semaphore, #tpu.memory_space<semaphore_mem>> -> memref<!tpu.dma_semaphore, #tpu.memory_space<semaphore_mem>>
      tpu.wait_indirect_dma semaphore(%dma_wait3A_467 : memref<!tpu.dma_semaphore, #tpu.memory_space<semaphore_mem>>) src(%dma_wait3A_465 : memref<10000x64xf32, #tpu.memory_space<hbm>>) dst(%dma_wait3A_455 : memref<128x64xf32, #tpu.memory_space<vmem>>)
      %add3A_468 = arith.constant 3 : i32
      %add3A_469 = arith.addi %mul3A_316, %add3A_468 : i32
      %dma_start3A_470 = arith.constant 3 : i32
      %dma_start3A_471 = arith.constant 3 : i32
      %dma_start3A_472 = arith.constant 0 : i32
      %dma_start3A_473 = arith.constant 0 : i32
      %dma_start3A_474 = tpu.memref_slice %arg9[%dma_start3A_470, %dma_start3A_472, %dma_start3A_473] : memref<5x128x64xf32, #tpu.memory_space<vmem>> -> memref<1x128x64xf32, #tpu.memory_space<vmem>>
      %dma_start3A_475 = tpu.memref_squeeze %dma_start3A_474 : memref<1x128x64xf32, #tpu.memory_space<vmem>> -> memref<128x64xf32, #tpu.memory_space<vmem>>
      %dma_start3A_476 = arith.constant 0 : i32
      %dma_start3A_477 = tpu.memref_slice %arg8[%add3A_469, %dma_start3A_476] : memref<80x128xi32, #tpu.memory_space<vmem>> -> memref<1x128xi32, #tpu.memory_space<vmem>>
      %dma_start3A_478 = tpu.memref_squeeze %dma_start3A_477 : memref<1x128xi32, #tpu.memory_space<vmem>> -> memref<128xi32, #tpu.memory_space<vmem>>
      %dma_start3A_479 = arith.constant 0 : i32
      %dma_start3A_480 = arith.constant 0 : i32
      %dma_start3A_481 = tpu.memref_slice %arg10[%dma_start3A_479, %dma_start3A_480] : memref<10016x64xf32, #tpu.memory_space<vmem_shared>> -> memref<10016x64xf32, #tpu.memory_space<vmem_shared>>
      %dma_start3A_482 = tpu.memref_slice %arg12[%dma_start3A_471] : memref<5x!tpu.dma_semaphore, #tpu.memory_space<semaphore_mem>> -> memref<1x!tpu.dma_semaphore, #tpu.memory_space<semaphore_mem>>
      %dma_start3A_483 = tpu.memref_squeeze %dma_start3A_482 : memref<1x!tpu.dma_semaphore, #tpu.memory_space<semaphore_mem>> -> memref<!tpu.dma_semaphore, #tpu.memory_space<semaphore_mem>>
      tpu.enqueue_indirect_dma source(%dma_start3A_475 : memref<128x64xf32, #tpu.memory_space<vmem>>) target(%dma_start3A_481 : memref<10016x64xf32, #tpu.memory_space<vmem_shared>>) offsets(%dma_start3A_478 : memref<128xi32, #tpu.memory_space<vmem>>) semaphore(%dma_start3A_483 : memref<!tpu.dma_semaphore, #tpu.memory_space<semaphore_mem>>) {add = true}
      %dma_start3A_484 = arith.constant 3 : i32
      %dma_start3A_485 = arith.constant 0 : i32
      %dma_start3A_486 = tpu.memref_slice %arg8[%add3A_469, %dma_start3A_485] : memref<80x128xi32, #tpu.memory_space<vmem>> -> memref<1x128xi32, #tpu.memory_space<vmem>>
      %dma_start3A_487 = tpu.memref_squeeze %dma_start3A_486 : memref<1x128xi32, #tpu.memory_space<vmem>> -> memref<128xi32, #tpu.memory_space<vmem>>
      %dma_start3A_488 = arith.constant 0 : i32
      %dma_start3A_489 = arith.constant 0 : i32
      %dma_start3A_490 = tpu.memref_slice %arg14[%dma_start3A_488, %dma_start3A_489] : memref<10016x16xf32, #tpu.memory_space<vmem_shared>> -> memref<10016x16xf32, #tpu.memory_space<vmem_shared>>
      %dma_start3A_491 = tpu.memref_slice %arg12[%dma_start3A_484] : memref<5x!tpu.dma_semaphore, #tpu.memory_space<semaphore_mem>> -> memref<1x!tpu.dma_semaphore, #tpu.memory_space<semaphore_mem>>
      %dma_start3A_492 = tpu.memref_squeeze %dma_start3A_491 : memref<1x!tpu.dma_semaphore, #tpu.memory_space<semaphore_mem>> -> memref<!tpu.dma_semaphore, #tpu.memory_space<semaphore_mem>>
      tpu.enqueue_indirect_dma source(%arg13 : memref<128x16xf32, #tpu.memory_space<vmem>>) target(%dma_start3A_490 : memref<10016x16xf32, #tpu.memory_space<vmem_shared>>) offsets(%dma_start3A_487 : memref<128xi32, #tpu.memory_space<vmem>>) semaphore(%dma_start3A_492 : memref<!tpu.dma_semaphore, #tpu.memory_space<semaphore_mem>>) {add = true}
      %dma_wait3A_493 = arith.constant 0 : i32
      %dma_wait3A_494 = arith.constant 4 : i32
      %dma_wait3A_495 = arith.constant 4 : i32
      %dma_wait3A_496 = arith.constant 0 : i32
      %dma_wait3A_497 = arith.constant 0 : i32
      %dma_wait3A_498 = tpu.memref_slice %arg9[%dma_wait3A_494, %dma_wait3A_496, %dma_wait3A_497] : memref<5x128x64xf32, #tpu.memory_space<vmem>> -> memref<1x128x64xf32, #tpu.memory_space<vmem>>
      %dma_wait3A_499 = tpu.memref_squeeze %dma_wait3A_498 : memref<1x128x64xf32, #tpu.memory_space<vmem>> -> memref<128x64xf32, #tpu.memory_space<vmem>>
      %dma_wait3A_500 = arith.constant 0 : i32
      %dma_wait3A_501 = tpu.memref_slice %arg7[%dma_wait3A_493, %dma_wait3A_500] : memref<80x128xi32, #tpu.memory_space<vmem>> -> memref<1x128xi32, #tpu.memory_space<vmem>>
      %dma_wait3A_502 = tpu.memref_squeeze %dma_wait3A_501 : memref<1x128xi32, #tpu.memory_space<vmem>> -> memref<128xi32, #tpu.memory_space<vmem>>
      %dma_wait3A_503 = arith.constant 0 : i32
      %dma_wait3A_504 = arith.constant 0 : i32
      %dma_wait3A_505 = tpu.memref_slice %arg2[%arg0, %dma_wait3A_503, %dma_wait3A_504] : memref<2x10000x64xf32, #tpu.memory_space<hbm>> -> memref<1x10000x64xf32, #tpu.memory_space<hbm>>
      %dma_wait3A_506 = tpu.memref_squeeze %dma_wait3A_505 : memref<1x10000x64xf32, #tpu.memory_space<hbm>> -> memref<10000x64xf32, #tpu.memory_space<hbm>>
      %dma_wait3A_507 = arith.constant 0 : i32
      %dma_wait3A_508 = arith.constant 0 : i32
      %dma_wait3A_509 = tpu.memref_slice %dma_wait3A_506[%dma_wait3A_507, %dma_wait3A_508] : memref<10000x64xf32, #tpu.memory_space<hbm>> -> memref<10000x64xf32, #tpu.memory_space<hbm>>
      %dma_wait3A_510 = tpu.memref_slice %arg11[%dma_wait3A_495] : memref<5x!tpu.dma_semaphore, #tpu.memory_space<semaphore_mem>> -> memref<1x!tpu.dma_semaphore, #tpu.memory_space<semaphore_mem>>
      %dma_wait3A_511 = tpu.memref_squeeze %dma_wait3A_510 : memref<1x!tpu.dma_semaphore, #tpu.memory_space<semaphore_mem>> -> memref<!tpu.dma_semaphore, #tpu.memory_space<semaphore_mem>>
      tpu.wait_indirect_dma semaphore(%dma_wait3A_511 : memref<!tpu.dma_semaphore, #tpu.memory_space<semaphore_mem>>) src(%dma_wait3A_509 : memref<10000x64xf32, #tpu.memory_space<hbm>>) dst(%dma_wait3A_499 : memref<128x64xf32, #tpu.memory_space<vmem>>)
      %add3A_512 = arith.constant 4 : i32
      %add3A_513 = arith.addi %mul3A_316, %add3A_512 : i32
      %dma_start3A_514 = arith.constant 4 : i32
      %dma_start3A_515 = arith.constant 4 : i32
      %dma_start3A_516 = arith.constant 0 : i32
      %dma_start3A_517 = arith.constant 0 : i32
      %dma_start3A_518 = tpu.memref_slice %arg9[%dma_start3A_514, %dma_start3A_516, %dma_start3A_517] : memref<5x128x64xf32, #tpu.memory_space<vmem>> -> memref<1x128x64xf32, #tpu.memory_space<vmem>>
      %dma_start3A_519 = tpu.memref_squeeze %dma_start3A_518 : memref<1x128x64xf32, #tpu.memory_space<vmem>> -> memref<128x64xf32, #tpu.memory_space<vmem>>
      %dma_start3A_520 = arith.constant 0 : i32
      %dma_start3A_521 = tpu.memref_slice %arg8[%add3A_513, %dma_start3A_520] : memref<80x128xi32, #tpu.memory_space<vmem>> -> memref<1x128xi32, #tpu.memory_space<vmem>>
      %dma_start3A_522 = tpu.memref_squeeze %dma_start3A_521 : memref<1x128xi32, #tpu.memory_space<vmem>> -> memref<128xi32, #tpu.memory_space<vmem>>
      %dma_start3A_523 = arith.constant 0 : i32
      %dma_start3A_524 = arith.constant 0 : i32
      %dma_start3A_525 = tpu.memref_slice %arg10[%dma_start3A_523, %dma_start3A_524] : memref<10016x64xf32, #tpu.memory_space<vmem_shared>> -> memref<10016x64xf32, #tpu.memory_space<vmem_shared>>
      %dma_start3A_526 = tpu.memref_slice %arg12[%dma_start3A_515] : memref<5x!tpu.dma_semaphore, #tpu.memory_space<semaphore_mem>> -> memref<1x!tpu.dma_semaphore, #tpu.memory_space<semaphore_mem>>
      %dma_start3A_527 = tpu.memref_squeeze %dma_start3A_526 : memref<1x!tpu.dma_semaphore, #tpu.memory_space<semaphore_mem>> -> memref<!tpu.dma_semaphore, #tpu.memory_space<semaphore_mem>>
      tpu.enqueue_indirect_dma source(%dma_start3A_519 : memref<128x64xf32, #tpu.memory_space<vmem>>) target(%dma_start3A_525 : memref<10016x64xf32, #tpu.memory_space<vmem_shared>>) offsets(%dma_start3A_522 : memref<128xi32, #tpu.memory_space<vmem>>) semaphore(%dma_start3A_527 : memref<!tpu.dma_semaphore, #tpu.memory_space<semaphore_mem>>) {add = true}
      %dma_start3A_528 = arith.constant 4 : i32
      %dma_start3A_529 = arith.constant 0 : i32
      %dma_start3A_530 = tpu.memref_slice %arg8[%add3A_513, %dma_start3A_529] : memref<80x128xi32, #tpu.memory_space<vmem>> -> memref<1x128xi32, #tpu.memory_space<vmem>>
      %dma_start3A_531 = tpu.memref_squeeze %dma_start3A_530 : memref<1x128xi32, #tpu.memory_space<vmem>> -> memref<128xi32, #tpu.memory_space<vmem>>
      %dma_start3A_532 = arith.constant 0 : i32
      %dma_start3A_533 = arith.constant 0 : i32
      %dma_start3A_534 = tpu.memref_slice %arg14[%dma_start3A_532, %dma_start3A_533] : memref<10016x16xf32, #tpu.memory_space<vmem_shared>> -> memref<10016x16xf32, #tpu.memory_space<vmem_shared>>
      %dma_start3A_535 = tpu.memref_slice %arg12[%dma_start3A_528] : memref<5x!tpu.dma_semaphore, #tpu.memory_space<semaphore_mem>> -> memref<1x!tpu.dma_semaphore, #tpu.memory_space<semaphore_mem>>
      %dma_start3A_536 = tpu.memref_squeeze %dma_start3A_535 : memref<1x!tpu.dma_semaphore, #tpu.memory_space<semaphore_mem>> -> memref<!tpu.dma_semaphore, #tpu.memory_space<semaphore_mem>>
      tpu.enqueue_indirect_dma source(%arg13 : memref<128x16xf32, #tpu.memory_space<vmem>>) target(%dma_start3A_534 : memref<10016x16xf32, #tpu.memory_space<vmem_shared>>) offsets(%dma_start3A_531 : memref<128xi32, #tpu.memory_space<vmem>>) semaphore(%dma_start3A_536 : memref<!tpu.dma_semaphore, #tpu.memory_space<semaphore_mem>>) {add = true}
      %lt3A = arith.constant 15 : i32
      %lt3A_537 = arith.cmpi slt, %scan3A_314, %lt3A : i32
      %convert_element_type3A = arith.extui %lt3A_537 : i1 to i32
      %cond3A = arith.constant 0 : i32
      %cond3A_538 = arith.cmpi ne, %convert_element_type3A, %cond3A : i32
      scf.if %cond3A_538 {
        %dma_wait3A_559 = arith.constant 0 : i32
        %dma_wait3A_560 = arith.constant 0 : i32
        %dma_wait3A_561 = arith.constant 0 : i32
        %dma_wait3A_562 = arith.constant 0 : i32
        %dma_wait3A_563 = arith.constant 0 : i32
        %dma_wait3A_564 = tpu.memref_slice %arg9[%dma_wait3A_559, %dma_wait3A_562, %dma_wait3A_563] : memref<5x128x64xf32, #tpu.memory_space<vmem>> -> memref<1x128x64xf32, #tpu.memory_space<vmem>>
        %dma_wait3A_565 = tpu.memref_squeeze %dma_wait3A_564 : memref<1x128x64xf32, #tpu.memory_space<vmem>> -> memref<128x64xf32, #tpu.memory_space<vmem>>
        %dma_wait3A_566 = arith.constant 0 : i32
        %dma_wait3A_567 = tpu.memref_slice %arg8[%dma_wait3A_560, %dma_wait3A_566] : memref<80x128xi32, #tpu.memory_space<vmem>> -> memref<1x128xi32, #tpu.memory_space<vmem>>
        %dma_wait3A_568 = tpu.memref_squeeze %dma_wait3A_567 : memref<1x128xi32, #tpu.memory_space<vmem>> -> memref<128xi32, #tpu.memory_space<vmem>>
        %dma_wait3A_569 = arith.constant 0 : i32
        %dma_wait3A_570 = arith.constant 0 : i32
        %dma_wait3A_571 = tpu.memref_slice %arg10[%dma_wait3A_569, %dma_wait3A_570] : memref<10016x64xf32, #tpu.memory_space<vmem_shared>> -> memref<10016x64xf32, #tpu.memory_space<vmem_shared>>
        %dma_wait3A_572 = tpu.memref_slice %arg12[%dma_wait3A_561] : memref<5x!tpu.dma_semaphore, #tpu.memory_space<semaphore_mem>> -> memref<1x!tpu.dma_semaphore, #tpu.memory_space<semaphore_mem>>
        %dma_wait3A_573 = tpu.memref_squeeze %dma_wait3A_572 : memref<1x!tpu.dma_semaphore, #tpu.memory_space<semaphore_mem>> -> memref<!tpu.dma_semaphore, #tpu.memory_space<semaphore_mem>>
        tpu.wait_indirect_dma semaphore(%dma_wait3A_573 : memref<!tpu.dma_semaphore, #tpu.memory_space<semaphore_mem>>) src(%dma_wait3A_565 : memref<128x64xf32, #tpu.memory_space<vmem>>) dst(%dma_wait3A_571 : memref<10016x64xf32, #tpu.memory_space<vmem_shared>>)
        %dma_wait3A_574 = arith.constant 0 : i32
        %dma_wait3A_575 = arith.constant 0 : i32
        %dma_wait3A_576 = arith.constant 0 : i32
        %dma_wait3A_577 = tpu.memref_slice %arg8[%dma_wait3A_574, %dma_wait3A_576] : memref<80x128xi32, #tpu.memory_space<vmem>> -> memref<1x128xi32, #tpu.memory_space<vmem>>
        %dma_wait3A_578 = tpu.memref_squeeze %dma_wait3A_577 : memref<1x128xi32, #tpu.memory_space<vmem>> -> memref<128xi32, #tpu.memory_space<vmem>>
        %dma_wait3A_579 = arith.constant 0 : i32
        %dma_wait3A_580 = arith.constant 0 : i32
        %dma_wait3A_581 = tpu.memref_slice %arg14[%dma_wait3A_579, %dma_wait3A_580] : memref<10016x16xf32, #tpu.memory_space<vmem_shared>> -> memref<10016x16xf32, #tpu.memory_space<vmem_shared>>
        %dma_wait3A_582 = tpu.memref_slice %arg12[%dma_wait3A_575] : memref<5x!tpu.dma_semaphore, #tpu.memory_space<semaphore_mem>> -> memref<1x!tpu.dma_semaphore, #tpu.memory_space<semaphore_mem>>
        %dma_wait3A_583 = tpu.memref_squeeze %dma_wait3A_582 : memref<1x!tpu.dma_semaphore, #tpu.memory_space<semaphore_mem>> -> memref<!tpu.dma_semaphore, #tpu.memory_space<semaphore_mem>>
        tpu.wait_indirect_dma semaphore(%dma_wait3A_583 : memref<!tpu.dma_semaphore, #tpu.memory_space<semaphore_mem>>) src(%arg13 : memref<128x16xf32, #tpu.memory_space<vmem>>) dst(%dma_wait3A_581 : memref<10016x16xf32, #tpu.memory_space<vmem_shared>>)
        %add3A_584 = arith.constant 5 : i32
        %add3A_585 = arith.addi %mul3A_316, %add3A_584 : i32
        %add3A_586 = arith.constant 0 : i32
        %add3A_587 = arith.addi %add3A_585, %add3A_586 : i32
        %dma_start3A_588 = arith.constant 0 : i32
        %dma_start3A_589 = arith.constant 0 : i32
        %dma_start3A_590 = arith.constant 0 : i32
        %dma_start3A_591 = arith.constant 0 : i32
        %dma_start3A_592 = tpu.memref_slice %arg9[%dma_start3A_588, %dma_start3A_590, %dma_start3A_591] : memref<5x128x64xf32, #tpu.memory_space<vmem>> -> memref<1x128x64xf32, #tpu.memory_space<vmem>>
        %dma_start3A_593 = tpu.memref_squeeze %dma_start3A_592 : memref<1x128x64xf32, #tpu.memory_space<vmem>> -> memref<128x64xf32, #tpu.memory_space<vmem>>
        %dma_start3A_594 = arith.constant 0 : i32
        %dma_start3A_595 = tpu.memref_slice %arg7[%add3A_587, %dma_start3A_594] : memref<80x128xi32, #tpu.memory_space<vmem>> -> memref<1x128xi32, #tpu.memory_space<vmem>>
        %dma_start3A_596 = tpu.memref_squeeze %dma_start3A_595 : memref<1x128xi32, #tpu.memory_space<vmem>> -> memref<128xi32, #tpu.memory_space<vmem>>
        %dma_start3A_597 = arith.constant 0 : i32
        %dma_start3A_598 = arith.constant 0 : i32
        %dma_start3A_599 = tpu.memref_slice %arg2[%arg0, %dma_start3A_597, %dma_start3A_598] : memref<2x10000x64xf32, #tpu.memory_space<hbm>> -> memref<1x10000x64xf32, #tpu.memory_space<hbm>>
        %dma_start3A_600 = tpu.memref_squeeze %dma_start3A_599 : memref<1x10000x64xf32, #tpu.memory_space<hbm>> -> memref<10000x64xf32, #tpu.memory_space<hbm>>
        %dma_start3A_601 = arith.constant 0 : i32
        %dma_start3A_602 = arith.constant 0 : i32
        %dma_start3A_603 = tpu.memref_slice %dma_start3A_600[%dma_start3A_601, %dma_start3A_602] : memref<10000x64xf32, #tpu.memory_space<hbm>> -> memref<10000x64xf32, #tpu.memory_space<hbm>>
        %dma_start3A_604 = tpu.memref_slice %arg11[%dma_start3A_589] : memref<5x!tpu.dma_semaphore, #tpu.memory_space<semaphore_mem>> -> memref<1x!tpu.dma_semaphore, #tpu.memory_space<semaphore_mem>>
        %dma_start3A_605 = tpu.memref_squeeze %dma_start3A_604 : memref<1x!tpu.dma_semaphore, #tpu.memory_space<semaphore_mem>> -> memref<!tpu.dma_semaphore, #tpu.memory_space<semaphore_mem>>
        tpu.enqueue_indirect_dma source(%dma_start3A_603 : memref<10000x64xf32, #tpu.memory_space<hbm>>) target(%dma_start3A_593 : memref<128x64xf32, #tpu.memory_space<vmem>>) offsets(%dma_start3A_596 : memref<128xi32, #tpu.memory_space<vmem>>) semaphore(%dma_start3A_605 : memref<!tpu.dma_semaphore, #tpu.memory_space<semaphore_mem>>)
      } else {
      }
      %lt3A_539 = arith.constant 15 : i32
      %lt3A_540 = arith.cmpi slt, %scan3A_314, %lt3A_539 : i32
      %convert_element_type3A_541 = arith.extui %lt3A_540 : i1 to i32
      %cond3A_542 = arith.constant 0 : i32
      %cond3A_543 = arith.cmpi ne, %convert_element_type3A_541, %cond3A_542 : i32
      scf.if %cond3A_543 {
        %dma_wait3A_559 = arith.constant 1 : i32
        %dma_wait3A_560 = arith.constant 0 : i32
        %dma_wait3A_561 = arith.constant 1 : i32
        %dma_wait3A_562 = arith.constant 0 : i32
        %dma_wait3A_563 = arith.constant 0 : i32
        %dma_wait3A_564 = tpu.memref_slice %arg9[%dma_wait3A_559, %dma_wait3A_562, %dma_wait3A_563] : memref<5x128x64xf32, #tpu.memory_space<vmem>> -> memref<1x128x64xf32, #tpu.memory_space<vmem>>
        %dma_wait3A_565 = tpu.memref_squeeze %dma_wait3A_564 : memref<1x128x64xf32, #tpu.memory_space<vmem>> -> memref<128x64xf32, #tpu.memory_space<vmem>>
        %dma_wait3A_566 = arith.constant 0 : i32
        %dma_wait3A_567 = tpu.memref_slice %arg8[%dma_wait3A_560, %dma_wait3A_566] : memref<80x128xi32, #tpu.memory_space<vmem>> -> memref<1x128xi32, #tpu.memory_space<vmem>>
        %dma_wait3A_568 = tpu.memref_squeeze %dma_wait3A_567 : memref<1x128xi32, #tpu.memory_space<vmem>> -> memref<128xi32, #tpu.memory_space<vmem>>
        %dma_wait3A_569 = arith.constant 0 : i32
        %dma_wait3A_570 = arith.constant 0 : i32
        %dma_wait3A_571 = tpu.memref_slice %arg10[%dma_wait3A_569, %dma_wait3A_570] : memref<10016x64xf32, #tpu.memory_space<vmem_shared>> -> memref<10016x64xf32, #tpu.memory_space<vmem_shared>>
        %dma_wait3A_572 = tpu.memref_slice %arg12[%dma_wait3A_561] : memref<5x!tpu.dma_semaphore, #tpu.memory_space<semaphore_mem>> -> memref<1x!tpu.dma_semaphore, #tpu.memory_space<semaphore_mem>>
        %dma_wait3A_573 = tpu.memref_squeeze %dma_wait3A_572 : memref<1x!tpu.dma_semaphore, #tpu.memory_space<semaphore_mem>> -> memref<!tpu.dma_semaphore, #tpu.memory_space<semaphore_mem>>
        tpu.wait_indirect_dma semaphore(%dma_wait3A_573 : memref<!tpu.dma_semaphore, #tpu.memory_space<semaphore_mem>>) src(%dma_wait3A_565 : memref<128x64xf32, #tpu.memory_space<vmem>>) dst(%dma_wait3A_571 : memref<10016x64xf32, #tpu.memory_space<vmem_shared>>)
        %dma_wait3A_574 = arith.constant 0 : i32
        %dma_wait3A_575 = arith.constant 1 : i32
        %dma_wait3A_576 = arith.constant 0 : i32
        %dma_wait3A_577 = tpu.memref_slice %arg8[%dma_wait3A_574, %dma_wait3A_576] : memref<80x128xi32, #tpu.memory_space<vmem>> -> memref<1x128xi32, #tpu.memory_space<vmem>>
        %dma_wait3A_578 = tpu.memref_squeeze %dma_wait3A_577 : memref<1x128xi32, #tpu.memory_space<vmem>> -> memref<128xi32, #tpu.memory_space<vmem>>
        %dma_wait3A_579 = arith.constant 0 : i32
        %dma_wait3A_580 = arith.constant 0 : i32
        %dma_wait3A_581 = tpu.memref_slice %arg14[%dma_wait3A_579, %dma_wait3A_580] : memref<10016x16xf32, #tpu.memory_space<vmem_shared>> -> memref<10016x16xf32, #tpu.memory_space<vmem_shared>>
        %dma_wait3A_582 = tpu.memref_slice %arg12[%dma_wait3A_575] : memref<5x!tpu.dma_semaphore, #tpu.memory_space<semaphore_mem>> -> memref<1x!tpu.dma_semaphore, #tpu.memory_space<semaphore_mem>>
        %dma_wait3A_583 = tpu.memref_squeeze %dma_wait3A_582 : memref<1x!tpu.dma_semaphore, #tpu.memory_space<semaphore_mem>> -> memref<!tpu.dma_semaphore, #tpu.memory_space<semaphore_mem>>
        tpu.wait_indirect_dma semaphore(%dma_wait3A_583 : memref<!tpu.dma_semaphore, #tpu.memory_space<semaphore_mem>>) src(%arg13 : memref<128x16xf32, #tpu.memory_space<vmem>>) dst(%dma_wait3A_581 : memref<10016x16xf32, #tpu.memory_space<vmem_shared>>)
        %add3A_584 = arith.constant 5 : i32
        %add3A_585 = arith.addi %mul3A_316, %add3A_584 : i32
        %add3A_586 = arith.constant 1 : i32
        %add3A_587 = arith.addi %add3A_585, %add3A_586 : i32
        %dma_start3A_588 = arith.constant 1 : i32
        %dma_start3A_589 = arith.constant 1 : i32
        %dma_start3A_590 = arith.constant 0 : i32
        %dma_start3A_591 = arith.constant 0 : i32
        %dma_start3A_592 = tpu.memref_slice %arg9[%dma_start3A_588, %dma_start3A_590, %dma_start3A_591] : memref<5x128x64xf32, #tpu.memory_space<vmem>> -> memref<1x128x64xf32, #tpu.memory_space<vmem>>
        %dma_start3A_593 = tpu.memref_squeeze %dma_start3A_592 : memref<1x128x64xf32, #tpu.memory_space<vmem>> -> memref<128x64xf32, #tpu.memory_space<vmem>>
        %dma_start3A_594 = arith.constant 0 : i32
        %dma_start3A_595 = tpu.memref_slice %arg7[%add3A_587, %dma_start3A_594] : memref<80x128xi32, #tpu.memory_space<vmem>> -> memref<1x128xi32, #tpu.memory_space<vmem>>
        %dma_start3A_596 = tpu.memref_squeeze %dma_start3A_595 : memref<1x128xi32, #tpu.memory_space<vmem>> -> memref<128xi32, #tpu.memory_space<vmem>>
        %dma_start3A_597 = arith.constant 0 : i32
        %dma_start3A_598 = arith.constant 0 : i32
        %dma_start3A_599 = tpu.memref_slice %arg2[%arg0, %dma_start3A_597, %dma_start3A_598] : memref<2x10000x64xf32, #tpu.memory_space<hbm>> -> memref<1x10000x64xf32, #tpu.memory_space<hbm>>
        %dma_start3A_600 = tpu.memref_squeeze %dma_start3A_599 : memref<1x10000x64xf32, #tpu.memory_space<hbm>> -> memref<10000x64xf32, #tpu.memory_space<hbm>>
        %dma_start3A_601 = arith.constant 0 : i32
        %dma_start3A_602 = arith.constant 0 : i32
        %dma_start3A_603 = tpu.memref_slice %dma_start3A_600[%dma_start3A_601, %dma_start3A_602] : memref<10000x64xf32, #tpu.memory_space<hbm>> -> memref<10000x64xf32, #tpu.memory_space<hbm>>
        %dma_start3A_604 = tpu.memref_slice %arg11[%dma_start3A_589] : memref<5x!tpu.dma_semaphore, #tpu.memory_space<semaphore_mem>> -> memref<1x!tpu.dma_semaphore, #tpu.memory_space<semaphore_mem>>
        %dma_start3A_605 = tpu.memref_squeeze %dma_start3A_604 : memref<1x!tpu.dma_semaphore, #tpu.memory_space<semaphore_mem>> -> memref<!tpu.dma_semaphore, #tpu.memory_space<semaphore_mem>>
        tpu.enqueue_indirect_dma source(%dma_start3A_603 : memref<10000x64xf32, #tpu.memory_space<hbm>>) target(%dma_start3A_593 : memref<128x64xf32, #tpu.memory_space<vmem>>) offsets(%dma_start3A_596 : memref<128xi32, #tpu.memory_space<vmem>>) semaphore(%dma_start3A_605 : memref<!tpu.dma_semaphore, #tpu.memory_space<semaphore_mem>>)
      } else {
      }
      %lt3A_544 = arith.constant 15 : i32
      %lt3A_545 = arith.cmpi slt, %scan3A_314, %lt3A_544 : i32
      %convert_element_type3A_546 = arith.extui %lt3A_545 : i1 to i32
      %cond3A_547 = arith.constant 0 : i32
      %cond3A_548 = arith.cmpi ne, %convert_element_type3A_546, %cond3A_547 : i32
      scf.if %cond3A_548 {
        %dma_wait3A_559 = arith.constant 2 : i32
        %dma_wait3A_560 = arith.constant 0 : i32
        %dma_wait3A_561 = arith.constant 2 : i32
        %dma_wait3A_562 = arith.constant 0 : i32
        %dma_wait3A_563 = arith.constant 0 : i32
        %dma_wait3A_564 = tpu.memref_slice %arg9[%dma_wait3A_559, %dma_wait3A_562, %dma_wait3A_563] : memref<5x128x64xf32, #tpu.memory_space<vmem>> -> memref<1x128x64xf32, #tpu.memory_space<vmem>>
        %dma_wait3A_565 = tpu.memref_squeeze %dma_wait3A_564 : memref<1x128x64xf32, #tpu.memory_space<vmem>> -> memref<128x64xf32, #tpu.memory_space<vmem>>
        %dma_wait3A_566 = arith.constant 0 : i32
        %dma_wait3A_567 = tpu.memref_slice %arg8[%dma_wait3A_560, %dma_wait3A_566] : memref<80x128xi32, #tpu.memory_space<vmem>> -> memref<1x128xi32, #tpu.memory_space<vmem>>
        %dma_wait3A_568 = tpu.memref_squeeze %dma_wait3A_567 : memref<1x128xi32, #tpu.memory_space<vmem>> -> memref<128xi32, #tpu.memory_space<vmem>>
        %dma_wait3A_569 = arith.constant 0 : i32
        %dma_wait3A_570 = arith.constant 0 : i32
        %dma_wait3A_571 = tpu.memref_slice %arg10[%dma_wait3A_569, %dma_wait3A_570] : memref<10016x64xf32, #tpu.memory_space<vmem_shared>> -> memref<10016x64xf32, #tpu.memory_space<vmem_shared>>
        %dma_wait3A_572 = tpu.memref_slice %arg12[%dma_wait3A_561] : memref<5x!tpu.dma_semaphore, #tpu.memory_space<semaphore_mem>> -> memref<1x!tpu.dma_semaphore, #tpu.memory_space<semaphore_mem>>
        %dma_wait3A_573 = tpu.memref_squeeze %dma_wait3A_572 : memref<1x!tpu.dma_semaphore, #tpu.memory_space<semaphore_mem>> -> memref<!tpu.dma_semaphore, #tpu.memory_space<semaphore_mem>>
        tpu.wait_indirect_dma semaphore(%dma_wait3A_573 : memref<!tpu.dma_semaphore, #tpu.memory_space<semaphore_mem>>) src(%dma_wait3A_565 : memref<128x64xf32, #tpu.memory_space<vmem>>) dst(%dma_wait3A_571 : memref<10016x64xf32, #tpu.memory_space<vmem_shared>>)
        %dma_wait3A_574 = arith.constant 0 : i32
        %dma_wait3A_575 = arith.constant 2 : i32
        %dma_wait3A_576 = arith.constant 0 : i32
        %dma_wait3A_577 = tpu.memref_slice %arg8[%dma_wait3A_574, %dma_wait3A_576] : memref<80x128xi32, #tpu.memory_space<vmem>> -> memref<1x128xi32, #tpu.memory_space<vmem>>
        %dma_wait3A_578 = tpu.memref_squeeze %dma_wait3A_577 : memref<1x128xi32, #tpu.memory_space<vmem>> -> memref<128xi32, #tpu.memory_space<vmem>>
        %dma_wait3A_579 = arith.constant 0 : i32
        %dma_wait3A_580 = arith.constant 0 : i32
        %dma_wait3A_581 = tpu.memref_slice %arg14[%dma_wait3A_579, %dma_wait3A_580] : memref<10016x16xf32, #tpu.memory_space<vmem_shared>> -> memref<10016x16xf32, #tpu.memory_space<vmem_shared>>
        %dma_wait3A_582 = tpu.memref_slice %arg12[%dma_wait3A_575] : memref<5x!tpu.dma_semaphore, #tpu.memory_space<semaphore_mem>> -> memref<1x!tpu.dma_semaphore, #tpu.memory_space<semaphore_mem>>
        %dma_wait3A_583 = tpu.memref_squeeze %dma_wait3A_582 : memref<1x!tpu.dma_semaphore, #tpu.memory_space<semaphore_mem>> -> memref<!tpu.dma_semaphore, #tpu.memory_space<semaphore_mem>>
        tpu.wait_indirect_dma semaphore(%dma_wait3A_583 : memref<!tpu.dma_semaphore, #tpu.memory_space<semaphore_mem>>) src(%arg13 : memref<128x16xf32, #tpu.memory_space<vmem>>) dst(%dma_wait3A_581 : memref<10016x16xf32, #tpu.memory_space<vmem_shared>>)
        %add3A_584 = arith.constant 5 : i32
        %add3A_585 = arith.addi %mul3A_316, %add3A_584 : i32
        %add3A_586 = arith.constant 2 : i32
        %add3A_587 = arith.addi %add3A_585, %add3A_586 : i32
        %dma_start3A_588 = arith.constant 2 : i32
        %dma_start3A_589 = arith.constant 2 : i32
        %dma_start3A_590 = arith.constant 0 : i32
        %dma_start3A_591 = arith.constant 0 : i32
        %dma_start3A_592 = tpu.memref_slice %arg9[%dma_start3A_588, %dma_start3A_590, %dma_start3A_591] : memref<5x128x64xf32, #tpu.memory_space<vmem>> -> memref<1x128x64xf32, #tpu.memory_space<vmem>>
        %dma_start3A_593 = tpu.memref_squeeze %dma_start3A_592 : memref<1x128x64xf32, #tpu.memory_space<vmem>> -> memref<128x64xf32, #tpu.memory_space<vmem>>
        %dma_start3A_594 = arith.constant 0 : i32
        %dma_start3A_595 = tpu.memref_slice %arg7[%add3A_587, %dma_start3A_594] : memref<80x128xi32, #tpu.memory_space<vmem>> -> memref<1x128xi32, #tpu.memory_space<vmem>>
        %dma_start3A_596 = tpu.memref_squeeze %dma_start3A_595 : memref<1x128xi32, #tpu.memory_space<vmem>> -> memref<128xi32, #tpu.memory_space<vmem>>
        %dma_start3A_597 = arith.constant 0 : i32
        %dma_start3A_598 = arith.constant 0 : i32
        %dma_start3A_599 = tpu.memref_slice %arg2[%arg0, %dma_start3A_597, %dma_start3A_598] : memref<2x10000x64xf32, #tpu.memory_space<hbm>> -> memref<1x10000x64xf32, #tpu.memory_space<hbm>>
        %dma_start3A_600 = tpu.memref_squeeze %dma_start3A_599 : memref<1x10000x64xf32, #tpu.memory_space<hbm>> -> memref<10000x64xf32, #tpu.memory_space<hbm>>
        %dma_start3A_601 = arith.constant 0 : i32
        %dma_start3A_602 = arith.constant 0 : i32
        %dma_start3A_603 = tpu.memref_slice %dma_start3A_600[%dma_start3A_601, %dma_start3A_602] : memref<10000x64xf32, #tpu.memory_space<hbm>> -> memref<10000x64xf32, #tpu.memory_space<hbm>>
        %dma_start3A_604 = tpu.memref_slice %arg11[%dma_start3A_589] : memref<5x!tpu.dma_semaphore, #tpu.memory_space<semaphore_mem>> -> memref<1x!tpu.dma_semaphore, #tpu.memory_space<semaphore_mem>>
        %dma_start3A_605 = tpu.memref_squeeze %dma_start3A_604 : memref<1x!tpu.dma_semaphore, #tpu.memory_space<semaphore_mem>> -> memref<!tpu.dma_semaphore, #tpu.memory_space<semaphore_mem>>
        tpu.enqueue_indirect_dma source(%dma_start3A_603 : memref<10000x64xf32, #tpu.memory_space<hbm>>) target(%dma_start3A_593 : memref<128x64xf32, #tpu.memory_space<vmem>>) offsets(%dma_start3A_596 : memref<128xi32, #tpu.memory_space<vmem>>) semaphore(%dma_start3A_605 : memref<!tpu.dma_semaphore, #tpu.memory_space<semaphore_mem>>)
      } else {
      }
      %lt3A_549 = arith.constant 15 : i32
      %lt3A_550 = arith.cmpi slt, %scan3A_314, %lt3A_549 : i32
      %convert_element_type3A_551 = arith.extui %lt3A_550 : i1 to i32
      %cond3A_552 = arith.constant 0 : i32
      %cond3A_553 = arith.cmpi ne, %convert_element_type3A_551, %cond3A_552 : i32
      scf.if %cond3A_553 {
        %dma_wait3A_559 = arith.constant 3 : i32
        %dma_wait3A_560 = arith.constant 0 : i32
        %dma_wait3A_561 = arith.constant 3 : i32
        %dma_wait3A_562 = arith.constant 0 : i32
        %dma_wait3A_563 = arith.constant 0 : i32
        %dma_wait3A_564 = tpu.memref_slice %arg9[%dma_wait3A_559, %dma_wait3A_562, %dma_wait3A_563] : memref<5x128x64xf32, #tpu.memory_space<vmem>> -> memref<1x128x64xf32, #tpu.memory_space<vmem>>
        %dma_wait3A_565 = tpu.memref_squeeze %dma_wait3A_564 : memref<1x128x64xf32, #tpu.memory_space<vmem>> -> memref<128x64xf32, #tpu.memory_space<vmem>>
        %dma_wait3A_566 = arith.constant 0 : i32
        %dma_wait3A_567 = tpu.memref_slice %arg8[%dma_wait3A_560, %dma_wait3A_566] : memref<80x128xi32, #tpu.memory_space<vmem>> -> memref<1x128xi32, #tpu.memory_space<vmem>>
        %dma_wait3A_568 = tpu.memref_squeeze %dma_wait3A_567 : memref<1x128xi32, #tpu.memory_space<vmem>> -> memref<128xi32, #tpu.memory_space<vmem>>
        %dma_wait3A_569 = arith.constant 0 : i32
        %dma_wait3A_570 = arith.constant 0 : i32
        %dma_wait3A_571 = tpu.memref_slice %arg10[%dma_wait3A_569, %dma_wait3A_570] : memref<10016x64xf32, #tpu.memory_space<vmem_shared>> -> memref<10016x64xf32, #tpu.memory_space<vmem_shared>>
        %dma_wait3A_572 = tpu.memref_slice %arg12[%dma_wait3A_561] : memref<5x!tpu.dma_semaphore, #tpu.memory_space<semaphore_mem>> -> memref<1x!tpu.dma_semaphore, #tpu.memory_space<semaphore_mem>>
        %dma_wait3A_573 = tpu.memref_squeeze %dma_wait3A_572 : memref<1x!tpu.dma_semaphore, #tpu.memory_space<semaphore_mem>> -> memref<!tpu.dma_semaphore, #tpu.memory_space<semaphore_mem>>
        tpu.wait_indirect_dma semaphore(%dma_wait3A_573 : memref<!tpu.dma_semaphore, #tpu.memory_space<semaphore_mem>>) src(%dma_wait3A_565 : memref<128x64xf32, #tpu.memory_space<vmem>>) dst(%dma_wait3A_571 : memref<10016x64xf32, #tpu.memory_space<vmem_shared>>)
        %dma_wait3A_574 = arith.constant 0 : i32
        %dma_wait3A_575 = arith.constant 3 : i32
        %dma_wait3A_576 = arith.constant 0 : i32
        %dma_wait3A_577 = tpu.memref_slice %arg8[%dma_wait3A_574, %dma_wait3A_576] : memref<80x128xi32, #tpu.memory_space<vmem>> -> memref<1x128xi32, #tpu.memory_space<vmem>>
        %dma_wait3A_578 = tpu.memref_squeeze %dma_wait3A_577 : memref<1x128xi32, #tpu.memory_space<vmem>> -> memref<128xi32, #tpu.memory_space<vmem>>
        %dma_wait3A_579 = arith.constant 0 : i32
        %dma_wait3A_580 = arith.constant 0 : i32
        %dma_wait3A_581 = tpu.memref_slice %arg14[%dma_wait3A_579, %dma_wait3A_580] : memref<10016x16xf32, #tpu.memory_space<vmem_shared>> -> memref<10016x16xf32, #tpu.memory_space<vmem_shared>>
        %dma_wait3A_582 = tpu.memref_slice %arg12[%dma_wait3A_575] : memref<5x!tpu.dma_semaphore, #tpu.memory_space<semaphore_mem>> -> memref<1x!tpu.dma_semaphore, #tpu.memory_space<semaphore_mem>>
        %dma_wait3A_583 = tpu.memref_squeeze %dma_wait3A_582 : memref<1x!tpu.dma_semaphore, #tpu.memory_space<semaphore_mem>> -> memref<!tpu.dma_semaphore, #tpu.memory_space<semaphore_mem>>
        tpu.wait_indirect_dma semaphore(%dma_wait3A_583 : memref<!tpu.dma_semaphore, #tpu.memory_space<semaphore_mem>>) src(%arg13 : memref<128x16xf32, #tpu.memory_space<vmem>>) dst(%dma_wait3A_581 : memref<10016x16xf32, #tpu.memory_space<vmem_shared>>)
        %add3A_584 = arith.constant 5 : i32
        %add3A_585 = arith.addi %mul3A_316, %add3A_584 : i32
        %add3A_586 = arith.constant 3 : i32
        %add3A_587 = arith.addi %add3A_585, %add3A_586 : i32
        %dma_start3A_588 = arith.constant 3 : i32
        %dma_start3A_589 = arith.constant 3 : i32
        %dma_start3A_590 = arith.constant 0 : i32
        %dma_start3A_591 = arith.constant 0 : i32
        %dma_start3A_592 = tpu.memref_slice %arg9[%dma_start3A_588, %dma_start3A_590, %dma_start3A_591] : memref<5x128x64xf32, #tpu.memory_space<vmem>> -> memref<1x128x64xf32, #tpu.memory_space<vmem>>
        %dma_start3A_593 = tpu.memref_squeeze %dma_start3A_592 : memref<1x128x64xf32, #tpu.memory_space<vmem>> -> memref<128x64xf32, #tpu.memory_space<vmem>>
        %dma_start3A_594 = arith.constant 0 : i32
        %dma_start3A_595 = tpu.memref_slice %arg7[%add3A_587, %dma_start3A_594] : memref<80x128xi32, #tpu.memory_space<vmem>> -> memref<1x128xi32, #tpu.memory_space<vmem>>
        %dma_start3A_596 = tpu.memref_squeeze %dma_start3A_595 : memref<1x128xi32, #tpu.memory_space<vmem>> -> memref<128xi32, #tpu.memory_space<vmem>>
        %dma_start3A_597 = arith.constant 0 : i32
        %dma_start3A_598 = arith.constant 0 : i32
        %dma_start3A_599 = tpu.memref_slice %arg2[%arg0, %dma_start3A_597, %dma_start3A_598] : memref<2x10000x64xf32, #tpu.memory_space<hbm>> -> memref<1x10000x64xf32, #tpu.memory_space<hbm>>
        %dma_start3A_600 = tpu.memref_squeeze %dma_start3A_599 : memref<1x10000x64xf32, #tpu.memory_space<hbm>> -> memref<10000x64xf32, #tpu.memory_space<hbm>>
        %dma_start3A_601 = arith.constant 0 : i32
        %dma_start3A_602 = arith.constant 0 : i32
        %dma_start3A_603 = tpu.memref_slice %dma_start3A_600[%dma_start3A_601, %dma_start3A_602] : memref<10000x64xf32, #tpu.memory_space<hbm>> -> memref<10000x64xf32, #tpu.memory_space<hbm>>
        %dma_start3A_604 = tpu.memref_slice %arg11[%dma_start3A_589] : memref<5x!tpu.dma_semaphore, #tpu.memory_space<semaphore_mem>> -> memref<1x!tpu.dma_semaphore, #tpu.memory_space<semaphore_mem>>
        %dma_start3A_605 = tpu.memref_squeeze %dma_start3A_604 : memref<1x!tpu.dma_semaphore, #tpu.memory_space<semaphore_mem>> -> memref<!tpu.dma_semaphore, #tpu.memory_space<semaphore_mem>>
        tpu.enqueue_indirect_dma source(%dma_start3A_603 : memref<10000x64xf32, #tpu.memory_space<hbm>>) target(%dma_start3A_593 : memref<128x64xf32, #tpu.memory_space<vmem>>) offsets(%dma_start3A_596 : memref<128xi32, #tpu.memory_space<vmem>>) semaphore(%dma_start3A_605 : memref<!tpu.dma_semaphore, #tpu.memory_space<semaphore_mem>>)
      } else {
      }
      %lt3A_554 = arith.constant 15 : i32
      %lt3A_555 = arith.cmpi slt, %scan3A_314, %lt3A_554 : i32
      %convert_element_type3A_556 = arith.extui %lt3A_555 : i1 to i32
      %cond3A_557 = arith.constant 0 : i32
      %cond3A_558 = arith.cmpi ne, %convert_element_type3A_556, %cond3A_557 : i32
      scf.if %cond3A_558 {
        %dma_wait3A_559 = arith.constant 4 : i32
        %dma_wait3A_560 = arith.constant 0 : i32
        %dma_wait3A_561 = arith.constant 4 : i32
        %dma_wait3A_562 = arith.constant 0 : i32
        %dma_wait3A_563 = arith.constant 0 : i32
        %dma_wait3A_564 = tpu.memref_slice %arg9[%dma_wait3A_559, %dma_wait3A_562, %dma_wait3A_563] : memref<5x128x64xf32, #tpu.memory_space<vmem>> -> memref<1x128x64xf32, #tpu.memory_space<vmem>>
        %dma_wait3A_565 = tpu.memref_squeeze %dma_wait3A_564 : memref<1x128x64xf32, #tpu.memory_space<vmem>> -> memref<128x64xf32, #tpu.memory_space<vmem>>
        %dma_wait3A_566 = arith.constant 0 : i32
        %dma_wait3A_567 = tpu.memref_slice %arg8[%dma_wait3A_560, %dma_wait3A_566] : memref<80x128xi32, #tpu.memory_space<vmem>> -> memref<1x128xi32, #tpu.memory_space<vmem>>
        %dma_wait3A_568 = tpu.memref_squeeze %dma_wait3A_567 : memref<1x128xi32, #tpu.memory_space<vmem>> -> memref<128xi32, #tpu.memory_space<vmem>>
        %dma_wait3A_569 = arith.constant 0 : i32
        %dma_wait3A_570 = arith.constant 0 : i32
        %dma_wait3A_571 = tpu.memref_slice %arg10[%dma_wait3A_569, %dma_wait3A_570] : memref<10016x64xf32, #tpu.memory_space<vmem_shared>> -> memref<10016x64xf32, #tpu.memory_space<vmem_shared>>
        %dma_wait3A_572 = tpu.memref_slice %arg12[%dma_wait3A_561] : memref<5x!tpu.dma_semaphore, #tpu.memory_space<semaphore_mem>> -> memref<1x!tpu.dma_semaphore, #tpu.memory_space<semaphore_mem>>
        %dma_wait3A_573 = tpu.memref_squeeze %dma_wait3A_572 : memref<1x!tpu.dma_semaphore, #tpu.memory_space<semaphore_mem>> -> memref<!tpu.dma_semaphore, #tpu.memory_space<semaphore_mem>>
        tpu.wait_indirect_dma semaphore(%dma_wait3A_573 : memref<!tpu.dma_semaphore, #tpu.memory_space<semaphore_mem>>) src(%dma_wait3A_565 : memref<128x64xf32, #tpu.memory_space<vmem>>) dst(%dma_wait3A_571 : memref<10016x64xf32, #tpu.memory_space<vmem_shared>>)
        %dma_wait3A_574 = arith.constant 0 : i32
        %dma_wait3A_575 = arith.constant 4 : i32
        %dma_wait3A_576 = arith.constant 0 : i32
        %dma_wait3A_577 = tpu.memref_slice %arg8[%dma_wait3A_574, %dma_wait3A_576] : memref<80x128xi32, #tpu.memory_space<vmem>> -> memref<1x128xi32, #tpu.memory_space<vmem>>
        %dma_wait3A_578 = tpu.memref_squeeze %dma_wait3A_577 : memref<1x128xi32, #tpu.memory_space<vmem>> -> memref<128xi32, #tpu.memory_space<vmem>>
        %dma_wait3A_579 = arith.constant 0 : i32
        %dma_wait3A_580 = arith.constant 0 : i32
        %dma_wait3A_581 = tpu.memref_slice %arg14[%dma_wait3A_579, %dma_wait3A_580] : memref<10016x16xf32, #tpu.memory_space<vmem_shared>> -> memref<10016x16xf32, #tpu.memory_space<vmem_shared>>
        %dma_wait3A_582 = tpu.memref_slice %arg12[%dma_wait3A_575] : memref<5x!tpu.dma_semaphore, #tpu.memory_space<semaphore_mem>> -> memref<1x!tpu.dma_semaphore, #tpu.memory_space<semaphore_mem>>
        %dma_wait3A_583 = tpu.memref_squeeze %dma_wait3A_582 : memref<1x!tpu.dma_semaphore, #tpu.memory_space<semaphore_mem>> -> memref<!tpu.dma_semaphore, #tpu.memory_space<semaphore_mem>>
        tpu.wait_indirect_dma semaphore(%dma_wait3A_583 : memref<!tpu.dma_semaphore, #tpu.memory_space<semaphore_mem>>) src(%arg13 : memref<128x16xf32, #tpu.memory_space<vmem>>) dst(%dma_wait3A_581 : memref<10016x16xf32, #tpu.memory_space<vmem_shared>>)
        %add3A_584 = arith.constant 5 : i32
        %add3A_585 = arith.addi %mul3A_316, %add3A_584 : i32
        %add3A_586 = arith.constant 4 : i32
        %add3A_587 = arith.addi %add3A_585, %add3A_586 : i32
        %dma_start3A_588 = arith.constant 4 : i32
        %dma_start3A_589 = arith.constant 4 : i32
        %dma_start3A_590 = arith.constant 0 : i32
        %dma_start3A_591 = arith.constant 0 : i32
        %dma_start3A_592 = tpu.memref_slice %arg9[%dma_start3A_588, %dma_start3A_590, %dma_start3A_591] : memref<5x128x64xf32, #tpu.memory_space<vmem>> -> memref<1x128x64xf32, #tpu.memory_space<vmem>>
        %dma_start3A_593 = tpu.memref_squeeze %dma_start3A_592 : memref<1x128x64xf32, #tpu.memory_space<vmem>> -> memref<128x64xf32, #tpu.memory_space<vmem>>
        %dma_start3A_594 = arith.constant 0 : i32
        %dma_start3A_595 = tpu.memref_slice %arg7[%add3A_587, %dma_start3A_594] : memref<80x128xi32, #tpu.memory_space<vmem>> -> memref<1x128xi32, #tpu.memory_space<vmem>>
        %dma_start3A_596 = tpu.memref_squeeze %dma_start3A_595 : memref<1x128xi32, #tpu.memory_space<vmem>> -> memref<128xi32, #tpu.memory_space<vmem>>
        %dma_start3A_597 = arith.constant 0 : i32
        %dma_start3A_598 = arith.constant 0 : i32
        %dma_start3A_599 = tpu.memref_slice %arg2[%arg0, %dma_start3A_597, %dma_start3A_598] : memref<2x10000x64xf32, #tpu.memory_space<hbm>> -> memref<1x10000x64xf32, #tpu.memory_space<hbm>>
        %dma_start3A_600 = tpu.memref_squeeze %dma_start3A_599 : memref<1x10000x64xf32, #tpu.memory_space<hbm>> -> memref<10000x64xf32, #tpu.memory_space<hbm>>
        %dma_start3A_601 = arith.constant 0 : i32
        %dma_start3A_602 = arith.constant 0 : i32
        %dma_start3A_603 = tpu.memref_slice %dma_start3A_600[%dma_start3A_601, %dma_start3A_602] : memref<10000x64xf32, #tpu.memory_space<hbm>> -> memref<10000x64xf32, #tpu.memory_space<hbm>>
        %dma_start3A_604 = tpu.memref_slice %arg11[%dma_start3A_589] : memref<5x!tpu.dma_semaphore, #tpu.memory_space<semaphore_mem>> -> memref<1x!tpu.dma_semaphore, #tpu.memory_space<semaphore_mem>>
        %dma_start3A_605 = tpu.memref_squeeze %dma_start3A_604 : memref<1x!tpu.dma_semaphore, #tpu.memory_space<semaphore_mem>> -> memref<!tpu.dma_semaphore, #tpu.memory_space<semaphore_mem>>
        tpu.enqueue_indirect_dma source(%dma_start3A_603 : memref<10000x64xf32, #tpu.memory_space<hbm>>) target(%dma_start3A_593 : memref<128x64xf32, #tpu.memory_space<vmem>>) offsets(%dma_start3A_596 : memref<128xi32, #tpu.memory_space<vmem>>) semaphore(%dma_start3A_605 : memref<!tpu.dma_semaphore, #tpu.memory_space<semaphore_mem>>)
      } else {
      }
    }
    %scan3A_187 = arith.constant 16 : i32
    %dma_wait3A_188 = arith.constant 0 : i32
    %dma_wait3A_189 = arith.constant 0 : i32
    %dma_wait3A_190 = arith.constant 0 : i32
    %dma_wait3A_191 = arith.constant 0 : i32
    %dma_wait3A_192 = arith.constant 0 : i32
    %dma_wait3A_193 = tpu.memref_slice %arg9[%dma_wait3A_188, %dma_wait3A_191, %dma_wait3A_192] : memref<5x128x64xf32, #tpu.memory_space<vmem>> -> memref<1x128x64xf32, #tpu.memory_space<vmem>>
    %dma_wait3A_194 = tpu.memref_squeeze %dma_wait3A_193 : memref<1x128x64xf32, #tpu.memory_space<vmem>> -> memref<128x64xf32, #tpu.memory_space<vmem>>
    %dma_wait3A_195 = arith.constant 0 : i32
    %dma_wait3A_196 = tpu.memref_slice %arg8[%dma_wait3A_189, %dma_wait3A_195] : memref<80x128xi32, #tpu.memory_space<vmem>> -> memref<1x128xi32, #tpu.memory_space<vmem>>
    %dma_wait3A_197 = tpu.memref_squeeze %dma_wait3A_196 : memref<1x128xi32, #tpu.memory_space<vmem>> -> memref<128xi32, #tpu.memory_space<vmem>>
    %dma_wait3A_198 = arith.constant 0 : i32
    %dma_wait3A_199 = arith.constant 0 : i32
    %dma_wait3A_200 = tpu.memref_slice %arg10[%dma_wait3A_198, %dma_wait3A_199] : memref<10016x64xf32, #tpu.memory_space<vmem_shared>> -> memref<10016x64xf32, #tpu.memory_space<vmem_shared>>
    %dma_wait3A_201 = tpu.memref_slice %arg12[%dma_wait3A_190] : memref<5x!tpu.dma_semaphore, #tpu.memory_space<semaphore_mem>> -> memref<1x!tpu.dma_semaphore, #tpu.memory_space<semaphore_mem>>
    %dma_wait3A_202 = tpu.memref_squeeze %dma_wait3A_201 : memref<1x!tpu.dma_semaphore, #tpu.memory_space<semaphore_mem>> -> memref<!tpu.dma_semaphore, #tpu.memory_space<semaphore_mem>>
    tpu.wait_indirect_dma semaphore(%dma_wait3A_202 : memref<!tpu.dma_semaphore, #tpu.memory_space<semaphore_mem>>) src(%dma_wait3A_194 : memref<128x64xf32, #tpu.memory_space<vmem>>) dst(%dma_wait3A_200 : memref<10016x64xf32, #tpu.memory_space<vmem_shared>>)
    %dma_wait3A_203 = arith.constant 0 : i32
    %dma_wait3A_204 = arith.constant 0 : i32
    %dma_wait3A_205 = arith.constant 0 : i32
    %dma_wait3A_206 = tpu.memref_slice %arg8[%dma_wait3A_203, %dma_wait3A_205] : memref<80x128xi32, #tpu.memory_space<vmem>> -> memref<1x128xi32, #tpu.memory_space<vmem>>
    %dma_wait3A_207 = tpu.memref_squeeze %dma_wait3A_206 : memref<1x128xi32, #tpu.memory_space<vmem>> -> memref<128xi32, #tpu.memory_space<vmem>>
    %dma_wait3A_208 = arith.constant 0 : i32
    %dma_wait3A_209 = arith.constant 0 : i32
    %dma_wait3A_210 = tpu.memref_slice %arg14[%dma_wait3A_208, %dma_wait3A_209] : memref<10016x16xf32, #tpu.memory_space<vmem_shared>> -> memref<10016x16xf32, #tpu.memory_space<vmem_shared>>
    %dma_wait3A_211 = tpu.memref_slice %arg12[%dma_wait3A_204] : memref<5x!tpu.dma_semaphore, #tpu.memory_space<semaphore_mem>> -> memref<1x!tpu.dma_semaphore, #tpu.memory_space<semaphore_mem>>
    %dma_wait3A_212 = tpu.memref_squeeze %dma_wait3A_211 : memref<1x!tpu.dma_semaphore, #tpu.memory_space<semaphore_mem>> -> memref<!tpu.dma_semaphore, #tpu.memory_space<semaphore_mem>>
    tpu.wait_indirect_dma semaphore(%dma_wait3A_212 : memref<!tpu.dma_semaphore, #tpu.memory_space<semaphore_mem>>) src(%arg13 : memref<128x16xf32, #tpu.memory_space<vmem>>) dst(%dma_wait3A_210 : memref<10016x16xf32, #tpu.memory_space<vmem_shared>>)
    %dma_wait3A_213 = arith.constant 1 : i32
    %dma_wait3A_214 = arith.constant 0 : i32
    %dma_wait3A_215 = arith.constant 1 : i32
    %dma_wait3A_216 = arith.constant 0 : i32
    %dma_wait3A_217 = arith.constant 0 : i32
    %dma_wait3A_218 = tpu.memref_slice %arg9[%dma_wait3A_213, %dma_wait3A_216, %dma_wait3A_217] : memref<5x128x64xf32, #tpu.memory_space<vmem>> -> memref<1x128x64xf32, #tpu.memory_space<vmem>>
    %dma_wait3A_219 = tpu.memref_squeeze %dma_wait3A_218 : memref<1x128x64xf32, #tpu.memory_space<vmem>> -> memref<128x64xf32, #tpu.memory_space<vmem>>
    %dma_wait3A_220 = arith.constant 0 : i32
    %dma_wait3A_221 = tpu.memref_slice %arg8[%dma_wait3A_214, %dma_wait3A_220] : memref<80x128xi32, #tpu.memory_space<vmem>> -> memref<1x128xi32, #tpu.memory_space<vmem>>
    %dma_wait3A_222 = tpu.memref_squeeze %dma_wait3A_221 : memref<1x128xi32, #tpu.memory_space<vmem>> -> memref<128xi32, #tpu.memory_space<vmem>>
    %dma_wait3A_223 = arith.constant 0 : i32
    %dma_wait3A_224 = arith.constant 0 : i32
    %dma_wait3A_225 = tpu.memref_slice %arg10[%dma_wait3A_223, %dma_wait3A_224] : memref<10016x64xf32, #tpu.memory_space<vmem_shared>> -> memref<10016x64xf32, #tpu.memory_space<vmem_shared>>
    %dma_wait3A_226 = tpu.memref_slice %arg12[%dma_wait3A_215] : memref<5x!tpu.dma_semaphore, #tpu.memory_space<semaphore_mem>> -> memref<1x!tpu.dma_semaphore, #tpu.memory_space<semaphore_mem>>
    %dma_wait3A_227 = tpu.memref_squeeze %dma_wait3A_226 : memref<1x!tpu.dma_semaphore, #tpu.memory_space<semaphore_mem>> -> memref<!tpu.dma_semaphore, #tpu.memory_space<semaphore_mem>>
    tpu.wait_indirect_dma semaphore(%dma_wait3A_227 : memref<!tpu.dma_semaphore, #tpu.memory_space<semaphore_mem>>) src(%dma_wait3A_219 : memref<128x64xf32, #tpu.memory_space<vmem>>) dst(%dma_wait3A_225 : memref<10016x64xf32, #tpu.memory_space<vmem_shared>>)
    %dma_wait3A_228 = arith.constant 0 : i32
    %dma_wait3A_229 = arith.constant 1 : i32
    %dma_wait3A_230 = arith.constant 0 : i32
    %dma_wait3A_231 = tpu.memref_slice %arg8[%dma_wait3A_228, %dma_wait3A_230] : memref<80x128xi32, #tpu.memory_space<vmem>> -> memref<1x128xi32, #tpu.memory_space<vmem>>
    %dma_wait3A_232 = tpu.memref_squeeze %dma_wait3A_231 : memref<1x128xi32, #tpu.memory_space<vmem>> -> memref<128xi32, #tpu.memory_space<vmem>>
    %dma_wait3A_233 = arith.constant 0 : i32
    %dma_wait3A_234 = arith.constant 0 : i32
    %dma_wait3A_235 = tpu.memref_slice %arg14[%dma_wait3A_233, %dma_wait3A_234] : memref<10016x16xf32, #tpu.memory_space<vmem_shared>> -> memref<10016x16xf32, #tpu.memory_space<vmem_shared>>
    %dma_wait3A_236 = tpu.memref_slice %arg12[%dma_wait3A_229] : memref<5x!tpu.dma_semaphore, #tpu.memory_space<semaphore_mem>> -> memref<1x!tpu.dma_semaphore, #tpu.memory_space<semaphore_mem>>
    %dma_wait3A_237 = tpu.memref_squeeze %dma_wait3A_236 : memref<1x!tpu.dma_semaphore, #tpu.memory_space<semaphore_mem>> -> memref<!tpu.dma_semaphore, #tpu.memory_space<semaphore_mem>>
    tpu.wait_indirect_dma semaphore(%dma_wait3A_237 : memref<!tpu.dma_semaphore, #tpu.memory_space<semaphore_mem>>) src(%arg13 : memref<128x16xf32, #tpu.memory_space<vmem>>) dst(%dma_wait3A_235 : memref<10016x16xf32, #tpu.memory_space<vmem_shared>>)
    %dma_wait3A_238 = arith.constant 2 : i32
    %dma_wait3A_239 = arith.constant 0 : i32
    %dma_wait3A_240 = arith.constant 2 : i32
    %dma_wait3A_241 = arith.constant 0 : i32
    %dma_wait3A_242 = arith.constant 0 : i32
    %dma_wait3A_243 = tpu.memref_slice %arg9[%dma_wait3A_238, %dma_wait3A_241, %dma_wait3A_242] : memref<5x128x64xf32, #tpu.memory_space<vmem>> -> memref<1x128x64xf32, #tpu.memory_space<vmem>>
    %dma_wait3A_244 = tpu.memref_squeeze %dma_wait3A_243 : memref<1x128x64xf32, #tpu.memory_space<vmem>> -> memref<128x64xf32, #tpu.memory_space<vmem>>
    %dma_wait3A_245 = arith.constant 0 : i32
    %dma_wait3A_246 = tpu.memref_slice %arg8[%dma_wait3A_239, %dma_wait3A_245] : memref<80x128xi32, #tpu.memory_space<vmem>> -> memref<1x128xi32, #tpu.memory_space<vmem>>
    %dma_wait3A_247 = tpu.memref_squeeze %dma_wait3A_246 : memref<1x128xi32, #tpu.memory_space<vmem>> -> memref<128xi32, #tpu.memory_space<vmem>>
    %dma_wait3A_248 = arith.constant 0 : i32
    %dma_wait3A_249 = arith.constant 0 : i32
    %dma_wait3A_250 = tpu.memref_slice %arg10[%dma_wait3A_248, %dma_wait3A_249] : memref<10016x64xf32, #tpu.memory_space<vmem_shared>> -> memref<10016x64xf32, #tpu.memory_space<vmem_shared>>
    %dma_wait3A_251 = tpu.memref_slice %arg12[%dma_wait3A_240] : memref<5x!tpu.dma_semaphore, #tpu.memory_space<semaphore_mem>> -> memref<1x!tpu.dma_semaphore, #tpu.memory_space<semaphore_mem>>
    %dma_wait3A_252 = tpu.memref_squeeze %dma_wait3A_251 : memref<1x!tpu.dma_semaphore, #tpu.memory_space<semaphore_mem>> -> memref<!tpu.dma_semaphore, #tpu.memory_space<semaphore_mem>>
    tpu.wait_indirect_dma semaphore(%dma_wait3A_252 : memref<!tpu.dma_semaphore, #tpu.memory_space<semaphore_mem>>) src(%dma_wait3A_244 : memref<128x64xf32, #tpu.memory_space<vmem>>) dst(%dma_wait3A_250 : memref<10016x64xf32, #tpu.memory_space<vmem_shared>>)
    %dma_wait3A_253 = arith.constant 0 : i32
    %dma_wait3A_254 = arith.constant 2 : i32
    %dma_wait3A_255 = arith.constant 0 : i32
    %dma_wait3A_256 = tpu.memref_slice %arg8[%dma_wait3A_253, %dma_wait3A_255] : memref<80x128xi32, #tpu.memory_space<vmem>> -> memref<1x128xi32, #tpu.memory_space<vmem>>
    %dma_wait3A_257 = tpu.memref_squeeze %dma_wait3A_256 : memref<1x128xi32, #tpu.memory_space<vmem>> -> memref<128xi32, #tpu.memory_space<vmem>>
    %dma_wait3A_258 = arith.constant 0 : i32
    %dma_wait3A_259 = arith.constant 0 : i32
    %dma_wait3A_260 = tpu.memref_slice %arg14[%dma_wait3A_258, %dma_wait3A_259] : memref<10016x16xf32, #tpu.memory_space<vmem_shared>> -> memref<10016x16xf32, #tpu.memory_space<vmem_shared>>
    %dma_wait3A_261 = tpu.memref_slice %arg12[%dma_wait3A_254] : memref<5x!tpu.dma_semaphore, #tpu.memory_space<semaphore_mem>> -> memref<1x!tpu.dma_semaphore, #tpu.memory_space<semaphore_mem>>
    %dma_wait3A_262 = tpu.memref_squeeze %dma_wait3A_261 : memref<1x!tpu.dma_semaphore, #tpu.memory_space<semaphore_mem>> -> memref<!tpu.dma_semaphore, #tpu.memory_space<semaphore_mem>>
    tpu.wait_indirect_dma semaphore(%dma_wait3A_262 : memref<!tpu.dma_semaphore, #tpu.memory_space<semaphore_mem>>) src(%arg13 : memref<128x16xf32, #tpu.memory_space<vmem>>) dst(%dma_wait3A_260 : memref<10016x16xf32, #tpu.memory_space<vmem_shared>>)
    %dma_wait3A_263 = arith.constant 3 : i32
    %dma_wait3A_264 = arith.constant 0 : i32
    %dma_wait3A_265 = arith.constant 3 : i32
    %dma_wait3A_266 = arith.constant 0 : i32
    %dma_wait3A_267 = arith.constant 0 : i32
    %dma_wait3A_268 = tpu.memref_slice %arg9[%dma_wait3A_263, %dma_wait3A_266, %dma_wait3A_267] : memref<5x128x64xf32, #tpu.memory_space<vmem>> -> memref<1x128x64xf32, #tpu.memory_space<vmem>>
    %dma_wait3A_269 = tpu.memref_squeeze %dma_wait3A_268 : memref<1x128x64xf32, #tpu.memory_space<vmem>> -> memref<128x64xf32, #tpu.memory_space<vmem>>
    %dma_wait3A_270 = arith.constant 0 : i32
    %dma_wait3A_271 = tpu.memref_slice %arg8[%dma_wait3A_264, %dma_wait3A_270] : memref<80x128xi32, #tpu.memory_space<vmem>> -> memref<1x128xi32, #tpu.memory_space<vmem>>
    %dma_wait3A_272 = tpu.memref_squeeze %dma_wait3A_271 : memref<1x128xi32, #tpu.memory_space<vmem>> -> memref<128xi32, #tpu.memory_space<vmem>>
    %dma_wait3A_273 = arith.constant 0 : i32
    %dma_wait3A_274 = arith.constant 0 : i32
    %dma_wait3A_275 = tpu.memref_slice %arg10[%dma_wait3A_273, %dma_wait3A_274] : memref<10016x64xf32, #tpu.memory_space<vmem_shared>> -> memref<10016x64xf32, #tpu.memory_space<vmem_shared>>
    %dma_wait3A_276 = tpu.memref_slice %arg12[%dma_wait3A_265] : memref<5x!tpu.dma_semaphore, #tpu.memory_space<semaphore_mem>> -> memref<1x!tpu.dma_semaphore, #tpu.memory_space<semaphore_mem>>
    %dma_wait3A_277 = tpu.memref_squeeze %dma_wait3A_276 : memref<1x!tpu.dma_semaphore, #tpu.memory_space<semaphore_mem>> -> memref<!tpu.dma_semaphore, #tpu.memory_space<semaphore_mem>>
    tpu.wait_indirect_dma semaphore(%dma_wait3A_277 : memref<!tpu.dma_semaphore, #tpu.memory_space<semaphore_mem>>) src(%dma_wait3A_269 : memref<128x64xf32, #tpu.memory_space<vmem>>) dst(%dma_wait3A_275 : memref<10016x64xf32, #tpu.memory_space<vmem_shared>>)
    %dma_wait3A_278 = arith.constant 0 : i32
    %dma_wait3A_279 = arith.constant 3 : i32
    %dma_wait3A_280 = arith.constant 0 : i32
    %dma_wait3A_281 = tpu.memref_slice %arg8[%dma_wait3A_278, %dma_wait3A_280] : memref<80x128xi32, #tpu.memory_space<vmem>> -> memref<1x128xi32, #tpu.memory_space<vmem>>
    %dma_wait3A_282 = tpu.memref_squeeze %dma_wait3A_281 : memref<1x128xi32, #tpu.memory_space<vmem>> -> memref<128xi32, #tpu.memory_space<vmem>>
    %dma_wait3A_283 = arith.constant 0 : i32
    %dma_wait3A_284 = arith.constant 0 : i32
    %dma_wait3A_285 = tpu.memref_slice %arg14[%dma_wait3A_283, %dma_wait3A_284] : memref<10016x16xf32, #tpu.memory_space<vmem_shared>> -> memref<10016x16xf32, #tpu.memory_space<vmem_shared>>
    %dma_wait3A_286 = tpu.memref_slice %arg12[%dma_wait3A_279] : memref<5x!tpu.dma_semaphore, #tpu.memory_space<semaphore_mem>> -> memref<1x!tpu.dma_semaphore, #tpu.memory_space<semaphore_mem>>
    %dma_wait3A_287 = tpu.memref_squeeze %dma_wait3A_286 : memref<1x!tpu.dma_semaphore, #tpu.memory_space<semaphore_mem>> -> memref<!tpu.dma_semaphore, #tpu.memory_space<semaphore_mem>>
    tpu.wait_indirect_dma semaphore(%dma_wait3A_287 : memref<!tpu.dma_semaphore, #tpu.memory_space<semaphore_mem>>) src(%arg13 : memref<128x16xf32, #tpu.memory_space<vmem>>) dst(%dma_wait3A_285 : memref<10016x16xf32, #tpu.memory_space<vmem_shared>>)
    %dma_wait3A_288 = arith.constant 4 : i32
    %dma_wait3A_289 = arith.constant 0 : i32
    %dma_wait3A_290 = arith.constant 4 : i32
    %dma_wait3A_291 = arith.constant 0 : i32
    %dma_wait3A_292 = arith.constant 0 : i32
    %dma_wait3A_293 = tpu.memref_slice %arg9[%dma_wait3A_288, %dma_wait3A_291, %dma_wait3A_292] : memref<5x128x64xf32, #tpu.memory_space<vmem>> -> memref<1x128x64xf32, #tpu.memory_space<vmem>>
    %dma_wait3A_294 = tpu.memref_squeeze %dma_wait3A_293 : memref<1x128x64xf32, #tpu.memory_space<vmem>> -> memref<128x64xf32, #tpu.memory_space<vmem>>
    %dma_wait3A_295 = arith.constant 0 : i32
    %dma_wait3A_296 = tpu.memref_slice %arg8[%dma_wait3A_289, %dma_wait3A_295] : memref<80x128xi32, #tpu.memory_space<vmem>> -> memref<1x128xi32, #tpu.memory_space<vmem>>
    %dma_wait3A_297 = tpu.memref_squeeze %dma_wait3A_296 : memref<1x128xi32, #tpu.memory_space<vmem>> -> memref<128xi32, #tpu.memory_space<vmem>>
    %dma_wait3A_298 = arith.constant 0 : i32
    %dma_wait3A_299 = arith.constant 0 : i32
    %dma_wait3A_300 = tpu.memref_slice %arg10[%dma_wait3A_298, %dma_wait3A_299] : memref<10016x64xf32, #tpu.memory_space<vmem_shared>> -> memref<10016x64xf32, #tpu.memory_space<vmem_shared>>
    %dma_wait3A_301 = tpu.memref_slice %arg12[%dma_wait3A_290] : memref<5x!tpu.dma_semaphore, #tpu.memory_space<semaphore_mem>> -> memref<1x!tpu.dma_semaphore, #tpu.memory_space<semaphore_mem>>
    %dma_wait3A_302 = tpu.memref_squeeze %dma_wait3A_301 : memref<1x!tpu.dma_semaphore, #tpu.memory_space<semaphore_mem>> -> memref<!tpu.dma_semaphore, #tpu.memory_space<semaphore_mem>>
    tpu.wait_indirect_dma semaphore(%dma_wait3A_302 : memref<!tpu.dma_semaphore, #tpu.memory_space<semaphore_mem>>) src(%dma_wait3A_294 : memref<128x64xf32, #tpu.memory_space<vmem>>) dst(%dma_wait3A_300 : memref<10016x64xf32, #tpu.memory_space<vmem_shared>>)
    %dma_wait3A_303 = arith.constant 0 : i32
    %dma_wait3A_304 = arith.constant 4 : i32
    %dma_wait3A_305 = arith.constant 0 : i32
    %dma_wait3A_306 = tpu.memref_slice %arg8[%dma_wait3A_303, %dma_wait3A_305] : memref<80x128xi32, #tpu.memory_space<vmem>> -> memref<1x128xi32, #tpu.memory_space<vmem>>
    %dma_wait3A_307 = tpu.memref_squeeze %dma_wait3A_306 : memref<1x128xi32, #tpu.memory_space<vmem>> -> memref<128xi32, #tpu.memory_space<vmem>>
    %dma_wait3A_308 = arith.constant 0 : i32
    %dma_wait3A_309 = arith.constant 0 : i32
    %dma_wait3A_310 = tpu.memref_slice %arg14[%dma_wait3A_308, %dma_wait3A_309] : memref<10016x16xf32, #tpu.memory_space<vmem_shared>> -> memref<10016x16xf32, #tpu.memory_space<vmem_shared>>
    %dma_wait3A_311 = tpu.memref_slice %arg12[%dma_wait3A_304] : memref<5x!tpu.dma_semaphore, #tpu.memory_space<semaphore_mem>> -> memref<1x!tpu.dma_semaphore, #tpu.memory_space<semaphore_mem>>
    %dma_wait3A_312 = tpu.memref_squeeze %dma_wait3A_311 : memref<1x!tpu.dma_semaphore, #tpu.memory_space<semaphore_mem>> -> memref<!tpu.dma_semaphore, #tpu.memory_space<semaphore_mem>>
    tpu.wait_indirect_dma semaphore(%dma_wait3A_312 : memref<!tpu.dma_semaphore, #tpu.memory_space<semaphore_mem>>) src(%arg13 : memref<128x16xf32, #tpu.memory_space<vmem>>) dst(%dma_wait3A_310 : memref<10016x16xf32, #tpu.memory_space<vmem_shared>>)
    %barrier3A_313 = arith.constant 0 : index
    tpu.barrier barrier_id(%barrier3A_313)
    "tpu.region"() ({
      %run_scoped3A_314 = tpu.sem_alloc : memref<!tpu.dma_semaphore, #tpu.memory_space<semaphore_mem>>
      %dma_start3A_315 = arith.constant 0 : i32
      %dma_start3A_316 = tpu.memref_slice %arg5[%arg0, %multiple_of3A, %dma_start3A_315] : memref<2x10016x64xf32, #tpu.memory_space<hbm>> -> memref<1x626x64xf32, #tpu.memory_space<hbm>>
      %dma_start3A_317 = tpu.memref_squeeze %dma_start3A_316 : memref<1x626x64xf32, #tpu.memory_space<hbm>> -> memref<626x64xf32, #tpu.memory_space<hbm>>
      %dma_start3A_318 = arith.constant 0 : i32
      %dma_start3A_319 = tpu.memref_slice %arg10[%multiple_of3A, %dma_start3A_318] : memref<10016x64xf32, #tpu.memory_space<vmem_shared>> -> memref<626x64xf32, #tpu.memory_space<vmem_shared>>
      tpu.enqueue_dma source(%dma_start3A_319 : memref<626x64xf32, #tpu.memory_space<vmem_shared>>) target(%dma_start3A_317 : memref<626x64xf32, #tpu.memory_space<hbm>>) target_semaphore(%run_scoped3A_314 : memref<!tpu.dma_semaphore, #tpu.memory_space<semaphore_mem>>)
      %dma_wait3A_320 = arith.constant 0 : i32
      %dma_wait3A_321 = tpu.memref_slice %arg5[%arg0, %multiple_of3A, %dma_wait3A_320] : memref<2x10016x64xf32, #tpu.memory_space<hbm>> -> memref<1x626x64xf32, #tpu.memory_space<hbm>>
      %dma_wait3A_322 = tpu.memref_squeeze %dma_wait3A_321 : memref<1x626x64xf32, #tpu.memory_space<hbm>> -> memref<626x64xf32, #tpu.memory_space<hbm>>
      %dma_wait3A_323 = arith.constant 0 : i32
      %dma_wait3A_324 = tpu.memref_slice %arg10[%multiple_of3A, %dma_wait3A_323] : memref<10016x64xf32, #tpu.memory_space<vmem_shared>> -> memref<626x64xf32, #tpu.memory_space<vmem_shared>>
      tpu.wait_dma2 semaphore(%run_scoped3A_314 : memref<!tpu.dma_semaphore, #tpu.memory_space<semaphore_mem>>) src(%dma_wait3A_324 : memref<626x64xf32, #tpu.memory_space<vmem_shared>>) dst(%dma_wait3A_322 : memref<626x64xf32, #tpu.memory_space<hbm>>)
      tpu.yield
    }) : () -> ()
    "tpu.region"() ({
      %run_scoped3A_314 = tpu.sem_alloc : memref<!tpu.dma_semaphore, #tpu.memory_space<semaphore_mem>>
      %dma_start3A_315 = arith.constant 0 : i32
      %dma_start3A_316 = tpu.memref_slice %arg6[%arg0, %multiple_of3A, %dma_start3A_315] : memref<2x10016x16xf32, #tpu.memory_space<hbm>> -> memref<1x626x16xf32, #tpu.memory_space<hbm>>
      %dma_start3A_317 = tpu.memref_squeeze %dma_start3A_316 : memref<1x626x16xf32, #tpu.memory_space<hbm>> -> memref<626x16xf32, #tpu.memory_space<hbm>>
      %dma_start3A_318 = arith.constant 0 : i32
      %dma_start3A_319 = tpu.memref_slice %arg14[%multiple_of3A, %dma_start3A_318] : memref<10016x16xf32, #tpu.memory_space<vmem_shared>> -> memref<626x16xf32, #tpu.memory_space<vmem_shared>>
      tpu.enqueue_dma source(%dma_start3A_319 : memref<626x16xf32, #tpu.memory_space<vmem_shared>>) target(%dma_start3A_317 : memref<626x16xf32, #tpu.memory_space<hbm>>) target_semaphore(%run_scoped3A_314 : memref<!tpu.dma_semaphore, #tpu.memory_space<semaphore_mem>>)
      %dma_wait3A_320 = arith.constant 0 : i32
      %dma_wait3A_321 = tpu.memref_slice %arg6[%arg0, %multiple_of3A, %dma_wait3A_320] : memref<2x10016x16xf32, #tpu.memory_space<hbm>> -> memref<1x626x16xf32, #tpu.memory_space<hbm>>
      %dma_wait3A_322 = tpu.memref_squeeze %dma_wait3A_321 : memref<1x626x16xf32, #tpu.memory_space<hbm>> -> memref<626x16xf32, #tpu.memory_space<hbm>>
      %dma_wait3A_323 = arith.constant 0 : i32
      %dma_wait3A_324 = tpu.memref_slice %arg14[%multiple_of3A, %dma_wait3A_323] : memref<10016x16xf32, #tpu.memory_space<vmem_shared>> -> memref<626x16xf32, #tpu.memory_space<vmem_shared>>
      tpu.wait_dma2 semaphore(%run_scoped3A_314 : memref<!tpu.dma_semaphore, #tpu.memory_space<semaphore_mem>>) src(%dma_wait3A_324 : memref<626x16xf32, #tpu.memory_space<vmem_shared>>) dst(%dma_wait3A_322 : memref<626x16xf32, #tpu.memory_space<hbm>>)
      tpu.yield
    }) : () -> ()
    return
  }
}

#map = affine_map<(d0, d1) -> (0, 0, 0)>
module attributes {stable_mosaic.version = 14 : i64} {
  func.func @body(%arg0: i32, %arg1: i32, %arg2: memref<2x10000x64xf32, #tpu.memory_space<hbm>>, %arg3: memref<16x160x128xi32, #tpu.memory_space<hbm>>, %arg4: memref<16x160x128xi32, #tpu.memory_space<hbm>>, %arg5: memref<2x10016x64xf32, #tpu.memory_space<hbm>>, %arg6: memref<160x128xi32, #tpu.memory_space<vmem>>, %arg7: memref<160x128xi32, #tpu.memory_space<vmem>>, %arg8: memref<5x128x64xf32, #tpu.memory_space<vmem>>, %arg9: memref<10016x64xf32, #tpu.memory_space<vmem_shared>>, %arg10: memref<5x!tpu.dma_semaphore, #tpu.memory_space<semaphore_mem>>, %arg11: memref<5x!tpu.dma_semaphore, #tpu.memory_space<semaphore_mem>>) attributes {dimension_semantics = [#tpu.dimension_semantics<core_parallel>, #tpu.dimension_semantics<subcore_parallel>], iteration_bounds = array<i64: 2, 16>, scalar_prefetch = 0 : i64, scratch_operands = 6 : i64, tpu.core_type = #tpu.core_type<sc_vector_subcore>, window_params = [{transform_indices = #map}, {transform_indices = #map}, {transform_indices = #map}, {transform_indices = #map}]} {
    %broadcast_in_dim3A = arith.constant 0.000000e+00 : f32
    %broadcast_in_dim3A_0 = vector.broadcast %broadcast_in_dim3A : f32 to vector<16xf32>
    %mul3A = arith.constant 626 : i32
    %mul3A_1 = arith.muli %arg1, %mul3A : i32
    %multiple_of3A = tpu.assume_multiple %mul3A_1, 2 : i32
    %dma_start3A = arith.constant 0 : i32
    %dma_start3A_2 = arith.constant 0 : i32
    %dma_start3A_3 = arith.constant 0 : i32
    %dma_start3A_4 = tpu.memref_slice %arg3[%arg1, %dma_start3A_2, %dma_start3A_3] : memref<16x160x128xi32, #tpu.memory_space<hbm>> -> memref<1x160x128xi32, #tpu.memory_space<hbm>>
    %dma_start3A_5 = tpu.memref_squeeze %dma_start3A_4 : memref<1x160x128xi32, #tpu.memory_space<hbm>> -> memref<160x128xi32, #tpu.memory_space<hbm>>
    %dma_start3A_6 = tpu.memref_slice %arg10[%dma_start3A] : memref<5x!tpu.dma_semaphore, #tpu.memory_space<semaphore_mem>> -> memref<1x!tpu.dma_semaphore, #tpu.memory_space<semaphore_mem>>
    %dma_start3A_7 = tpu.memref_squeeze %dma_start3A_6 : memref<1x!tpu.dma_semaphore, #tpu.memory_space<semaphore_mem>> -> memref<!tpu.dma_semaphore, #tpu.memory_space<semaphore_mem>>
    %dma_start3A_8 = arith.constant 0 : i32
    %dma_start3A_9 = arith.constant 0 : i32
    %dma_start3A_10 = tpu.memref_slice %arg3[%arg1, %dma_start3A_8, %dma_start3A_9] : memref<16x160x128xi32, #tpu.memory_space<hbm>> -> memref<1x160x128xi32, #tpu.memory_space<hbm>>
    %dma_start3A_11 = tpu.memref_squeeze %dma_start3A_10 : memref<1x160x128xi32, #tpu.memory_space<hbm>> -> memref<160x128xi32, #tpu.memory_space<hbm>>
    tpu.enqueue_dma source(%dma_start3A_11 : memref<160x128xi32, #tpu.memory_space<hbm>>) target(%arg6 : memref<160x128xi32, #tpu.memory_space<vmem>>) target_semaphore(%dma_start3A_7 : memref<!tpu.dma_semaphore, #tpu.memory_space<semaphore_mem>>)
    %dma_start3A_12 = arith.constant 1 : i32
    %dma_start3A_13 = arith.constant 0 : i32
    %dma_start3A_14 = arith.constant 0 : i32
    %dma_start3A_15 = tpu.memref_slice %arg4[%arg1, %dma_start3A_13, %dma_start3A_14] : memref<16x160x128xi32, #tpu.memory_space<hbm>> -> memref<1x160x128xi32, #tpu.memory_space<hbm>>
    %dma_start3A_16 = tpu.memref_squeeze %dma_start3A_15 : memref<1x160x128xi32, #tpu.memory_space<hbm>> -> memref<160x128xi32, #tpu.memory_space<hbm>>
    %dma_start3A_17 = tpu.memref_slice %arg10[%dma_start3A_12] : memref<5x!tpu.dma_semaphore, #tpu.memory_space<semaphore_mem>> -> memref<1x!tpu.dma_semaphore, #tpu.memory_space<semaphore_mem>>
    %dma_start3A_18 = tpu.memref_squeeze %dma_start3A_17 : memref<1x!tpu.dma_semaphore, #tpu.memory_space<semaphore_mem>> -> memref<!tpu.dma_semaphore, #tpu.memory_space<semaphore_mem>>
    %dma_start3A_19 = arith.constant 0 : i32
    %dma_start3A_20 = arith.constant 0 : i32
    %dma_start3A_21 = tpu.memref_slice %arg4[%arg1, %dma_start3A_19, %dma_start3A_20] : memref<16x160x128xi32, #tpu.memory_space<hbm>> -> memref<1x160x128xi32, #tpu.memory_space<hbm>>
    %dma_start3A_22 = tpu.memref_squeeze %dma_start3A_21 : memref<1x160x128xi32, #tpu.memory_space<hbm>> -> memref<160x128xi32, #tpu.memory_space<hbm>>
    tpu.enqueue_dma source(%dma_start3A_22 : memref<160x128xi32, #tpu.memory_space<hbm>>) target(%arg7 : memref<160x128xi32, #tpu.memory_space<vmem>>) target_semaphore(%dma_start3A_18 : memref<!tpu.dma_semaphore, #tpu.memory_space<semaphore_mem>>)
    %scan3A = arith.constant 0 : i32
    %scan3A_23 = arith.constant 0 : i32
    %scan3A_24 = arith.constant 128 : i32
    %scan3A_25 = arith.addi %scan3A_23, %scan3A_24 : i32
    %scan3A_26 = arith.constant 1 : i32
    scf.for %scan3A_239 = %scan3A_23 to %scan3A_25 step %scan3A_26  : i32 {
      %swap3A = arith.constant 0 : i32
      %swap3A_240 = arith.index_cast %swap3A : i32 to index
      %swap3A_241 = arith.index_cast %scan3A_239 : i32 to index
      %swap3A_242 = arith.constant 0 : index
      %swap3A_243 = tpu.vector_load %arg8[%swap3A_240, %swap3A_241, %swap3A_242] {strides = array<i32>} : memref<5x128x64xf32, #tpu.memory_space<vmem>>, vector<16xf32>,
      tpu.vector_store %arg8[%swap3A_240, %swap3A_241, %swap3A_242], %broadcast_in_dim3A_0 {strides = array<i32>} : memref<5x128x64xf32, #tpu.memory_space<vmem>>, vector<16xf32>,
      %swap3A_244 = arith.constant 0 : i32
      %swap3A_245 = arith.index_cast %swap3A_244 : i32 to index
      %swap3A_246 = arith.index_cast %scan3A_239 : i32 to index
      %swap3A_247 = arith.constant 16 : index
      %swap3A_248 = tpu.vector_load %arg8[%swap3A_245, %swap3A_246, %swap3A_247] {strides = array<i32>} : memref<5x128x64xf32, #tpu.memory_space<vmem>>, vector<16xf32>,
      tpu.vector_store %arg8[%swap3A_245, %swap3A_246, %swap3A_247], %broadcast_in_dim3A_0 {strides = array<i32>} : memref<5x128x64xf32, #tpu.memory_space<vmem>>, vector<16xf32>,
      %swap3A_249 = arith.constant 0 : i32
      %swap3A_250 = arith.index_cast %swap3A_249 : i32 to index
      %swap3A_251 = arith.index_cast %scan3A_239 : i32 to index
      %swap3A_252 = arith.constant 32 : index
      %swap3A_253 = tpu.vector_load %arg8[%swap3A_250, %swap3A_251, %swap3A_252] {strides = array<i32>} : memref<5x128x64xf32, #tpu.memory_space<vmem>>, vector<16xf32>,
      tpu.vector_store %arg8[%swap3A_250, %swap3A_251, %swap3A_252], %broadcast_in_dim3A_0 {strides = array<i32>} : memref<5x128x64xf32, #tpu.memory_space<vmem>>, vector<16xf32>,
      %swap3A_254 = arith.constant 0 : i32
      %swap3A_255 = arith.index_cast %swap3A_254 : i32 to index
      %swap3A_256 = arith.index_cast %scan3A_239 : i32 to index
      %swap3A_257 = arith.constant 48 : index
      %swap3A_258 = tpu.vector_load %arg8[%swap3A_255, %swap3A_256, %swap3A_257] {strides = array<i32>} : memref<5x128x64xf32, #tpu.memory_space<vmem>>, vector<16xf32>,
      tpu.vector_store %arg8[%swap3A_255, %swap3A_256, %swap3A_257], %broadcast_in_dim3A_0 {strides = array<i32>} : memref<5x128x64xf32, #tpu.memory_space<vmem>>, vector<16xf32>,
    }
    %scan3A_27 = arith.constant 128 : i32
    %add3A = arith.constant 0 : i32
    %add3A_28 = arith.addi %multiple_of3A, %add3A : i32
    %run_scoped3A = arith.constant 0 : i32
    "tpu.region"() ({
      %run_scoped3A_239 = tpu.sem_alloc : memref<!tpu.dma_semaphore, #tpu.memory_space<semaphore_mem>>
      %dma_start3A_240 = arith.constant 0 : i32
      %dma_start3A_241 = arith.constant 0 : i32
      %dma_start3A_242 = tpu.memref_slice %arg8[%run_scoped3A, %dma_start3A_240, %dma_start3A_241] : memref<5x128x64xf32, #tpu.memory_space<vmem>> -> memref<1x128x64xf32, #tpu.memory_space<vmem>>
      %dma_start3A_243 = tpu.memref_squeeze %dma_start3A_242 : memref<1x128x64xf32, #tpu.memory_space<vmem>> -> memref<128x64xf32, #tpu.memory_space<vmem>>
      %dma_start3A_244 = arith.constant 0 : i32
      %dma_start3A_245 = tpu.memref_slice %arg9[%add3A_28, %dma_start3A_244] : memref<10016x64xf32, #tpu.memory_space<vmem_shared>> -> memref<128x64xf32, #tpu.memory_space<vmem_shared>>
      %dma_start3A_246 = arith.constant 0 : i32
      %dma_start3A_247 = tpu.memref_slice %arg9[%add3A_28, %dma_start3A_246] : memref<10016x64xf32, #tpu.memory_space<vmem_shared>> -> memref<128x64xf32, #tpu.memory_space<vmem_shared>>
      %dma_start3A_248 = arith.constant 0 : i32
      %dma_start3A_249 = arith.constant 0 : i32
      %dma_start3A_250 = tpu.memref_slice %arg8[%run_scoped3A, %dma_start3A_248, %dma_start3A_249] : memref<5x128x64xf32, #tpu.memory_space<vmem>> -> memref<1x128x64xf32, #tpu.memory_space<vmem>>
      %dma_start3A_251 = tpu.memref_squeeze %dma_start3A_250 : memref<1x128x64xf32, #tpu.memory_space<vmem>> -> memref<128x64xf32, #tpu.memory_space<vmem>>
      tpu.enqueue_dma source(%dma_start3A_251 : memref<128x64xf32, #tpu.memory_space<vmem>>) target(%dma_start3A_247 : memref<128x64xf32, #tpu.memory_space<vmem_shared>>) target_semaphore(%run_scoped3A_239 : memref<!tpu.dma_semaphore, #tpu.memory_space<semaphore_mem>>)
      %dma_wait3A_252 = arith.constant 0 : i32
      %dma_wait3A_253 = arith.constant 0 : i32
      %dma_wait3A_254 = tpu.memref_slice %arg8[%run_scoped3A, %dma_wait3A_252, %dma_wait3A_253] : memref<5x128x64xf32, #tpu.memory_space<vmem>> -> memref<1x128x64xf32, #tpu.memory_space<vmem>>
      %dma_wait3A_255 = tpu.memref_squeeze %dma_wait3A_254 : memref<1x128x64xf32, #tpu.memory_space<vmem>> -> memref<128x64xf32, #tpu.memory_space<vmem>>
      %dma_wait3A_256 = arith.constant 0 : i32
      %dma_wait3A_257 = tpu.memref_slice %arg9[%add3A_28, %dma_wait3A_256] : memref<10016x64xf32, #tpu.memory_space<vmem_shared>> -> memref<128x64xf32, #tpu.memory_space<vmem_shared>>
      %dma_wait3A_258 = arith.constant 0 : i32
      %dma_wait3A_259 = tpu.memref_slice %arg9[%add3A_28, %dma_wait3A_258] : memref<10016x64xf32, #tpu.memory_space<vmem_shared>> -> memref<128x64xf32, #tpu.memory_space<vmem_shared>>
      %dma_wait3A_260 = arith.constant 0 : i32
      %dma_wait3A_261 = arith.constant 0 : i32
      %dma_wait3A_262 = tpu.memref_slice %arg8[%run_scoped3A, %dma_wait3A_260, %dma_wait3A_261] : memref<5x128x64xf32, #tpu.memory_space<vmem>> -> memref<1x128x64xf32, #tpu.memory_space<vmem>>
      %dma_wait3A_263 = tpu.memref_squeeze %dma_wait3A_262 : memref<1x128x64xf32, #tpu.memory_space<vmem>> -> memref<128x64xf32, #tpu.memory_space<vmem>>
      tpu.wait_dma2 semaphore(%run_scoped3A_239 : memref<!tpu.dma_semaphore, #tpu.memory_space<semaphore_mem>>) src(%dma_wait3A_263 : memref<128x64xf32, #tpu.memory_space<vmem>>) dst(%dma_wait3A_259 : memref<128x64xf32, #tpu.memory_space<vmem_shared>>)
      tpu.yield
    }) : () -> ()
    %add3A_29 = arith.constant 128 : i32
    %add3A_30 = arith.addi %multiple_of3A, %add3A_29 : i32
    %run_scoped3A_31 = arith.constant 0 : i32
    "tpu.region"() ({
      %run_scoped3A_239 = tpu.sem_alloc : memref<!tpu.dma_semaphore, #tpu.memory_space<semaphore_mem>>
      %dma_start3A_240 = arith.constant 0 : i32
      %dma_start3A_241 = arith.constant 0 : i32
      %dma_start3A_242 = tpu.memref_slice %arg8[%run_scoped3A_31, %dma_start3A_240, %dma_start3A_241] : memref<5x128x64xf32, #tpu.memory_space<vmem>> -> memref<1x128x64xf32, #tpu.memory_space<vmem>>
      %dma_start3A_243 = tpu.memref_squeeze %dma_start3A_242 : memref<1x128x64xf32, #tpu.memory_space<vmem>> -> memref<128x64xf32, #tpu.memory_space<vmem>>
      %dma_start3A_244 = arith.constant 0 : i32
      %dma_start3A_245 = tpu.memref_slice %arg9[%add3A_30, %dma_start3A_244] : memref<10016x64xf32, #tpu.memory_space<vmem_shared>> -> memref<128x64xf32, #tpu.memory_space<vmem_shared>>
      %dma_start3A_246 = arith.constant 0 : i32
      %dma_start3A_247 = tpu.memref_slice %arg9[%add3A_30, %dma_start3A_246] : memref<10016x64xf32, #tpu.memory_space<vmem_shared>> -> memref<128x64xf32, #tpu.memory_space<vmem_shared>>
      %dma_start3A_248 = arith.constant 0 : i32
      %dma_start3A_249 = arith.constant 0 : i32
      %dma_start3A_250 = tpu.memref_slice %arg8[%run_scoped3A_31, %dma_start3A_248, %dma_start3A_249] : memref<5x128x64xf32, #tpu.memory_space<vmem>> -> memref<1x128x64xf32, #tpu.memory_space<vmem>>
      %dma_start3A_251 = tpu.memref_squeeze %dma_start3A_250 : memref<1x128x64xf32, #tpu.memory_space<vmem>> -> memref<128x64xf32, #tpu.memory_space<vmem>>
      tpu.enqueue_dma source(%dma_start3A_251 : memref<128x64xf32, #tpu.memory_space<vmem>>) target(%dma_start3A_247 : memref<128x64xf32, #tpu.memory_space<vmem_shared>>) target_semaphore(%run_scoped3A_239 : memref<!tpu.dma_semaphore, #tpu.memory_space<semaphore_mem>>)
      %dma_wait3A_252 = arith.constant 0 : i32
      %dma_wait3A_253 = arith.constant 0 : i32
      %dma_wait3A_254 = tpu.memref_slice %arg8[%run_scoped3A_31, %dma_wait3A_252, %dma_wait3A_253] : memref<5x128x64xf32, #tpu.memory_space<vmem>> -> memref<1x128x64xf32, #tpu.memory_space<vmem>>
      %dma_wait3A_255 = tpu.memref_squeeze %dma_wait3A_254 : memref<1x128x64xf32, #tpu.memory_space<vmem>> -> memref<128x64xf32, #tpu.memory_space<vmem>>
      %dma_wait3A_256 = arith.constant 0 : i32
      %dma_wait3A_257 = tpu.memref_slice %arg9[%add3A_30, %dma_wait3A_256] : memref<10016x64xf32, #tpu.memory_space<vmem_shared>> -> memref<128x64xf32, #tpu.memory_space<vmem_shared>>
      %dma_wait3A_258 = arith.constant 0 : i32
      %dma_wait3A_259 = tpu.memref_slice %arg9[%add3A_30, %dma_wait3A_258] : memref<10016x64xf32, #tpu.memory_space<vmem_shared>> -> memref<128x64xf32, #tpu.memory_space<vmem_shared>>
      %dma_wait3A_260 = arith.constant 0 : i32
      %dma_wait3A_261 = arith.constant 0 : i32
      %dma_wait3A_262 = tpu.memref_slice %arg8[%run_scoped3A_31, %dma_wait3A_260, %dma_wait3A_261] : memref<5x128x64xf32, #tpu.memory_space<vmem>> -> memref<1x128x64xf32, #tpu.memory_space<vmem>>
      %dma_wait3A_263 = tpu.memref_squeeze %dma_wait3A_262 : memref<1x128x64xf32, #tpu.memory_space<vmem>> -> memref<128x64xf32, #tpu.memory_space<vmem>>
      tpu.wait_dma2 semaphore(%run_scoped3A_239 : memref<!tpu.dma_semaphore, #tpu.memory_space<semaphore_mem>>) src(%dma_wait3A_263 : memref<128x64xf32, #tpu.memory_space<vmem>>) dst(%dma_wait3A_259 : memref<128x64xf32, #tpu.memory_space<vmem_shared>>)
      tpu.yield
    }) : () -> ()
    %add3A_32 = arith.constant 256 : i32
    %add3A_33 = arith.addi %multiple_of3A, %add3A_32 : i32
    %run_scoped3A_34 = arith.constant 0 : i32
    "tpu.region"() ({
      %run_scoped3A_239 = tpu.sem_alloc : memref<!tpu.dma_semaphore, #tpu.memory_space<semaphore_mem>>
      %dma_start3A_240 = arith.constant 0 : i32
      %dma_start3A_241 = arith.constant 0 : i32
      %dma_start3A_242 = tpu.memref_slice %arg8[%run_scoped3A_34, %dma_start3A_240, %dma_start3A_241] : memref<5x128x64xf32, #tpu.memory_space<vmem>> -> memref<1x128x64xf32, #tpu.memory_space<vmem>>
      %dma_start3A_243 = tpu.memref_squeeze %dma_start3A_242 : memref<1x128x64xf32, #tpu.memory_space<vmem>> -> memref<128x64xf32, #tpu.memory_space<vmem>>
      %dma_start3A_244 = arith.constant 0 : i32
      %dma_start3A_245 = tpu.memref_slice %arg9[%add3A_33, %dma_start3A_244] : memref<10016x64xf32, #tpu.memory_space<vmem_shared>> -> memref<128x64xf32, #tpu.memory_space<vmem_shared>>
      %dma_start3A_246 = arith.constant 0 : i32
      %dma_start3A_247 = tpu.memref_slice %arg9[%add3A_33, %dma_start3A_246] : memref<10016x64xf32, #tpu.memory_space<vmem_shared>> -> memref<128x64xf32, #tpu.memory_space<vmem_shared>>
      %dma_start3A_248 = arith.constant 0 : i32
      %dma_start3A_249 = arith.constant 0 : i32
      %dma_start3A_250 = tpu.memref_slice %arg8[%run_scoped3A_34, %dma_start3A_248, %dma_start3A_249] : memref<5x128x64xf32, #tpu.memory_space<vmem>> -> memref<1x128x64xf32, #tpu.memory_space<vmem>>
      %dma_start3A_251 = tpu.memref_squeeze %dma_start3A_250 : memref<1x128x64xf32, #tpu.memory_space<vmem>> -> memref<128x64xf32, #tpu.memory_space<vmem>>
      tpu.enqueue_dma source(%dma_start3A_251 : memref<128x64xf32, #tpu.memory_space<vmem>>) target(%dma_start3A_247 : memref<128x64xf32, #tpu.memory_space<vmem_shared>>) target_semaphore(%run_scoped3A_239 : memref<!tpu.dma_semaphore, #tpu.memory_space<semaphore_mem>>)
      %dma_wait3A_252 = arith.constant 0 : i32
      %dma_wait3A_253 = arith.constant 0 : i32
      %dma_wait3A_254 = tpu.memref_slice %arg8[%run_scoped3A_34, %dma_wait3A_252, %dma_wait3A_253] : memref<5x128x64xf32, #tpu.memory_space<vmem>> -> memref<1x128x64xf32, #tpu.memory_space<vmem>>
      %dma_wait3A_255 = tpu.memref_squeeze %dma_wait3A_254 : memref<1x128x64xf32, #tpu.memory_space<vmem>> -> memref<128x64xf32, #tpu.memory_space<vmem>>
      %dma_wait3A_256 = arith.constant 0 : i32
      %dma_wait3A_257 = tpu.memref_slice %arg9[%add3A_33, %dma_wait3A_256] : memref<10016x64xf32, #tpu.memory_space<vmem_shared>> -> memref<128x64xf32, #tpu.memory_space<vmem_shared>>
      %dma_wait3A_258 = arith.constant 0 : i32
      %dma_wait3A_259 = tpu.memref_slice %arg9[%add3A_33, %dma_wait3A_258] : memref<10016x64xf32, #tpu.memory_space<vmem_shared>> -> memref<128x64xf32, #tpu.memory_space<vmem_shared>>
      %dma_wait3A_260 = arith.constant 0 : i32
      %dma_wait3A_261 = arith.constant 0 : i32
      %dma_wait3A_262 = tpu.memref_slice %arg8[%run_scoped3A_34, %dma_wait3A_260, %dma_wait3A_261] : memref<5x128x64xf32, #tpu.memory_space<vmem>> -> memref<1x128x64xf32, #tpu.memory_space<vmem>>
      %dma_wait3A_263 = tpu.memref_squeeze %dma_wait3A_262 : memref<1x128x64xf32, #tpu.memory_space<vmem>> -> memref<128x64xf32, #tpu.memory_space<vmem>>
      tpu.wait_dma2 semaphore(%run_scoped3A_239 : memref<!tpu.dma_semaphore, #tpu.memory_space<semaphore_mem>>) src(%dma_wait3A_263 : memref<128x64xf32, #tpu.memory_space<vmem>>) dst(%dma_wait3A_259 : memref<128x64xf32, #tpu.memory_space<vmem_shared>>)
      tpu.yield
    }) : () -> ()
    %add3A_35 = arith.constant 384 : i32
    %add3A_36 = arith.addi %multiple_of3A, %add3A_35 : i32
    %run_scoped3A_37 = arith.constant 0 : i32
    "tpu.region"() ({
      %run_scoped3A_239 = tpu.sem_alloc : memref<!tpu.dma_semaphore, #tpu.memory_space<semaphore_mem>>
      %dma_start3A_240 = arith.constant 0 : i32
      %dma_start3A_241 = arith.constant 0 : i32
      %dma_start3A_242 = tpu.memref_slice %arg8[%run_scoped3A_37, %dma_start3A_240, %dma_start3A_241] : memref<5x128x64xf32, #tpu.memory_space<vmem>> -> memref<1x128x64xf32, #tpu.memory_space<vmem>>
      %dma_start3A_243 = tpu.memref_squeeze %dma_start3A_242 : memref<1x128x64xf32, #tpu.memory_space<vmem>> -> memref<128x64xf32, #tpu.memory_space<vmem>>
      %dma_start3A_244 = arith.constant 0 : i32
      %dma_start3A_245 = tpu.memref_slice %arg9[%add3A_36, %dma_start3A_244] : memref<10016x64xf32, #tpu.memory_space<vmem_shared>> -> memref<128x64xf32, #tpu.memory_space<vmem_shared>>
      %dma_start3A_246 = arith.constant 0 : i32
      %dma_start3A_247 = tpu.memref_slice %arg9[%add3A_36, %dma_start3A_246] : memref<10016x64xf32, #tpu.memory_space<vmem_shared>> -> memref<128x64xf32, #tpu.memory_space<vmem_shared>>
      %dma_start3A_248 = arith.constant 0 : i32
      %dma_start3A_249 = arith.constant 0 : i32
      %dma_start3A_250 = tpu.memref_slice %arg8[%run_scoped3A_37, %dma_start3A_248, %dma_start3A_249] : memref<5x128x64xf32, #tpu.memory_space<vmem>> -> memref<1x128x64xf32, #tpu.memory_space<vmem>>
      %dma_start3A_251 = tpu.memref_squeeze %dma_start3A_250 : memref<1x128x64xf32, #tpu.memory_space<vmem>> -> memref<128x64xf32, #tpu.memory_space<vmem>>
      tpu.enqueue_dma source(%dma_start3A_251 : memref<128x64xf32, #tpu.memory_space<vmem>>) target(%dma_start3A_247 : memref<128x64xf32, #tpu.memory_space<vmem_shared>>) target_semaphore(%run_scoped3A_239 : memref<!tpu.dma_semaphore, #tpu.memory_space<semaphore_mem>>)
      %dma_wait3A_252 = arith.constant 0 : i32
      %dma_wait3A_253 = arith.constant 0 : i32
      %dma_wait3A_254 = tpu.memref_slice %arg8[%run_scoped3A_37, %dma_wait3A_252, %dma_wait3A_253] : memref<5x128x64xf32, #tpu.memory_space<vmem>> -> memref<1x128x64xf32, #tpu.memory_space<vmem>>
      %dma_wait3A_255 = tpu.memref_squeeze %dma_wait3A_254 : memref<1x128x64xf32, #tpu.memory_space<vmem>> -> memref<128x64xf32, #tpu.memory_space<vmem>>
      %dma_wait3A_256 = arith.constant 0 : i32
      %dma_wait3A_257 = tpu.memref_slice %arg9[%add3A_36, %dma_wait3A_256] : memref<10016x64xf32, #tpu.memory_space<vmem_shared>> -> memref<128x64xf32, #tpu.memory_space<vmem_shared>>
      %dma_wait3A_258 = arith.constant 0 : i32
      %dma_wait3A_259 = tpu.memref_slice %arg9[%add3A_36, %dma_wait3A_258] : memref<10016x64xf32, #tpu.memory_space<vmem_shared>> -> memref<128x64xf32, #tpu.memory_space<vmem_shared>>
      %dma_wait3A_260 = arith.constant 0 : i32
      %dma_wait3A_261 = arith.constant 0 : i32
      %dma_wait3A_262 = tpu.memref_slice %arg8[%run_scoped3A_37, %dma_wait3A_260, %dma_wait3A_261] : memref<5x128x64xf32, #tpu.memory_space<vmem>> -> memref<1x128x64xf32, #tpu.memory_space<vmem>>
      %dma_wait3A_263 = tpu.memref_squeeze %dma_wait3A_262 : memref<1x128x64xf32, #tpu.memory_space<vmem>> -> memref<128x64xf32, #tpu.memory_space<vmem>>
      tpu.wait_dma2 semaphore(%run_scoped3A_239 : memref<!tpu.dma_semaphore, #tpu.memory_space<semaphore_mem>>) src(%dma_wait3A_263 : memref<128x64xf32, #tpu.memory_space<vmem>>) dst(%dma_wait3A_259 : memref<128x64xf32, #tpu.memory_space<vmem_shared>>)
      tpu.yield
    }) : () -> ()
    %add3A_38 = arith.constant 512 : i32
    %add3A_39 = arith.addi %multiple_of3A, %add3A_38 : i32
    %run_scoped3A_40 = arith.constant 0 : i32
    "tpu.region"() ({
      %run_scoped3A_239 = tpu.sem_alloc : memref<!tpu.dma_semaphore, #tpu.memory_space<semaphore_mem>>
      %dma_start3A_240 = arith.constant 0 : i32
      %dma_start3A_241 = arith.constant 0 : i32
      %dma_start3A_242 = tpu.memref_slice %arg8[%run_scoped3A_40, %dma_start3A_240, %dma_start3A_241] : memref<5x128x64xf32, #tpu.memory_space<vmem>> -> memref<1x114x64xf32, #tpu.memory_space<vmem>>
      %dma_start3A_243 = tpu.memref_squeeze %dma_start3A_242 : memref<1x114x64xf32, #tpu.memory_space<vmem>> -> memref<114x64xf32, #tpu.memory_space<vmem>>
      %dma_start3A_244 = arith.constant 0 : i32
      %dma_start3A_245 = tpu.memref_slice %arg9[%add3A_39, %dma_start3A_244] : memref<10016x64xf32, #tpu.memory_space<vmem_shared>> -> memref<114x64xf32, #tpu.memory_space<vmem_shared>>
      %dma_start3A_246 = arith.constant 0 : i32
      %dma_start3A_247 = tpu.memref_slice %arg9[%add3A_39, %dma_start3A_246] : memref<10016x64xf32, #tpu.memory_space<vmem_shared>> -> memref<114x64xf32, #tpu.memory_space<vmem_shared>>
      %dma_start3A_248 = arith.constant 0 : i32
      %dma_start3A_249 = arith.constant 0 : i32
      %dma_start3A_250 = tpu.memref_slice %arg8[%run_scoped3A_40, %dma_start3A_248, %dma_start3A_249] : memref<5x128x64xf32, #tpu.memory_space<vmem>> -> memref<1x114x64xf32, #tpu.memory_space<vmem>>
      %dma_start3A_251 = tpu.memref_squeeze %dma_start3A_250 : memref<1x114x64xf32, #tpu.memory_space<vmem>> -> memref<114x64xf32, #tpu.memory_space<vmem>>
      tpu.enqueue_dma source(%dma_start3A_251 : memref<114x64xf32, #tpu.memory_space<vmem>>) target(%dma_start3A_247 : memref<114x64xf32, #tpu.memory_space<vmem_shared>>) target_semaphore(%run_scoped3A_239 : memref<!tpu.dma_semaphore, #tpu.memory_space<semaphore_mem>>)
      %dma_wait3A_252 = arith.constant 0 : i32
      %dma_wait3A_253 = arith.constant 0 : i32
      %dma_wait3A_254 = tpu.memref_slice %arg8[%run_scoped3A_40, %dma_wait3A_252, %dma_wait3A_253] : memref<5x128x64xf32, #tpu.memory_space<vmem>> -> memref<1x114x64xf32, #tpu.memory_space<vmem>>
      %dma_wait3A_255 = tpu.memref_squeeze %dma_wait3A_254 : memref<1x114x64xf32, #tpu.memory_space<vmem>> -> memref<114x64xf32, #tpu.memory_space<vmem>>
      %dma_wait3A_256 = arith.constant 0 : i32
      %dma_wait3A_257 = tpu.memref_slice %arg9[%add3A_39, %dma_wait3A_256] : memref<10016x64xf32, #tpu.memory_space<vmem_shared>> -> memref<114x64xf32, #tpu.memory_space<vmem_shared>>
      %dma_wait3A_258 = arith.constant 0 : i32
      %dma_wait3A_259 = tpu.memref_slice %arg9[%add3A_39, %dma_wait3A_258] : memref<10016x64xf32, #tpu.memory_space<vmem_shared>> -> memref<114x64xf32, #tpu.memory_space<vmem_shared>>
      %dma_wait3A_260 = arith.constant 0 : i32
      %dma_wait3A_261 = arith.constant 0 : i32
      %dma_wait3A_262 = tpu.memref_slice %arg8[%run_scoped3A_40, %dma_wait3A_260, %dma_wait3A_261] : memref<5x128x64xf32, #tpu.memory_space<vmem>> -> memref<1x114x64xf32, #tpu.memory_space<vmem>>
      %dma_wait3A_263 = tpu.memref_squeeze %dma_wait3A_262 : memref<1x114x64xf32, #tpu.memory_space<vmem>> -> memref<114x64xf32, #tpu.memory_space<vmem>>
      tpu.wait_dma2 semaphore(%run_scoped3A_239 : memref<!tpu.dma_semaphore, #tpu.memory_space<semaphore_mem>>) src(%dma_wait3A_263 : memref<114x64xf32, #tpu.memory_space<vmem>>) dst(%dma_wait3A_259 : memref<114x64xf32, #tpu.memory_space<vmem_shared>>)
      tpu.yield
    }) : () -> ()
    %dma_wait3A = arith.constant 0 : i32
    %dma_wait3A_41 = arith.constant 0 : i32
    %dma_wait3A_42 = arith.constant 0 : i32
    %dma_wait3A_43 = tpu.memref_slice %arg3[%arg1, %dma_wait3A_41, %dma_wait3A_42] : memref<16x160x128xi32, #tpu.memory_space<hbm>> -> memref<1x160x128xi32, #tpu.memory_space<hbm>>
    %dma_wait3A_44 = tpu.memref_squeeze %dma_wait3A_43 : memref<1x160x128xi32, #tpu.memory_space<hbm>> -> memref<160x128xi32, #tpu.memory_space<hbm>>
    %dma_wait3A_45 = tpu.memref_slice %arg10[%dma_wait3A] : memref<5x!tpu.dma_semaphore, #tpu.memory_space<semaphore_mem>> -> memref<1x!tpu.dma_semaphore, #tpu.memory_space<semaphore_mem>>
    %dma_wait3A_46 = tpu.memref_squeeze %dma_wait3A_45 : memref<1x!tpu.dma_semaphore, #tpu.memory_space<semaphore_mem>> -> memref<!tpu.dma_semaphore, #tpu.memory_space<semaphore_mem>>
    %dma_wait3A_47 = arith.constant 0 : i32
    %dma_wait3A_48 = arith.constant 0 : i32
    %dma_wait3A_49 = tpu.memref_slice %arg3[%arg1, %dma_wait3A_47, %dma_wait3A_48] : memref<16x160x128xi32, #tpu.memory_space<hbm>> -> memref<1x160x128xi32, #tpu.memory_space<hbm>>
    %dma_wait3A_50 = tpu.memref_squeeze %dma_wait3A_49 : memref<1x160x128xi32, #tpu.memory_space<hbm>> -> memref<160x128xi32, #tpu.memory_space<hbm>>
    tpu.wait_dma2 semaphore(%dma_wait3A_46 : memref<!tpu.dma_semaphore, #tpu.memory_space<semaphore_mem>>) src(%dma_wait3A_50 : memref<160x128xi32, #tpu.memory_space<hbm>>) dst(%arg6 : memref<160x128xi32, #tpu.memory_space<vmem>>)
    %dma_wait3A_51 = arith.constant 1 : i32
    %dma_wait3A_52 = arith.constant 0 : i32
    %dma_wait3A_53 = arith.constant 0 : i32
    %dma_wait3A_54 = tpu.memref_slice %arg4[%arg1, %dma_wait3A_52, %dma_wait3A_53] : memref<16x160x128xi32, #tpu.memory_space<hbm>> -> memref<1x160x128xi32, #tpu.memory_space<hbm>>
    %dma_wait3A_55 = tpu.memref_squeeze %dma_wait3A_54 : memref<1x160x128xi32, #tpu.memory_space<hbm>> -> memref<160x128xi32, #tpu.memory_space<hbm>>
    %dma_wait3A_56 = tpu.memref_slice %arg10[%dma_wait3A_51] : memref<5x!tpu.dma_semaphore, #tpu.memory_space<semaphore_mem>> -> memref<1x!tpu.dma_semaphore, #tpu.memory_space<semaphore_mem>>
    %dma_wait3A_57 = tpu.memref_squeeze %dma_wait3A_56 : memref<1x!tpu.dma_semaphore, #tpu.memory_space<semaphore_mem>> -> memref<!tpu.dma_semaphore, #tpu.memory_space<semaphore_mem>>
    %dma_wait3A_58 = arith.constant 0 : i32
    %dma_wait3A_59 = arith.constant 0 : i32
    %dma_wait3A_60 = tpu.memref_slice %arg4[%arg1, %dma_wait3A_58, %dma_wait3A_59] : memref<16x160x128xi32, #tpu.memory_space<hbm>> -> memref<1x160x128xi32, #tpu.memory_space<hbm>>
    %dma_wait3A_61 = tpu.memref_squeeze %dma_wait3A_60 : memref<1x160x128xi32, #tpu.memory_space<hbm>> -> memref<160x128xi32, #tpu.memory_space<hbm>>
    tpu.wait_dma2 semaphore(%dma_wait3A_57 : memref<!tpu.dma_semaphore, #tpu.memory_space<semaphore_mem>>) src(%dma_wait3A_61 : memref<160x128xi32, #tpu.memory_space<hbm>>) dst(%arg7 : memref<160x128xi32, #tpu.memory_space<vmem>>)
    %barrier3A = arith.constant 0 : index
    tpu.barrier barrier_id(%barrier3A)
    %dma_start3A_62 = arith.constant 0 : i32
    %dma_start3A_63 = arith.constant 0 : i32
    %dma_start3A_64 = arith.constant 0 : i32
    %dma_start3A_65 = arith.constant 0 : i32
    %dma_start3A_66 = arith.constant 0 : i32
    %dma_start3A_67 = tpu.memref_slice %arg8[%dma_start3A_63, %dma_start3A_65, %dma_start3A_66] : memref<5x128x64xf32, #tpu.memory_space<vmem>> -> memref<1x128x64xf32, #tpu.memory_space<vmem>>
    %dma_start3A_68 = tpu.memref_squeeze %dma_start3A_67 : memref<1x128x64xf32, #tpu.memory_space<vmem>> -> memref<128x64xf32, #tpu.memory_space<vmem>>
    %dma_start3A_69 = arith.constant 0 : i32
    %dma_start3A_70 = tpu.memref_slice %arg6[%dma_start3A_62, %dma_start3A_69] : memref<160x128xi32, #tpu.memory_space<vmem>> -> memref<1x128xi32, #tpu.memory_space<vmem>>
    %dma_start3A_71 = tpu.memref_squeeze %dma_start3A_70 : memref<1x128xi32, #tpu.memory_space<vmem>> -> memref<128xi32, #tpu.memory_space<vmem>>
    %dma_start3A_72 = arith.constant 0 : i32
    %dma_start3A_73 = arith.constant 0 : i32
    %dma_start3A_74 = tpu.memref_slice %arg2[%arg0, %dma_start3A_72, %dma_start3A_73] : memref<2x10000x64xf32, #tpu.memory_space<hbm>> -> memref<1x10000x64xf32, #tpu.memory_space<hbm>>
    %dma_start3A_75 = tpu.memref_squeeze %dma_start3A_74 : memref<1x10000x64xf32, #tpu.memory_space<hbm>> -> memref<10000x64xf32, #tpu.memory_space<hbm>>
    %dma_start3A_76 = arith.constant 0 : i32
    %dma_start3A_77 = arith.constant 0 : i32
    %dma_start3A_78 = tpu.memref_slice %dma_start3A_75[%dma_start3A_76, %dma_start3A_77] : memref<10000x64xf32, #tpu.memory_space<hbm>> -> memref<10000x64xf32, #tpu.memory_space<hbm>>
    %dma_start3A_79 = tpu.memref_slice %arg10[%dma_start3A_64] : memref<5x!tpu.dma_semaphore, #tpu.memory_space<semaphore_mem>> -> memref<1x!tpu.dma_semaphore, #tpu.memory_space<semaphore_mem>>
    %dma_start3A_80 = tpu.memref_squeeze %dma_start3A_79 : memref<1x!tpu.dma_semaphore, #tpu.memory_space<semaphore_mem>> -> memref<!tpu.dma_semaphore, #tpu.memory_space<semaphore_mem>>
    tpu.enqueue_indirect_dma source(%dma_start3A_78 : memref<10000x64xf32, #tpu.memory_space<hbm>>) target(%dma_start3A_68 : memref<128x64xf32, #tpu.memory_space<vmem>>) offsets(%dma_start3A_71 : memref<128xi32, #tpu.memory_space<vmem>>) semaphore(%dma_start3A_80 : memref<!tpu.dma_semaphore, #tpu.memory_space<semaphore_mem>>)
    %dma_start3A_81 = arith.constant 1 : i32
    %dma_start3A_82 = arith.constant 1 : i32
    %dma_start3A_83 = arith.constant 1 : i32
    %dma_start3A_84 = arith.constant 0 : i32
    %dma_start3A_85 = arith.constant 0 : i32
    %dma_start3A_86 = tpu.memref_slice %arg8[%dma_start3A_82, %dma_start3A_84, %dma_start3A_85] : memref<5x128x64xf32, #tpu.memory_space<vmem>> -> memref<1x128x64xf32, #tpu.memory_space<vmem>>
    %dma_start3A_87 = tpu.memref_squeeze %dma_start3A_86 : memref<1x128x64xf32, #tpu.memory_space<vmem>> -> memref<128x64xf32, #tpu.memory_space<vmem>>
    %dma_start3A_88 = arith.constant 0 : i32
    %dma_start3A_89 = tpu.memref_slice %arg6[%dma_start3A_81, %dma_start3A_88] : memref<160x128xi32, #tpu.memory_space<vmem>> -> memref<1x128xi32, #tpu.memory_space<vmem>>
    %dma_start3A_90 = tpu.memref_squeeze %dma_start3A_89 : memref<1x128xi32, #tpu.memory_space<vmem>> -> memref<128xi32, #tpu.memory_space<vmem>>
    %dma_start3A_91 = arith.constant 0 : i32
    %dma_start3A_92 = arith.constant 0 : i32
    %dma_start3A_93 = tpu.memref_slice %arg2[%arg0, %dma_start3A_91, %dma_start3A_92] : memref<2x10000x64xf32, #tpu.memory_space<hbm>> -> memref<1x10000x64xf32, #tpu.memory_space<hbm>>
    %dma_start3A_94 = tpu.memref_squeeze %dma_start3A_93 : memref<1x10000x64xf32, #tpu.memory_space<hbm>> -> memref<10000x64xf32, #tpu.memory_space<hbm>>
    %dma_start3A_95 = arith.constant 0 : i32
    %dma_start3A_96 = arith.constant 0 : i32
    %dma_start3A_97 = tpu.memref_slice %dma_start3A_94[%dma_start3A_95, %dma_start3A_96] : memref<10000x64xf32, #tpu.memory_space<hbm>> -> memref<10000x64xf32, #tpu.memory_space<hbm>>
    %dma_start3A_98 = tpu.memref_slice %arg10[%dma_start3A_83] : memref<5x!tpu.dma_semaphore, #tpu.memory_space<semaphore_mem>> -> memref<1x!tpu.dma_semaphore, #tpu.memory_space<semaphore_mem>>
    %dma_start3A_99 = tpu.memref_squeeze %dma_start3A_98 : memref<1x!tpu.dma_semaphore, #tpu.memory_space<semaphore_mem>> -> memref<!tpu.dma_semaphore, #tpu.memory_space<semaphore_mem>>
    tpu.enqueue_indirect_dma source(%dma_start3A_97 : memref<10000x64xf32, #tpu.memory_space<hbm>>) target(%dma_start3A_87 : memref<128x64xf32, #tpu.memory_space<vmem>>) offsets(%dma_start3A_90 : memref<128xi32, #tpu.memory_space<vmem>>) semaphore(%dma_start3A_99 : memref<!tpu.dma_semaphore, #tpu.memory_space<semaphore_mem>>)
    %dma_start3A_100 = arith.constant 2 : i32
    %dma_start3A_101 = arith.constant 2 : i32
    %dma_start3A_102 = arith.constant 2 : i32
    %dma_start3A_103 = arith.constant 0 : i32
    %dma_start3A_104 = arith.constant 0 : i32
    %dma_start3A_105 = tpu.memref_slice %arg8[%dma_start3A_101, %dma_start3A_103, %dma_start3A_104] : memref<5x128x64xf32, #tpu.memory_space<vmem>> -> memref<1x128x64xf32, #tpu.memory_space<vmem>>
    %dma_start3A_106 = tpu.memref_squeeze %dma_start3A_105 : memref<1x128x64xf32, #tpu.memory_space<vmem>> -> memref<128x64xf32, #tpu.memory_space<vmem>>
    %dma_start3A_107 = arith.constant 0 : i32
    %dma_start3A_108 = tpu.memref_slice %arg6[%dma_start3A_100, %dma_start3A_107] : memref<160x128xi32, #tpu.memory_space<vmem>> -> memref<1x128xi32, #tpu.memory_space<vmem>>
    %dma_start3A_109 = tpu.memref_squeeze %dma_start3A_108 : memref<1x128xi32, #tpu.memory_space<vmem>> -> memref<128xi32, #tpu.memory_space<vmem>>
    %dma_start3A_110 = arith.constant 0 : i32
    %dma_start3A_111 = arith.constant 0 : i32
    %dma_start3A_112 = tpu.memref_slice %arg2[%arg0, %dma_start3A_110, %dma_start3A_111] : memref<2x10000x64xf32, #tpu.memory_space<hbm>> -> memref<1x10000x64xf32, #tpu.memory_space<hbm>>
    %dma_start3A_113 = tpu.memref_squeeze %dma_start3A_112 : memref<1x10000x64xf32, #tpu.memory_space<hbm>> -> memref<10000x64xf32, #tpu.memory_space<hbm>>
    %dma_start3A_114 = arith.constant 0 : i32
    %dma_start3A_115 = arith.constant 0 : i32
    %dma_start3A_116 = tpu.memref_slice %dma_start3A_113[%dma_start3A_114, %dma_start3A_115] : memref<10000x64xf32, #tpu.memory_space<hbm>> -> memref<10000x64xf32, #tpu.memory_space<hbm>>
    %dma_start3A_117 = tpu.memref_slice %arg10[%dma_start3A_102] : memref<5x!tpu.dma_semaphore, #tpu.memory_space<semaphore_mem>> -> memref<1x!tpu.dma_semaphore, #tpu.memory_space<semaphore_mem>>
    %dma_start3A_118 = tpu.memref_squeeze %dma_start3A_117 : memref<1x!tpu.dma_semaphore, #tpu.memory_space<semaphore_mem>> -> memref<!tpu.dma_semaphore, #tpu.memory_space<semaphore_mem>>
    tpu.enqueue_indirect_dma source(%dma_start3A_116 : memref<10000x64xf32, #tpu.memory_space<hbm>>) target(%dma_start3A_106 : memref<128x64xf32, #tpu.memory_space<vmem>>) offsets(%dma_start3A_109 : memref<128xi32, #tpu.memory_space<vmem>>) semaphore(%dma_start3A_118 : memref<!tpu.dma_semaphore, #tpu.memory_space<semaphore_mem>>)
    %dma_start3A_119 = arith.constant 3 : i32
    %dma_start3A_120 = arith.constant 3 : i32
    %dma_start3A_121 = arith.constant 3 : i32
    %dma_start3A_122 = arith.constant 0 : i32
    %dma_start3A_123 = arith.constant 0 : i32
    %dma_start3A_124 = tpu.memref_slice %arg8[%dma_start3A_120, %dma_start3A_122, %dma_start3A_123] : memref<5x128x64xf32, #tpu.memory_space<vmem>> -> memref<1x128x64xf32, #tpu.memory_space<vmem>>
    %dma_start3A_125 = tpu.memref_squeeze %dma_start3A_124 : memref<1x128x64xf32, #tpu.memory_space<vmem>> -> memref<128x64xf32, #tpu.memory_space<vmem>>
    %dma_start3A_126 = arith.constant 0 : i32
    %dma_start3A_127 = tpu.memref_slice %arg6[%dma_start3A_119, %dma_start3A_126] : memref<160x128xi32, #tpu.memory_space<vmem>> -> memref<1x128xi32, #tpu.memory_space<vmem>>
    %dma_start3A_128 = tpu.memref_squeeze %dma_start3A_127 : memref<1x128xi32, #tpu.memory_space<vmem>> -> memref<128xi32, #tpu.memory_space<vmem>>
    %dma_start3A_129 = arith.constant 0 : i32
    %dma_start3A_130 = arith.constant 0 : i32
    %dma_start3A_131 = tpu.memref_slice %arg2[%arg0, %dma_start3A_129, %dma_start3A_130] : memref<2x10000x64xf32, #tpu.memory_space<hbm>> -> memref<1x10000x64xf32, #tpu.memory_space<hbm>>
    %dma_start3A_132 = tpu.memref_squeeze %dma_start3A_131 : memref<1x10000x64xf32, #tpu.memory_space<hbm>> -> memref<10000x64xf32, #tpu.memory_space<hbm>>
    %dma_start3A_133 = arith.constant 0 : i32
    %dma_start3A_134 = arith.constant 0 : i32
    %dma_start3A_135 = tpu.memref_slice %dma_start3A_132[%dma_start3A_133, %dma_start3A_134] : memref<10000x64xf32, #tpu.memory_space<hbm>> -> memref<10000x64xf32, #tpu.memory_space<hbm>>
    %dma_start3A_136 = tpu.memref_slice %arg10[%dma_start3A_121] : memref<5x!tpu.dma_semaphore, #tpu.memory_space<semaphore_mem>> -> memref<1x!tpu.dma_semaphore, #tpu.memory_space<semaphore_mem>>
    %dma_start3A_137 = tpu.memref_squeeze %dma_start3A_136 : memref<1x!tpu.dma_semaphore, #tpu.memory_space<semaphore_mem>> -> memref<!tpu.dma_semaphore, #tpu.memory_space<semaphore_mem>>
    tpu.enqueue_indirect_dma source(%dma_start3A_135 : memref<10000x64xf32, #tpu.memory_space<hbm>>) target(%dma_start3A_125 : memref<128x64xf32, #tpu.memory_space<vmem>>) offsets(%dma_start3A_128 : memref<128xi32, #tpu.memory_space<vmem>>) semaphore(%dma_start3A_137 : memref<!tpu.dma_semaphore, #tpu.memory_space<semaphore_mem>>)
    %dma_start3A_138 = arith.constant 4 : i32
    %dma_start3A_139 = arith.constant 4 : i32
    %dma_start3A_140 = arith.constant 4 : i32
    %dma_start3A_141 = arith.constant 0 : i32
    %dma_start3A_142 = arith.constant 0 : i32
    %dma_start3A_143 = tpu.memref_slice %arg8[%dma_start3A_139, %dma_start3A_141, %dma_start3A_142] : memref<5x128x64xf32, #tpu.memory_space<vmem>> -> memref<1x128x64xf32, #tpu.memory_space<vmem>>
    %dma_start3A_144 = tpu.memref_squeeze %dma_start3A_143 : memref<1x128x64xf32, #tpu.memory_space<vmem>> -> memref<128x64xf32, #tpu.memory_space<vmem>>
    %dma_start3A_145 = arith.constant 0 : i32
    %dma_start3A_146 = tpu.memref_slice %arg6[%dma_start3A_138, %dma_start3A_145] : memref<160x128xi32, #tpu.memory_space<vmem>> -> memref<1x128xi32, #tpu.memory_space<vmem>>
    %dma_start3A_147 = tpu.memref_squeeze %dma_start3A_146 : memref<1x128xi32, #tpu.memory_space<vmem>> -> memref<128xi32, #tpu.memory_space<vmem>>
    %dma_start3A_148 = arith.constant 0 : i32
    %dma_start3A_149 = arith.constant 0 : i32
    %dma_start3A_150 = tpu.memref_slice %arg2[%arg0, %dma_start3A_148, %dma_start3A_149] : memref<2x10000x64xf32, #tpu.memory_space<hbm>> -> memref<1x10000x64xf32, #tpu.memory_space<hbm>>
    %dma_start3A_151 = tpu.memref_squeeze %dma_start3A_150 : memref<1x10000x64xf32, #tpu.memory_space<hbm>> -> memref<10000x64xf32, #tpu.memory_space<hbm>>
    %dma_start3A_152 = arith.constant 0 : i32
    %dma_start3A_153 = arith.constant 0 : i32
    %dma_start3A_154 = tpu.memref_slice %dma_start3A_151[%dma_start3A_152, %dma_start3A_153] : memref<10000x64xf32, #tpu.memory_space<hbm>> -> memref<10000x64xf32, #tpu.memory_space<hbm>>
    %dma_start3A_155 = tpu.memref_slice %arg10[%dma_start3A_140] : memref<5x!tpu.dma_semaphore, #tpu.memory_space<semaphore_mem>> -> memref<1x!tpu.dma_semaphore, #tpu.memory_space<semaphore_mem>>
    %dma_start3A_156 = tpu.memref_squeeze %dma_start3A_155 : memref<1x!tpu.dma_semaphore, #tpu.memory_space<semaphore_mem>> -> memref<!tpu.dma_semaphore, #tpu.memory_space<semaphore_mem>>
    tpu.enqueue_indirect_dma source(%dma_start3A_154 : memref<10000x64xf32, #tpu.memory_space<hbm>>) target(%dma_start3A_144 : memref<128x64xf32, #tpu.memory_space<vmem>>) offsets(%dma_start3A_147 : memref<128xi32, #tpu.memory_space<vmem>>) semaphore(%dma_start3A_156 : memref<!tpu.dma_semaphore, #tpu.memory_space<semaphore_mem>>)
    %scan3A_157 = arith.constant 0 : i32
    %scan3A_158 = arith.constant 0 : i32
    %scan3A_159 = arith.constant 32 : i32
    %scan3A_160 = arith.addi %scan3A_158, %scan3A_159 : i32
    %scan3A_161 = arith.constant 1 : i32
    scf.for %scan3A_239 = %scan3A_158 to %scan3A_160 step %scan3A_161  : i32 {
      %mul3A_240 = arith.constant 5 : i32
      %mul3A_241 = arith.muli %scan3A_239, %mul3A_240 : i32
      %dma_wait3A_242 = arith.constant 0 : i32
      %dma_wait3A_243 = arith.constant 0 : i32
      %dma_wait3A_244 = arith.constant 0 : i32
      %dma_wait3A_245 = arith.constant 0 : i32
      %dma_wait3A_246 = arith.constant 0 : i32
      %dma_wait3A_247 = tpu.memref_slice %arg8[%dma_wait3A_243, %dma_wait3A_245, %dma_wait3A_246] : memref<5x128x64xf32, #tpu.memory_space<vmem>> -> memref<1x128x64xf32, #tpu.memory_space<vmem>>
      %dma_wait3A_248 = tpu.memref_squeeze %dma_wait3A_247 : memref<1x128x64xf32, #tpu.memory_space<vmem>> -> memref<128x64xf32, #tpu.memory_space<vmem>>
      %dma_wait3A_249 = arith.constant 0 : i32
      %dma_wait3A_250 = tpu.memref_slice %arg6[%dma_wait3A_242, %dma_wait3A_249] : memref<160x128xi32, #tpu.memory_space<vmem>> -> memref<1x128xi32, #tpu.memory_space<vmem>>
      %dma_wait3A_251 = tpu.memref_squeeze %dma_wait3A_250 : memref<1x128xi32, #tpu.memory_space<vmem>> -> memref<128xi32, #tpu.memory_space<vmem>>
      %dma_wait3A_252 = arith.constant 0 : i32
      %dma_wait3A_253 = arith.constant 0 : i32
      %dma_wait3A_254 = tpu.memref_slice %arg2[%arg0, %dma_wait3A_252, %dma_wait3A_253] : memref<2x10000x64xf32, #tpu.memory_space<hbm>> -> memref<1x10000x64xf32, #tpu.memory_space<hbm>>
      %dma_wait3A_255 = tpu.memref_squeeze %dma_wait3A_254 : memref<1x10000x64xf32, #tpu.memory_space<hbm>> -> memref<10000x64xf32, #tpu.memory_space<hbm>>
      %dma_wait3A_256 = arith.constant 0 : i32
      %dma_wait3A_257 = arith.constant 0 : i32
      %dma_wait3A_258 = tpu.memref_slice %dma_wait3A_255[%dma_wait3A_256, %dma_wait3A_257] : memref<10000x64xf32, #tpu.memory_space<hbm>> -> memref<10000x64xf32, #tpu.memory_space<hbm>>
      %dma_wait3A_259 = tpu.memref_slice %arg10[%dma_wait3A_244] : memref<5x!tpu.dma_semaphore, #tpu.memory_space<semaphore_mem>> -> memref<1x!tpu.dma_semaphore, #tpu.memory_space<semaphore_mem>>
      %dma_wait3A_260 = tpu.memref_squeeze %dma_wait3A_259 : memref<1x!tpu.dma_semaphore, #tpu.memory_space<semaphore_mem>> -> memref<!tpu.dma_semaphore, #tpu.memory_space<semaphore_mem>>
      tpu.wait_indirect_dma semaphore(%dma_wait3A_260 : memref<!tpu.dma_semaphore, #tpu.memory_space<semaphore_mem>>) src(%dma_wait3A_258 : memref<10000x64xf32, #tpu.memory_space<hbm>>) dst(%dma_wait3A_248 : memref<128x64xf32, #tpu.memory_space<vmem>>)
      %add3A_261 = arith.constant 0 : i32
      %add3A_262 = arith.addi %mul3A_241, %add3A_261 : i32
      %dma_start3A_263 = arith.constant 0 : i32
      %dma_start3A_264 = arith.constant 0 : i32
      %dma_start3A_265 = arith.constant 0 : i32
      %dma_start3A_266 = arith.constant 0 : i32
      %dma_start3A_267 = tpu.memref_slice %arg8[%dma_start3A_263, %dma_start3A_265, %dma_start3A_266] : memref<5x128x64xf32, #tpu.memory_space<vmem>> -> memref<1x128x64xf32, #tpu.memory_space<vmem>>
      %dma_start3A_268 = tpu.memref_squeeze %dma_start3A_267 : memref<1x128x64xf32, #tpu.memory_space<vmem>> -> memref<128x64xf32, #tpu.memory_space<vmem>>
      %dma_start3A_269 = arith.constant 0 : i32
      %dma_start3A_270 = tpu.memref_slice %arg7[%add3A_262, %dma_start3A_269] : memref<160x128xi32, #tpu.memory_space<vmem>> -> memref<1x128xi32, #tpu.memory_space<vmem>>
      %dma_start3A_271 = tpu.memref_squeeze %dma_start3A_270 : memref<1x128xi32, #tpu.memory_space<vmem>> -> memref<128xi32, #tpu.memory_space<vmem>>
      %dma_start3A_272 = arith.constant 0 : i32
      %dma_start3A_273 = arith.constant 0 : i32
      %dma_start3A_274 = tpu.memref_slice %arg9[%dma_start3A_272, %dma_start3A_273] : memref<10016x64xf32, #tpu.memory_space<vmem_shared>> -> memref<10016x64xf32, #tpu.memory_space<vmem_shared>>
      %dma_start3A_275 = tpu.memref_slice %arg11[%dma_start3A_264] : memref<5x!tpu.dma_semaphore, #tpu.memory_space<semaphore_mem>> -> memref<1x!tpu.dma_semaphore, #tpu.memory_space<semaphore_mem>>
      %dma_start3A_276 = tpu.memref_squeeze %dma_start3A_275 : memref<1x!tpu.dma_semaphore, #tpu.memory_space<semaphore_mem>> -> memref<!tpu.dma_semaphore, #tpu.memory_space<semaphore_mem>>
      tpu.enqueue_indirect_dma source(%dma_start3A_268 : memref<128x64xf32, #tpu.memory_space<vmem>>) target(%dma_start3A_274 : memref<10016x64xf32, #tpu.memory_space<vmem_shared>>) offsets(%dma_start3A_271 : memref<128xi32, #tpu.memory_space<vmem>>) semaphore(%dma_start3A_276 : memref<!tpu.dma_semaphore, #tpu.memory_space<semaphore_mem>>) {add = true}
      %dma_wait3A_277 = arith.constant 0 : i32
      %dma_wait3A_278 = arith.constant 1 : i32
      %dma_wait3A_279 = arith.constant 1 : i32
      %dma_wait3A_280 = arith.constant 0 : i32
      %dma_wait3A_281 = arith.constant 0 : i32
      %dma_wait3A_282 = tpu.memref_slice %arg8[%dma_wait3A_278, %dma_wait3A_280, %dma_wait3A_281] : memref<5x128x64xf32, #tpu.memory_space<vmem>> -> memref<1x128x64xf32, #tpu.memory_space<vmem>>
      %dma_wait3A_283 = tpu.memref_squeeze %dma_wait3A_282 : memref<1x128x64xf32, #tpu.memory_space<vmem>> -> memref<128x64xf32, #tpu.memory_space<vmem>>
      %dma_wait3A_284 = arith.constant 0 : i32
      %dma_wait3A_285 = tpu.memref_slice %arg6[%dma_wait3A_277, %dma_wait3A_284] : memref<160x128xi32, #tpu.memory_space<vmem>> -> memref<1x128xi32, #tpu.memory_space<vmem>>
      %dma_wait3A_286 = tpu.memref_squeeze %dma_wait3A_285 : memref<1x128xi32, #tpu.memory_space<vmem>> -> memref<128xi32, #tpu.memory_space<vmem>>
      %dma_wait3A_287 = arith.constant 0 : i32
      %dma_wait3A_288 = arith.constant 0 : i32
      %dma_wait3A_289 = tpu.memref_slice %arg2[%arg0, %dma_wait3A_287, %dma_wait3A_288] : memref<2x10000x64xf32, #tpu.memory_space<hbm>> -> memref<1x10000x64xf32, #tpu.memory_space<hbm>>
      %dma_wait3A_290 = tpu.memref_squeeze %dma_wait3A_289 : memref<1x10000x64xf32, #tpu.memory_space<hbm>> -> memref<10000x64xf32, #tpu.memory_space<hbm>>
      %dma_wait3A_291 = arith.constant 0 : i32
      %dma_wait3A_292 = arith.constant 0 : i32
      %dma_wait3A_293 = tpu.memref_slice %dma_wait3A_290[%dma_wait3A_291, %dma_wait3A_292] : memref<10000x64xf32, #tpu.memory_space<hbm>> -> memref<10000x64xf32, #tpu.memory_space<hbm>>
      %dma_wait3A_294 = tpu.memref_slice %arg10[%dma_wait3A_279] : memref<5x!tpu.dma_semaphore, #tpu.memory_space<semaphore_mem>> -> memref<1x!tpu.dma_semaphore, #tpu.memory_space<semaphore_mem>>
      %dma_wait3A_295 = tpu.memref_squeeze %dma_wait3A_294 : memref<1x!tpu.dma_semaphore, #tpu.memory_space<semaphore_mem>> -> memref<!tpu.dma_semaphore, #tpu.memory_space<semaphore_mem>>
      tpu.wait_indirect_dma semaphore(%dma_wait3A_295 : memref<!tpu.dma_semaphore, #tpu.memory_space<semaphore_mem>>) src(%dma_wait3A_293 : memref<10000x64xf32, #tpu.memory_space<hbm>>) dst(%dma_wait3A_283 : memref<128x64xf32, #tpu.memory_space<vmem>>)
      %add3A_296 = arith.constant 1 : i32
      %add3A_297 = arith.addi %mul3A_241, %add3A_296 : i32
      %dma_start3A_298 = arith.constant 1 : i32
      %dma_start3A_299 = arith.constant 1 : i32
      %dma_start3A_300 = arith.constant 0 : i32
      %dma_start3A_301 = arith.constant 0 : i32
      %dma_start3A_302 = tpu.memref_slice %arg8[%dma_start3A_298, %dma_start3A_300, %dma_start3A_301] : memref<5x128x64xf32, #tpu.memory_space<vmem>> -> memref<1x128x64xf32, #tpu.memory_space<vmem>>
      %dma_start3A_303 = tpu.memref_squeeze %dma_start3A_302 : memref<1x128x64xf32, #tpu.memory_space<vmem>> -> memref<128x64xf32, #tpu.memory_space<vmem>>
      %dma_start3A_304 = arith.constant 0 : i32
      %dma_start3A_305 = tpu.memref_slice %arg7[%add3A_297, %dma_start3A_304] : memref<160x128xi32, #tpu.memory_space<vmem>> -> memref<1x128xi32, #tpu.memory_space<vmem>>
      %dma_start3A_306 = tpu.memref_squeeze %dma_start3A_305 : memref<1x128xi32, #tpu.memory_space<vmem>> -> memref<128xi32, #tpu.memory_space<vmem>>
      %dma_start3A_307 = arith.constant 0 : i32
      %dma_start3A_308 = arith.constant 0 : i32
      %dma_start3A_309 = tpu.memref_slice %arg9[%dma_start3A_307, %dma_start3A_308] : memref<10016x64xf32, #tpu.memory_space<vmem_shared>> -> memref<10016x64xf32, #tpu.memory_space<vmem_shared>>
      %dma_start3A_310 = tpu.memref_slice %arg11[%dma_start3A_299] : memref<5x!tpu.dma_semaphore, #tpu.memory_space<semaphore_mem>> -> memref<1x!tpu.dma_semaphore, #tpu.memory_space<semaphore_mem>>
      %dma_start3A_311 = tpu.memref_squeeze %dma_start3A_310 : memref<1x!tpu.dma_semaphore, #tpu.memory_space<semaphore_mem>> -> memref<!tpu.dma_semaphore, #tpu.memory_space<semaphore_mem>>
      tpu.enqueue_indirect_dma source(%dma_start3A_303 : memref<128x64xf32, #tpu.memory_space<vmem>>) target(%dma_start3A_309 : memref<10016x64xf32, #tpu.memory_space<vmem_shared>>) offsets(%dma_start3A_306 : memref<128xi32, #tpu.memory_space<vmem>>) semaphore(%dma_start3A_311 : memref<!tpu.dma_semaphore, #tpu.memory_space<semaphore_mem>>) {add = true}
      %dma_wait3A_312 = arith.constant 0 : i32
      %dma_wait3A_313 = arith.constant 2 : i32
      %dma_wait3A_314 = arith.constant 2 : i32
      %dma_wait3A_315 = arith.constant 0 : i32
      %dma_wait3A_316 = arith.constant 0 : i32
      %dma_wait3A_317 = tpu.memref_slice %arg8[%dma_wait3A_313, %dma_wait3A_315, %dma_wait3A_316] : memref<5x128x64xf32, #tpu.memory_space<vmem>> -> memref<1x128x64xf32, #tpu.memory_space<vmem>>
      %dma_wait3A_318 = tpu.memref_squeeze %dma_wait3A_317 : memref<1x128x64xf32, #tpu.memory_space<vmem>> -> memref<128x64xf32, #tpu.memory_space<vmem>>
      %dma_wait3A_319 = arith.constant 0 : i32
      %dma_wait3A_320 = tpu.memref_slice %arg6[%dma_wait3A_312, %dma_wait3A_319] : memref<160x128xi32, #tpu.memory_space<vmem>> -> memref<1x128xi32, #tpu.memory_space<vmem>>
      %dma_wait3A_321 = tpu.memref_squeeze %dma_wait3A_320 : memref<1x128xi32, #tpu.memory_space<vmem>> -> memref<128xi32, #tpu.memory_space<vmem>>
      %dma_wait3A_322 = arith.constant 0 : i32
      %dma_wait3A_323 = arith.constant 0 : i32
      %dma_wait3A_324 = tpu.memref_slice %arg2[%arg0, %dma_wait3A_322, %dma_wait3A_323] : memref<2x10000x64xf32, #tpu.memory_space<hbm>> -> memref<1x10000x64xf32, #tpu.memory_space<hbm>>
      %dma_wait3A_325 = tpu.memref_squeeze %dma_wait3A_324 : memref<1x10000x64xf32, #tpu.memory_space<hbm>> -> memref<10000x64xf32, #tpu.memory_space<hbm>>
      %dma_wait3A_326 = arith.constant 0 : i32
      %dma_wait3A_327 = arith.constant 0 : i32
      %dma_wait3A_328 = tpu.memref_slice %dma_wait3A_325[%dma_wait3A_326, %dma_wait3A_327] : memref<10000x64xf32, #tpu.memory_space<hbm>> -> memref<10000x64xf32, #tpu.memory_space<hbm>>
      %dma_wait3A_329 = tpu.memref_slice %arg10[%dma_wait3A_314] : memref<5x!tpu.dma_semaphore, #tpu.memory_space<semaphore_mem>> -> memref<1x!tpu.dma_semaphore, #tpu.memory_space<semaphore_mem>>
      %dma_wait3A_330 = tpu.memref_squeeze %dma_wait3A_329 : memref<1x!tpu.dma_semaphore, #tpu.memory_space<semaphore_mem>> -> memref<!tpu.dma_semaphore, #tpu.memory_space<semaphore_mem>>
      tpu.wait_indirect_dma semaphore(%dma_wait3A_330 : memref<!tpu.dma_semaphore, #tpu.memory_space<semaphore_mem>>) src(%dma_wait3A_328 : memref<10000x64xf32, #tpu.memory_space<hbm>>) dst(%dma_wait3A_318 : memref<128x64xf32, #tpu.memory_space<vmem>>)
      %add3A_331 = arith.constant 2 : i32
      %add3A_332 = arith.addi %mul3A_241, %add3A_331 : i32
      %dma_start3A_333 = arith.constant 2 : i32
      %dma_start3A_334 = arith.constant 2 : i32
      %dma_start3A_335 = arith.constant 0 : i32
      %dma_start3A_336 = arith.constant 0 : i32
      %dma_start3A_337 = tpu.memref_slice %arg8[%dma_start3A_333, %dma_start3A_335, %dma_start3A_336] : memref<5x128x64xf32, #tpu.memory_space<vmem>> -> memref<1x128x64xf32, #tpu.memory_space<vmem>>
      %dma_start3A_338 = tpu.memref_squeeze %dma_start3A_337 : memref<1x128x64xf32, #tpu.memory_space<vmem>> -> memref<128x64xf32, #tpu.memory_space<vmem>>
      %dma_start3A_339 = arith.constant 0 : i32
      %dma_start3A_340 = tpu.memref_slice %arg7[%add3A_332, %dma_start3A_339] : memref<160x128xi32, #tpu.memory_space<vmem>> -> memref<1x128xi32, #tpu.memory_space<vmem>>
      %dma_start3A_341 = tpu.memref_squeeze %dma_start3A_340 : memref<1x128xi32, #tpu.memory_space<vmem>> -> memref<128xi32, #tpu.memory_space<vmem>>
      %dma_start3A_342 = arith.constant 0 : i32
      %dma_start3A_343 = arith.constant 0 : i32
      %dma_start3A_344 = tpu.memref_slice %arg9[%dma_start3A_342, %dma_start3A_343] : memref<10016x64xf32, #tpu.memory_space<vmem_shared>> -> memref<10016x64xf32, #tpu.memory_space<vmem_shared>>
      %dma_start3A_345 = tpu.memref_slice %arg11[%dma_start3A_334] : memref<5x!tpu.dma_semaphore, #tpu.memory_space<semaphore_mem>> -> memref<1x!tpu.dma_semaphore, #tpu.memory_space<semaphore_mem>>
      %dma_start3A_346 = tpu.memref_squeeze %dma_start3A_345 : memref<1x!tpu.dma_semaphore, #tpu.memory_space<semaphore_mem>> -> memref<!tpu.dma_semaphore, #tpu.memory_space<semaphore_mem>>
      tpu.enqueue_indirect_dma source(%dma_start3A_338 : memref<128x64xf32, #tpu.memory_space<vmem>>) target(%dma_start3A_344 : memref<10016x64xf32, #tpu.memory_space<vmem_shared>>) offsets(%dma_start3A_341 : memref<128xi32, #tpu.memory_space<vmem>>) semaphore(%dma_start3A_346 : memref<!tpu.dma_semaphore, #tpu.memory_space<semaphore_mem>>) {add = true}
      %dma_wait3A_347 = arith.constant 0 : i32
      %dma_wait3A_348 = arith.constant 3 : i32
      %dma_wait3A_349 = arith.constant 3 : i32
      %dma_wait3A_350 = arith.constant 0 : i32
      %dma_wait3A_351 = arith.constant 0 : i32
      %dma_wait3A_352 = tpu.memref_slice %arg8[%dma_wait3A_348, %dma_wait3A_350, %dma_wait3A_351] : memref<5x128x64xf32, #tpu.memory_space<vmem>> -> memref<1x128x64xf32, #tpu.memory_space<vmem>>
      %dma_wait3A_353 = tpu.memref_squeeze %dma_wait3A_352 : memref<1x128x64xf32, #tpu.memory_space<vmem>> -> memref<128x64xf32, #tpu.memory_space<vmem>>
      %dma_wait3A_354 = arith.constant 0 : i32
      %dma_wait3A_355 = tpu.memref_slice %arg6[%dma_wait3A_347, %dma_wait3A_354] : memref<160x128xi32, #tpu.memory_space<vmem>> -> memref<1x128xi32, #tpu.memory_space<vmem>>
      %dma_wait3A_356 = tpu.memref_squeeze %dma_wait3A_355 : memref<1x128xi32, #tpu.memory_space<vmem>> -> memref<128xi32, #tpu.memory_space<vmem>>
      %dma_wait3A_357 = arith.constant 0 : i32
      %dma_wait3A_358 = arith.constant 0 : i32
      %dma_wait3A_359 = tpu.memref_slice %arg2[%arg0, %dma_wait3A_357, %dma_wait3A_358] : memref<2x10000x64xf32, #tpu.memory_space<hbm>> -> memref<1x10000x64xf32, #tpu.memory_space<hbm>>
      %dma_wait3A_360 = tpu.memref_squeeze %dma_wait3A_359 : memref<1x10000x64xf32, #tpu.memory_space<hbm>> -> memref<10000x64xf32, #tpu.memory_space<hbm>>
      %dma_wait3A_361 = arith.constant 0 : i32
      %dma_wait3A_362 = arith.constant 0 : i32
      %dma_wait3A_363 = tpu.memref_slice %dma_wait3A_360[%dma_wait3A_361, %dma_wait3A_362] : memref<10000x64xf32, #tpu.memory_space<hbm>> -> memref<10000x64xf32, #tpu.memory_space<hbm>>
      %dma_wait3A_364 = tpu.memref_slice %arg10[%dma_wait3A_349] : memref<5x!tpu.dma_semaphore, #tpu.memory_space<semaphore_mem>> -> memref<1x!tpu.dma_semaphore, #tpu.memory_space<semaphore_mem>>
      %dma_wait3A_365 = tpu.memref_squeeze %dma_wait3A_364 : memref<1x!tpu.dma_semaphore, #tpu.memory_space<semaphore_mem>> -> memref<!tpu.dma_semaphore, #tpu.memory_space<semaphore_mem>>
      tpu.wait_indirect_dma semaphore(%dma_wait3A_365 : memref<!tpu.dma_semaphore, #tpu.memory_space<semaphore_mem>>) src(%dma_wait3A_363 : memref<10000x64xf32, #tpu.memory_space<hbm>>) dst(%dma_wait3A_353 : memref<128x64xf32, #tpu.memory_space<vmem>>)
      %add3A_366 = arith.constant 3 : i32
      %add3A_367 = arith.addi %mul3A_241, %add3A_366 : i32
      %dma_start3A_368 = arith.constant 3 : i32
      %dma_start3A_369 = arith.constant 3 : i32
      %dma_start3A_370 = arith.constant 0 : i32
      %dma_start3A_371 = arith.constant 0 : i32
      %dma_start3A_372 = tpu.memref_slice %arg8[%dma_start3A_368, %dma_start3A_370, %dma_start3A_371] : memref<5x128x64xf32, #tpu.memory_space<vmem>> -> memref<1x128x64xf32, #tpu.memory_space<vmem>>
      %dma_start3A_373 = tpu.memref_squeeze %dma_start3A_372 : memref<1x128x64xf32, #tpu.memory_space<vmem>> -> memref<128x64xf32, #tpu.memory_space<vmem>>
      %dma_start3A_374 = arith.constant 0 : i32
      %dma_start3A_375 = tpu.memref_slice %arg7[%add3A_367, %dma_start3A_374] : memref<160x128xi32, #tpu.memory_space<vmem>> -> memref<1x128xi32, #tpu.memory_space<vmem>>
      %dma_start3A_376 = tpu.memref_squeeze %dma_start3A_375 : memref<1x128xi32, #tpu.memory_space<vmem>> -> memref<128xi32, #tpu.memory_space<vmem>>
      %dma_start3A_377 = arith.constant 0 : i32
      %dma_start3A_378 = arith.constant 0 : i32
      %dma_start3A_379 = tpu.memref_slice %arg9[%dma_start3A_377, %dma_start3A_378] : memref<10016x64xf32, #tpu.memory_space<vmem_shared>> -> memref<10016x64xf32, #tpu.memory_space<vmem_shared>>
      %dma_start3A_380 = tpu.memref_slice %arg11[%dma_start3A_369] : memref<5x!tpu.dma_semaphore, #tpu.memory_space<semaphore_mem>> -> memref<1x!tpu.dma_semaphore, #tpu.memory_space<semaphore_mem>>
      %dma_start3A_381 = tpu.memref_squeeze %dma_start3A_380 : memref<1x!tpu.dma_semaphore, #tpu.memory_space<semaphore_mem>> -> memref<!tpu.dma_semaphore, #tpu.memory_space<semaphore_mem>>
      tpu.enqueue_indirect_dma source(%dma_start3A_373 : memref<128x64xf32, #tpu.memory_space<vmem>>) target(%dma_start3A_379 : memref<10016x64xf32, #tpu.memory_space<vmem_shared>>) offsets(%dma_start3A_376 : memref<128xi32, #tpu.memory_space<vmem>>) semaphore(%dma_start3A_381 : memref<!tpu.dma_semaphore, #tpu.memory_space<semaphore_mem>>) {add = true}
      %dma_wait3A_382 = arith.constant 0 : i32
      %dma_wait3A_383 = arith.constant 4 : i32
      %dma_wait3A_384 = arith.constant 4 : i32
      %dma_wait3A_385 = arith.constant 0 : i32
      %dma_wait3A_386 = arith.constant 0 : i32
      %dma_wait3A_387 = tpu.memref_slice %arg8[%dma_wait3A_383, %dma_wait3A_385, %dma_wait3A_386] : memref<5x128x64xf32, #tpu.memory_space<vmem>> -> memref<1x128x64xf32, #tpu.memory_space<vmem>>
      %dma_wait3A_388 = tpu.memref_squeeze %dma_wait3A_387 : memref<1x128x64xf32, #tpu.memory_space<vmem>> -> memref<128x64xf32, #tpu.memory_space<vmem>>
      %dma_wait3A_389 = arith.constant 0 : i32
      %dma_wait3A_390 = tpu.memref_slice %arg6[%dma_wait3A_382, %dma_wait3A_389] : memref<160x128xi32, #tpu.memory_space<vmem>> -> memref<1x128xi32, #tpu.memory_space<vmem>>
      %dma_wait3A_391 = tpu.memref_squeeze %dma_wait3A_390 : memref<1x128xi32, #tpu.memory_space<vmem>> -> memref<128xi32, #tpu.memory_space<vmem>>
      %dma_wait3A_392 = arith.constant 0 : i32
      %dma_wait3A_393 = arith.constant 0 : i32
      %dma_wait3A_394 = tpu.memref_slice %arg2[%arg0, %dma_wait3A_392, %dma_wait3A_393] : memref<2x10000x64xf32, #tpu.memory_space<hbm>> -> memref<1x10000x64xf32, #tpu.memory_space<hbm>>
      %dma_wait3A_395 = tpu.memref_squeeze %dma_wait3A_394 : memref<1x10000x64xf32, #tpu.memory_space<hbm>> -> memref<10000x64xf32, #tpu.memory_space<hbm>>
      %dma_wait3A_396 = arith.constant 0 : i32
      %dma_wait3A_397 = arith.constant 0 : i32
      %dma_wait3A_398 = tpu.memref_slice %dma_wait3A_395[%dma_wait3A_396, %dma_wait3A_397] : memref<10000x64xf32, #tpu.memory_space<hbm>> -> memref<10000x64xf32, #tpu.memory_space<hbm>>
      %dma_wait3A_399 = tpu.memref_slice %arg10[%dma_wait3A_384] : memref<5x!tpu.dma_semaphore, #tpu.memory_space<semaphore_mem>> -> memref<1x!tpu.dma_semaphore, #tpu.memory_space<semaphore_mem>>
      %dma_wait3A_400 = tpu.memref_squeeze %dma_wait3A_399 : memref<1x!tpu.dma_semaphore, #tpu.memory_space<semaphore_mem>> -> memref<!tpu.dma_semaphore, #tpu.memory_space<semaphore_mem>>
      tpu.wait_indirect_dma semaphore(%dma_wait3A_400 : memref<!tpu.dma_semaphore, #tpu.memory_space<semaphore_mem>>) src(%dma_wait3A_398 : memref<10000x64xf32, #tpu.memory_space<hbm>>) dst(%dma_wait3A_388 : memref<128x64xf32, #tpu.memory_space<vmem>>)
      %add3A_401 = arith.constant 4 : i32
      %add3A_402 = arith.addi %mul3A_241, %add3A_401 : i32
      %dma_start3A_403 = arith.constant 4 : i32
      %dma_start3A_404 = arith.constant 4 : i32
      %dma_start3A_405 = arith.constant 0 : i32
      %dma_start3A_406 = arith.constant 0 : i32
      %dma_start3A_407 = tpu.memref_slice %arg8[%dma_start3A_403, %dma_start3A_405, %dma_start3A_406] : memref<5x128x64xf32, #tpu.memory_space<vmem>> -> memref<1x128x64xf32, #tpu.memory_space<vmem>>
      %dma_start3A_408 = tpu.memref_squeeze %dma_start3A_407 : memref<1x128x64xf32, #tpu.memory_space<vmem>> -> memref<128x64xf32, #tpu.memory_space<vmem>>
      %dma_start3A_409 = arith.constant 0 : i32
      %dma_start3A_410 = tpu.memref_slice %arg7[%add3A_402, %dma_start3A_409] : memref<160x128xi32, #tpu.memory_space<vmem>> -> memref<1x128xi32, #tpu.memory_space<vmem>>
      %dma_start3A_411 = tpu.memref_squeeze %dma_start3A_410 : memref<1x128xi32, #tpu.memory_space<vmem>> -> memref<128xi32, #tpu.memory_space<vmem>>
      %dma_start3A_412 = arith.constant 0 : i32
      %dma_start3A_413 = arith.constant 0 : i32
      %dma_start3A_414 = tpu.memref_slice %arg9[%dma_start3A_412, %dma_start3A_413] : memref<10016x64xf32, #tpu.memory_space<vmem_shared>> -> memref<10016x64xf32, #tpu.memory_space<vmem_shared>>
      %dma_start3A_415 = tpu.memref_slice %arg11[%dma_start3A_404] : memref<5x!tpu.dma_semaphore, #tpu.memory_space<semaphore_mem>> -> memref<1x!tpu.dma_semaphore, #tpu.memory_space<semaphore_mem>>
      %dma_start3A_416 = tpu.memref_squeeze %dma_start3A_415 : memref<1x!tpu.dma_semaphore, #tpu.memory_space<semaphore_mem>> -> memref<!tpu.dma_semaphore, #tpu.memory_space<semaphore_mem>>
      tpu.enqueue_indirect_dma source(%dma_start3A_408 : memref<128x64xf32, #tpu.memory_space<vmem>>) target(%dma_start3A_414 : memref<10016x64xf32, #tpu.memory_space<vmem_shared>>) offsets(%dma_start3A_411 : memref<128xi32, #tpu.memory_space<vmem>>) semaphore(%dma_start3A_416 : memref<!tpu.dma_semaphore, #tpu.memory_space<semaphore_mem>>) {add = true}
      %lt3A = arith.constant 31 : i32
      %lt3A_417 = arith.cmpi slt, %scan3A_239, %lt3A : i32
      %convert_element_type3A = arith.extui %lt3A_417 : i1 to i32
      %cond3A = arith.constant 0 : i32
      %cond3A_418 = arith.cmpi ne, %convert_element_type3A, %cond3A : i32
      scf.if %cond3A_418 {
        %dma_wait3A_439 = arith.constant 0 : i32
        %dma_wait3A_440 = arith.constant 0 : i32
        %dma_wait3A_441 = arith.constant 0 : i32
        %dma_wait3A_442 = arith.constant 0 : i32
        %dma_wait3A_443 = arith.constant 0 : i32
        %dma_wait3A_444 = tpu.memref_slice %arg8[%dma_wait3A_439, %dma_wait3A_442, %dma_wait3A_443] : memref<5x128x64xf32, #tpu.memory_space<vmem>> -> memref<1x128x64xf32, #tpu.memory_space<vmem>>
        %dma_wait3A_445 = tpu.memref_squeeze %dma_wait3A_444 : memref<1x128x64xf32, #tpu.memory_space<vmem>> -> memref<128x64xf32, #tpu.memory_space<vmem>>
        %dma_wait3A_446 = arith.constant 0 : i32
        %dma_wait3A_447 = tpu.memref_slice %arg7[%dma_wait3A_440, %dma_wait3A_446] : memref<160x128xi32, #tpu.memory_space<vmem>> -> memref<1x128xi32, #tpu.memory_space<vmem>>
        %dma_wait3A_448 = tpu.memref_squeeze %dma_wait3A_447 : memref<1x128xi32, #tpu.memory_space<vmem>> -> memref<128xi32, #tpu.memory_space<vmem>>
        %dma_wait3A_449 = arith.constant 0 : i32
        %dma_wait3A_450 = arith.constant 0 : i32
        %dma_wait3A_451 = tpu.memref_slice %arg9[%dma_wait3A_449, %dma_wait3A_450] : memref<10016x64xf32, #tpu.memory_space<vmem_shared>> -> memref<10016x64xf32, #tpu.memory_space<vmem_shared>>
        %dma_wait3A_452 = tpu.memref_slice %arg11[%dma_wait3A_441] : memref<5x!tpu.dma_semaphore, #tpu.memory_space<semaphore_mem>> -> memref<1x!tpu.dma_semaphore, #tpu.memory_space<semaphore_mem>>
        %dma_wait3A_453 = tpu.memref_squeeze %dma_wait3A_452 : memref<1x!tpu.dma_semaphore, #tpu.memory_space<semaphore_mem>> -> memref<!tpu.dma_semaphore, #tpu.memory_space<semaphore_mem>>
        tpu.wait_indirect_dma semaphore(%dma_wait3A_453 : memref<!tpu.dma_semaphore, #tpu.memory_space<semaphore_mem>>) src(%dma_wait3A_445 : memref<128x64xf32, #tpu.memory_space<vmem>>) dst(%dma_wait3A_451 : memref<10016x64xf32, #tpu.memory_space<vmem_shared>>)
        %add3A_454 = arith.constant 5 : i32
        %add3A_455 = arith.addi %mul3A_241, %add3A_454 : i32
        %add3A_456 = arith.constant 0 : i32
        %add3A_457 = arith.addi %add3A_455, %add3A_456 : i32
        %dma_start3A_458 = arith.constant 0 : i32
        %dma_start3A_459 = arith.constant 0 : i32
        %dma_start3A_460 = arith.constant 0 : i32
        %dma_start3A_461 = arith.constant 0 : i32
        %dma_start3A_462 = tpu.memref_slice %arg8[%dma_start3A_458, %dma_start3A_460, %dma_start3A_461] : memref<5x128x64xf32, #tpu.memory_space<vmem>> -> memref<1x128x64xf32, #tpu.memory_space<vmem>>
        %dma_start3A_463 = tpu.memref_squeeze %dma_start3A_462 : memref<1x128x64xf32, #tpu.memory_space<vmem>> -> memref<128x64xf32, #tpu.memory_space<vmem>>
        %dma_start3A_464 = arith.constant 0 : i32
        %dma_start3A_465 = tpu.memref_slice %arg6[%add3A_457, %dma_start3A_464] : memref<160x128xi32, #tpu.memory_space<vmem>> -> memref<1x128xi32, #tpu.memory_space<vmem>>
        %dma_start3A_466 = tpu.memref_squeeze %dma_start3A_465 : memref<1x128xi32, #tpu.memory_space<vmem>> -> memref<128xi32, #tpu.memory_space<vmem>>
        %dma_start3A_467 = arith.constant 0 : i32
        %dma_start3A_468 = arith.constant 0 : i32
        %dma_start3A_469 = tpu.memref_slice %arg2[%arg0, %dma_start3A_467, %dma_start3A_468] : memref<2x10000x64xf32, #tpu.memory_space<hbm>> -> memref<1x10000x64xf32, #tpu.memory_space<hbm>>
        %dma_start3A_470 = tpu.memref_squeeze %dma_start3A_469 : memref<1x10000x64xf32, #tpu.memory_space<hbm>> -> memref<10000x64xf32, #tpu.memory_space<hbm>>
        %dma_start3A_471 = arith.constant 0 : i32
        %dma_start3A_472 = arith.constant 0 : i32
        %dma_start3A_473 = tpu.memref_slice %dma_start3A_470[%dma_start3A_471, %dma_start3A_472] : memref<10000x64xf32, #tpu.memory_space<hbm>> -> memref<10000x64xf32, #tpu.memory_space<hbm>>
        %dma_start3A_474 = tpu.memref_slice %arg10[%dma_start3A_459] : memref<5x!tpu.dma_semaphore, #tpu.memory_space<semaphore_mem>> -> memref<1x!tpu.dma_semaphore, #tpu.memory_space<semaphore_mem>>
        %dma_start3A_475 = tpu.memref_squeeze %dma_start3A_474 : memref<1x!tpu.dma_semaphore, #tpu.memory_space<semaphore_mem>> -> memref<!tpu.dma_semaphore, #tpu.memory_space<semaphore_mem>>
        tpu.enqueue_indirect_dma source(%dma_start3A_473 : memref<10000x64xf32, #tpu.memory_space<hbm>>) target(%dma_start3A_463 : memref<128x64xf32, #tpu.memory_space<vmem>>) offsets(%dma_start3A_466 : memref<128xi32, #tpu.memory_space<vmem>>) semaphore(%dma_start3A_475 : memref<!tpu.dma_semaphore, #tpu.memory_space<semaphore_mem>>)
      } else {
      }
      %lt3A_419 = arith.constant 31 : i32
      %lt3A_420 = arith.cmpi slt, %scan3A_239, %lt3A_419 : i32
      %convert_element_type3A_421 = arith.extui %lt3A_420 : i1 to i32
      %cond3A_422 = arith.constant 0 : i32
      %cond3A_423 = arith.cmpi ne, %convert_element_type3A_421, %cond3A_422 : i32
      scf.if %cond3A_423 {
        %dma_wait3A_439 = arith.constant 1 : i32
        %dma_wait3A_440 = arith.constant 0 : i32
        %dma_wait3A_441 = arith.constant 1 : i32
        %dma_wait3A_442 = arith.constant 0 : i32
        %dma_wait3A_443 = arith.constant 0 : i32
        %dma_wait3A_444 = tpu.memref_slice %arg8[%dma_wait3A_439, %dma_wait3A_442, %dma_wait3A_443] : memref<5x128x64xf32, #tpu.memory_space<vmem>> -> memref<1x128x64xf32, #tpu.memory_space<vmem>>
        %dma_wait3A_445 = tpu.memref_squeeze %dma_wait3A_444 : memref<1x128x64xf32, #tpu.memory_space<vmem>> -> memref<128x64xf32, #tpu.memory_space<vmem>>
        %dma_wait3A_446 = arith.constant 0 : i32
        %dma_wait3A_447 = tpu.memref_slice %arg7[%dma_wait3A_440, %dma_wait3A_446] : memref<160x128xi32, #tpu.memory_space<vmem>> -> memref<1x128xi32, #tpu.memory_space<vmem>>
        %dma_wait3A_448 = tpu.memref_squeeze %dma_wait3A_447 : memref<1x128xi32, #tpu.memory_space<vmem>> -> memref<128xi32, #tpu.memory_space<vmem>>
        %dma_wait3A_449 = arith.constant 0 : i32
        %dma_wait3A_450 = arith.constant 0 : i32
        %dma_wait3A_451 = tpu.memref_slice %arg9[%dma_wait3A_449, %dma_wait3A_450] : memref<10016x64xf32, #tpu.memory_space<vmem_shared>> -> memref<10016x64xf32, #tpu.memory_space<vmem_shared>>
        %dma_wait3A_452 = tpu.memref_slice %arg11[%dma_wait3A_441] : memref<5x!tpu.dma_semaphore, #tpu.memory_space<semaphore_mem>> -> memref<1x!tpu.dma_semaphore, #tpu.memory_space<semaphore_mem>>
        %dma_wait3A_453 = tpu.memref_squeeze %dma_wait3A_452 : memref<1x!tpu.dma_semaphore, #tpu.memory_space<semaphore_mem>> -> memref<!tpu.dma_semaphore, #tpu.memory_space<semaphore_mem>>
        tpu.wait_indirect_dma semaphore(%dma_wait3A_453 : memref<!tpu.dma_semaphore, #tpu.memory_space<semaphore_mem>>) src(%dma_wait3A_445 : memref<128x64xf32, #tpu.memory_space<vmem>>) dst(%dma_wait3A_451 : memref<10016x64xf32, #tpu.memory_space<vmem_shared>>)
        %add3A_454 = arith.constant 5 : i32
        %add3A_455 = arith.addi %mul3A_241, %add3A_454 : i32
        %add3A_456 = arith.constant 1 : i32
        %add3A_457 = arith.addi %add3A_455, %add3A_456 : i32
        %dma_start3A_458 = arith.constant 1 : i32
        %dma_start3A_459 = arith.constant 1 : i32
        %dma_start3A_460 = arith.constant 0 : i32
        %dma_start3A_461 = arith.constant 0 : i32
        %dma_start3A_462 = tpu.memref_slice %arg8[%dma_start3A_458, %dma_start3A_460, %dma_start3A_461] : memref<5x128x64xf32, #tpu.memory_space<vmem>> -> memref<1x128x64xf32, #tpu.memory_space<vmem>>
        %dma_start3A_463 = tpu.memref_squeeze %dma_start3A_462 : memref<1x128x64xf32, #tpu.memory_space<vmem>> -> memref<128x64xf32, #tpu.memory_space<vmem>>
        %dma_start3A_464 = arith.constant 0 : i32
        %dma_start3A_465 = tpu.memref_slice %arg6[%add3A_457, %dma_start3A_464] : memref<160x128xi32, #tpu.memory_space<vmem>> -> memref<1x128xi32, #tpu.memory_space<vmem>>
        %dma_start3A_466 = tpu.memref_squeeze %dma_start3A_465 : memref<1x128xi32, #tpu.memory_space<vmem>> -> memref<128xi32, #tpu.memory_space<vmem>>
        %dma_start3A_467 = arith.constant 0 : i32
        %dma_start3A_468 = arith.constant 0 : i32
        %dma_start3A_469 = tpu.memref_slice %arg2[%arg0, %dma_start3A_467, %dma_start3A_468] : memref<2x10000x64xf32, #tpu.memory_space<hbm>> -> memref<1x10000x64xf32, #tpu.memory_space<hbm>>
        %dma_start3A_470 = tpu.memref_squeeze %dma_start3A_469 : memref<1x10000x64xf32, #tpu.memory_space<hbm>> -> memref<10000x64xf32, #tpu.memory_space<hbm>>
        %dma_start3A_471 = arith.constant 0 : i32
        %dma_start3A_472 = arith.constant 0 : i32
        %dma_start3A_473 = tpu.memref_slice %dma_start3A_470[%dma_start3A_471, %dma_start3A_472] : memref<10000x64xf32, #tpu.memory_space<hbm>> -> memref<10000x64xf32, #tpu.memory_space<hbm>>
        %dma_start3A_474 = tpu.memref_slice %arg10[%dma_start3A_459] : memref<5x!tpu.dma_semaphore, #tpu.memory_space<semaphore_mem>> -> memref<1x!tpu.dma_semaphore, #tpu.memory_space<semaphore_mem>>
        %dma_start3A_475 = tpu.memref_squeeze %dma_start3A_474 : memref<1x!tpu.dma_semaphore, #tpu.memory_space<semaphore_mem>> -> memref<!tpu.dma_semaphore, #tpu.memory_space<semaphore_mem>>
        tpu.enqueue_indirect_dma source(%dma_start3A_473 : memref<10000x64xf32, #tpu.memory_space<hbm>>) target(%dma_start3A_463 : memref<128x64xf32, #tpu.memory_space<vmem>>) offsets(%dma_start3A_466 : memref<128xi32, #tpu.memory_space<vmem>>) semaphore(%dma_start3A_475 : memref<!tpu.dma_semaphore, #tpu.memory_space<semaphore_mem>>)
      } else {
      }
      %lt3A_424 = arith.constant 31 : i32
      %lt3A_425 = arith.cmpi slt, %scan3A_239, %lt3A_424 : i32
      %convert_element_type3A_426 = arith.extui %lt3A_425 : i1 to i32
      %cond3A_427 = arith.constant 0 : i32
      %cond3A_428 = arith.cmpi ne, %convert_element_type3A_426, %cond3A_427 : i32
      scf.if %cond3A_428 {
        %dma_wait3A_439 = arith.constant 2 : i32
        %dma_wait3A_440 = arith.constant 0 : i32
        %dma_wait3A_441 = arith.constant 2 : i32
        %dma_wait3A_442 = arith.constant 0 : i32
        %dma_wait3A_443 = arith.constant 0 : i32
        %dma_wait3A_444 = tpu.memref_slice %arg8[%dma_wait3A_439, %dma_wait3A_442, %dma_wait3A_443] : memref<5x128x64xf32, #tpu.memory_space<vmem>> -> memref<1x128x64xf32, #tpu.memory_space<vmem>>
        %dma_wait3A_445 = tpu.memref_squeeze %dma_wait3A_444 : memref<1x128x64xf32, #tpu.memory_space<vmem>> -> memref<128x64xf32, #tpu.memory_space<vmem>>
        %dma_wait3A_446 = arith.constant 0 : i32
        %dma_wait3A_447 = tpu.memref_slice %arg7[%dma_wait3A_440, %dma_wait3A_446] : memref<160x128xi32, #tpu.memory_space<vmem>> -> memref<1x128xi32, #tpu.memory_space<vmem>>
        %dma_wait3A_448 = tpu.memref_squeeze %dma_wait3A_447 : memref<1x128xi32, #tpu.memory_space<vmem>> -> memref<128xi32, #tpu.memory_space<vmem>>
        %dma_wait3A_449 = arith.constant 0 : i32
        %dma_wait3A_450 = arith.constant 0 : i32
        %dma_wait3A_451 = tpu.memref_slice %arg9[%dma_wait3A_449, %dma_wait3A_450] : memref<10016x64xf32, #tpu.memory_space<vmem_shared>> -> memref<10016x64xf32, #tpu.memory_space<vmem_shared>>
        %dma_wait3A_452 = tpu.memref_slice %arg11[%dma_wait3A_441] : memref<5x!tpu.dma_semaphore, #tpu.memory_space<semaphore_mem>> -> memref<1x!tpu.dma_semaphore, #tpu.memory_space<semaphore_mem>>
        %dma_wait3A_453 = tpu.memref_squeeze %dma_wait3A_452 : memref<1x!tpu.dma_semaphore, #tpu.memory_space<semaphore_mem>> -> memref<!tpu.dma_semaphore, #tpu.memory_space<semaphore_mem>>
        tpu.wait_indirect_dma semaphore(%dma_wait3A_453 : memref<!tpu.dma_semaphore, #tpu.memory_space<semaphore_mem>>) src(%dma_wait3A_445 : memref<128x64xf32, #tpu.memory_space<vmem>>) dst(%dma_wait3A_451 : memref<10016x64xf32, #tpu.memory_space<vmem_shared>>)
        %add3A_454 = arith.constant 5 : i32
        %add3A_455 = arith.addi %mul3A_241, %add3A_454 : i32
        %add3A_456 = arith.constant 2 : i32
        %add3A_457 = arith.addi %add3A_455, %add3A_456 : i32
        %dma_start3A_458 = arith.constant 2 : i32
        %dma_start3A_459 = arith.constant 2 : i32
        %dma_start3A_460 = arith.constant 0 : i32
        %dma_start3A_461 = arith.constant 0 : i32
        %dma_start3A_462 = tpu.memref_slice %arg8[%dma_start3A_458, %dma_start3A_460, %dma_start3A_461] : memref<5x128x64xf32, #tpu.memory_space<vmem>> -> memref<1x128x64xf32, #tpu.memory_space<vmem>>
        %dma_start3A_463 = tpu.memref_squeeze %dma_start3A_462 : memref<1x128x64xf32, #tpu.memory_space<vmem>> -> memref<128x64xf32, #tpu.memory_space<vmem>>
        %dma_start3A_464 = arith.constant 0 : i32
        %dma_start3A_465 = tpu.memref_slice %arg6[%add3A_457, %dma_start3A_464] : memref<160x128xi32, #tpu.memory_space<vmem>> -> memref<1x128xi32, #tpu.memory_space<vmem>>
        %dma_start3A_466 = tpu.memref_squeeze %dma_start3A_465 : memref<1x128xi32, #tpu.memory_space<vmem>> -> memref<128xi32, #tpu.memory_space<vmem>>
        %dma_start3A_467 = arith.constant 0 : i32
        %dma_start3A_468 = arith.constant 0 : i32
        %dma_start3A_469 = tpu.memref_slice %arg2[%arg0, %dma_start3A_467, %dma_start3A_468] : memref<2x10000x64xf32, #tpu.memory_space<hbm>> -> memref<1x10000x64xf32, #tpu.memory_space<hbm>>
        %dma_start3A_470 = tpu.memref_squeeze %dma_start3A_469 : memref<1x10000x64xf32, #tpu.memory_space<hbm>> -> memref<10000x64xf32, #tpu.memory_space<hbm>>
        %dma_start3A_471 = arith.constant 0 : i32
        %dma_start3A_472 = arith.constant 0 : i32
        %dma_start3A_473 = tpu.memref_slice %dma_start3A_470[%dma_start3A_471, %dma_start3A_472] : memref<10000x64xf32, #tpu.memory_space<hbm>> -> memref<10000x64xf32, #tpu.memory_space<hbm>>
        %dma_start3A_474 = tpu.memref_slice %arg10[%dma_start3A_459] : memref<5x!tpu.dma_semaphore, #tpu.memory_space<semaphore_mem>> -> memref<1x!tpu.dma_semaphore, #tpu.memory_space<semaphore_mem>>
        %dma_start3A_475 = tpu.memref_squeeze %dma_start3A_474 : memref<1x!tpu.dma_semaphore, #tpu.memory_space<semaphore_mem>> -> memref<!tpu.dma_semaphore, #tpu.memory_space<semaphore_mem>>
        tpu.enqueue_indirect_dma source(%dma_start3A_473 : memref<10000x64xf32, #tpu.memory_space<hbm>>) target(%dma_start3A_463 : memref<128x64xf32, #tpu.memory_space<vmem>>) offsets(%dma_start3A_466 : memref<128xi32, #tpu.memory_space<vmem>>) semaphore(%dma_start3A_475 : memref<!tpu.dma_semaphore, #tpu.memory_space<semaphore_mem>>)
      } else {
      }
      %lt3A_429 = arith.constant 31 : i32
      %lt3A_430 = arith.cmpi slt, %scan3A_239, %lt3A_429 : i32
      %convert_element_type3A_431 = arith.extui %lt3A_430 : i1 to i32
      %cond3A_432 = arith.constant 0 : i32
      %cond3A_433 = arith.cmpi ne, %convert_element_type3A_431, %cond3A_432 : i32
      scf.if %cond3A_433 {
        %dma_wait3A_439 = arith.constant 3 : i32
        %dma_wait3A_440 = arith.constant 0 : i32
        %dma_wait3A_441 = arith.constant 3 : i32
        %dma_wait3A_442 = arith.constant 0 : i32
        %dma_wait3A_443 = arith.constant 0 : i32
        %dma_wait3A_444 = tpu.memref_slice %arg8[%dma_wait3A_439, %dma_wait3A_442, %dma_wait3A_443] : memref<5x128x64xf32, #tpu.memory_space<vmem>> -> memref<1x128x64xf32, #tpu.memory_space<vmem>>
        %dma_wait3A_445 = tpu.memref_squeeze %dma_wait3A_444 : memref<1x128x64xf32, #tpu.memory_space<vmem>> -> memref<128x64xf32, #tpu.memory_space<vmem>>
        %dma_wait3A_446 = arith.constant 0 : i32
        %dma_wait3A_447 = tpu.memref_slice %arg7[%dma_wait3A_440, %dma_wait3A_446] : memref<160x128xi32, #tpu.memory_space<vmem>> -> memref<1x128xi32, #tpu.memory_space<vmem>>
        %dma_wait3A_448 = tpu.memref_squeeze %dma_wait3A_447 : memref<1x128xi32, #tpu.memory_space<vmem>> -> memref<128xi32, #tpu.memory_space<vmem>>
        %dma_wait3A_449 = arith.constant 0 : i32
        %dma_wait3A_450 = arith.constant 0 : i32
        %dma_wait3A_451 = tpu.memref_slice %arg9[%dma_wait3A_449, %dma_wait3A_450] : memref<10016x64xf32, #tpu.memory_space<vmem_shared>> -> memref<10016x64xf32, #tpu.memory_space<vmem_shared>>
        %dma_wait3A_452 = tpu.memref_slice %arg11[%dma_wait3A_441] : memref<5x!tpu.dma_semaphore, #tpu.memory_space<semaphore_mem>> -> memref<1x!tpu.dma_semaphore, #tpu.memory_space<semaphore_mem>>
        %dma_wait3A_453 = tpu.memref_squeeze %dma_wait3A_452 : memref<1x!tpu.dma_semaphore, #tpu.memory_space<semaphore_mem>> -> memref<!tpu.dma_semaphore, #tpu.memory_space<semaphore_mem>>
        tpu.wait_indirect_dma semaphore(%dma_wait3A_453 : memref<!tpu.dma_semaphore, #tpu.memory_space<semaphore_mem>>) src(%dma_wait3A_445 : memref<128x64xf32, #tpu.memory_space<vmem>>) dst(%dma_wait3A_451 : memref<10016x64xf32, #tpu.memory_space<vmem_shared>>)
        %add3A_454 = arith.constant 5 : i32
        %add3A_455 = arith.addi %mul3A_241, %add3A_454 : i32
        %add3A_456 = arith.constant 3 : i32
        %add3A_457 = arith.addi %add3A_455, %add3A_456 : i32
        %dma_start3A_458 = arith.constant 3 : i32
        %dma_start3A_459 = arith.constant 3 : i32
        %dma_start3A_460 = arith.constant 0 : i32
        %dma_start3A_461 = arith.constant 0 : i32
        %dma_start3A_462 = tpu.memref_slice %arg8[%dma_start3A_458, %dma_start3A_460, %dma_start3A_461] : memref<5x128x64xf32, #tpu.memory_space<vmem>> -> memref<1x128x64xf32, #tpu.memory_space<vmem>>
        %dma_start3A_463 = tpu.memref_squeeze %dma_start3A_462 : memref<1x128x64xf32, #tpu.memory_space<vmem>> -> memref<128x64xf32, #tpu.memory_space<vmem>>
        %dma_start3A_464 = arith.constant 0 : i32
        %dma_start3A_465 = tpu.memref_slice %arg6[%add3A_457, %dma_start3A_464] : memref<160x128xi32, #tpu.memory_space<vmem>> -> memref<1x128xi32, #tpu.memory_space<vmem>>
        %dma_start3A_466 = tpu.memref_squeeze %dma_start3A_465 : memref<1x128xi32, #tpu.memory_space<vmem>> -> memref<128xi32, #tpu.memory_space<vmem>>
        %dma_start3A_467 = arith.constant 0 : i32
        %dma_start3A_468 = arith.constant 0 : i32
        %dma_start3A_469 = tpu.memref_slice %arg2[%arg0, %dma_start3A_467, %dma_start3A_468] : memref<2x10000x64xf32, #tpu.memory_space<hbm>> -> memref<1x10000x64xf32, #tpu.memory_space<hbm>>
        %dma_start3A_470 = tpu.memref_squeeze %dma_start3A_469 : memref<1x10000x64xf32, #tpu.memory_space<hbm>> -> memref<10000x64xf32, #tpu.memory_space<hbm>>
        %dma_start3A_471 = arith.constant 0 : i32
        %dma_start3A_472 = arith.constant 0 : i32
        %dma_start3A_473 = tpu.memref_slice %dma_start3A_470[%dma_start3A_471, %dma_start3A_472] : memref<10000x64xf32, #tpu.memory_space<hbm>> -> memref<10000x64xf32, #tpu.memory_space<hbm>>
        %dma_start3A_474 = tpu.memref_slice %arg10[%dma_start3A_459] : memref<5x!tpu.dma_semaphore, #tpu.memory_space<semaphore_mem>> -> memref<1x!tpu.dma_semaphore, #tpu.memory_space<semaphore_mem>>
        %dma_start3A_475 = tpu.memref_squeeze %dma_start3A_474 : memref<1x!tpu.dma_semaphore, #tpu.memory_space<semaphore_mem>> -> memref<!tpu.dma_semaphore, #tpu.memory_space<semaphore_mem>>
        tpu.enqueue_indirect_dma source(%dma_start3A_473 : memref<10000x64xf32, #tpu.memory_space<hbm>>) target(%dma_start3A_463 : memref<128x64xf32, #tpu.memory_space<vmem>>) offsets(%dma_start3A_466 : memref<128xi32, #tpu.memory_space<vmem>>) semaphore(%dma_start3A_475 : memref<!tpu.dma_semaphore, #tpu.memory_space<semaphore_mem>>)
      } else {
      }
      %lt3A_434 = arith.constant 31 : i32
      %lt3A_435 = arith.cmpi slt, %scan3A_239, %lt3A_434 : i32
      %convert_element_type3A_436 = arith.extui %lt3A_435 : i1 to i32
      %cond3A_437 = arith.constant 0 : i32
      %cond3A_438 = arith.cmpi ne, %convert_element_type3A_436, %cond3A_437 : i32
      scf.if %cond3A_438 {
        %dma_wait3A_439 = arith.constant 4 : i32
        %dma_wait3A_440 = arith.constant 0 : i32
        %dma_wait3A_441 = arith.constant 4 : i32
        %dma_wait3A_442 = arith.constant 0 : i32
        %dma_wait3A_443 = arith.constant 0 : i32
        %dma_wait3A_444 = tpu.memref_slice %arg8[%dma_wait3A_439, %dma_wait3A_442, %dma_wait3A_443] : memref<5x128x64xf32, #tpu.memory_space<vmem>> -> memref<1x128x64xf32, #tpu.memory_space<vmem>>
        %dma_wait3A_445 = tpu.memref_squeeze %dma_wait3A_444 : memref<1x128x64xf32, #tpu.memory_space<vmem>> -> memref<128x64xf32, #tpu.memory_space<vmem>>
        %dma_wait3A_446 = arith.constant 0 : i32
        %dma_wait3A_447 = tpu.memref_slice %arg7[%dma_wait3A_440, %dma_wait3A_446] : memref<160x128xi32, #tpu.memory_space<vmem>> -> memref<1x128xi32, #tpu.memory_space<vmem>>
        %dma_wait3A_448 = tpu.memref_squeeze %dma_wait3A_447 : memref<1x128xi32, #tpu.memory_space<vmem>> -> memref<128xi32, #tpu.memory_space<vmem>>
        %dma_wait3A_449 = arith.constant 0 : i32
        %dma_wait3A_450 = arith.constant 0 : i32
        %dma_wait3A_451 = tpu.memref_slice %arg9[%dma_wait3A_449, %dma_wait3A_450] : memref<10016x64xf32, #tpu.memory_space<vmem_shared>> -> memref<10016x64xf32, #tpu.memory_space<vmem_shared>>
        %dma_wait3A_452 = tpu.memref_slice %arg11[%dma_wait3A_441] : memref<5x!tpu.dma_semaphore, #tpu.memory_space<semaphore_mem>> -> memref<1x!tpu.dma_semaphore, #tpu.memory_space<semaphore_mem>>
        %dma_wait3A_453 = tpu.memref_squeeze %dma_wait3A_452 : memref<1x!tpu.dma_semaphore, #tpu.memory_space<semaphore_mem>> -> memref<!tpu.dma_semaphore, #tpu.memory_space<semaphore_mem>>
        tpu.wait_indirect_dma semaphore(%dma_wait3A_453 : memref<!tpu.dma_semaphore, #tpu.memory_space<semaphore_mem>>) src(%dma_wait3A_445 : memref<128x64xf32, #tpu.memory_space<vmem>>) dst(%dma_wait3A_451 : memref<10016x64xf32, #tpu.memory_space<vmem_shared>>)
        %add3A_454 = arith.constant 5 : i32
        %add3A_455 = arith.addi %mul3A_241, %add3A_454 : i32
        %add3A_456 = arith.constant 4 : i32
        %add3A_457 = arith.addi %add3A_455, %add3A_456 : i32
        %dma_start3A_458 = arith.constant 4 : i32
        %dma_start3A_459 = arith.constant 4 : i32
        %dma_start3A_460 = arith.constant 0 : i32
        %dma_start3A_461 = arith.constant 0 : i32
        %dma_start3A_462 = tpu.memref_slice %arg8[%dma_start3A_458, %dma_start3A_460, %dma_start3A_461] : memref<5x128x64xf32, #tpu.memory_space<vmem>> -> memref<1x128x64xf32, #tpu.memory_space<vmem>>
        %dma_start3A_463 = tpu.memref_squeeze %dma_start3A_462 : memref<1x128x64xf32, #tpu.memory_space<vmem>> -> memref<128x64xf32, #tpu.memory_space<vmem>>
        %dma_start3A_464 = arith.constant 0 : i32
        %dma_start3A_465 = tpu.memref_slice %arg6[%add3A_457, %dma_start3A_464] : memref<160x128xi32, #tpu.memory_space<vmem>> -> memref<1x128xi32, #tpu.memory_space<vmem>>
        %dma_start3A_466 = tpu.memref_squeeze %dma_start3A_465 : memref<1x128xi32, #tpu.memory_space<vmem>> -> memref<128xi32, #tpu.memory_space<vmem>>
        %dma_start3A_467 = arith.constant 0 : i32
        %dma_start3A_468 = arith.constant 0 : i32
        %dma_start3A_469 = tpu.memref_slice %arg2[%arg0, %dma_start3A_467, %dma_start3A_468] : memref<2x10000x64xf32, #tpu.memory_space<hbm>> -> memref<1x10000x64xf32, #tpu.memory_space<hbm>>
        %dma_start3A_470 = tpu.memref_squeeze %dma_start3A_469 : memref<1x10000x64xf32, #tpu.memory_space<hbm>> -> memref<10000x64xf32, #tpu.memory_space<hbm>>
        %dma_start3A_471 = arith.constant 0 : i32
        %dma_start3A_472 = arith.constant 0 : i32
        %dma_start3A_473 = tpu.memref_slice %dma_start3A_470[%dma_start3A_471, %dma_start3A_472] : memref<10000x64xf32, #tpu.memory_space<hbm>> -> memref<10000x64xf32, #tpu.memory_space<hbm>>
        %dma_start3A_474 = tpu.memref_slice %arg10[%dma_start3A_459] : memref<5x!tpu.dma_semaphore, #tpu.memory_space<semaphore_mem>> -> memref<1x!tpu.dma_semaphore, #tpu.memory_space<semaphore_mem>>
        %dma_start3A_475 = tpu.memref_squeeze %dma_start3A_474 : memref<1x!tpu.dma_semaphore, #tpu.memory_space<semaphore_mem>> -> memref<!tpu.dma_semaphore, #tpu.memory_space<semaphore_mem>>
        tpu.enqueue_indirect_dma source(%dma_start3A_473 : memref<10000x64xf32, #tpu.memory_space<hbm>>) target(%dma_start3A_463 : memref<128x64xf32, #tpu.memory_space<vmem>>) offsets(%dma_start3A_466 : memref<128xi32, #tpu.memory_space<vmem>>) semaphore(%dma_start3A_475 : memref<!tpu.dma_semaphore, #tpu.memory_space<semaphore_mem>>)
      } else {
      }
    }
    %scan3A_162 = arith.constant 32 : i32
    %dma_wait3A_163 = arith.constant 0 : i32
    %dma_wait3A_164 = arith.constant 0 : i32
    %dma_wait3A_165 = arith.constant 0 : i32
    %dma_wait3A_166 = arith.constant 0 : i32
    %dma_wait3A_167 = arith.constant 0 : i32
    %dma_wait3A_168 = tpu.memref_slice %arg8[%dma_wait3A_163, %dma_wait3A_166, %dma_wait3A_167] : memref<5x128x64xf32, #tpu.memory_space<vmem>> -> memref<1x128x64xf32, #tpu.memory_space<vmem>>
    %dma_wait3A_169 = tpu.memref_squeeze %dma_wait3A_168 : memref<1x128x64xf32, #tpu.memory_space<vmem>> -> memref<128x64xf32, #tpu.memory_space<vmem>>
    %dma_wait3A_170 = arith.constant 0 : i32
    %dma_wait3A_171 = tpu.memref_slice %arg7[%dma_wait3A_164, %dma_wait3A_170] : memref<160x128xi32, #tpu.memory_space<vmem>> -> memref<1x128xi32, #tpu.memory_space<vmem>>
    %dma_wait3A_172 = tpu.memref_squeeze %dma_wait3A_171 : memref<1x128xi32, #tpu.memory_space<vmem>> -> memref<128xi32, #tpu.memory_space<vmem>>
    %dma_wait3A_173 = arith.constant 0 : i32
    %dma_wait3A_174 = arith.constant 0 : i32
    %dma_wait3A_175 = tpu.memref_slice %arg9[%dma_wait3A_173, %dma_wait3A_174] : memref<10016x64xf32, #tpu.memory_space<vmem_shared>> -> memref<10016x64xf32, #tpu.memory_space<vmem_shared>>
    %dma_wait3A_176 = tpu.memref_slice %arg11[%dma_wait3A_165] : memref<5x!tpu.dma_semaphore, #tpu.memory_space<semaphore_mem>> -> memref<1x!tpu.dma_semaphore, #tpu.memory_space<semaphore_mem>>
    %dma_wait3A_177 = tpu.memref_squeeze %dma_wait3A_176 : memref<1x!tpu.dma_semaphore, #tpu.memory_space<semaphore_mem>> -> memref<!tpu.dma_semaphore, #tpu.memory_space<semaphore_mem>>
    tpu.wait_indirect_dma semaphore(%dma_wait3A_177 : memref<!tpu.dma_semaphore, #tpu.memory_space<semaphore_mem>>) src(%dma_wait3A_169 : memref<128x64xf32, #tpu.memory_space<vmem>>) dst(%dma_wait3A_175 : memref<10016x64xf32, #tpu.memory_space<vmem_shared>>)
    %dma_wait3A_178 = arith.constant 1 : i32
    %dma_wait3A_179 = arith.constant 0 : i32
    %dma_wait3A_180 = arith.constant 1 : i32
    %dma_wait3A_181 = arith.constant 0 : i32
    %dma_wait3A_182 = arith.constant 0 : i32
    %dma_wait3A_183 = tpu.memref_slice %arg8[%dma_wait3A_178, %dma_wait3A_181, %dma_wait3A_182] : memref<5x128x64xf32, #tpu.memory_space<vmem>> -> memref<1x128x64xf32, #tpu.memory_space<vmem>>
    %dma_wait3A_184 = tpu.memref_squeeze %dma_wait3A_183 : memref<1x128x64xf32, #tpu.memory_space<vmem>> -> memref<128x64xf32, #tpu.memory_space<vmem>>
    %dma_wait3A_185 = arith.constant 0 : i32
    %dma_wait3A_186 = tpu.memref_slice %arg7[%dma_wait3A_179, %dma_wait3A_185] : memref<160x128xi32, #tpu.memory_space<vmem>> -> memref<1x128xi32, #tpu.memory_space<vmem>>
    %dma_wait3A_187 = tpu.memref_squeeze %dma_wait3A_186 : memref<1x128xi32, #tpu.memory_space<vmem>> -> memref<128xi32, #tpu.memory_space<vmem>>
    %dma_wait3A_188 = arith.constant 0 : i32
    %dma_wait3A_189 = arith.constant 0 : i32
    %dma_wait3A_190 = tpu.memref_slice %arg9[%dma_wait3A_188, %dma_wait3A_189] : memref<10016x64xf32, #tpu.memory_space<vmem_shared>> -> memref<10016x64xf32, #tpu.memory_space<vmem_shared>>
    %dma_wait3A_191 = tpu.memref_slice %arg11[%dma_wait3A_180] : memref<5x!tpu.dma_semaphore, #tpu.memory_space<semaphore_mem>> -> memref<1x!tpu.dma_semaphore, #tpu.memory_space<semaphore_mem>>
    %dma_wait3A_192 = tpu.memref_squeeze %dma_wait3A_191 : memref<1x!tpu.dma_semaphore, #tpu.memory_space<semaphore_mem>> -> memref<!tpu.dma_semaphore, #tpu.memory_space<semaphore_mem>>
    tpu.wait_indirect_dma semaphore(%dma_wait3A_192 : memref<!tpu.dma_semaphore, #tpu.memory_space<semaphore_mem>>) src(%dma_wait3A_184 : memref<128x64xf32, #tpu.memory_space<vmem>>) dst(%dma_wait3A_190 : memref<10016x64xf32, #tpu.memory_space<vmem_shared>>)
    %dma_wait3A_193 = arith.constant 2 : i32
    %dma_wait3A_194 = arith.constant 0 : i32
    %dma_wait3A_195 = arith.constant 2 : i32
    %dma_wait3A_196 = arith.constant 0 : i32
    %dma_wait3A_197 = arith.constant 0 : i32
    %dma_wait3A_198 = tpu.memref_slice %arg8[%dma_wait3A_193, %dma_wait3A_196, %dma_wait3A_197] : memref<5x128x64xf32, #tpu.memory_space<vmem>> -> memref<1x128x64xf32, #tpu.memory_space<vmem>>
    %dma_wait3A_199 = tpu.memref_squeeze %dma_wait3A_198 : memref<1x128x64xf32, #tpu.memory_space<vmem>> -> memref<128x64xf32, #tpu.memory_space<vmem>>
    %dma_wait3A_200 = arith.constant 0 : i32
    %dma_wait3A_201 = tpu.memref_slice %arg7[%dma_wait3A_194, %dma_wait3A_200] : memref<160x128xi32, #tpu.memory_space<vmem>> -> memref<1x128xi32, #tpu.memory_space<vmem>>
    %dma_wait3A_202 = tpu.memref_squeeze %dma_wait3A_201 : memref<1x128xi32, #tpu.memory_space<vmem>> -> memref<128xi32, #tpu.memory_space<vmem>>
    %dma_wait3A_203 = arith.constant 0 : i32
    %dma_wait3A_204 = arith.constant 0 : i32
    %dma_wait3A_205 = tpu.memref_slice %arg9[%dma_wait3A_203, %dma_wait3A_204] : memref<10016x64xf32, #tpu.memory_space<vmem_shared>> -> memref<10016x64xf32, #tpu.memory_space<vmem_shared>>
    %dma_wait3A_206 = tpu.memref_slice %arg11[%dma_wait3A_195] : memref<5x!tpu.dma_semaphore, #tpu.memory_space<semaphore_mem>> -> memref<1x!tpu.dma_semaphore, #tpu.memory_space<semaphore_mem>>
    %dma_wait3A_207 = tpu.memref_squeeze %dma_wait3A_206 : memref<1x!tpu.dma_semaphore, #tpu.memory_space<semaphore_mem>> -> memref<!tpu.dma_semaphore, #tpu.memory_space<semaphore_mem>>
    tpu.wait_indirect_dma semaphore(%dma_wait3A_207 : memref<!tpu.dma_semaphore, #tpu.memory_space<semaphore_mem>>) src(%dma_wait3A_199 : memref<128x64xf32, #tpu.memory_space<vmem>>) dst(%dma_wait3A_205 : memref<10016x64xf32, #tpu.memory_space<vmem_shared>>)
    %dma_wait3A_208 = arith.constant 3 : i32
    %dma_wait3A_209 = arith.constant 0 : i32
    %dma_wait3A_210 = arith.constant 3 : i32
    %dma_wait3A_211 = arith.constant 0 : i32
    %dma_wait3A_212 = arith.constant 0 : i32
    %dma_wait3A_213 = tpu.memref_slice %arg8[%dma_wait3A_208, %dma_wait3A_211, %dma_wait3A_212] : memref<5x128x64xf32, #tpu.memory_space<vmem>> -> memref<1x128x64xf32, #tpu.memory_space<vmem>>
    %dma_wait3A_214 = tpu.memref_squeeze %dma_wait3A_213 : memref<1x128x64xf32, #tpu.memory_space<vmem>> -> memref<128x64xf32, #tpu.memory_space<vmem>>
    %dma_wait3A_215 = arith.constant 0 : i32
    %dma_wait3A_216 = tpu.memref_slice %arg7[%dma_wait3A_209, %dma_wait3A_215] : memref<160x128xi32, #tpu.memory_space<vmem>> -> memref<1x128xi32, #tpu.memory_space<vmem>>
    %dma_wait3A_217 = tpu.memref_squeeze %dma_wait3A_216 : memref<1x128xi32, #tpu.memory_space<vmem>> -> memref<128xi32, #tpu.memory_space<vmem>>
    %dma_wait3A_218 = arith.constant 0 : i32
    %dma_wait3A_219 = arith.constant 0 : i32
    %dma_wait3A_220 = tpu.memref_slice %arg9[%dma_wait3A_218, %dma_wait3A_219] : memref<10016x64xf32, #tpu.memory_space<vmem_shared>> -> memref<10016x64xf32, #tpu.memory_space<vmem_shared>>
    %dma_wait3A_221 = tpu.memref_slice %arg11[%dma_wait3A_210] : memref<5x!tpu.dma_semaphore, #tpu.memory_space<semaphore_mem>> -> memref<1x!tpu.dma_semaphore, #tpu.memory_space<semaphore_mem>>
    %dma_wait3A_222 = tpu.memref_squeeze %dma_wait3A_221 : memref<1x!tpu.dma_semaphore, #tpu.memory_space<semaphore_mem>> -> memref<!tpu.dma_semaphore, #tpu.memory_space<semaphore_mem>>
    tpu.wait_indirect_dma semaphore(%dma_wait3A_222 : memref<!tpu.dma_semaphore, #tpu.memory_space<semaphore_mem>>) src(%dma_wait3A_214 : memref<128x64xf32, #tpu.memory_space<vmem>>) dst(%dma_wait3A_220 : memref<10016x64xf32, #tpu.memory_space<vmem_shared>>)
    %dma_wait3A_223 = arith.constant 4 : i32
    %dma_wait3A_224 = arith.constant 0 : i32
    %dma_wait3A_225 = arith.constant 4 : i32
    %dma_wait3A_226 = arith.constant 0 : i32
    %dma_wait3A_227 = arith.constant 0 : i32
    %dma_wait3A_228 = tpu.memref_slice %arg8[%dma_wait3A_223, %dma_wait3A_226, %dma_wait3A_227] : memref<5x128x64xf32, #tpu.memory_space<vmem>> -> memref<1x128x64xf32, #tpu.memory_space<vmem>>
    %dma_wait3A_229 = tpu.memref_squeeze %dma_wait3A_228 : memref<1x128x64xf32, #tpu.memory_space<vmem>> -> memref<128x64xf32, #tpu.memory_space<vmem>>
    %dma_wait3A_230 = arith.constant 0 : i32
    %dma_wait3A_231 = tpu.memref_slice %arg7[%dma_wait3A_224, %dma_wait3A_230] : memref<160x128xi32, #tpu.memory_space<vmem>> -> memref<1x128xi32, #tpu.memory_space<vmem>>
    %dma_wait3A_232 = tpu.memref_squeeze %dma_wait3A_231 : memref<1x128xi32, #tpu.memory_space<vmem>> -> memref<128xi32, #tpu.memory_space<vmem>>
    %dma_wait3A_233 = arith.constant 0 : i32
    %dma_wait3A_234 = arith.constant 0 : i32
    %dma_wait3A_235 = tpu.memref_slice %arg9[%dma_wait3A_233, %dma_wait3A_234] : memref<10016x64xf32, #tpu.memory_space<vmem_shared>> -> memref<10016x64xf32, #tpu.memory_space<vmem_shared>>
    %dma_wait3A_236 = tpu.memref_slice %arg11[%dma_wait3A_225] : memref<5x!tpu.dma_semaphore, #tpu.memory_space<semaphore_mem>> -> memref<1x!tpu.dma_semaphore, #tpu.memory_space<semaphore_mem>>
    %dma_wait3A_237 = tpu.memref_squeeze %dma_wait3A_236 : memref<1x!tpu.dma_semaphore, #tpu.memory_space<semaphore_mem>> -> memref<!tpu.dma_semaphore, #tpu.memory_space<semaphore_mem>>
    tpu.wait_indirect_dma semaphore(%dma_wait3A_237 : memref<!tpu.dma_semaphore, #tpu.memory_space<semaphore_mem>>) src(%dma_wait3A_229 : memref<128x64xf32, #tpu.memory_space<vmem>>) dst(%dma_wait3A_235 : memref<10016x64xf32, #tpu.memory_space<vmem_shared>>)
    %barrier3A_238 = arith.constant 0 : index
    tpu.barrier barrier_id(%barrier3A_238)
    "tpu.region"() ({
      %run_scoped3A_239 = tpu.sem_alloc : memref<!tpu.dma_semaphore, #tpu.memory_space<semaphore_mem>>
      %dma_start3A_240 = arith.constant 0 : i32
      %dma_start3A_241 = tpu.memref_slice %arg5[%arg0, %multiple_of3A, %dma_start3A_240] : memref<2x10016x64xf32, #tpu.memory_space<hbm>> -> memref<1x626x64xf32, #tpu.memory_space<hbm>>
      %dma_start3A_242 = tpu.memref_squeeze %dma_start3A_241 : memref<1x626x64xf32, #tpu.memory_space<hbm>> -> memref<626x64xf32, #tpu.memory_space<hbm>>
      %dma_start3A_243 = arith.constant 0 : i32
      %dma_start3A_244 = tpu.memref_slice %arg9[%multiple_of3A, %dma_start3A_243] : memref<10016x64xf32, #tpu.memory_space<vmem_shared>> -> memref<626x64xf32, #tpu.memory_space<vmem_shared>>
      tpu.enqueue_dma source(%dma_start3A_244 : memref<626x64xf32, #tpu.memory_space<vmem_shared>>) target(%dma_start3A_242 : memref<626x64xf32, #tpu.memory_space<hbm>>) target_semaphore(%run_scoped3A_239 : memref<!tpu.dma_semaphore, #tpu.memory_space<semaphore_mem>>)
      %dma_wait3A_245 = arith.constant 0 : i32
      %dma_wait3A_246 = tpu.memref_slice %arg5[%arg0, %multiple_of3A, %dma_wait3A_245] : memref<2x10016x64xf32, #tpu.memory_space<hbm>> -> memref<1x626x64xf32, #tpu.memory_space<hbm>>
      %dma_wait3A_247 = tpu.memref_squeeze %dma_wait3A_246 : memref<1x626x64xf32, #tpu.memory_space<hbm>> -> memref<626x64xf32, #tpu.memory_space<hbm>>
      %dma_wait3A_248 = arith.constant 0 : i32
      %dma_wait3A_249 = tpu.memref_slice %arg9[%multiple_of3A, %dma_wait3A_248] : memref<10016x64xf32, #tpu.memory_space<vmem_shared>> -> memref<626x64xf32, #tpu.memory_space<vmem_shared>>
      tpu.wait_dma2 semaphore(%run_scoped3A_239 : memref<!tpu.dma_semaphore, #tpu.memory_space<semaphore_mem>>) src(%dma_wait3A_249 : memref<626x64xf32, #tpu.memory_space<vmem_shared>>) dst(%dma_wait3A_247 : memref<626x64xf32, #tpu.memory_space<hbm>>)
      tpu.yield
    }) : () -> ()
    return
  }
}

#map = affine_map<(d0, d1) -> (0, 0, 0)>
module attributes {stable_mosaic.version = 14 : i64} {
  func.func @body(%arg0: i32, %arg1: i32, %arg2: memref<2x10000x32xf32, #tpu.memory_space<hbm>>, %arg3: memref<16x160x128xi32, #tpu.memory_space<hbm>>, %arg4: memref<16x160x128xi32, #tpu.memory_space<hbm>>, %arg5: memref<2x10016x32xf32, #tpu.memory_space<hbm>>, %arg6: memref<160x128xi32, #tpu.memory_space<vmem>>, %arg7: memref<160x128xi32, #tpu.memory_space<vmem>>, %arg8: memref<8x128x32xf32, #tpu.memory_space<vmem>>, %arg9: memref<10016x32xf32, #tpu.memory_space<vmem_shared>>, %arg10: memref<8x!tpu.dma_semaphore, #tpu.memory_space<semaphore_mem>>, %arg11: memref<8x!tpu.dma_semaphore, #tpu.memory_space<semaphore_mem>>) attributes {dimension_semantics = [#tpu.dimension_semantics<core_parallel>, #tpu.dimension_semantics<subcore_parallel>], iteration_bounds = array<i64: 2, 16>, scalar_prefetch = 0 : i64, scratch_operands = 6 : i64, tpu.core_type = #tpu.core_type<sc_vector_subcore>, window_params = [{transform_indices = #map}, {transform_indices = #map}, {transform_indices = #map}, {transform_indices = #map}]} {
    %broadcast_in_dim3A = arith.constant 0.000000e+00 : f32
    %broadcast_in_dim3A_0 = vector.broadcast %broadcast_in_dim3A : f32 to vector<16xf32>
    %mul3A = arith.constant 626 : i32
    %mul3A_1 = arith.muli %arg1, %mul3A : i32
    %multiple_of3A = tpu.assume_multiple %mul3A_1, 2 : i32
    %dma_start3A = arith.constant 0 : i32
    %dma_start3A_2 = arith.constant 0 : i32
    %dma_start3A_3 = arith.constant 0 : i32
    %dma_start3A_4 = tpu.memref_slice %arg3[%arg1, %dma_start3A_2, %dma_start3A_3] : memref<16x160x128xi32, #tpu.memory_space<hbm>> -> memref<1x160x128xi32, #tpu.memory_space<hbm>>
    %dma_start3A_5 = tpu.memref_squeeze %dma_start3A_4 : memref<1x160x128xi32, #tpu.memory_space<hbm>> -> memref<160x128xi32, #tpu.memory_space<hbm>>
    %dma_start3A_6 = tpu.memref_slice %arg10[%dma_start3A] : memref<8x!tpu.dma_semaphore, #tpu.memory_space<semaphore_mem>> -> memref<1x!tpu.dma_semaphore, #tpu.memory_space<semaphore_mem>>
    %dma_start3A_7 = tpu.memref_squeeze %dma_start3A_6 : memref<1x!tpu.dma_semaphore, #tpu.memory_space<semaphore_mem>> -> memref<!tpu.dma_semaphore, #tpu.memory_space<semaphore_mem>>
    %dma_start3A_8 = arith.constant 0 : i32
    %dma_start3A_9 = arith.constant 0 : i32
    %dma_start3A_10 = tpu.memref_slice %arg3[%arg1, %dma_start3A_8, %dma_start3A_9] : memref<16x160x128xi32, #tpu.memory_space<hbm>> -> memref<1x160x128xi32, #tpu.memory_space<hbm>>
    %dma_start3A_11 = tpu.memref_squeeze %dma_start3A_10 : memref<1x160x128xi32, #tpu.memory_space<hbm>> -> memref<160x128xi32, #tpu.memory_space<hbm>>
    tpu.enqueue_dma source(%dma_start3A_11 : memref<160x128xi32, #tpu.memory_space<hbm>>) target(%arg6 : memref<160x128xi32, #tpu.memory_space<vmem>>) target_semaphore(%dma_start3A_7 : memref<!tpu.dma_semaphore, #tpu.memory_space<semaphore_mem>>)
    %dma_start3A_12 = arith.constant 1 : i32
    %dma_start3A_13 = arith.constant 0 : i32
    %dma_start3A_14 = arith.constant 0 : i32
    %dma_start3A_15 = tpu.memref_slice %arg4[%arg1, %dma_start3A_13, %dma_start3A_14] : memref<16x160x128xi32, #tpu.memory_space<hbm>> -> memref<1x160x128xi32, #tpu.memory_space<hbm>>
    %dma_start3A_16 = tpu.memref_squeeze %dma_start3A_15 : memref<1x160x128xi32, #tpu.memory_space<hbm>> -> memref<160x128xi32, #tpu.memory_space<hbm>>
    %dma_start3A_17 = tpu.memref_slice %arg10[%dma_start3A_12] : memref<8x!tpu.dma_semaphore, #tpu.memory_space<semaphore_mem>> -> memref<1x!tpu.dma_semaphore, #tpu.memory_space<semaphore_mem>>
    %dma_start3A_18 = tpu.memref_squeeze %dma_start3A_17 : memref<1x!tpu.dma_semaphore, #tpu.memory_space<semaphore_mem>> -> memref<!tpu.dma_semaphore, #tpu.memory_space<semaphore_mem>>
    %dma_start3A_19 = arith.constant 0 : i32
    %dma_start3A_20 = arith.constant 0 : i32
    %dma_start3A_21 = tpu.memref_slice %arg4[%arg1, %dma_start3A_19, %dma_start3A_20] : memref<16x160x128xi32, #tpu.memory_space<hbm>> -> memref<1x160x128xi32, #tpu.memory_space<hbm>>
    %dma_start3A_22 = tpu.memref_squeeze %dma_start3A_21 : memref<1x160x128xi32, #tpu.memory_space<hbm>> -> memref<160x128xi32, #tpu.memory_space<hbm>>
    tpu.enqueue_dma source(%dma_start3A_22 : memref<160x128xi32, #tpu.memory_space<hbm>>) target(%arg7 : memref<160x128xi32, #tpu.memory_space<vmem>>) target_semaphore(%dma_start3A_18 : memref<!tpu.dma_semaphore, #tpu.memory_space<semaphore_mem>>)
    %scan3A = arith.constant 0 : i32
    %scan3A_23 = arith.constant 0 : i32
    %scan3A_24 = arith.constant 128 : i32
    %scan3A_25 = arith.addi %scan3A_23, %scan3A_24 : i32
    %scan3A_26 = arith.constant 1 : i32
    scf.for %scan3A_341 = %scan3A_23 to %scan3A_25 step %scan3A_26  : i32 {
      %swap3A = arith.constant 0 : i32
      %swap3A_342 = arith.index_cast %swap3A : i32 to index
      %swap3A_343 = arith.index_cast %scan3A_341 : i32 to index
      %swap3A_344 = arith.constant 0 : index
      %swap3A_345 = tpu.vector_load %arg8[%swap3A_342, %swap3A_343, %swap3A_344] {strides = array<i32>} : memref<8x128x32xf32, #tpu.memory_space<vmem>>, vector<16xf32>,
      tpu.vector_store %arg8[%swap3A_342, %swap3A_343, %swap3A_344], %broadcast_in_dim3A_0 {strides = array<i32>} : memref<8x128x32xf32, #tpu.memory_space<vmem>>, vector<16xf32>,
      %swap3A_346 = arith.constant 0 : i32
      %swap3A_347 = arith.index_cast %swap3A_346 : i32 to index
      %swap3A_348 = arith.index_cast %scan3A_341 : i32 to index
      %swap3A_349 = arith.constant 16 : index
      %swap3A_350 = tpu.vector_load %arg8[%swap3A_347, %swap3A_348, %swap3A_349] {strides = array<i32>} : memref<8x128x32xf32, #tpu.memory_space<vmem>>, vector<16xf32>,
      tpu.vector_store %arg8[%swap3A_347, %swap3A_348, %swap3A_349], %broadcast_in_dim3A_0 {strides = array<i32>} : memref<8x128x32xf32, #tpu.memory_space<vmem>>, vector<16xf32>,
    }
    %scan3A_27 = arith.constant 128 : i32
    %add3A = arith.constant 0 : i32
    %add3A_28 = arith.addi %multiple_of3A, %add3A : i32
    %run_scoped3A = arith.constant 0 : i32
    "tpu.region"() ({
      %run_scoped3A_341 = tpu.sem_alloc : memref<!tpu.dma_semaphore, #tpu.memory_space<semaphore_mem>>
      %dma_start3A_342 = arith.constant 0 : i32
      %dma_start3A_343 = arith.constant 0 : i32
      %dma_start3A_344 = tpu.memref_slice %arg8[%run_scoped3A, %dma_start3A_342, %dma_start3A_343] : memref<8x128x32xf32, #tpu.memory_space<vmem>> -> memref<1x128x32xf32, #tpu.memory_space<vmem>>
      %dma_start3A_345 = tpu.memref_squeeze %dma_start3A_344 : memref<1x128x32xf32, #tpu.memory_space<vmem>> -> memref<128x32xf32, #tpu.memory_space<vmem>>
      %dma_start3A_346 = arith.constant 0 : i32
      %dma_start3A_347 = tpu.memref_slice %arg9[%add3A_28, %dma_start3A_346] : memref<10016x32xf32, #tpu.memory_space<vmem_shared>> -> memref<128x32xf32, #tpu.memory_space<vmem_shared>>
      %dma_start3A_348 = arith.constant 0 : i32
      %dma_start3A_349 = tpu.memref_slice %arg9[%add3A_28, %dma_start3A_348] : memref<10016x32xf32, #tpu.memory_space<vmem_shared>> -> memref<128x32xf32, #tpu.memory_space<vmem_shared>>
      %dma_start3A_350 = arith.constant 0 : i32
      %dma_start3A_351 = arith.constant 0 : i32
      %dma_start3A_352 = tpu.memref_slice %arg8[%run_scoped3A, %dma_start3A_350, %dma_start3A_351] : memref<8x128x32xf32, #tpu.memory_space<vmem>> -> memref<1x128x32xf32, #tpu.memory_space<vmem>>
      %dma_start3A_353 = tpu.memref_squeeze %dma_start3A_352 : memref<1x128x32xf32, #tpu.memory_space<vmem>> -> memref<128x32xf32, #tpu.memory_space<vmem>>
      tpu.enqueue_dma source(%dma_start3A_353 : memref<128x32xf32, #tpu.memory_space<vmem>>) target(%dma_start3A_349 : memref<128x32xf32, #tpu.memory_space<vmem_shared>>) target_semaphore(%run_scoped3A_341 : memref<!tpu.dma_semaphore, #tpu.memory_space<semaphore_mem>>)
      %dma_wait3A_354 = arith.constant 0 : i32
      %dma_wait3A_355 = arith.constant 0 : i32
      %dma_wait3A_356 = tpu.memref_slice %arg8[%run_scoped3A, %dma_wait3A_354, %dma_wait3A_355] : memref<8x128x32xf32, #tpu.memory_space<vmem>> -> memref<1x128x32xf32, #tpu.memory_space<vmem>>
      %dma_wait3A_357 = tpu.memref_squeeze %dma_wait3A_356 : memref<1x128x32xf32, #tpu.memory_space<vmem>> -> memref<128x32xf32, #tpu.memory_space<vmem>>
      %dma_wait3A_358 = arith.constant 0 : i32
      %dma_wait3A_359 = tpu.memref_slice %arg9[%add3A_28, %dma_wait3A_358] : memref<10016x32xf32, #tpu.memory_space<vmem_shared>> -> memref<128x32xf32, #tpu.memory_space<vmem_shared>>
      %dma_wait3A_360 = arith.constant 0 : i32
      %dma_wait3A_361 = tpu.memref_slice %arg9[%add3A_28, %dma_wait3A_360] : memref<10016x32xf32, #tpu.memory_space<vmem_shared>> -> memref<128x32xf32, #tpu.memory_space<vmem_shared>>
      %dma_wait3A_362 = arith.constant 0 : i32
      %dma_wait3A_363 = arith.constant 0 : i32
      %dma_wait3A_364 = tpu.memref_slice %arg8[%run_scoped3A, %dma_wait3A_362, %dma_wait3A_363] : memref<8x128x32xf32, #tpu.memory_space<vmem>> -> memref<1x128x32xf32, #tpu.memory_space<vmem>>
      %dma_wait3A_365 = tpu.memref_squeeze %dma_wait3A_364 : memref<1x128x32xf32, #tpu.memory_space<vmem>> -> memref<128x32xf32, #tpu.memory_space<vmem>>
      tpu.wait_dma2 semaphore(%run_scoped3A_341 : memref<!tpu.dma_semaphore, #tpu.memory_space<semaphore_mem>>) src(%dma_wait3A_365 : memref<128x32xf32, #tpu.memory_space<vmem>>) dst(%dma_wait3A_361 : memref<128x32xf32, #tpu.memory_space<vmem_shared>>)
      tpu.yield
    }) : () -> ()
    %add3A_29 = arith.constant 128 : i32
    %add3A_30 = arith.addi %multiple_of3A, %add3A_29 : i32
    %run_scoped3A_31 = arith.constant 0 : i32
    "tpu.region"() ({
      %run_scoped3A_341 = tpu.sem_alloc : memref<!tpu.dma_semaphore, #tpu.memory_space<semaphore_mem>>
      %dma_start3A_342 = arith.constant 0 : i32
      %dma_start3A_343 = arith.constant 0 : i32
      %dma_start3A_344 = tpu.memref_slice %arg8[%run_scoped3A_31, %dma_start3A_342, %dma_start3A_343] : memref<8x128x32xf32, #tpu.memory_space<vmem>> -> memref<1x128x32xf32, #tpu.memory_space<vmem>>
      %dma_start3A_345 = tpu.memref_squeeze %dma_start3A_344 : memref<1x128x32xf32, #tpu.memory_space<vmem>> -> memref<128x32xf32, #tpu.memory_space<vmem>>
      %dma_start3A_346 = arith.constant 0 : i32
      %dma_start3A_347 = tpu.memref_slice %arg9[%add3A_30, %dma_start3A_346] : memref<10016x32xf32, #tpu.memory_space<vmem_shared>> -> memref<128x32xf32, #tpu.memory_space<vmem_shared>>
      %dma_start3A_348 = arith.constant 0 : i32
      %dma_start3A_349 = tpu.memref_slice %arg9[%add3A_30, %dma_start3A_348] : memref<10016x32xf32, #tpu.memory_space<vmem_shared>> -> memref<128x32xf32, #tpu.memory_space<vmem_shared>>
      %dma_start3A_350 = arith.constant 0 : i32
      %dma_start3A_351 = arith.constant 0 : i32
      %dma_start3A_352 = tpu.memref_slice %arg8[%run_scoped3A_31, %dma_start3A_350, %dma_start3A_351] : memref<8x128x32xf32, #tpu.memory_space<vmem>> -> memref<1x128x32xf32, #tpu.memory_space<vmem>>
      %dma_start3A_353 = tpu.memref_squeeze %dma_start3A_352 : memref<1x128x32xf32, #tpu.memory_space<vmem>> -> memref<128x32xf32, #tpu.memory_space<vmem>>
      tpu.enqueue_dma source(%dma_start3A_353 : memref<128x32xf32, #tpu.memory_space<vmem>>) target(%dma_start3A_349 : memref<128x32xf32, #tpu.memory_space<vmem_shared>>) target_semaphore(%run_scoped3A_341 : memref<!tpu.dma_semaphore, #tpu.memory_space<semaphore_mem>>)
      %dma_wait3A_354 = arith.constant 0 : i32
      %dma_wait3A_355 = arith.constant 0 : i32
      %dma_wait3A_356 = tpu.memref_slice %arg8[%run_scoped3A_31, %dma_wait3A_354, %dma_wait3A_355] : memref<8x128x32xf32, #tpu.memory_space<vmem>> -> memref<1x128x32xf32, #tpu.memory_space<vmem>>
      %dma_wait3A_357 = tpu.memref_squeeze %dma_wait3A_356 : memref<1x128x32xf32, #tpu.memory_space<vmem>> -> memref<128x32xf32, #tpu.memory_space<vmem>>
      %dma_wait3A_358 = arith.constant 0 : i32
      %dma_wait3A_359 = tpu.memref_slice %arg9[%add3A_30, %dma_wait3A_358] : memref<10016x32xf32, #tpu.memory_space<vmem_shared>> -> memref<128x32xf32, #tpu.memory_space<vmem_shared>>
      %dma_wait3A_360 = arith.constant 0 : i32
      %dma_wait3A_361 = tpu.memref_slice %arg9[%add3A_30, %dma_wait3A_360] : memref<10016x32xf32, #tpu.memory_space<vmem_shared>> -> memref<128x32xf32, #tpu.memory_space<vmem_shared>>
      %dma_wait3A_362 = arith.constant 0 : i32
      %dma_wait3A_363 = arith.constant 0 : i32
      %dma_wait3A_364 = tpu.memref_slice %arg8[%run_scoped3A_31, %dma_wait3A_362, %dma_wait3A_363] : memref<8x128x32xf32, #tpu.memory_space<vmem>> -> memref<1x128x32xf32, #tpu.memory_space<vmem>>
      %dma_wait3A_365 = tpu.memref_squeeze %dma_wait3A_364 : memref<1x128x32xf32, #tpu.memory_space<vmem>> -> memref<128x32xf32, #tpu.memory_space<vmem>>
      tpu.wait_dma2 semaphore(%run_scoped3A_341 : memref<!tpu.dma_semaphore, #tpu.memory_space<semaphore_mem>>) src(%dma_wait3A_365 : memref<128x32xf32, #tpu.memory_space<vmem>>) dst(%dma_wait3A_361 : memref<128x32xf32, #tpu.memory_space<vmem_shared>>)
      tpu.yield
    }) : () -> ()
    %add3A_32 = arith.constant 256 : i32
    %add3A_33 = arith.addi %multiple_of3A, %add3A_32 : i32
    %run_scoped3A_34 = arith.constant 0 : i32
    "tpu.region"() ({
      %run_scoped3A_341 = tpu.sem_alloc : memref<!tpu.dma_semaphore, #tpu.memory_space<semaphore_mem>>
      %dma_start3A_342 = arith.constant 0 : i32
      %dma_start3A_343 = arith.constant 0 : i32
      %dma_start3A_344 = tpu.memref_slice %arg8[%run_scoped3A_34, %dma_start3A_342, %dma_start3A_343] : memref<8x128x32xf32, #tpu.memory_space<vmem>> -> memref<1x128x32xf32, #tpu.memory_space<vmem>>
      %dma_start3A_345 = tpu.memref_squeeze %dma_start3A_344 : memref<1x128x32xf32, #tpu.memory_space<vmem>> -> memref<128x32xf32, #tpu.memory_space<vmem>>
      %dma_start3A_346 = arith.constant 0 : i32
      %dma_start3A_347 = tpu.memref_slice %arg9[%add3A_33, %dma_start3A_346] : memref<10016x32xf32, #tpu.memory_space<vmem_shared>> -> memref<128x32xf32, #tpu.memory_space<vmem_shared>>
      %dma_start3A_348 = arith.constant 0 : i32
      %dma_start3A_349 = tpu.memref_slice %arg9[%add3A_33, %dma_start3A_348] : memref<10016x32xf32, #tpu.memory_space<vmem_shared>> -> memref<128x32xf32, #tpu.memory_space<vmem_shared>>
      %dma_start3A_350 = arith.constant 0 : i32
      %dma_start3A_351 = arith.constant 0 : i32
      %dma_start3A_352 = tpu.memref_slice %arg8[%run_scoped3A_34, %dma_start3A_350, %dma_start3A_351] : memref<8x128x32xf32, #tpu.memory_space<vmem>> -> memref<1x128x32xf32, #tpu.memory_space<vmem>>
      %dma_start3A_353 = tpu.memref_squeeze %dma_start3A_352 : memref<1x128x32xf32, #tpu.memory_space<vmem>> -> memref<128x32xf32, #tpu.memory_space<vmem>>
      tpu.enqueue_dma source(%dma_start3A_353 : memref<128x32xf32, #tpu.memory_space<vmem>>) target(%dma_start3A_349 : memref<128x32xf32, #tpu.memory_space<vmem_shared>>) target_semaphore(%run_scoped3A_341 : memref<!tpu.dma_semaphore, #tpu.memory_space<semaphore_mem>>)
      %dma_wait3A_354 = arith.constant 0 : i32
      %dma_wait3A_355 = arith.constant 0 : i32
      %dma_wait3A_356 = tpu.memref_slice %arg8[%run_scoped3A_34, %dma_wait3A_354, %dma_wait3A_355] : memref<8x128x32xf32, #tpu.memory_space<vmem>> -> memref<1x128x32xf32, #tpu.memory_space<vmem>>
      %dma_wait3A_357 = tpu.memref_squeeze %dma_wait3A_356 : memref<1x128x32xf32, #tpu.memory_space<vmem>> -> memref<128x32xf32, #tpu.memory_space<vmem>>
      %dma_wait3A_358 = arith.constant 0 : i32
      %dma_wait3A_359 = tpu.memref_slice %arg9[%add3A_33, %dma_wait3A_358] : memref<10016x32xf32, #tpu.memory_space<vmem_shared>> -> memref<128x32xf32, #tpu.memory_space<vmem_shared>>
      %dma_wait3A_360 = arith.constant 0 : i32
      %dma_wait3A_361 = tpu.memref_slice %arg9[%add3A_33, %dma_wait3A_360] : memref<10016x32xf32, #tpu.memory_space<vmem_shared>> -> memref<128x32xf32, #tpu.memory_space<vmem_shared>>
      %dma_wait3A_362 = arith.constant 0 : i32
      %dma_wait3A_363 = arith.constant 0 : i32
      %dma_wait3A_364 = tpu.memref_slice %arg8[%run_scoped3A_34, %dma_wait3A_362, %dma_wait3A_363] : memref<8x128x32xf32, #tpu.memory_space<vmem>> -> memref<1x128x32xf32, #tpu.memory_space<vmem>>
      %dma_wait3A_365 = tpu.memref_squeeze %dma_wait3A_364 : memref<1x128x32xf32, #tpu.memory_space<vmem>> -> memref<128x32xf32, #tpu.memory_space<vmem>>
      tpu.wait_dma2 semaphore(%run_scoped3A_341 : memref<!tpu.dma_semaphore, #tpu.memory_space<semaphore_mem>>) src(%dma_wait3A_365 : memref<128x32xf32, #tpu.memory_space<vmem>>) dst(%dma_wait3A_361 : memref<128x32xf32, #tpu.memory_space<vmem_shared>>)
      tpu.yield
    }) : () -> ()
    %add3A_35 = arith.constant 384 : i32
    %add3A_36 = arith.addi %multiple_of3A, %add3A_35 : i32
    %run_scoped3A_37 = arith.constant 0 : i32
    "tpu.region"() ({
      %run_scoped3A_341 = tpu.sem_alloc : memref<!tpu.dma_semaphore, #tpu.memory_space<semaphore_mem>>
      %dma_start3A_342 = arith.constant 0 : i32
      %dma_start3A_343 = arith.constant 0 : i32
      %dma_start3A_344 = tpu.memref_slice %arg8[%run_scoped3A_37, %dma_start3A_342, %dma_start3A_343] : memref<8x128x32xf32, #tpu.memory_space<vmem>> -> memref<1x128x32xf32, #tpu.memory_space<vmem>>
      %dma_start3A_345 = tpu.memref_squeeze %dma_start3A_344 : memref<1x128x32xf32, #tpu.memory_space<vmem>> -> memref<128x32xf32, #tpu.memory_space<vmem>>
      %dma_start3A_346 = arith.constant 0 : i32
      %dma_start3A_347 = tpu.memref_slice %arg9[%add3A_36, %dma_start3A_346] : memref<10016x32xf32, #tpu.memory_space<vmem_shared>> -> memref<128x32xf32, #tpu.memory_space<vmem_shared>>
      %dma_start3A_348 = arith.constant 0 : i32
      %dma_start3A_349 = tpu.memref_slice %arg9[%add3A_36, %dma_start3A_348] : memref<10016x32xf32, #tpu.memory_space<vmem_shared>> -> memref<128x32xf32, #tpu.memory_space<vmem_shared>>
      %dma_start3A_350 = arith.constant 0 : i32
      %dma_start3A_351 = arith.constant 0 : i32
      %dma_start3A_352 = tpu.memref_slice %arg8[%run_scoped3A_37, %dma_start3A_350, %dma_start3A_351] : memref<8x128x32xf32, #tpu.memory_space<vmem>> -> memref<1x128x32xf32, #tpu.memory_space<vmem>>
      %dma_start3A_353 = tpu.memref_squeeze %dma_start3A_352 : memref<1x128x32xf32, #tpu.memory_space<vmem>> -> memref<128x32xf32, #tpu.memory_space<vmem>>
      tpu.enqueue_dma source(%dma_start3A_353 : memref<128x32xf32, #tpu.memory_space<vmem>>) target(%dma_start3A_349 : memref<128x32xf32, #tpu.memory_space<vmem_shared>>) target_semaphore(%run_scoped3A_341 : memref<!tpu.dma_semaphore, #tpu.memory_space<semaphore_mem>>)
      %dma_wait3A_354 = arith.constant 0 : i32
      %dma_wait3A_355 = arith.constant 0 : i32
      %dma_wait3A_356 = tpu.memref_slice %arg8[%run_scoped3A_37, %dma_wait3A_354, %dma_wait3A_355] : memref<8x128x32xf32, #tpu.memory_space<vmem>> -> memref<1x128x32xf32, #tpu.memory_space<vmem>>
      %dma_wait3A_357 = tpu.memref_squeeze %dma_wait3A_356 : memref<1x128x32xf32, #tpu.memory_space<vmem>> -> memref<128x32xf32, #tpu.memory_space<vmem>>
      %dma_wait3A_358 = arith.constant 0 : i32
      %dma_wait3A_359 = tpu.memref_slice %arg9[%add3A_36, %dma_wait3A_358] : memref<10016x32xf32, #tpu.memory_space<vmem_shared>> -> memref<128x32xf32, #tpu.memory_space<vmem_shared>>
      %dma_wait3A_360 = arith.constant 0 : i32
      %dma_wait3A_361 = tpu.memref_slice %arg9[%add3A_36, %dma_wait3A_360] : memref<10016x32xf32, #tpu.memory_space<vmem_shared>> -> memref<128x32xf32, #tpu.memory_space<vmem_shared>>
      %dma_wait3A_362 = arith.constant 0 : i32
      %dma_wait3A_363 = arith.constant 0 : i32
      %dma_wait3A_364 = tpu.memref_slice %arg8[%run_scoped3A_37, %dma_wait3A_362, %dma_wait3A_363] : memref<8x128x32xf32, #tpu.memory_space<vmem>> -> memref<1x128x32xf32, #tpu.memory_space<vmem>>
      %dma_wait3A_365 = tpu.memref_squeeze %dma_wait3A_364 : memref<1x128x32xf32, #tpu.memory_space<vmem>> -> memref<128x32xf32, #tpu.memory_space<vmem>>
      tpu.wait_dma2 semaphore(%run_scoped3A_341 : memref<!tpu.dma_semaphore, #tpu.memory_space<semaphore_mem>>) src(%dma_wait3A_365 : memref<128x32xf32, #tpu.memory_space<vmem>>) dst(%dma_wait3A_361 : memref<128x32xf32, #tpu.memory_space<vmem_shared>>)
      tpu.yield
    }) : () -> ()
    %add3A_38 = arith.constant 512 : i32
    %add3A_39 = arith.addi %multiple_of3A, %add3A_38 : i32
    %run_scoped3A_40 = arith.constant 0 : i32
    "tpu.region"() ({
      %run_scoped3A_341 = tpu.sem_alloc : memref<!tpu.dma_semaphore, #tpu.memory_space<semaphore_mem>>
      %dma_start3A_342 = arith.constant 0 : i32
      %dma_start3A_343 = arith.constant 0 : i32
      %dma_start3A_344 = tpu.memref_slice %arg8[%run_scoped3A_40, %dma_start3A_342, %dma_start3A_343] : memref<8x128x32xf32, #tpu.memory_space<vmem>> -> memref<1x114x32xf32, #tpu.memory_space<vmem>>
      %dma_start3A_345 = tpu.memref_squeeze %dma_start3A_344 : memref<1x114x32xf32, #tpu.memory_space<vmem>> -> memref<114x32xf32, #tpu.memory_space<vmem>>
      %dma_start3A_346 = arith.constant 0 : i32
      %dma_start3A_347 = tpu.memref_slice %arg9[%add3A_39, %dma_start3A_346] : memref<10016x32xf32, #tpu.memory_space<vmem_shared>> -> memref<114x32xf32, #tpu.memory_space<vmem_shared>>
      %dma_start3A_348 = arith.constant 0 : i32
      %dma_start3A_349 = tpu.memref_slice %arg9[%add3A_39, %dma_start3A_348] : memref<10016x32xf32, #tpu.memory_space<vmem_shared>> -> memref<114x32xf32, #tpu.memory_space<vmem_shared>>
      %dma_start3A_350 = arith.constant 0 : i32
      %dma_start3A_351 = arith.constant 0 : i32
      %dma_start3A_352 = tpu.memref_slice %arg8[%run_scoped3A_40, %dma_start3A_350, %dma_start3A_351] : memref<8x128x32xf32, #tpu.memory_space<vmem>> -> memref<1x114x32xf32, #tpu.memory_space<vmem>>
      %dma_start3A_353 = tpu.memref_squeeze %dma_start3A_352 : memref<1x114x32xf32, #tpu.memory_space<vmem>> -> memref<114x32xf32, #tpu.memory_space<vmem>>
      tpu.enqueue_dma source(%dma_start3A_353 : memref<114x32xf32, #tpu.memory_space<vmem>>) target(%dma_start3A_349 : memref<114x32xf32, #tpu.memory_space<vmem_shared>>) target_semaphore(%run_scoped3A_341 : memref<!tpu.dma_semaphore, #tpu.memory_space<semaphore_mem>>)
      %dma_wait3A_354 = arith.constant 0 : i32
      %dma_wait3A_355 = arith.constant 0 : i32
      %dma_wait3A_356 = tpu.memref_slice %arg8[%run_scoped3A_40, %dma_wait3A_354, %dma_wait3A_355] : memref<8x128x32xf32, #tpu.memory_space<vmem>> -> memref<1x114x32xf32, #tpu.memory_space<vmem>>
      %dma_wait3A_357 = tpu.memref_squeeze %dma_wait3A_356 : memref<1x114x32xf32, #tpu.memory_space<vmem>> -> memref<114x32xf32, #tpu.memory_space<vmem>>
      %dma_wait3A_358 = arith.constant 0 : i32
      %dma_wait3A_359 = tpu.memref_slice %arg9[%add3A_39, %dma_wait3A_358] : memref<10016x32xf32, #tpu.memory_space<vmem_shared>> -> memref<114x32xf32, #tpu.memory_space<vmem_shared>>
      %dma_wait3A_360 = arith.constant 0 : i32
      %dma_wait3A_361 = tpu.memref_slice %arg9[%add3A_39, %dma_wait3A_360] : memref<10016x32xf32, #tpu.memory_space<vmem_shared>> -> memref<114x32xf32, #tpu.memory_space<vmem_shared>>
      %dma_wait3A_362 = arith.constant 0 : i32
      %dma_wait3A_363 = arith.constant 0 : i32
      %dma_wait3A_364 = tpu.memref_slice %arg8[%run_scoped3A_40, %dma_wait3A_362, %dma_wait3A_363] : memref<8x128x32xf32, #tpu.memory_space<vmem>> -> memref<1x114x32xf32, #tpu.memory_space<vmem>>
      %dma_wait3A_365 = tpu.memref_squeeze %dma_wait3A_364 : memref<1x114x32xf32, #tpu.memory_space<vmem>> -> memref<114x32xf32, #tpu.memory_space<vmem>>
      tpu.wait_dma2 semaphore(%run_scoped3A_341 : memref<!tpu.dma_semaphore, #tpu.memory_space<semaphore_mem>>) src(%dma_wait3A_365 : memref<114x32xf32, #tpu.memory_space<vmem>>) dst(%dma_wait3A_361 : memref<114x32xf32, #tpu.memory_space<vmem_shared>>)
      tpu.yield
    }) : () -> ()
    %dma_wait3A = arith.constant 0 : i32
    %dma_wait3A_41 = arith.constant 0 : i32
    %dma_wait3A_42 = arith.constant 0 : i32
    %dma_wait3A_43 = tpu.memref_slice %arg3[%arg1, %dma_wait3A_41, %dma_wait3A_42] : memref<16x160x128xi32, #tpu.memory_space<hbm>> -> memref<1x160x128xi32, #tpu.memory_space<hbm>>
    %dma_wait3A_44 = tpu.memref_squeeze %dma_wait3A_43 : memref<1x160x128xi32, #tpu.memory_space<hbm>> -> memref<160x128xi32, #tpu.memory_space<hbm>>
    %dma_wait3A_45 = tpu.memref_slice %arg10[%dma_wait3A] : memref<8x!tpu.dma_semaphore, #tpu.memory_space<semaphore_mem>> -> memref<1x!tpu.dma_semaphore, #tpu.memory_space<semaphore_mem>>
    %dma_wait3A_46 = tpu.memref_squeeze %dma_wait3A_45 : memref<1x!tpu.dma_semaphore, #tpu.memory_space<semaphore_mem>> -> memref<!tpu.dma_semaphore, #tpu.memory_space<semaphore_mem>>
    %dma_wait3A_47 = arith.constant 0 : i32
    %dma_wait3A_48 = arith.constant 0 : i32
    %dma_wait3A_49 = tpu.memref_slice %arg3[%arg1, %dma_wait3A_47, %dma_wait3A_48] : memref<16x160x128xi32, #tpu.memory_space<hbm>> -> memref<1x160x128xi32, #tpu.memory_space<hbm>>
    %dma_wait3A_50 = tpu.memref_squeeze %dma_wait3A_49 : memref<1x160x128xi32, #tpu.memory_space<hbm>> -> memref<160x128xi32, #tpu.memory_space<hbm>>
    tpu.wait_dma2 semaphore(%dma_wait3A_46 : memref<!tpu.dma_semaphore, #tpu.memory_space<semaphore_mem>>) src(%dma_wait3A_50 : memref<160x128xi32, #tpu.memory_space<hbm>>) dst(%arg6 : memref<160x128xi32, #tpu.memory_space<vmem>>)
    %dma_wait3A_51 = arith.constant 1 : i32
    %dma_wait3A_52 = arith.constant 0 : i32
    %dma_wait3A_53 = arith.constant 0 : i32
    %dma_wait3A_54 = tpu.memref_slice %arg4[%arg1, %dma_wait3A_52, %dma_wait3A_53] : memref<16x160x128xi32, #tpu.memory_space<hbm>> -> memref<1x160x128xi32, #tpu.memory_space<hbm>>
    %dma_wait3A_55 = tpu.memref_squeeze %dma_wait3A_54 : memref<1x160x128xi32, #tpu.memory_space<hbm>> -> memref<160x128xi32, #tpu.memory_space<hbm>>
    %dma_wait3A_56 = tpu.memref_slice %arg10[%dma_wait3A_51] : memref<8x!tpu.dma_semaphore, #tpu.memory_space<semaphore_mem>> -> memref<1x!tpu.dma_semaphore, #tpu.memory_space<semaphore_mem>>
    %dma_wait3A_57 = tpu.memref_squeeze %dma_wait3A_56 : memref<1x!tpu.dma_semaphore, #tpu.memory_space<semaphore_mem>> -> memref<!tpu.dma_semaphore, #tpu.memory_space<semaphore_mem>>
    %dma_wait3A_58 = arith.constant 0 : i32
    %dma_wait3A_59 = arith.constant 0 : i32
    %dma_wait3A_60 = tpu.memref_slice %arg4[%arg1, %dma_wait3A_58, %dma_wait3A_59] : memref<16x160x128xi32, #tpu.memory_space<hbm>> -> memref<1x160x128xi32, #tpu.memory_space<hbm>>
    %dma_wait3A_61 = tpu.memref_squeeze %dma_wait3A_60 : memref<1x160x128xi32, #tpu.memory_space<hbm>> -> memref<160x128xi32, #tpu.memory_space<hbm>>
    tpu.wait_dma2 semaphore(%dma_wait3A_57 : memref<!tpu.dma_semaphore, #tpu.memory_space<semaphore_mem>>) src(%dma_wait3A_61 : memref<160x128xi32, #tpu.memory_space<hbm>>) dst(%arg7 : memref<160x128xi32, #tpu.memory_space<vmem>>)
    %barrier3A = arith.constant 0 : index
    tpu.barrier barrier_id(%barrier3A)
    %dma_start3A_62 = arith.constant 0 : i32
    %dma_start3A_63 = arith.constant 0 : i32
    %dma_start3A_64 = arith.constant 0 : i32
    %dma_start3A_65 = arith.constant 0 : i32
    %dma_start3A_66 = arith.constant 0 : i32
    %dma_start3A_67 = tpu.memref_slice %arg8[%dma_start3A_63, %dma_start3A_65, %dma_start3A_66] : memref<8x128x32xf32, #tpu.memory_space<vmem>> -> memref<1x128x32xf32, #tpu.memory_space<vmem>>
    %dma_start3A_68 = tpu.memref_squeeze %dma_start3A_67 : memref<1x128x32xf32, #tpu.memory_space<vmem>> -> memref<128x32xf32, #tpu.memory_space<vmem>>
    %dma_start3A_69 = arith.constant 0 : i32
    %dma_start3A_70 = tpu.memref_slice %arg6[%dma_start3A_62, %dma_start3A_69] : memref<160x128xi32, #tpu.memory_space<vmem>> -> memref<1x128xi32, #tpu.memory_space<vmem>>
    %dma_start3A_71 = tpu.memref_squeeze %dma_start3A_70 : memref<1x128xi32, #tpu.memory_space<vmem>> -> memref<128xi32, #tpu.memory_space<vmem>>
    %dma_start3A_72 = arith.constant 0 : i32
    %dma_start3A_73 = arith.constant 0 : i32
    %dma_start3A_74 = tpu.memref_slice %arg2[%arg0, %dma_start3A_72, %dma_start3A_73] : memref<2x10000x32xf32, #tpu.memory_space<hbm>> -> memref<1x10000x32xf32, #tpu.memory_space<hbm>>
    %dma_start3A_75 = tpu.memref_squeeze %dma_start3A_74 : memref<1x10000x32xf32, #tpu.memory_space<hbm>> -> memref<10000x32xf32, #tpu.memory_space<hbm>>
    %dma_start3A_76 = arith.constant 0 : i32
    %dma_start3A_77 = arith.constant 0 : i32
    %dma_start3A_78 = tpu.memref_slice %dma_start3A_75[%dma_start3A_76, %dma_start3A_77] : memref<10000x32xf32, #tpu.memory_space<hbm>> -> memref<10000x32xf32, #tpu.memory_space<hbm>>
    %dma_start3A_79 = tpu.memref_slice %arg10[%dma_start3A_64] : memref<8x!tpu.dma_semaphore, #tpu.memory_space<semaphore_mem>> -> memref<1x!tpu.dma_semaphore, #tpu.memory_space<semaphore_mem>>
    %dma_start3A_80 = tpu.memref_squeeze %dma_start3A_79 : memref<1x!tpu.dma_semaphore, #tpu.memory_space<semaphore_mem>> -> memref<!tpu.dma_semaphore, #tpu.memory_space<semaphore_mem>>
    tpu.enqueue_indirect_dma source(%dma_start3A_78 : memref<10000x32xf32, #tpu.memory_space<hbm>>) target(%dma_start3A_68 : memref<128x32xf32, #tpu.memory_space<vmem>>) offsets(%dma_start3A_71 : memref<128xi32, #tpu.memory_space<vmem>>) semaphore(%dma_start3A_80 : memref<!tpu.dma_semaphore, #tpu.memory_space<semaphore_mem>>)
    %dma_start3A_81 = arith.constant 1 : i32
    %dma_start3A_82 = arith.constant 1 : i32
    %dma_start3A_83 = arith.constant 1 : i32
    %dma_start3A_84 = arith.constant 0 : i32
    %dma_start3A_85 = arith.constant 0 : i32
    %dma_start3A_86 = tpu.memref_slice %arg8[%dma_start3A_82, %dma_start3A_84, %dma_start3A_85] : memref<8x128x32xf32, #tpu.memory_space<vmem>> -> memref<1x128x32xf32, #tpu.memory_space<vmem>>
    %dma_start3A_87 = tpu.memref_squeeze %dma_start3A_86 : memref<1x128x32xf32, #tpu.memory_space<vmem>> -> memref<128x32xf32, #tpu.memory_space<vmem>>
    %dma_start3A_88 = arith.constant 0 : i32
    %dma_start3A_89 = tpu.memref_slice %arg6[%dma_start3A_81, %dma_start3A_88] : memref<160x128xi32, #tpu.memory_space<vmem>> -> memref<1x128xi32, #tpu.memory_space<vmem>>
    %dma_start3A_90 = tpu.memref_squeeze %dma_start3A_89 : memref<1x128xi32, #tpu.memory_space<vmem>> -> memref<128xi32, #tpu.memory_space<vmem>>
    %dma_start3A_91 = arith.constant 0 : i32
    %dma_start3A_92 = arith.constant 0 : i32
    %dma_start3A_93 = tpu.memref_slice %arg2[%arg0, %dma_start3A_91, %dma_start3A_92] : memref<2x10000x32xf32, #tpu.memory_space<hbm>> -> memref<1x10000x32xf32, #tpu.memory_space<hbm>>
    %dma_start3A_94 = tpu.memref_squeeze %dma_start3A_93 : memref<1x10000x32xf32, #tpu.memory_space<hbm>> -> memref<10000x32xf32, #tpu.memory_space<hbm>>
    %dma_start3A_95 = arith.constant 0 : i32
    %dma_start3A_96 = arith.constant 0 : i32
    %dma_start3A_97 = tpu.memref_slice %dma_start3A_94[%dma_start3A_95, %dma_start3A_96] : memref<10000x32xf32, #tpu.memory_space<hbm>> -> memref<10000x32xf32, #tpu.memory_space<hbm>>
    %dma_start3A_98 = tpu.memref_slice %arg10[%dma_start3A_83] : memref<8x!tpu.dma_semaphore, #tpu.memory_space<semaphore_mem>> -> memref<1x!tpu.dma_semaphore, #tpu.memory_space<semaphore_mem>>
    %dma_start3A_99 = tpu.memref_squeeze %dma_start3A_98 : memref<1x!tpu.dma_semaphore, #tpu.memory_space<semaphore_mem>> -> memref<!tpu.dma_semaphore, #tpu.memory_space<semaphore_mem>>
    tpu.enqueue_indirect_dma source(%dma_start3A_97 : memref<10000x32xf32, #tpu.memory_space<hbm>>) target(%dma_start3A_87 : memref<128x32xf32, #tpu.memory_space<vmem>>) offsets(%dma_start3A_90 : memref<128xi32, #tpu.memory_space<vmem>>) semaphore(%dma_start3A_99 : memref<!tpu.dma_semaphore, #tpu.memory_space<semaphore_mem>>)
    %dma_start3A_100 = arith.constant 2 : i32
    %dma_start3A_101 = arith.constant 2 : i32
    %dma_start3A_102 = arith.constant 2 : i32
    %dma_start3A_103 = arith.constant 0 : i32
    %dma_start3A_104 = arith.constant 0 : i32
    %dma_start3A_105 = tpu.memref_slice %arg8[%dma_start3A_101, %dma_start3A_103, %dma_start3A_104] : memref<8x128x32xf32, #tpu.memory_space<vmem>> -> memref<1x128x32xf32, #tpu.memory_space<vmem>>
    %dma_start3A_106 = tpu.memref_squeeze %dma_start3A_105 : memref<1x128x32xf32, #tpu.memory_space<vmem>> -> memref<128x32xf32, #tpu.memory_space<vmem>>
    %dma_start3A_107 = arith.constant 0 : i32
    %dma_start3A_108 = tpu.memref_slice %arg6[%dma_start3A_100, %dma_start3A_107] : memref<160x128xi32, #tpu.memory_space<vmem>> -> memref<1x128xi32, #tpu.memory_space<vmem>>
    %dma_start3A_109 = tpu.memref_squeeze %dma_start3A_108 : memref<1x128xi32, #tpu.memory_space<vmem>> -> memref<128xi32, #tpu.memory_space<vmem>>
    %dma_start3A_110 = arith.constant 0 : i32
    %dma_start3A_111 = arith.constant 0 : i32
    %dma_start3A_112 = tpu.memref_slice %arg2[%arg0, %dma_start3A_110, %dma_start3A_111] : memref<2x10000x32xf32, #tpu.memory_space<hbm>> -> memref<1x10000x32xf32, #tpu.memory_space<hbm>>
    %dma_start3A_113 = tpu.memref_squeeze %dma_start3A_112 : memref<1x10000x32xf32, #tpu.memory_space<hbm>> -> memref<10000x32xf32, #tpu.memory_space<hbm>>
    %dma_start3A_114 = arith.constant 0 : i32
    %dma_start3A_115 = arith.constant 0 : i32
    %dma_start3A_116 = tpu.memref_slice %dma_start3A_113[%dma_start3A_114, %dma_start3A_115] : memref<10000x32xf32, #tpu.memory_space<hbm>> -> memref<10000x32xf32, #tpu.memory_space<hbm>>
    %dma_start3A_117 = tpu.memref_slice %arg10[%dma_start3A_102] : memref<8x!tpu.dma_semaphore, #tpu.memory_space<semaphore_mem>> -> memref<1x!tpu.dma_semaphore, #tpu.memory_space<semaphore_mem>>
    %dma_start3A_118 = tpu.memref_squeeze %dma_start3A_117 : memref<1x!tpu.dma_semaphore, #tpu.memory_space<semaphore_mem>> -> memref<!tpu.dma_semaphore, #tpu.memory_space<semaphore_mem>>
    tpu.enqueue_indirect_dma source(%dma_start3A_116 : memref<10000x32xf32, #tpu.memory_space<hbm>>) target(%dma_start3A_106 : memref<128x32xf32, #tpu.memory_space<vmem>>) offsets(%dma_start3A_109 : memref<128xi32, #tpu.memory_space<vmem>>) semaphore(%dma_start3A_118 : memref<!tpu.dma_semaphore, #tpu.memory_space<semaphore_mem>>)
    %dma_start3A_119 = arith.constant 3 : i32
    %dma_start3A_120 = arith.constant 3 : i32
    %dma_start3A_121 = arith.constant 3 : i32
    %dma_start3A_122 = arith.constant 0 : i32
    %dma_start3A_123 = arith.constant 0 : i32
    %dma_start3A_124 = tpu.memref_slice %arg8[%dma_start3A_120, %dma_start3A_122, %dma_start3A_123] : memref<8x128x32xf32, #tpu.memory_space<vmem>> -> memref<1x128x32xf32, #tpu.memory_space<vmem>>
    %dma_start3A_125 = tpu.memref_squeeze %dma_start3A_124 : memref<1x128x32xf32, #tpu.memory_space<vmem>> -> memref<128x32xf32, #tpu.memory_space<vmem>>
    %dma_start3A_126 = arith.constant 0 : i32
    %dma_start3A_127 = tpu.memref_slice %arg6[%dma_start3A_119, %dma_start3A_126] : memref<160x128xi32, #tpu.memory_space<vmem>> -> memref<1x128xi32, #tpu.memory_space<vmem>>
    %dma_start3A_128 = tpu.memref_squeeze %dma_start3A_127 : memref<1x128xi32, #tpu.memory_space<vmem>> -> memref<128xi32, #tpu.memory_space<vmem>>
    %dma_start3A_129 = arith.constant 0 : i32
    %dma_start3A_130 = arith.constant 0 : i32
    %dma_start3A_131 = tpu.memref_slice %arg2[%arg0, %dma_start3A_129, %dma_start3A_130] : memref<2x10000x32xf32, #tpu.memory_space<hbm>> -> memref<1x10000x32xf32, #tpu.memory_space<hbm>>
    %dma_start3A_132 = tpu.memref_squeeze %dma_start3A_131 : memref<1x10000x32xf32, #tpu.memory_space<hbm>> -> memref<10000x32xf32, #tpu.memory_space<hbm>>
    %dma_start3A_133 = arith.constant 0 : i32
    %dma_start3A_134 = arith.constant 0 : i32
    %dma_start3A_135 = tpu.memref_slice %dma_start3A_132[%dma_start3A_133, %dma_start3A_134] : memref<10000x32xf32, #tpu.memory_space<hbm>> -> memref<10000x32xf32, #tpu.memory_space<hbm>>
    %dma_start3A_136 = tpu.memref_slice %arg10[%dma_start3A_121] : memref<8x!tpu.dma_semaphore, #tpu.memory_space<semaphore_mem>> -> memref<1x!tpu.dma_semaphore, #tpu.memory_space<semaphore_mem>>
    %dma_start3A_137 = tpu.memref_squeeze %dma_start3A_136 : memref<1x!tpu.dma_semaphore, #tpu.memory_space<semaphore_mem>> -> memref<!tpu.dma_semaphore, #tpu.memory_space<semaphore_mem>>
    tpu.enqueue_indirect_dma source(%dma_start3A_135 : memref<10000x32xf32, #tpu.memory_space<hbm>>) target(%dma_start3A_125 : memref<128x32xf32, #tpu.memory_space<vmem>>) offsets(%dma_start3A_128 : memref<128xi32, #tpu.memory_space<vmem>>) semaphore(%dma_start3A_137 : memref<!tpu.dma_semaphore, #tpu.memory_space<semaphore_mem>>)
    %dma_start3A_138 = arith.constant 4 : i32
    %dma_start3A_139 = arith.constant 4 : i32
    %dma_start3A_140 = arith.constant 4 : i32
    %dma_start3A_141 = arith.constant 0 : i32
    %dma_start3A_142 = arith.constant 0 : i32
    %dma_start3A_143 = tpu.memref_slice %arg8[%dma_start3A_139, %dma_start3A_141, %dma_start3A_142] : memref<8x128x32xf32, #tpu.memory_space<vmem>> -> memref<1x128x32xf32, #tpu.memory_space<vmem>>
    %dma_start3A_144 = tpu.memref_squeeze %dma_start3A_143 : memref<1x128x32xf32, #tpu.memory_space<vmem>> -> memref<128x32xf32, #tpu.memory_space<vmem>>
    %dma_start3A_145 = arith.constant 0 : i32
    %dma_start3A_146 = tpu.memref_slice %arg6[%dma_start3A_138, %dma_start3A_145] : memref<160x128xi32, #tpu.memory_space<vmem>> -> memref<1x128xi32, #tpu.memory_space<vmem>>
    %dma_start3A_147 = tpu.memref_squeeze %dma_start3A_146 : memref<1x128xi32, #tpu.memory_space<vmem>> -> memref<128xi32, #tpu.memory_space<vmem>>
    %dma_start3A_148 = arith.constant 0 : i32
    %dma_start3A_149 = arith.constant 0 : i32
    %dma_start3A_150 = tpu.memref_slice %arg2[%arg0, %dma_start3A_148, %dma_start3A_149] : memref<2x10000x32xf32, #tpu.memory_space<hbm>> -> memref<1x10000x32xf32, #tpu.memory_space<hbm>>
    %dma_start3A_151 = tpu.memref_squeeze %dma_start3A_150 : memref<1x10000x32xf32, #tpu.memory_space<hbm>> -> memref<10000x32xf32, #tpu.memory_space<hbm>>
    %dma_start3A_152 = arith.constant 0 : i32
    %dma_start3A_153 = arith.constant 0 : i32
    %dma_start3A_154 = tpu.memref_slice %dma_start3A_151[%dma_start3A_152, %dma_start3A_153] : memref<10000x32xf32, #tpu.memory_space<hbm>> -> memref<10000x32xf32, #tpu.memory_space<hbm>>
    %dma_start3A_155 = tpu.memref_slice %arg10[%dma_start3A_140] : memref<8x!tpu.dma_semaphore, #tpu.memory_space<semaphore_mem>> -> memref<1x!tpu.dma_semaphore, #tpu.memory_space<semaphore_mem>>
    %dma_start3A_156 = tpu.memref_squeeze %dma_start3A_155 : memref<1x!tpu.dma_semaphore, #tpu.memory_space<semaphore_mem>> -> memref<!tpu.dma_semaphore, #tpu.memory_space<semaphore_mem>>
    tpu.enqueue_indirect_dma source(%dma_start3A_154 : memref<10000x32xf32, #tpu.memory_space<hbm>>) target(%dma_start3A_144 : memref<128x32xf32, #tpu.memory_space<vmem>>) offsets(%dma_start3A_147 : memref<128xi32, #tpu.memory_space<vmem>>) semaphore(%dma_start3A_156 : memref<!tpu.dma_semaphore, #tpu.memory_space<semaphore_mem>>)
    %dma_start3A_157 = arith.constant 5 : i32
    %dma_start3A_158 = arith.constant 5 : i32
    %dma_start3A_159 = arith.constant 5 : i32
    %dma_start3A_160 = arith.constant 0 : i32
    %dma_start3A_161 = arith.constant 0 : i32
    %dma_start3A_162 = tpu.memref_slice %arg8[%dma_start3A_158, %dma_start3A_160, %dma_start3A_161] : memref<8x128x32xf32, #tpu.memory_space<vmem>> -> memref<1x128x32xf32, #tpu.memory_space<vmem>>
    %dma_start3A_163 = tpu.memref_squeeze %dma_start3A_162 : memref<1x128x32xf32, #tpu.memory_space<vmem>> -> memref<128x32xf32, #tpu.memory_space<vmem>>
    %dma_start3A_164 = arith.constant 0 : i32
    %dma_start3A_165 = tpu.memref_slice %arg6[%dma_start3A_157, %dma_start3A_164] : memref<160x128xi32, #tpu.memory_space<vmem>> -> memref<1x128xi32, #tpu.memory_space<vmem>>
    %dma_start3A_166 = tpu.memref_squeeze %dma_start3A_165 : memref<1x128xi32, #tpu.memory_space<vmem>> -> memref<128xi32, #tpu.memory_space<vmem>>
    %dma_start3A_167 = arith.constant 0 : i32
    %dma_start3A_168 = arith.constant 0 : i32
    %dma_start3A_169 = tpu.memref_slice %arg2[%arg0, %dma_start3A_167, %dma_start3A_168] : memref<2x10000x32xf32, #tpu.memory_space<hbm>> -> memref<1x10000x32xf32, #tpu.memory_space<hbm>>
    %dma_start3A_170 = tpu.memref_squeeze %dma_start3A_169 : memref<1x10000x32xf32, #tpu.memory_space<hbm>> -> memref<10000x32xf32, #tpu.memory_space<hbm>>
    %dma_start3A_171 = arith.constant 0 : i32
    %dma_start3A_172 = arith.constant 0 : i32
    %dma_start3A_173 = tpu.memref_slice %dma_start3A_170[%dma_start3A_171, %dma_start3A_172] : memref<10000x32xf32, #tpu.memory_space<hbm>> -> memref<10000x32xf32, #tpu.memory_space<hbm>>
    %dma_start3A_174 = tpu.memref_slice %arg10[%dma_start3A_159] : memref<8x!tpu.dma_semaphore, #tpu.memory_space<semaphore_mem>> -> memref<1x!tpu.dma_semaphore, #tpu.memory_space<semaphore_mem>>
    %dma_start3A_175 = tpu.memref_squeeze %dma_start3A_174 : memref<1x!tpu.dma_semaphore, #tpu.memory_space<semaphore_mem>> -> memref<!tpu.dma_semaphore, #tpu.memory_space<semaphore_mem>>
    tpu.enqueue_indirect_dma source(%dma_start3A_173 : memref<10000x32xf32, #tpu.memory_space<hbm>>) target(%dma_start3A_163 : memref<128x32xf32, #tpu.memory_space<vmem>>) offsets(%dma_start3A_166 : memref<128xi32, #tpu.memory_space<vmem>>) semaphore(%dma_start3A_175 : memref<!tpu.dma_semaphore, #tpu.memory_space<semaphore_mem>>)
    %dma_start3A_176 = arith.constant 6 : i32
    %dma_start3A_177 = arith.constant 6 : i32
    %dma_start3A_178 = arith.constant 6 : i32
    %dma_start3A_179 = arith.constant 0 : i32
    %dma_start3A_180 = arith.constant 0 : i32
    %dma_start3A_181 = tpu.memref_slice %arg8[%dma_start3A_177, %dma_start3A_179, %dma_start3A_180] : memref<8x128x32xf32, #tpu.memory_space<vmem>> -> memref<1x128x32xf32, #tpu.memory_space<vmem>>
    %dma_start3A_182 = tpu.memref_squeeze %dma_start3A_181 : memref<1x128x32xf32, #tpu.memory_space<vmem>> -> memref<128x32xf32, #tpu.memory_space<vmem>>
    %dma_start3A_183 = arith.constant 0 : i32
    %dma_start3A_184 = tpu.memref_slice %arg6[%dma_start3A_176, %dma_start3A_183] : memref<160x128xi32, #tpu.memory_space<vmem>> -> memref<1x128xi32, #tpu.memory_space<vmem>>
    %dma_start3A_185 = tpu.memref_squeeze %dma_start3A_184 : memref<1x128xi32, #tpu.memory_space<vmem>> -> memref<128xi32, #tpu.memory_space<vmem>>
    %dma_start3A_186 = arith.constant 0 : i32
    %dma_start3A_187 = arith.constant 0 : i32
    %dma_start3A_188 = tpu.memref_slice %arg2[%arg0, %dma_start3A_186, %dma_start3A_187] : memref<2x10000x32xf32, #tpu.memory_space<hbm>> -> memref<1x10000x32xf32, #tpu.memory_space<hbm>>
    %dma_start3A_189 = tpu.memref_squeeze %dma_start3A_188 : memref<1x10000x32xf32, #tpu.memory_space<hbm>> -> memref<10000x32xf32, #tpu.memory_space<hbm>>
    %dma_start3A_190 = arith.constant 0 : i32
    %dma_start3A_191 = arith.constant 0 : i32
    %dma_start3A_192 = tpu.memref_slice %dma_start3A_189[%dma_start3A_190, %dma_start3A_191] : memref<10000x32xf32, #tpu.memory_space<hbm>> -> memref<10000x32xf32, #tpu.memory_space<hbm>>
    %dma_start3A_193 = tpu.memref_slice %arg10[%dma_start3A_178] : memref<8x!tpu.dma_semaphore, #tpu.memory_space<semaphore_mem>> -> memref<1x!tpu.dma_semaphore, #tpu.memory_space<semaphore_mem>>
    %dma_start3A_194 = tpu.memref_squeeze %dma_start3A_193 : memref<1x!tpu.dma_semaphore, #tpu.memory_space<semaphore_mem>> -> memref<!tpu.dma_semaphore, #tpu.memory_space<semaphore_mem>>
    tpu.enqueue_indirect_dma source(%dma_start3A_192 : memref<10000x32xf32, #tpu.memory_space<hbm>>) target(%dma_start3A_182 : memref<128x32xf32, #tpu.memory_space<vmem>>) offsets(%dma_start3A_185 : memref<128xi32, #tpu.memory_space<vmem>>) semaphore(%dma_start3A_194 : memref<!tpu.dma_semaphore, #tpu.memory_space<semaphore_mem>>)
    %dma_start3A_195 = arith.constant 7 : i32
    %dma_start3A_196 = arith.constant 7 : i32
    %dma_start3A_197 = arith.constant 7 : i32
    %dma_start3A_198 = arith.constant 0 : i32
    %dma_start3A_199 = arith.constant 0 : i32
    %dma_start3A_200 = tpu.memref_slice %arg8[%dma_start3A_196, %dma_start3A_198, %dma_start3A_199] : memref<8x128x32xf32, #tpu.memory_space<vmem>> -> memref<1x128x32xf32, #tpu.memory_space<vmem>>
    %dma_start3A_201 = tpu.memref_squeeze %dma_start3A_200 : memref<1x128x32xf32, #tpu.memory_space<vmem>> -> memref<128x32xf32, #tpu.memory_space<vmem>>
    %dma_start3A_202 = arith.constant 0 : i32
    %dma_start3A_203 = tpu.memref_slice %arg6[%dma_start3A_195, %dma_start3A_202] : memref<160x128xi32, #tpu.memory_space<vmem>> -> memref<1x128xi32, #tpu.memory_space<vmem>>
    %dma_start3A_204 = tpu.memref_squeeze %dma_start3A_203 : memref<1x128xi32, #tpu.memory_space<vmem>> -> memref<128xi32, #tpu.memory_space<vmem>>
    %dma_start3A_205 = arith.constant 0 : i32
    %dma_start3A_206 = arith.constant 0 : i32
    %dma_start3A_207 = tpu.memref_slice %arg2[%arg0, %dma_start3A_205, %dma_start3A_206] : memref<2x10000x32xf32, #tpu.memory_space<hbm>> -> memref<1x10000x32xf32, #tpu.memory_space<hbm>>
    %dma_start3A_208 = tpu.memref_squeeze %dma_start3A_207 : memref<1x10000x32xf32, #tpu.memory_space<hbm>> -> memref<10000x32xf32, #tpu.memory_space<hbm>>
    %dma_start3A_209 = arith.constant 0 : i32
    %dma_start3A_210 = arith.constant 0 : i32
    %dma_start3A_211 = tpu.memref_slice %dma_start3A_208[%dma_start3A_209, %dma_start3A_210] : memref<10000x32xf32, #tpu.memory_space<hbm>> -> memref<10000x32xf32, #tpu.memory_space<hbm>>
    %dma_start3A_212 = tpu.memref_slice %arg10[%dma_start3A_197] : memref<8x!tpu.dma_semaphore, #tpu.memory_space<semaphore_mem>> -> memref<1x!tpu.dma_semaphore, #tpu.memory_space<semaphore_mem>>
    %dma_start3A_213 = tpu.memref_squeeze %dma_start3A_212 : memref<1x!tpu.dma_semaphore, #tpu.memory_space<semaphore_mem>> -> memref<!tpu.dma_semaphore, #tpu.memory_space<semaphore_mem>>
    tpu.enqueue_indirect_dma source(%dma_start3A_211 : memref<10000x32xf32, #tpu.memory_space<hbm>>) target(%dma_start3A_201 : memref<128x32xf32, #tpu.memory_space<vmem>>) offsets(%dma_start3A_204 : memref<128xi32, #tpu.memory_space<vmem>>) semaphore(%dma_start3A_213 : memref<!tpu.dma_semaphore, #tpu.memory_space<semaphore_mem>>)
    %scan3A_214 = arith.constant 0 : i32
    %scan3A_215 = arith.constant 0 : i32
    %scan3A_216 = arith.constant 20 : i32
    %scan3A_217 = arith.addi %scan3A_215, %scan3A_216 : i32
    %scan3A_218 = arith.constant 1 : i32
    scf.for %scan3A_341 = %scan3A_215 to %scan3A_217 step %scan3A_218  : i32 {
      %mul3A_342 = arith.constant 8 : i32
      %mul3A_343 = arith.muli %scan3A_341, %mul3A_342 : i32
      %dma_wait3A_344 = arith.constant 0 : i32
      %dma_wait3A_345 = arith.constant 0 : i32
      %dma_wait3A_346 = arith.constant 0 : i32
      %dma_wait3A_347 = arith.constant 0 : i32
      %dma_wait3A_348 = arith.constant 0 : i32
      %dma_wait3A_349 = tpu.memref_slice %arg8[%dma_wait3A_345, %dma_wait3A_347, %dma_wait3A_348] : memref<8x128x32xf32, #tpu.memory_space<vmem>> -> memref<1x128x32xf32, #tpu.memory_space<vmem>>
      %dma_wait3A_350 = tpu.memref_squeeze %dma_wait3A_349 : memref<1x128x32xf32, #tpu.memory_space<vmem>> -> memref<128x32xf32, #tpu.memory_space<vmem>>
      %dma_wait3A_351 = arith.constant 0 : i32
      %dma_wait3A_352 = tpu.memref_slice %arg6[%dma_wait3A_344, %dma_wait3A_351] : memref<160x128xi32, #tpu.memory_space<vmem>> -> memref<1x128xi32, #tpu.memory_space<vmem>>
      %dma_wait3A_353 = tpu.memref_squeeze %dma_wait3A_352 : memref<1x128xi32, #tpu.memory_space<vmem>> -> memref<128xi32, #tpu.memory_space<vmem>>
      %dma_wait3A_354 = arith.constant 0 : i32
      %dma_wait3A_355 = arith.constant 0 : i32
      %dma_wait3A_356 = tpu.memref_slice %arg2[%arg0, %dma_wait3A_354, %dma_wait3A_355] : memref<2x10000x32xf32, #tpu.memory_space<hbm>> -> memref<1x10000x32xf32, #tpu.memory_space<hbm>>
      %dma_wait3A_357 = tpu.memref_squeeze %dma_wait3A_356 : memref<1x10000x32xf32, #tpu.memory_space<hbm>> -> memref<10000x32xf32, #tpu.memory_space<hbm>>
      %dma_wait3A_358 = arith.constant 0 : i32
      %dma_wait3A_359 = arith.constant 0 : i32
      %dma_wait3A_360 = tpu.memref_slice %dma_wait3A_357[%dma_wait3A_358, %dma_wait3A_359] : memref<10000x32xf32, #tpu.memory_space<hbm>> -> memref<10000x32xf32, #tpu.memory_space<hbm>>
      %dma_wait3A_361 = tpu.memref_slice %arg10[%dma_wait3A_346] : memref<8x!tpu.dma_semaphore, #tpu.memory_space<semaphore_mem>> -> memref<1x!tpu.dma_semaphore, #tpu.memory_space<semaphore_mem>>
      %dma_wait3A_362 = tpu.memref_squeeze %dma_wait3A_361 : memref<1x!tpu.dma_semaphore, #tpu.memory_space<semaphore_mem>> -> memref<!tpu.dma_semaphore, #tpu.memory_space<semaphore_mem>>
      tpu.wait_indirect_dma semaphore(%dma_wait3A_362 : memref<!tpu.dma_semaphore, #tpu.memory_space<semaphore_mem>>) src(%dma_wait3A_360 : memref<10000x32xf32, #tpu.memory_space<hbm>>) dst(%dma_wait3A_350 : memref<128x32xf32, #tpu.memory_space<vmem>>)
      %add3A_363 = arith.constant 0 : i32
      %add3A_364 = arith.addi %mul3A_343, %add3A_363 : i32
      %dma_start3A_365 = arith.constant 0 : i32
      %dma_start3A_366 = arith.constant 0 : i32
      %dma_start3A_367 = arith.constant 0 : i32
      %dma_start3A_368 = arith.constant 0 : i32
      %dma_start3A_369 = tpu.memref_slice %arg8[%dma_start3A_365, %dma_start3A_367, %dma_start3A_368] : memref<8x128x32xf32, #tpu.memory_space<vmem>> -> memref<1x128x32xf32, #tpu.memory_space<vmem>>
      %dma_start3A_370 = tpu.memref_squeeze %dma_start3A_369 : memref<1x128x32xf32, #tpu.memory_space<vmem>> -> memref<128x32xf32, #tpu.memory_space<vmem>>
      %dma_start3A_371 = arith.constant 0 : i32
      %dma_start3A_372 = tpu.memref_slice %arg7[%add3A_364, %dma_start3A_371] : memref<160x128xi32, #tpu.memory_space<vmem>> -> memref<1x128xi32, #tpu.memory_space<vmem>>
      %dma_start3A_373 = tpu.memref_squeeze %dma_start3A_372 : memref<1x128xi32, #tpu.memory_space<vmem>> -> memref<128xi32, #tpu.memory_space<vmem>>
      %dma_start3A_374 = arith.constant 0 : i32
      %dma_start3A_375 = arith.constant 0 : i32
      %dma_start3A_376 = tpu.memref_slice %arg9[%dma_start3A_374, %dma_start3A_375] : memref<10016x32xf32, #tpu.memory_space<vmem_shared>> -> memref<10016x32xf32, #tpu.memory_space<vmem_shared>>
      %dma_start3A_377 = tpu.memref_slice %arg11[%dma_start3A_366] : memref<8x!tpu.dma_semaphore, #tpu.memory_space<semaphore_mem>> -> memref<1x!tpu.dma_semaphore, #tpu.memory_space<semaphore_mem>>
      %dma_start3A_378 = tpu.memref_squeeze %dma_start3A_377 : memref<1x!tpu.dma_semaphore, #tpu.memory_space<semaphore_mem>> -> memref<!tpu.dma_semaphore, #tpu.memory_space<semaphore_mem>>
      tpu.enqueue_indirect_dma source(%dma_start3A_370 : memref<128x32xf32, #tpu.memory_space<vmem>>) target(%dma_start3A_376 : memref<10016x32xf32, #tpu.memory_space<vmem_shared>>) offsets(%dma_start3A_373 : memref<128xi32, #tpu.memory_space<vmem>>) semaphore(%dma_start3A_378 : memref<!tpu.dma_semaphore, #tpu.memory_space<semaphore_mem>>) {add = true}
      %dma_wait3A_379 = arith.constant 0 : i32
      %dma_wait3A_380 = arith.constant 1 : i32
      %dma_wait3A_381 = arith.constant 1 : i32
      %dma_wait3A_382 = arith.constant 0 : i32
      %dma_wait3A_383 = arith.constant 0 : i32
      %dma_wait3A_384 = tpu.memref_slice %arg8[%dma_wait3A_380, %dma_wait3A_382, %dma_wait3A_383] : memref<8x128x32xf32, #tpu.memory_space<vmem>> -> memref<1x128x32xf32, #tpu.memory_space<vmem>>
      %dma_wait3A_385 = tpu.memref_squeeze %dma_wait3A_384 : memref<1x128x32xf32, #tpu.memory_space<vmem>> -> memref<128x32xf32, #tpu.memory_space<vmem>>
      %dma_wait3A_386 = arith.constant 0 : i32
      %dma_wait3A_387 = tpu.memref_slice %arg6[%dma_wait3A_379, %dma_wait3A_386] : memref<160x128xi32, #tpu.memory_space<vmem>> -> memref<1x128xi32, #tpu.memory_space<vmem>>
      %dma_wait3A_388 = tpu.memref_squeeze %dma_wait3A_387 : memref<1x128xi32, #tpu.memory_space<vmem>> -> memref<128xi32, #tpu.memory_space<vmem>>
      %dma_wait3A_389 = arith.constant 0 : i32
      %dma_wait3A_390 = arith.constant 0 : i32
      %dma_wait3A_391 = tpu.memref_slice %arg2[%arg0, %dma_wait3A_389, %dma_wait3A_390] : memref<2x10000x32xf32, #tpu.memory_space<hbm>> -> memref<1x10000x32xf32, #tpu.memory_space<hbm>>
      %dma_wait3A_392 = tpu.memref_squeeze %dma_wait3A_391 : memref<1x10000x32xf32, #tpu.memory_space<hbm>> -> memref<10000x32xf32, #tpu.memory_space<hbm>>
      %dma_wait3A_393 = arith.constant 0 : i32
      %dma_wait3A_394 = arith.constant 0 : i32
      %dma_wait3A_395 = tpu.memref_slice %dma_wait3A_392[%dma_wait3A_393, %dma_wait3A_394] : memref<10000x32xf32, #tpu.memory_space<hbm>> -> memref<10000x32xf32, #tpu.memory_space<hbm>>
      %dma_wait3A_396 = tpu.memref_slice %arg10[%dma_wait3A_381] : memref<8x!tpu.dma_semaphore, #tpu.memory_space<semaphore_mem>> -> memref<1x!tpu.dma_semaphore, #tpu.memory_space<semaphore_mem>>
      %dma_wait3A_397 = tpu.memref_squeeze %dma_wait3A_396 : memref<1x!tpu.dma_semaphore, #tpu.memory_space<semaphore_mem>> -> memref<!tpu.dma_semaphore, #tpu.memory_space<semaphore_mem>>
      tpu.wait_indirect_dma semaphore(%dma_wait3A_397 : memref<!tpu.dma_semaphore, #tpu.memory_space<semaphore_mem>>) src(%dma_wait3A_395 : memref<10000x32xf32, #tpu.memory_space<hbm>>) dst(%dma_wait3A_385 : memref<128x32xf32, #tpu.memory_space<vmem>>)
      %add3A_398 = arith.constant 1 : i32
      %add3A_399 = arith.addi %mul3A_343, %add3A_398 : i32
      %dma_start3A_400 = arith.constant 1 : i32
      %dma_start3A_401 = arith.constant 1 : i32
      %dma_start3A_402 = arith.constant 0 : i32
      %dma_start3A_403 = arith.constant 0 : i32
      %dma_start3A_404 = tpu.memref_slice %arg8[%dma_start3A_400, %dma_start3A_402, %dma_start3A_403] : memref<8x128x32xf32, #tpu.memory_space<vmem>> -> memref<1x128x32xf32, #tpu.memory_space<vmem>>
      %dma_start3A_405 = tpu.memref_squeeze %dma_start3A_404 : memref<1x128x32xf32, #tpu.memory_space<vmem>> -> memref<128x32xf32, #tpu.memory_space<vmem>>
      %dma_start3A_406 = arith.constant 0 : i32
      %dma_start3A_407 = tpu.memref_slice %arg7[%add3A_399, %dma_start3A_406] : memref<160x128xi32, #tpu.memory_space<vmem>> -> memref<1x128xi32, #tpu.memory_space<vmem>>
      %dma_start3A_408 = tpu.memref_squeeze %dma_start3A_407 : memref<1x128xi32, #tpu.memory_space<vmem>> -> memref<128xi32, #tpu.memory_space<vmem>>
      %dma_start3A_409 = arith.constant 0 : i32
      %dma_start3A_410 = arith.constant 0 : i32
      %dma_start3A_411 = tpu.memref_slice %arg9[%dma_start3A_409, %dma_start3A_410] : memref<10016x32xf32, #tpu.memory_space<vmem_shared>> -> memref<10016x32xf32, #tpu.memory_space<vmem_shared>>
      %dma_start3A_412 = tpu.memref_slice %arg11[%dma_start3A_401] : memref<8x!tpu.dma_semaphore, #tpu.memory_space<semaphore_mem>> -> memref<1x!tpu.dma_semaphore, #tpu.memory_space<semaphore_mem>>
      %dma_start3A_413 = tpu.memref_squeeze %dma_start3A_412 : memref<1x!tpu.dma_semaphore, #tpu.memory_space<semaphore_mem>> -> memref<!tpu.dma_semaphore, #tpu.memory_space<semaphore_mem>>
      tpu.enqueue_indirect_dma source(%dma_start3A_405 : memref<128x32xf32, #tpu.memory_space<vmem>>) target(%dma_start3A_411 : memref<10016x32xf32, #tpu.memory_space<vmem_shared>>) offsets(%dma_start3A_408 : memref<128xi32, #tpu.memory_space<vmem>>) semaphore(%dma_start3A_413 : memref<!tpu.dma_semaphore, #tpu.memory_space<semaphore_mem>>) {add = true}
      %dma_wait3A_414 = arith.constant 0 : i32
      %dma_wait3A_415 = arith.constant 2 : i32
      %dma_wait3A_416 = arith.constant 2 : i32
      %dma_wait3A_417 = arith.constant 0 : i32
      %dma_wait3A_418 = arith.constant 0 : i32
      %dma_wait3A_419 = tpu.memref_slice %arg8[%dma_wait3A_415, %dma_wait3A_417, %dma_wait3A_418] : memref<8x128x32xf32, #tpu.memory_space<vmem>> -> memref<1x128x32xf32, #tpu.memory_space<vmem>>
      %dma_wait3A_420 = tpu.memref_squeeze %dma_wait3A_419 : memref<1x128x32xf32, #tpu.memory_space<vmem>> -> memref<128x32xf32, #tpu.memory_space<vmem>>
      %dma_wait3A_421 = arith.constant 0 : i32
      %dma_wait3A_422 = tpu.memref_slice %arg6[%dma_wait3A_414, %dma_wait3A_421] : memref<160x128xi32, #tpu.memory_space<vmem>> -> memref<1x128xi32, #tpu.memory_space<vmem>>
      %dma_wait3A_423 = tpu.memref_squeeze %dma_wait3A_422 : memref<1x128xi32, #tpu.memory_space<vmem>> -> memref<128xi32, #tpu.memory_space<vmem>>
      %dma_wait3A_424 = arith.constant 0 : i32
      %dma_wait3A_425 = arith.constant 0 : i32
      %dma_wait3A_426 = tpu.memref_slice %arg2[%arg0, %dma_wait3A_424, %dma_wait3A_425] : memref<2x10000x32xf32, #tpu.memory_space<hbm>> -> memref<1x10000x32xf32, #tpu.memory_space<hbm>>
      %dma_wait3A_427 = tpu.memref_squeeze %dma_wait3A_426 : memref<1x10000x32xf32, #tpu.memory_space<hbm>> -> memref<10000x32xf32, #tpu.memory_space<hbm>>
      %dma_wait3A_428 = arith.constant 0 : i32
      %dma_wait3A_429 = arith.constant 0 : i32
      %dma_wait3A_430 = tpu.memref_slice %dma_wait3A_427[%dma_wait3A_428, %dma_wait3A_429] : memref<10000x32xf32, #tpu.memory_space<hbm>> -> memref<10000x32xf32, #tpu.memory_space<hbm>>
      %dma_wait3A_431 = tpu.memref_slice %arg10[%dma_wait3A_416] : memref<8x!tpu.dma_semaphore, #tpu.memory_space<semaphore_mem>> -> memref<1x!tpu.dma_semaphore, #tpu.memory_space<semaphore_mem>>
      %dma_wait3A_432 = tpu.memref_squeeze %dma_wait3A_431 : memref<1x!tpu.dma_semaphore, #tpu.memory_space<semaphore_mem>> -> memref<!tpu.dma_semaphore, #tpu.memory_space<semaphore_mem>>
      tpu.wait_indirect_dma semaphore(%dma_wait3A_432 : memref<!tpu.dma_semaphore, #tpu.memory_space<semaphore_mem>>) src(%dma_wait3A_430 : memref<10000x32xf32, #tpu.memory_space<hbm>>) dst(%dma_wait3A_420 : memref<128x32xf32, #tpu.memory_space<vmem>>)
      %add3A_433 = arith.constant 2 : i32
      %add3A_434 = arith.addi %mul3A_343, %add3A_433 : i32
      %dma_start3A_435 = arith.constant 2 : i32
      %dma_start3A_436 = arith.constant 2 : i32
      %dma_start3A_437 = arith.constant 0 : i32
      %dma_start3A_438 = arith.constant 0 : i32
      %dma_start3A_439 = tpu.memref_slice %arg8[%dma_start3A_435, %dma_start3A_437, %dma_start3A_438] : memref<8x128x32xf32, #tpu.memory_space<vmem>> -> memref<1x128x32xf32, #tpu.memory_space<vmem>>
      %dma_start3A_440 = tpu.memref_squeeze %dma_start3A_439 : memref<1x128x32xf32, #tpu.memory_space<vmem>> -> memref<128x32xf32, #tpu.memory_space<vmem>>
      %dma_start3A_441 = arith.constant 0 : i32
      %dma_start3A_442 = tpu.memref_slice %arg7[%add3A_434, %dma_start3A_441] : memref<160x128xi32, #tpu.memory_space<vmem>> -> memref<1x128xi32, #tpu.memory_space<vmem>>
      %dma_start3A_443 = tpu.memref_squeeze %dma_start3A_442 : memref<1x128xi32, #tpu.memory_space<vmem>> -> memref<128xi32, #tpu.memory_space<vmem>>
      %dma_start3A_444 = arith.constant 0 : i32
      %dma_start3A_445 = arith.constant 0 : i32
      %dma_start3A_446 = tpu.memref_slice %arg9[%dma_start3A_444, %dma_start3A_445] : memref<10016x32xf32, #tpu.memory_space<vmem_shared>> -> memref<10016x32xf32, #tpu.memory_space<vmem_shared>>
      %dma_start3A_447 = tpu.memref_slice %arg11[%dma_start3A_436] : memref<8x!tpu.dma_semaphore, #tpu.memory_space<semaphore_mem>> -> memref<1x!tpu.dma_semaphore, #tpu.memory_space<semaphore_mem>>
      %dma_start3A_448 = tpu.memref_squeeze %dma_start3A_447 : memref<1x!tpu.dma_semaphore, #tpu.memory_space<semaphore_mem>> -> memref<!tpu.dma_semaphore, #tpu.memory_space<semaphore_mem>>
      tpu.enqueue_indirect_dma source(%dma_start3A_440 : memref<128x32xf32, #tpu.memory_space<vmem>>) target(%dma_start3A_446 : memref<10016x32xf32, #tpu.memory_space<vmem_shared>>) offsets(%dma_start3A_443 : memref<128xi32, #tpu.memory_space<vmem>>) semaphore(%dma_start3A_448 : memref<!tpu.dma_semaphore, #tpu.memory_space<semaphore_mem>>) {add = true}
      %dma_wait3A_449 = arith.constant 0 : i32
      %dma_wait3A_450 = arith.constant 3 : i32
      %dma_wait3A_451 = arith.constant 3 : i32
      %dma_wait3A_452 = arith.constant 0 : i32
      %dma_wait3A_453 = arith.constant 0 : i32
      %dma_wait3A_454 = tpu.memref_slice %arg8[%dma_wait3A_450, %dma_wait3A_452, %dma_wait3A_453] : memref<8x128x32xf32, #tpu.memory_space<vmem>> -> memref<1x128x32xf32, #tpu.memory_space<vmem>>
      %dma_wait3A_455 = tpu.memref_squeeze %dma_wait3A_454 : memref<1x128x32xf32, #tpu.memory_space<vmem>> -> memref<128x32xf32, #tpu.memory_space<vmem>>
      %dma_wait3A_456 = arith.constant 0 : i32
      %dma_wait3A_457 = tpu.memref_slice %arg6[%dma_wait3A_449, %dma_wait3A_456] : memref<160x128xi32, #tpu.memory_space<vmem>> -> memref<1x128xi32, #tpu.memory_space<vmem>>
      %dma_wait3A_458 = tpu.memref_squeeze %dma_wait3A_457 : memref<1x128xi32, #tpu.memory_space<vmem>> -> memref<128xi32, #tpu.memory_space<vmem>>
      %dma_wait3A_459 = arith.constant 0 : i32
      %dma_wait3A_460 = arith.constant 0 : i32
      %dma_wait3A_461 = tpu.memref_slice %arg2[%arg0, %dma_wait3A_459, %dma_wait3A_460] : memref<2x10000x32xf32, #tpu.memory_space<hbm>> -> memref<1x10000x32xf32, #tpu.memory_space<hbm>>
      %dma_wait3A_462 = tpu.memref_squeeze %dma_wait3A_461 : memref<1x10000x32xf32, #tpu.memory_space<hbm>> -> memref<10000x32xf32, #tpu.memory_space<hbm>>
      %dma_wait3A_463 = arith.constant 0 : i32
      %dma_wait3A_464 = arith.constant 0 : i32
      %dma_wait3A_465 = tpu.memref_slice %dma_wait3A_462[%dma_wait3A_463, %dma_wait3A_464] : memref<10000x32xf32, #tpu.memory_space<hbm>> -> memref<10000x32xf32, #tpu.memory_space<hbm>>
      %dma_wait3A_466 = tpu.memref_slice %arg10[%dma_wait3A_451] : memref<8x!tpu.dma_semaphore, #tpu.memory_space<semaphore_mem>> -> memref<1x!tpu.dma_semaphore, #tpu.memory_space<semaphore_mem>>
      %dma_wait3A_467 = tpu.memref_squeeze %dma_wait3A_466 : memref<1x!tpu.dma_semaphore, #tpu.memory_space<semaphore_mem>> -> memref<!tpu.dma_semaphore, #tpu.memory_space<semaphore_mem>>
      tpu.wait_indirect_dma semaphore(%dma_wait3A_467 : memref<!tpu.dma_semaphore, #tpu.memory_space<semaphore_mem>>) src(%dma_wait3A_465 : memref<10000x32xf32, #tpu.memory_space<hbm>>) dst(%dma_wait3A_455 : memref<128x32xf32, #tpu.memory_space<vmem>>)
      %add3A_468 = arith.constant 3 : i32
      %add3A_469 = arith.addi %mul3A_343, %add3A_468 : i32
      %dma_start3A_470 = arith.constant 3 : i32
      %dma_start3A_471 = arith.constant 3 : i32
      %dma_start3A_472 = arith.constant 0 : i32
      %dma_start3A_473 = arith.constant 0 : i32
      %dma_start3A_474 = tpu.memref_slice %arg8[%dma_start3A_470, %dma_start3A_472, %dma_start3A_473] : memref<8x128x32xf32, #tpu.memory_space<vmem>> -> memref<1x128x32xf32, #tpu.memory_space<vmem>>
      %dma_start3A_475 = tpu.memref_squeeze %dma_start3A_474 : memref<1x128x32xf32, #tpu.memory_space<vmem>> -> memref<128x32xf32, #tpu.memory_space<vmem>>
      %dma_start3A_476 = arith.constant 0 : i32
      %dma_start3A_477 = tpu.memref_slice %arg7[%add3A_469, %dma_start3A_476] : memref<160x128xi32, #tpu.memory_space<vmem>> -> memref<1x128xi32, #tpu.memory_space<vmem>>
      %dma_start3A_478 = tpu.memref_squeeze %dma_start3A_477 : memref<1x128xi32, #tpu.memory_space<vmem>> -> memref<128xi32, #tpu.memory_space<vmem>>
      %dma_start3A_479 = arith.constant 0 : i32
      %dma_start3A_480 = arith.constant 0 : i32
      %dma_start3A_481 = tpu.memref_slice %arg9[%dma_start3A_479, %dma_start3A_480] : memref<10016x32xf32, #tpu.memory_space<vmem_shared>> -> memref<10016x32xf32, #tpu.memory_space<vmem_shared>>
      %dma_start3A_482 = tpu.memref_slice %arg11[%dma_start3A_471] : memref<8x!tpu.dma_semaphore, #tpu.memory_space<semaphore_mem>> -> memref<1x!tpu.dma_semaphore, #tpu.memory_space<semaphore_mem>>
      %dma_start3A_483 = tpu.memref_squeeze %dma_start3A_482 : memref<1x!tpu.dma_semaphore, #tpu.memory_space<semaphore_mem>> -> memref<!tpu.dma_semaphore, #tpu.memory_space<semaphore_mem>>
      tpu.enqueue_indirect_dma source(%dma_start3A_475 : memref<128x32xf32, #tpu.memory_space<vmem>>) target(%dma_start3A_481 : memref<10016x32xf32, #tpu.memory_space<vmem_shared>>) offsets(%dma_start3A_478 : memref<128xi32, #tpu.memory_space<vmem>>) semaphore(%dma_start3A_483 : memref<!tpu.dma_semaphore, #tpu.memory_space<semaphore_mem>>) {add = true}
      %dma_wait3A_484 = arith.constant 0 : i32
      %dma_wait3A_485 = arith.constant 4 : i32
      %dma_wait3A_486 = arith.constant 4 : i32
      %dma_wait3A_487 = arith.constant 0 : i32
      %dma_wait3A_488 = arith.constant 0 : i32
      %dma_wait3A_489 = tpu.memref_slice %arg8[%dma_wait3A_485, %dma_wait3A_487, %dma_wait3A_488] : memref<8x128x32xf32, #tpu.memory_space<vmem>> -> memref<1x128x32xf32, #tpu.memory_space<vmem>>
      %dma_wait3A_490 = tpu.memref_squeeze %dma_wait3A_489 : memref<1x128x32xf32, #tpu.memory_space<vmem>> -> memref<128x32xf32, #tpu.memory_space<vmem>>
      %dma_wait3A_491 = arith.constant 0 : i32
      %dma_wait3A_492 = tpu.memref_slice %arg6[%dma_wait3A_484, %dma_wait3A_491] : memref<160x128xi32, #tpu.memory_space<vmem>> -> memref<1x128xi32, #tpu.memory_space<vmem>>
      %dma_wait3A_493 = tpu.memref_squeeze %dma_wait3A_492 : memref<1x128xi32, #tpu.memory_space<vmem>> -> memref<128xi32, #tpu.memory_space<vmem>>
      %dma_wait3A_494 = arith.constant 0 : i32
      %dma_wait3A_495 = arith.constant 0 : i32
      %dma_wait3A_496 = tpu.memref_slice %arg2[%arg0, %dma_wait3A_494, %dma_wait3A_495] : memref<2x10000x32xf32, #tpu.memory_space<hbm>> -> memref<1x10000x32xf32, #tpu.memory_space<hbm>>
      %dma_wait3A_497 = tpu.memref_squeeze %dma_wait3A_496 : memref<1x10000x32xf32, #tpu.memory_space<hbm>> -> memref<10000x32xf32, #tpu.memory_space<hbm>>
      %dma_wait3A_498 = arith.constant 0 : i32
      %dma_wait3A_499 = arith.constant 0 : i32
      %dma_wait3A_500 = tpu.memref_slice %dma_wait3A_497[%dma_wait3A_498, %dma_wait3A_499] : memref<10000x32xf32, #tpu.memory_space<hbm>> -> memref<10000x32xf32, #tpu.memory_space<hbm>>
      %dma_wait3A_501 = tpu.memref_slice %arg10[%dma_wait3A_486] : memref<8x!tpu.dma_semaphore, #tpu.memory_space<semaphore_mem>> -> memref<1x!tpu.dma_semaphore, #tpu.memory_space<semaphore_mem>>
      %dma_wait3A_502 = tpu.memref_squeeze %dma_wait3A_501 : memref<1x!tpu.dma_semaphore, #tpu.memory_space<semaphore_mem>> -> memref<!tpu.dma_semaphore, #tpu.memory_space<semaphore_mem>>
      tpu.wait_indirect_dma semaphore(%dma_wait3A_502 : memref<!tpu.dma_semaphore, #tpu.memory_space<semaphore_mem>>) src(%dma_wait3A_500 : memref<10000x32xf32, #tpu.memory_space<hbm>>) dst(%dma_wait3A_490 : memref<128x32xf32, #tpu.memory_space<vmem>>)
      %add3A_503 = arith.constant 4 : i32
      %add3A_504 = arith.addi %mul3A_343, %add3A_503 : i32
      %dma_start3A_505 = arith.constant 4 : i32
      %dma_start3A_506 = arith.constant 4 : i32
      %dma_start3A_507 = arith.constant 0 : i32
      %dma_start3A_508 = arith.constant 0 : i32
      %dma_start3A_509 = tpu.memref_slice %arg8[%dma_start3A_505, %dma_start3A_507, %dma_start3A_508] : memref<8x128x32xf32, #tpu.memory_space<vmem>> -> memref<1x128x32xf32, #tpu.memory_space<vmem>>
      %dma_start3A_510 = tpu.memref_squeeze %dma_start3A_509 : memref<1x128x32xf32, #tpu.memory_space<vmem>> -> memref<128x32xf32, #tpu.memory_space<vmem>>
      %dma_start3A_511 = arith.constant 0 : i32
      %dma_start3A_512 = tpu.memref_slice %arg7[%add3A_504, %dma_start3A_511] : memref<160x128xi32, #tpu.memory_space<vmem>> -> memref<1x128xi32, #tpu.memory_space<vmem>>
      %dma_start3A_513 = tpu.memref_squeeze %dma_start3A_512 : memref<1x128xi32, #tpu.memory_space<vmem>> -> memref<128xi32, #tpu.memory_space<vmem>>
      %dma_start3A_514 = arith.constant 0 : i32
      %dma_start3A_515 = arith.constant 0 : i32
      %dma_start3A_516 = tpu.memref_slice %arg9[%dma_start3A_514, %dma_start3A_515] : memref<10016x32xf32, #tpu.memory_space<vmem_shared>> -> memref<10016x32xf32, #tpu.memory_space<vmem_shared>>
      %dma_start3A_517 = tpu.memref_slice %arg11[%dma_start3A_506] : memref<8x!tpu.dma_semaphore, #tpu.memory_space<semaphore_mem>> -> memref<1x!tpu.dma_semaphore, #tpu.memory_space<semaphore_mem>>
      %dma_start3A_518 = tpu.memref_squeeze %dma_start3A_517 : memref<1x!tpu.dma_semaphore, #tpu.memory_space<semaphore_mem>> -> memref<!tpu.dma_semaphore, #tpu.memory_space<semaphore_mem>>
      tpu.enqueue_indirect_dma source(%dma_start3A_510 : memref<128x32xf32, #tpu.memory_space<vmem>>) target(%dma_start3A_516 : memref<10016x32xf32, #tpu.memory_space<vmem_shared>>) offsets(%dma_start3A_513 : memref<128xi32, #tpu.memory_space<vmem>>) semaphore(%dma_start3A_518 : memref<!tpu.dma_semaphore, #tpu.memory_space<semaphore_mem>>) {add = true}
      %dma_wait3A_519 = arith.constant 0 : i32
      %dma_wait3A_520 = arith.constant 5 : i32
      %dma_wait3A_521 = arith.constant 5 : i32
      %dma_wait3A_522 = arith.constant 0 : i32
      %dma_wait3A_523 = arith.constant 0 : i32
      %dma_wait3A_524 = tpu.memref_slice %arg8[%dma_wait3A_520, %dma_wait3A_522, %dma_wait3A_523] : memref<8x128x32xf32, #tpu.memory_space<vmem>> -> memref<1x128x32xf32, #tpu.memory_space<vmem>>
      %dma_wait3A_525 = tpu.memref_squeeze %dma_wait3A_524 : memref<1x128x32xf32, #tpu.memory_space<vmem>> -> memref<128x32xf32, #tpu.memory_space<vmem>>
      %dma_wait3A_526 = arith.constant 0 : i32
      %dma_wait3A_527 = tpu.memref_slice %arg6[%dma_wait3A_519, %dma_wait3A_526] : memref<160x128xi32, #tpu.memory_space<vmem>> -> memref<1x128xi32, #tpu.memory_space<vmem>>
      %dma_wait3A_528 = tpu.memref_squeeze %dma_wait3A_527 : memref<1x128xi32, #tpu.memory_space<vmem>> -> memref<128xi32, #tpu.memory_space<vmem>>
      %dma_wait3A_529 = arith.constant 0 : i32
      %dma_wait3A_530 = arith.constant 0 : i32
      %dma_wait3A_531 = tpu.memref_slice %arg2[%arg0, %dma_wait3A_529, %dma_wait3A_530] : memref<2x10000x32xf32, #tpu.memory_space<hbm>> -> memref<1x10000x32xf32, #tpu.memory_space<hbm>>
      %dma_wait3A_532 = tpu.memref_squeeze %dma_wait3A_531 : memref<1x10000x32xf32, #tpu.memory_space<hbm>> -> memref<10000x32xf32, #tpu.memory_space<hbm>>
      %dma_wait3A_533 = arith.constant 0 : i32
      %dma_wait3A_534 = arith.constant 0 : i32
      %dma_wait3A_535 = tpu.memref_slice %dma_wait3A_532[%dma_wait3A_533, %dma_wait3A_534] : memref<10000x32xf32, #tpu.memory_space<hbm>> -> memref<10000x32xf32, #tpu.memory_space<hbm>>
      %dma_wait3A_536 = tpu.memref_slice %arg10[%dma_wait3A_521] : memref<8x!tpu.dma_semaphore, #tpu.memory_space<semaphore_mem>> -> memref<1x!tpu.dma_semaphore, #tpu.memory_space<semaphore_mem>>
      %dma_wait3A_537 = tpu.memref_squeeze %dma_wait3A_536 : memref<1x!tpu.dma_semaphore, #tpu.memory_space<semaphore_mem>> -> memref<!tpu.dma_semaphore, #tpu.memory_space<semaphore_mem>>
      tpu.wait_indirect_dma semaphore(%dma_wait3A_537 : memref<!tpu.dma_semaphore, #tpu.memory_space<semaphore_mem>>) src(%dma_wait3A_535 : memref<10000x32xf32, #tpu.memory_space<hbm>>) dst(%dma_wait3A_525 : memref<128x32xf32, #tpu.memory_space<vmem>>)
      %add3A_538 = arith.constant 5 : i32
      %add3A_539 = arith.addi %mul3A_343, %add3A_538 : i32
      %dma_start3A_540 = arith.constant 5 : i32
      %dma_start3A_541 = arith.constant 5 : i32
      %dma_start3A_542 = arith.constant 0 : i32
      %dma_start3A_543 = arith.constant 0 : i32
      %dma_start3A_544 = tpu.memref_slice %arg8[%dma_start3A_540, %dma_start3A_542, %dma_start3A_543] : memref<8x128x32xf32, #tpu.memory_space<vmem>> -> memref<1x128x32xf32, #tpu.memory_space<vmem>>
      %dma_start3A_545 = tpu.memref_squeeze %dma_start3A_544 : memref<1x128x32xf32, #tpu.memory_space<vmem>> -> memref<128x32xf32, #tpu.memory_space<vmem>>
      %dma_start3A_546 = arith.constant 0 : i32
      %dma_start3A_547 = tpu.memref_slice %arg7[%add3A_539, %dma_start3A_546] : memref<160x128xi32, #tpu.memory_space<vmem>> -> memref<1x128xi32, #tpu.memory_space<vmem>>
      %dma_start3A_548 = tpu.memref_squeeze %dma_start3A_547 : memref<1x128xi32, #tpu.memory_space<vmem>> -> memref<128xi32, #tpu.memory_space<vmem>>
      %dma_start3A_549 = arith.constant 0 : i32
      %dma_start3A_550 = arith.constant 0 : i32
      %dma_start3A_551 = tpu.memref_slice %arg9[%dma_start3A_549, %dma_start3A_550] : memref<10016x32xf32, #tpu.memory_space<vmem_shared>> -> memref<10016x32xf32, #tpu.memory_space<vmem_shared>>
      %dma_start3A_552 = tpu.memref_slice %arg11[%dma_start3A_541] : memref<8x!tpu.dma_semaphore, #tpu.memory_space<semaphore_mem>> -> memref<1x!tpu.dma_semaphore, #tpu.memory_space<semaphore_mem>>
      %dma_start3A_553 = tpu.memref_squeeze %dma_start3A_552 : memref<1x!tpu.dma_semaphore, #tpu.memory_space<semaphore_mem>> -> memref<!tpu.dma_semaphore, #tpu.memory_space<semaphore_mem>>
      tpu.enqueue_indirect_dma source(%dma_start3A_545 : memref<128x32xf32, #tpu.memory_space<vmem>>) target(%dma_start3A_551 : memref<10016x32xf32, #tpu.memory_space<vmem_shared>>) offsets(%dma_start3A_548 : memref<128xi32, #tpu.memory_space<vmem>>) semaphore(%dma_start3A_553 : memref<!tpu.dma_semaphore, #tpu.memory_space<semaphore_mem>>) {add = true}
      %dma_wait3A_554 = arith.constant 0 : i32
      %dma_wait3A_555 = arith.constant 6 : i32
      %dma_wait3A_556 = arith.constant 6 : i32
      %dma_wait3A_557 = arith.constant 0 : i32
      %dma_wait3A_558 = arith.constant 0 : i32
      %dma_wait3A_559 = tpu.memref_slice %arg8[%dma_wait3A_555, %dma_wait3A_557, %dma_wait3A_558] : memref<8x128x32xf32, #tpu.memory_space<vmem>> -> memref<1x128x32xf32, #tpu.memory_space<vmem>>
      %dma_wait3A_560 = tpu.memref_squeeze %dma_wait3A_559 : memref<1x128x32xf32, #tpu.memory_space<vmem>> -> memref<128x32xf32, #tpu.memory_space<vmem>>
      %dma_wait3A_561 = arith.constant 0 : i32
      %dma_wait3A_562 = tpu.memref_slice %arg6[%dma_wait3A_554, %dma_wait3A_561] : memref<160x128xi32, #tpu.memory_space<vmem>> -> memref<1x128xi32, #tpu.memory_space<vmem>>
      %dma_wait3A_563 = tpu.memref_squeeze %dma_wait3A_562 : memref<1x128xi32, #tpu.memory_space<vmem>> -> memref<128xi32, #tpu.memory_space<vmem>>
      %dma_wait3A_564 = arith.constant 0 : i32
      %dma_wait3A_565 = arith.constant 0 : i32
      %dma_wait3A_566 = tpu.memref_slice %arg2[%arg0, %dma_wait3A_564, %dma_wait3A_565] : memref<2x10000x32xf32, #tpu.memory_space<hbm>> -> memref<1x10000x32xf32, #tpu.memory_space<hbm>>
      %dma_wait3A_567 = tpu.memref_squeeze %dma_wait3A_566 : memref<1x10000x32xf32, #tpu.memory_space<hbm>> -> memref<10000x32xf32, #tpu.memory_space<hbm>>
      %dma_wait3A_568 = arith.constant 0 : i32
      %dma_wait3A_569 = arith.constant 0 : i32
      %dma_wait3A_570 = tpu.memref_slice %dma_wait3A_567[%dma_wait3A_568, %dma_wait3A_569] : memref<10000x32xf32, #tpu.memory_space<hbm>> -> memref<10000x32xf32, #tpu.memory_space<hbm>>
      %dma_wait3A_571 = tpu.memref_slice %arg10[%dma_wait3A_556] : memref<8x!tpu.dma_semaphore, #tpu.memory_space<semaphore_mem>> -> memref<1x!tpu.dma_semaphore, #tpu.memory_space<semaphore_mem>>
      %dma_wait3A_572 = tpu.memref_squeeze %dma_wait3A_571 : memref<1x!tpu.dma_semaphore, #tpu.memory_space<semaphore_mem>> -> memref<!tpu.dma_semaphore, #tpu.memory_space<semaphore_mem>>
      tpu.wait_indirect_dma semaphore(%dma_wait3A_572 : memref<!tpu.dma_semaphore, #tpu.memory_space<semaphore_mem>>) src(%dma_wait3A_570 : memref<10000x32xf32, #tpu.memory_space<hbm>>) dst(%dma_wait3A_560 : memref<128x32xf32, #tpu.memory_space<vmem>>)
      %add3A_573 = arith.constant 6 : i32
      %add3A_574 = arith.addi %mul3A_343, %add3A_573 : i32
      %dma_start3A_575 = arith.constant 6 : i32
      %dma_start3A_576 = arith.constant 6 : i32
      %dma_start3A_577 = arith.constant 0 : i32
      %dma_start3A_578 = arith.constant 0 : i32
      %dma_start3A_579 = tpu.memref_slice %arg8[%dma_start3A_575, %dma_start3A_577, %dma_start3A_578] : memref<8x128x32xf32, #tpu.memory_space<vmem>> -> memref<1x128x32xf32, #tpu.memory_space<vmem>>
      %dma_start3A_580 = tpu.memref_squeeze %dma_start3A_579 : memref<1x128x32xf32, #tpu.memory_space<vmem>> -> memref<128x32xf32, #tpu.memory_space<vmem>>
      %dma_start3A_581 = arith.constant 0 : i32
      %dma_start3A_582 = tpu.memref_slice %arg7[%add3A_574, %dma_start3A_581] : memref<160x128xi32, #tpu.memory_space<vmem>> -> memref<1x128xi32, #tpu.memory_space<vmem>>
      %dma_start3A_583 = tpu.memref_squeeze %dma_start3A_582 : memref<1x128xi32, #tpu.memory_space<vmem>> -> memref<128xi32, #tpu.memory_space<vmem>>
      %dma_start3A_584 = arith.constant 0 : i32
      %dma_start3A_585 = arith.constant 0 : i32
      %dma_start3A_586 = tpu.memref_slice %arg9[%dma_start3A_584, %dma_start3A_585] : memref<10016x32xf32, #tpu.memory_space<vmem_shared>> -> memref<10016x32xf32, #tpu.memory_space<vmem_shared>>
      %dma_start3A_587 = tpu.memref_slice %arg11[%dma_start3A_576] : memref<8x!tpu.dma_semaphore, #tpu.memory_space<semaphore_mem>> -> memref<1x!tpu.dma_semaphore, #tpu.memory_space<semaphore_mem>>
      %dma_start3A_588 = tpu.memref_squeeze %dma_start3A_587 : memref<1x!tpu.dma_semaphore, #tpu.memory_space<semaphore_mem>> -> memref<!tpu.dma_semaphore, #tpu.memory_space<semaphore_mem>>
      tpu.enqueue_indirect_dma source(%dma_start3A_580 : memref<128x32xf32, #tpu.memory_space<vmem>>) target(%dma_start3A_586 : memref<10016x32xf32, #tpu.memory_space<vmem_shared>>) offsets(%dma_start3A_583 : memref<128xi32, #tpu.memory_space<vmem>>) semaphore(%dma_start3A_588 : memref<!tpu.dma_semaphore, #tpu.memory_space<semaphore_mem>>) {add = true}
      %dma_wait3A_589 = arith.constant 0 : i32
      %dma_wait3A_590 = arith.constant 7 : i32
      %dma_wait3A_591 = arith.constant 7 : i32
      %dma_wait3A_592 = arith.constant 0 : i32
      %dma_wait3A_593 = arith.constant 0 : i32
      %dma_wait3A_594 = tpu.memref_slice %arg8[%dma_wait3A_590, %dma_wait3A_592, %dma_wait3A_593] : memref<8x128x32xf32, #tpu.memory_space<vmem>> -> memref<1x128x32xf32, #tpu.memory_space<vmem>>
      %dma_wait3A_595 = tpu.memref_squeeze %dma_wait3A_594 : memref<1x128x32xf32, #tpu.memory_space<vmem>> -> memref<128x32xf32, #tpu.memory_space<vmem>>
      %dma_wait3A_596 = arith.constant 0 : i32
      %dma_wait3A_597 = tpu.memref_slice %arg6[%dma_wait3A_589, %dma_wait3A_596] : memref<160x128xi32, #tpu.memory_space<vmem>> -> memref<1x128xi32, #tpu.memory_space<vmem>>
      %dma_wait3A_598 = tpu.memref_squeeze %dma_wait3A_597 : memref<1x128xi32, #tpu.memory_space<vmem>> -> memref<128xi32, #tpu.memory_space<vmem>>
      %dma_wait3A_599 = arith.constant 0 : i32
      %dma_wait3A_600 = arith.constant 0 : i32
      %dma_wait3A_601 = tpu.memref_slice %arg2[%arg0, %dma_wait3A_599, %dma_wait3A_600] : memref<2x10000x32xf32, #tpu.memory_space<hbm>> -> memref<1x10000x32xf32, #tpu.memory_space<hbm>>
      %dma_wait3A_602 = tpu.memref_squeeze %dma_wait3A_601 : memref<1x10000x32xf32, #tpu.memory_space<hbm>> -> memref<10000x32xf32, #tpu.memory_space<hbm>>
      %dma_wait3A_603 = arith.constant 0 : i32
      %dma_wait3A_604 = arith.constant 0 : i32
      %dma_wait3A_605 = tpu.memref_slice %dma_wait3A_602[%dma_wait3A_603, %dma_wait3A_604] : memref<10000x32xf32, #tpu.memory_space<hbm>> -> memref<10000x32xf32, #tpu.memory_space<hbm>>
      %dma_wait3A_606 = tpu.memref_slice %arg10[%dma_wait3A_591] : memref<8x!tpu.dma_semaphore, #tpu.memory_space<semaphore_mem>> -> memref<1x!tpu.dma_semaphore, #tpu.memory_space<semaphore_mem>>
      %dma_wait3A_607 = tpu.memref_squeeze %dma_wait3A_606 : memref<1x!tpu.dma_semaphore, #tpu.memory_space<semaphore_mem>> -> memref<!tpu.dma_semaphore, #tpu.memory_space<semaphore_mem>>
      tpu.wait_indirect_dma semaphore(%dma_wait3A_607 : memref<!tpu.dma_semaphore, #tpu.memory_space<semaphore_mem>>) src(%dma_wait3A_605 : memref<10000x32xf32, #tpu.memory_space<hbm>>) dst(%dma_wait3A_595 : memref<128x32xf32, #tpu.memory_space<vmem>>)
      %add3A_608 = arith.constant 7 : i32
      %add3A_609 = arith.addi %mul3A_343, %add3A_608 : i32
      %dma_start3A_610 = arith.constant 7 : i32
      %dma_start3A_611 = arith.constant 7 : i32
      %dma_start3A_612 = arith.constant 0 : i32
      %dma_start3A_613 = arith.constant 0 : i32
      %dma_start3A_614 = tpu.memref_slice %arg8[%dma_start3A_610, %dma_start3A_612, %dma_start3A_613] : memref<8x128x32xf32, #tpu.memory_space<vmem>> -> memref<1x128x32xf32, #tpu.memory_space<vmem>>
      %dma_start3A_615 = tpu.memref_squeeze %dma_start3A_614 : memref<1x128x32xf32, #tpu.memory_space<vmem>> -> memref<128x32xf32, #tpu.memory_space<vmem>>
      %dma_start3A_616 = arith.constant 0 : i32
      %dma_start3A_617 = tpu.memref_slice %arg7[%add3A_609, %dma_start3A_616] : memref<160x128xi32, #tpu.memory_space<vmem>> -> memref<1x128xi32, #tpu.memory_space<vmem>>
      %dma_start3A_618 = tpu.memref_squeeze %dma_start3A_617 : memref<1x128xi32, #tpu.memory_space<vmem>> -> memref<128xi32, #tpu.memory_space<vmem>>
      %dma_start3A_619 = arith.constant 0 : i32
      %dma_start3A_620 = arith.constant 0 : i32
      %dma_start3A_621 = tpu.memref_slice %arg9[%dma_start3A_619, %dma_start3A_620] : memref<10016x32xf32, #tpu.memory_space<vmem_shared>> -> memref<10016x32xf32, #tpu.memory_space<vmem_shared>>
      %dma_start3A_622 = tpu.memref_slice %arg11[%dma_start3A_611] : memref<8x!tpu.dma_semaphore, #tpu.memory_space<semaphore_mem>> -> memref<1x!tpu.dma_semaphore, #tpu.memory_space<semaphore_mem>>
      %dma_start3A_623 = tpu.memref_squeeze %dma_start3A_622 : memref<1x!tpu.dma_semaphore, #tpu.memory_space<semaphore_mem>> -> memref<!tpu.dma_semaphore, #tpu.memory_space<semaphore_mem>>
      tpu.enqueue_indirect_dma source(%dma_start3A_615 : memref<128x32xf32, #tpu.memory_space<vmem>>) target(%dma_start3A_621 : memref<10016x32xf32, #tpu.memory_space<vmem_shared>>) offsets(%dma_start3A_618 : memref<128xi32, #tpu.memory_space<vmem>>) semaphore(%dma_start3A_623 : memref<!tpu.dma_semaphore, #tpu.memory_space<semaphore_mem>>) {add = true}
      %lt3A = arith.constant 19 : i32
      %lt3A_624 = arith.cmpi slt, %scan3A_341, %lt3A : i32
      %convert_element_type3A = arith.extui %lt3A_624 : i1 to i32
      %cond3A = arith.constant 0 : i32
      %cond3A_625 = arith.cmpi ne, %convert_element_type3A, %cond3A : i32
      scf.if %cond3A_625 {
        %dma_wait3A_661 = arith.constant 0 : i32
        %dma_wait3A_662 = arith.constant 0 : i32
        %dma_wait3A_663 = arith.constant 0 : i32
        %dma_wait3A_664 = arith.constant 0 : i32
        %dma_wait3A_665 = arith.constant 0 : i32
        %dma_wait3A_666 = tpu.memref_slice %arg8[%dma_wait3A_661, %dma_wait3A_664, %dma_wait3A_665] : memref<8x128x32xf32, #tpu.memory_space<vmem>> -> memref<1x128x32xf32, #tpu.memory_space<vmem>>
        %dma_wait3A_667 = tpu.memref_squeeze %dma_wait3A_666 : memref<1x128x32xf32, #tpu.memory_space<vmem>> -> memref<128x32xf32, #tpu.memory_space<vmem>>
        %dma_wait3A_668 = arith.constant 0 : i32
        %dma_wait3A_669 = tpu.memref_slice %arg7[%dma_wait3A_662, %dma_wait3A_668] : memref<160x128xi32, #tpu.memory_space<vmem>> -> memref<1x128xi32, #tpu.memory_space<vmem>>
        %dma_wait3A_670 = tpu.memref_squeeze %dma_wait3A_669 : memref<1x128xi32, #tpu.memory_space<vmem>> -> memref<128xi32, #tpu.memory_space<vmem>>
        %dma_wait3A_671 = arith.constant 0 : i32
        %dma_wait3A_672 = arith.constant 0 : i32
        %dma_wait3A_673 = tpu.memref_slice %arg9[%dma_wait3A_671, %dma_wait3A_672] : memref<10016x32xf32, #tpu.memory_space<vmem_shared>> -> memref<10016x32xf32, #tpu.memory_space<vmem_shared>>
        %dma_wait3A_674 = tpu.memref_slice %arg11[%dma_wait3A_663] : memref<8x!tpu.dma_semaphore, #tpu.memory_space<semaphore_mem>> -> memref<1x!tpu.dma_semaphore, #tpu.memory_space<semaphore_mem>>
        %dma_wait3A_675 = tpu.memref_squeeze %dma_wait3A_674 : memref<1x!tpu.dma_semaphore, #tpu.memory_space<semaphore_mem>> -> memref<!tpu.dma_semaphore, #tpu.memory_space<semaphore_mem>>
        tpu.wait_indirect_dma semaphore(%dma_wait3A_675 : memref<!tpu.dma_semaphore, #tpu.memory_space<semaphore_mem>>) src(%dma_wait3A_667 : memref<128x32xf32, #tpu.memory_space<vmem>>) dst(%dma_wait3A_673 : memref<10016x32xf32, #tpu.memory_space<vmem_shared>>)
        %add3A_676 = arith.constant 8 : i32
        %add3A_677 = arith.addi %mul3A_343, %add3A_676 : i32
        %add3A_678 = arith.constant 0 : i32
        %add3A_679 = arith.addi %add3A_677, %add3A_678 : i32
        %dma_start3A_680 = arith.constant 0 : i32
        %dma_start3A_681 = arith.constant 0 : i32
        %dma_start3A_682 = arith.constant 0 : i32
        %dma_start3A_683 = arith.constant 0 : i32
        %dma_start3A_684 = tpu.memref_slice %arg8[%dma_start3A_680, %dma_start3A_682, %dma_start3A_683] : memref<8x128x32xf32, #tpu.memory_space<vmem>> -> memref<1x128x32xf32, #tpu.memory_space<vmem>>
        %dma_start3A_685 = tpu.memref_squeeze %dma_start3A_684 : memref<1x128x32xf32, #tpu.memory_space<vmem>> -> memref<128x32xf32, #tpu.memory_space<vmem>>
        %dma_start3A_686 = arith.constant 0 : i32
        %dma_start3A_687 = tpu.memref_slice %arg6[%add3A_679, %dma_start3A_686] : memref<160x128xi32, #tpu.memory_space<vmem>> -> memref<1x128xi32, #tpu.memory_space<vmem>>
        %dma_start3A_688 = tpu.memref_squeeze %dma_start3A_687 : memref<1x128xi32, #tpu.memory_space<vmem>> -> memref<128xi32, #tpu.memory_space<vmem>>
        %dma_start3A_689 = arith.constant 0 : i32
        %dma_start3A_690 = arith.constant 0 : i32
        %dma_start3A_691 = tpu.memref_slice %arg2[%arg0, %dma_start3A_689, %dma_start3A_690] : memref<2x10000x32xf32, #tpu.memory_space<hbm>> -> memref<1x10000x32xf32, #tpu.memory_space<hbm>>
        %dma_start3A_692 = tpu.memref_squeeze %dma_start3A_691 : memref<1x10000x32xf32, #tpu.memory_space<hbm>> -> memref<10000x32xf32, #tpu.memory_space<hbm>>
        %dma_start3A_693 = arith.constant 0 : i32
        %dma_start3A_694 = arith.constant 0 : i32
        %dma_start3A_695 = tpu.memref_slice %dma_start3A_692[%dma_start3A_693, %dma_start3A_694] : memref<10000x32xf32, #tpu.memory_space<hbm>> -> memref<10000x32xf32, #tpu.memory_space<hbm>>
        %dma_start3A_696 = tpu.memref_slice %arg10[%dma_start3A_681] : memref<8x!tpu.dma_semaphore, #tpu.memory_space<semaphore_mem>> -> memref<1x!tpu.dma_semaphore, #tpu.memory_space<semaphore_mem>>
        %dma_start3A_697 = tpu.memref_squeeze %dma_start3A_696 : memref<1x!tpu.dma_semaphore, #tpu.memory_space<semaphore_mem>> -> memref<!tpu.dma_semaphore, #tpu.memory_space<semaphore_mem>>
        tpu.enqueue_indirect_dma source(%dma_start3A_695 : memref<10000x32xf32, #tpu.memory_space<hbm>>) target(%dma_start3A_685 : memref<128x32xf32, #tpu.memory_space<vmem>>) offsets(%dma_start3A_688 : memref<128xi32, #tpu.memory_space<vmem>>) semaphore(%dma_start3A_697 : memref<!tpu.dma_semaphore, #tpu.memory_space<semaphore_mem>>)
      } else {
      }
      %lt3A_626 = arith.constant 19 : i32
      %lt3A_627 = arith.cmpi slt, %scan3A_341, %lt3A_626 : i32
      %convert_element_type3A_628 = arith.extui %lt3A_627 : i1 to i32
      %cond3A_629 = arith.constant 0 : i32
      %cond3A_630 = arith.cmpi ne, %convert_element_type3A_628, %cond3A_629 : i32
      scf.if %cond3A_630 {
        %dma_wait3A_661 = arith.constant 1 : i32
        %dma_wait3A_662 = arith.constant 0 : i32
        %dma_wait3A_663 = arith.constant 1 : i32
        %dma_wait3A_664 = arith.constant 0 : i32
        %dma_wait3A_665 = arith.constant 0 : i32
        %dma_wait3A_666 = tpu.memref_slice %arg8[%dma_wait3A_661, %dma_wait3A_664, %dma_wait3A_665] : memref<8x128x32xf32, #tpu.memory_space<vmem>> -> memref<1x128x32xf32, #tpu.memory_space<vmem>>
        %dma_wait3A_667 = tpu.memref_squeeze %dma_wait3A_666 : memref<1x128x32xf32, #tpu.memory_space<vmem>> -> memref<128x32xf32, #tpu.memory_space<vmem>>
        %dma_wait3A_668 = arith.constant 0 : i32
        %dma_wait3A_669 = tpu.memref_slice %arg7[%dma_wait3A_662, %dma_wait3A_668] : memref<160x128xi32, #tpu.memory_space<vmem>> -> memref<1x128xi32, #tpu.memory_space<vmem>>
        %dma_wait3A_670 = tpu.memref_squeeze %dma_wait3A_669 : memref<1x128xi32, #tpu.memory_space<vmem>> -> memref<128xi32, #tpu.memory_space<vmem>>
        %dma_wait3A_671 = arith.constant 0 : i32
        %dma_wait3A_672 = arith.constant 0 : i32
        %dma_wait3A_673 = tpu.memref_slice %arg9[%dma_wait3A_671, %dma_wait3A_672] : memref<10016x32xf32, #tpu.memory_space<vmem_shared>> -> memref<10016x32xf32, #tpu.memory_space<vmem_shared>>
        %dma_wait3A_674 = tpu.memref_slice %arg11[%dma_wait3A_663] : memref<8x!tpu.dma_semaphore, #tpu.memory_space<semaphore_mem>> -> memref<1x!tpu.dma_semaphore, #tpu.memory_space<semaphore_mem>>
        %dma_wait3A_675 = tpu.memref_squeeze %dma_wait3A_674 : memref<1x!tpu.dma_semaphore, #tpu.memory_space<semaphore_mem>> -> memref<!tpu.dma_semaphore, #tpu.memory_space<semaphore_mem>>
        tpu.wait_indirect_dma semaphore(%dma_wait3A_675 : memref<!tpu.dma_semaphore, #tpu.memory_space<semaphore_mem>>) src(%dma_wait3A_667 : memref<128x32xf32, #tpu.memory_space<vmem>>) dst(%dma_wait3A_673 : memref<10016x32xf32, #tpu.memory_space<vmem_shared>>)
        %add3A_676 = arith.constant 8 : i32
        %add3A_677 = arith.addi %mul3A_343, %add3A_676 : i32
        %add3A_678 = arith.constant 1 : i32
        %add3A_679 = arith.addi %add3A_677, %add3A_678 : i32
        %dma_start3A_680 = arith.constant 1 : i32
        %dma_start3A_681 = arith.constant 1 : i32
        %dma_start3A_682 = arith.constant 0 : i32
        %dma_start3A_683 = arith.constant 0 : i32
        %dma_start3A_684 = tpu.memref_slice %arg8[%dma_start3A_680, %dma_start3A_682, %dma_start3A_683] : memref<8x128x32xf32, #tpu.memory_space<vmem>> -> memref<1x128x32xf32, #tpu.memory_space<vmem>>
        %dma_start3A_685 = tpu.memref_squeeze %dma_start3A_684 : memref<1x128x32xf32, #tpu.memory_space<vmem>> -> memref<128x32xf32, #tpu.memory_space<vmem>>
        %dma_start3A_686 = arith.constant 0 : i32
        %dma_start3A_687 = tpu.memref_slice %arg6[%add3A_679, %dma_start3A_686] : memref<160x128xi32, #tpu.memory_space<vmem>> -> memref<1x128xi32, #tpu.memory_space<vmem>>
        %dma_start3A_688 = tpu.memref_squeeze %dma_start3A_687 : memref<1x128xi32, #tpu.memory_space<vmem>> -> memref<128xi32, #tpu.memory_space<vmem>>
        %dma_start3A_689 = arith.constant 0 : i32
        %dma_start3A_690 = arith.constant 0 : i32
        %dma_start3A_691 = tpu.memref_slice %arg2[%arg0, %dma_start3A_689, %dma_start3A_690] : memref<2x10000x32xf32, #tpu.memory_space<hbm>> -> memref<1x10000x32xf32, #tpu.memory_space<hbm>>
        %dma_start3A_692 = tpu.memref_squeeze %dma_start3A_691 : memref<1x10000x32xf32, #tpu.memory_space<hbm>> -> memref<10000x32xf32, #tpu.memory_space<hbm>>
        %dma_start3A_693 = arith.constant 0 : i32
        %dma_start3A_694 = arith.constant 0 : i32
        %dma_start3A_695 = tpu.memref_slice %dma_start3A_692[%dma_start3A_693, %dma_start3A_694] : memref<10000x32xf32, #tpu.memory_space<hbm>> -> memref<10000x32xf32, #tpu.memory_space<hbm>>
        %dma_start3A_696 = tpu.memref_slice %arg10[%dma_start3A_681] : memref<8x!tpu.dma_semaphore, #tpu.memory_space<semaphore_mem>> -> memref<1x!tpu.dma_semaphore, #tpu.memory_space<semaphore_mem>>
        %dma_start3A_697 = tpu.memref_squeeze %dma_start3A_696 : memref<1x!tpu.dma_semaphore, #tpu.memory_space<semaphore_mem>> -> memref<!tpu.dma_semaphore, #tpu.memory_space<semaphore_mem>>
        tpu.enqueue_indirect_dma source(%dma_start3A_695 : memref<10000x32xf32, #tpu.memory_space<hbm>>) target(%dma_start3A_685 : memref<128x32xf32, #tpu.memory_space<vmem>>) offsets(%dma_start3A_688 : memref<128xi32, #tpu.memory_space<vmem>>) semaphore(%dma_start3A_697 : memref<!tpu.dma_semaphore, #tpu.memory_space<semaphore_mem>>)
      } else {
      }
      %lt3A_631 = arith.constant 19 : i32
      %lt3A_632 = arith.cmpi slt, %scan3A_341, %lt3A_631 : i32
      %convert_element_type3A_633 = arith.extui %lt3A_632 : i1 to i32
      %cond3A_634 = arith.constant 0 : i32
      %cond3A_635 = arith.cmpi ne, %convert_element_type3A_633, %cond3A_634 : i32
      scf.if %cond3A_635 {
        %dma_wait3A_661 = arith.constant 2 : i32
        %dma_wait3A_662 = arith.constant 0 : i32
        %dma_wait3A_663 = arith.constant 2 : i32
        %dma_wait3A_664 = arith.constant 0 : i32
        %dma_wait3A_665 = arith.constant 0 : i32
        %dma_wait3A_666 = tpu.memref_slice %arg8[%dma_wait3A_661, %dma_wait3A_664, %dma_wait3A_665] : memref<8x128x32xf32, #tpu.memory_space<vmem>> -> memref<1x128x32xf32, #tpu.memory_space<vmem>>
        %dma_wait3A_667 = tpu.memref_squeeze %dma_wait3A_666 : memref<1x128x32xf32, #tpu.memory_space<vmem>> -> memref<128x32xf32, #tpu.memory_space<vmem>>
        %dma_wait3A_668 = arith.constant 0 : i32
        %dma_wait3A_669 = tpu.memref_slice %arg7[%dma_wait3A_662, %dma_wait3A_668] : memref<160x128xi32, #tpu.memory_space<vmem>> -> memref<1x128xi32, #tpu.memory_space<vmem>>
        %dma_wait3A_670 = tpu.memref_squeeze %dma_wait3A_669 : memref<1x128xi32, #tpu.memory_space<vmem>> -> memref<128xi32, #tpu.memory_space<vmem>>
        %dma_wait3A_671 = arith.constant 0 : i32
        %dma_wait3A_672 = arith.constant 0 : i32
        %dma_wait3A_673 = tpu.memref_slice %arg9[%dma_wait3A_671, %dma_wait3A_672] : memref<10016x32xf32, #tpu.memory_space<vmem_shared>> -> memref<10016x32xf32, #tpu.memory_space<vmem_shared>>
        %dma_wait3A_674 = tpu.memref_slice %arg11[%dma_wait3A_663] : memref<8x!tpu.dma_semaphore, #tpu.memory_space<semaphore_mem>> -> memref<1x!tpu.dma_semaphore, #tpu.memory_space<semaphore_mem>>
        %dma_wait3A_675 = tpu.memref_squeeze %dma_wait3A_674 : memref<1x!tpu.dma_semaphore, #tpu.memory_space<semaphore_mem>> -> memref<!tpu.dma_semaphore, #tpu.memory_space<semaphore_mem>>
        tpu.wait_indirect_dma semaphore(%dma_wait3A_675 : memref<!tpu.dma_semaphore, #tpu.memory_space<semaphore_mem>>) src(%dma_wait3A_667 : memref<128x32xf32, #tpu.memory_space<vmem>>) dst(%dma_wait3A_673 : memref<10016x32xf32, #tpu.memory_space<vmem_shared>>)
        %add3A_676 = arith.constant 8 : i32
        %add3A_677 = arith.addi %mul3A_343, %add3A_676 : i32
        %add3A_678 = arith.constant 2 : i32
        %add3A_679 = arith.addi %add3A_677, %add3A_678 : i32
        %dma_start3A_680 = arith.constant 2 : i32
        %dma_start3A_681 = arith.constant 2 : i32
        %dma_start3A_682 = arith.constant 0 : i32
        %dma_start3A_683 = arith.constant 0 : i32
        %dma_start3A_684 = tpu.memref_slice %arg8[%dma_start3A_680, %dma_start3A_682, %dma_start3A_683] : memref<8x128x32xf32, #tpu.memory_space<vmem>> -> memref<1x128x32xf32, #tpu.memory_space<vmem>>
        %dma_start3A_685 = tpu.memref_squeeze %dma_start3A_684 : memref<1x128x32xf32, #tpu.memory_space<vmem>> -> memref<128x32xf32, #tpu.memory_space<vmem>>
        %dma_start3A_686 = arith.constant 0 : i32
        %dma_start3A_687 = tpu.memref_slice %arg6[%add3A_679, %dma_start3A_686] : memref<160x128xi32, #tpu.memory_space<vmem>> -> memref<1x128xi32, #tpu.memory_space<vmem>>
        %dma_start3A_688 = tpu.memref_squeeze %dma_start3A_687 : memref<1x128xi32, #tpu.memory_space<vmem>> -> memref<128xi32, #tpu.memory_space<vmem>>
        %dma_start3A_689 = arith.constant 0 : i32
        %dma_start3A_690 = arith.constant 0 : i32
        %dma_start3A_691 = tpu.memref_slice %arg2[%arg0, %dma_start3A_689, %dma_start3A_690] : memref<2x10000x32xf32, #tpu.memory_space<hbm>> -> memref<1x10000x32xf32, #tpu.memory_space<hbm>>
        %dma_start3A_692 = tpu.memref_squeeze %dma_start3A_691 : memref<1x10000x32xf32, #tpu.memory_space<hbm>> -> memref<10000x32xf32, #tpu.memory_space<hbm>>
        %dma_start3A_693 = arith.constant 0 : i32
        %dma_start3A_694 = arith.constant 0 : i32
        %dma_start3A_695 = tpu.memref_slice %dma_start3A_692[%dma_start3A_693, %dma_start3A_694] : memref<10000x32xf32, #tpu.memory_space<hbm>> -> memref<10000x32xf32, #tpu.memory_space<hbm>>
        %dma_start3A_696 = tpu.memref_slice %arg10[%dma_start3A_681] : memref<8x!tpu.dma_semaphore, #tpu.memory_space<semaphore_mem>> -> memref<1x!tpu.dma_semaphore, #tpu.memory_space<semaphore_mem>>
        %dma_start3A_697 = tpu.memref_squeeze %dma_start3A_696 : memref<1x!tpu.dma_semaphore, #tpu.memory_space<semaphore_mem>> -> memref<!tpu.dma_semaphore, #tpu.memory_space<semaphore_mem>>
        tpu.enqueue_indirect_dma source(%dma_start3A_695 : memref<10000x32xf32, #tpu.memory_space<hbm>>) target(%dma_start3A_685 : memref<128x32xf32, #tpu.memory_space<vmem>>) offsets(%dma_start3A_688 : memref<128xi32, #tpu.memory_space<vmem>>) semaphore(%dma_start3A_697 : memref<!tpu.dma_semaphore, #tpu.memory_space<semaphore_mem>>)
      } else {
      }
      %lt3A_636 = arith.constant 19 : i32
      %lt3A_637 = arith.cmpi slt, %scan3A_341, %lt3A_636 : i32
      %convert_element_type3A_638 = arith.extui %lt3A_637 : i1 to i32
      %cond3A_639 = arith.constant 0 : i32
      %cond3A_640 = arith.cmpi ne, %convert_element_type3A_638, %cond3A_639 : i32
      scf.if %cond3A_640 {
        %dma_wait3A_661 = arith.constant 3 : i32
        %dma_wait3A_662 = arith.constant 0 : i32
        %dma_wait3A_663 = arith.constant 3 : i32
        %dma_wait3A_664 = arith.constant 0 : i32
        %dma_wait3A_665 = arith.constant 0 : i32
        %dma_wait3A_666 = tpu.memref_slice %arg8[%dma_wait3A_661, %dma_wait3A_664, %dma_wait3A_665] : memref<8x128x32xf32, #tpu.memory_space<vmem>> -> memref<1x128x32xf32, #tpu.memory_space<vmem>>
        %dma_wait3A_667 = tpu.memref_squeeze %dma_wait3A_666 : memref<1x128x32xf32, #tpu.memory_space<vmem>> -> memref<128x32xf32, #tpu.memory_space<vmem>>
        %dma_wait3A_668 = arith.constant 0 : i32
        %dma_wait3A_669 = tpu.memref_slice %arg7[%dma_wait3A_662, %dma_wait3A_668] : memref<160x128xi32, #tpu.memory_space<vmem>> -> memref<1x128xi32, #tpu.memory_space<vmem>>
        %dma_wait3A_670 = tpu.memref_squeeze %dma_wait3A_669 : memref<1x128xi32, #tpu.memory_space<vmem>> -> memref<128xi32, #tpu.memory_space<vmem>>
        %dma_wait3A_671 = arith.constant 0 : i32
        %dma_wait3A_672 = arith.constant 0 : i32
        %dma_wait3A_673 = tpu.memref_slice %arg9[%dma_wait3A_671, %dma_wait3A_672] : memref<10016x32xf32, #tpu.memory_space<vmem_shared>> -> memref<10016x32xf32, #tpu.memory_space<vmem_shared>>
        %dma_wait3A_674 = tpu.memref_slice %arg11[%dma_wait3A_663] : memref<8x!tpu.dma_semaphore, #tpu.memory_space<semaphore_mem>> -> memref<1x!tpu.dma_semaphore, #tpu.memory_space<semaphore_mem>>
        %dma_wait3A_675 = tpu.memref_squeeze %dma_wait3A_674 : memref<1x!tpu.dma_semaphore, #tpu.memory_space<semaphore_mem>> -> memref<!tpu.dma_semaphore, #tpu.memory_space<semaphore_mem>>
        tpu.wait_indirect_dma semaphore(%dma_wait3A_675 : memref<!tpu.dma_semaphore, #tpu.memory_space<semaphore_mem>>) src(%dma_wait3A_667 : memref<128x32xf32, #tpu.memory_space<vmem>>) dst(%dma_wait3A_673 : memref<10016x32xf32, #tpu.memory_space<vmem_shared>>)
        %add3A_676 = arith.constant 8 : i32
        %add3A_677 = arith.addi %mul3A_343, %add3A_676 : i32
        %add3A_678 = arith.constant 3 : i32
        %add3A_679 = arith.addi %add3A_677, %add3A_678 : i32
        %dma_start3A_680 = arith.constant 3 : i32
        %dma_start3A_681 = arith.constant 3 : i32
        %dma_start3A_682 = arith.constant 0 : i32
        %dma_start3A_683 = arith.constant 0 : i32
        %dma_start3A_684 = tpu.memref_slice %arg8[%dma_start3A_680, %dma_start3A_682, %dma_start3A_683] : memref<8x128x32xf32, #tpu.memory_space<vmem>> -> memref<1x128x32xf32, #tpu.memory_space<vmem>>
        %dma_start3A_685 = tpu.memref_squeeze %dma_start3A_684 : memref<1x128x32xf32, #tpu.memory_space<vmem>> -> memref<128x32xf32, #tpu.memory_space<vmem>>
        %dma_start3A_686 = arith.constant 0 : i32
        %dma_start3A_687 = tpu.memref_slice %arg6[%add3A_679, %dma_start3A_686] : memref<160x128xi32, #tpu.memory_space<vmem>> -> memref<1x128xi32, #tpu.memory_space<vmem>>
        %dma_start3A_688 = tpu.memref_squeeze %dma_start3A_687 : memref<1x128xi32, #tpu.memory_space<vmem>> -> memref<128xi32, #tpu.memory_space<vmem>>
        %dma_start3A_689 = arith.constant 0 : i32
        %dma_start3A_690 = arith.constant 0 : i32
        %dma_start3A_691 = tpu.memref_slice %arg2[%arg0, %dma_start3A_689, %dma_start3A_690] : memref<2x10000x32xf32, #tpu.memory_space<hbm>> -> memref<1x10000x32xf32, #tpu.memory_space<hbm>>
        %dma_start3A_692 = tpu.memref_squeeze %dma_start3A_691 : memref<1x10000x32xf32, #tpu.memory_space<hbm>> -> memref<10000x32xf32, #tpu.memory_space<hbm>>
        %dma_start3A_693 = arith.constant 0 : i32
        %dma_start3A_694 = arith.constant 0 : i32
        %dma_start3A_695 = tpu.memref_slice %dma_start3A_692[%dma_start3A_693, %dma_start3A_694] : memref<10000x32xf32, #tpu.memory_space<hbm>> -> memref<10000x32xf32, #tpu.memory_space<hbm>>
        %dma_start3A_696 = tpu.memref_slice %arg10[%dma_start3A_681] : memref<8x!tpu.dma_semaphore, #tpu.memory_space<semaphore_mem>> -> memref<1x!tpu.dma_semaphore, #tpu.memory_space<semaphore_mem>>
        %dma_start3A_697 = tpu.memref_squeeze %dma_start3A_696 : memref<1x!tpu.dma_semaphore, #tpu.memory_space<semaphore_mem>> -> memref<!tpu.dma_semaphore, #tpu.memory_space<semaphore_mem>>
        tpu.enqueue_indirect_dma source(%dma_start3A_695 : memref<10000x32xf32, #tpu.memory_space<hbm>>) target(%dma_start3A_685 : memref<128x32xf32, #tpu.memory_space<vmem>>) offsets(%dma_start3A_688 : memref<128xi32, #tpu.memory_space<vmem>>) semaphore(%dma_start3A_697 : memref<!tpu.dma_semaphore, #tpu.memory_space<semaphore_mem>>)
      } else {
      }
      %lt3A_641 = arith.constant 19 : i32
      %lt3A_642 = arith.cmpi slt, %scan3A_341, %lt3A_641 : i32
      %convert_element_type3A_643 = arith.extui %lt3A_642 : i1 to i32
      %cond3A_644 = arith.constant 0 : i32
      %cond3A_645 = arith.cmpi ne, %convert_element_type3A_643, %cond3A_644 : i32
      scf.if %cond3A_645 {
        %dma_wait3A_661 = arith.constant 4 : i32
        %dma_wait3A_662 = arith.constant 0 : i32
        %dma_wait3A_663 = arith.constant 4 : i32
        %dma_wait3A_664 = arith.constant 0 : i32
        %dma_wait3A_665 = arith.constant 0 : i32
        %dma_wait3A_666 = tpu.memref_slice %arg8[%dma_wait3A_661, %dma_wait3A_664, %dma_wait3A_665] : memref<8x128x32xf32, #tpu.memory_space<vmem>> -> memref<1x128x32xf32, #tpu.memory_space<vmem>>
        %dma_wait3A_667 = tpu.memref_squeeze %dma_wait3A_666 : memref<1x128x32xf32, #tpu.memory_space<vmem>> -> memref<128x32xf32, #tpu.memory_space<vmem>>
        %dma_wait3A_668 = arith.constant 0 : i32
        %dma_wait3A_669 = tpu.memref_slice %arg7[%dma_wait3A_662, %dma_wait3A_668] : memref<160x128xi32, #tpu.memory_space<vmem>> -> memref<1x128xi32, #tpu.memory_space<vmem>>
        %dma_wait3A_670 = tpu.memref_squeeze %dma_wait3A_669 : memref<1x128xi32, #tpu.memory_space<vmem>> -> memref<128xi32, #tpu.memory_space<vmem>>
        %dma_wait3A_671 = arith.constant 0 : i32
        %dma_wait3A_672 = arith.constant 0 : i32
        %dma_wait3A_673 = tpu.memref_slice %arg9[%dma_wait3A_671, %dma_wait3A_672] : memref<10016x32xf32, #tpu.memory_space<vmem_shared>> -> memref<10016x32xf32, #tpu.memory_space<vmem_shared>>
        %dma_wait3A_674 = tpu.memref_slice %arg11[%dma_wait3A_663] : memref<8x!tpu.dma_semaphore, #tpu.memory_space<semaphore_mem>> -> memref<1x!tpu.dma_semaphore, #tpu.memory_space<semaphore_mem>>
        %dma_wait3A_675 = tpu.memref_squeeze %dma_wait3A_674 : memref<1x!tpu.dma_semaphore, #tpu.memory_space<semaphore_mem>> -> memref<!tpu.dma_semaphore, #tpu.memory_space<semaphore_mem>>
        tpu.wait_indirect_dma semaphore(%dma_wait3A_675 : memref<!tpu.dma_semaphore, #tpu.memory_space<semaphore_mem>>) src(%dma_wait3A_667 : memref<128x32xf32, #tpu.memory_space<vmem>>) dst(%dma_wait3A_673 : memref<10016x32xf32, #tpu.memory_space<vmem_shared>>)
        %add3A_676 = arith.constant 8 : i32
        %add3A_677 = arith.addi %mul3A_343, %add3A_676 : i32
        %add3A_678 = arith.constant 4 : i32
        %add3A_679 = arith.addi %add3A_677, %add3A_678 : i32
        %dma_start3A_680 = arith.constant 4 : i32
        %dma_start3A_681 = arith.constant 4 : i32
        %dma_start3A_682 = arith.constant 0 : i32
        %dma_start3A_683 = arith.constant 0 : i32
        %dma_start3A_684 = tpu.memref_slice %arg8[%dma_start3A_680, %dma_start3A_682, %dma_start3A_683] : memref<8x128x32xf32, #tpu.memory_space<vmem>> -> memref<1x128x32xf32, #tpu.memory_space<vmem>>
        %dma_start3A_685 = tpu.memref_squeeze %dma_start3A_684 : memref<1x128x32xf32, #tpu.memory_space<vmem>> -> memref<128x32xf32, #tpu.memory_space<vmem>>
        %dma_start3A_686 = arith.constant 0 : i32
        %dma_start3A_687 = tpu.memref_slice %arg6[%add3A_679, %dma_start3A_686] : memref<160x128xi32, #tpu.memory_space<vmem>> -> memref<1x128xi32, #tpu.memory_space<vmem>>
        %dma_start3A_688 = tpu.memref_squeeze %dma_start3A_687 : memref<1x128xi32, #tpu.memory_space<vmem>> -> memref<128xi32, #tpu.memory_space<vmem>>
        %dma_start3A_689 = arith.constant 0 : i32
        %dma_start3A_690 = arith.constant 0 : i32
        %dma_start3A_691 = tpu.memref_slice %arg2[%arg0, %dma_start3A_689, %dma_start3A_690] : memref<2x10000x32xf32, #tpu.memory_space<hbm>> -> memref<1x10000x32xf32, #tpu.memory_space<hbm>>
        %dma_start3A_692 = tpu.memref_squeeze %dma_start3A_691 : memref<1x10000x32xf32, #tpu.memory_space<hbm>> -> memref<10000x32xf32, #tpu.memory_space<hbm>>
        %dma_start3A_693 = arith.constant 0 : i32
        %dma_start3A_694 = arith.constant 0 : i32
        %dma_start3A_695 = tpu.memref_slice %dma_start3A_692[%dma_start3A_693, %dma_start3A_694] : memref<10000x32xf32, #tpu.memory_space<hbm>> -> memref<10000x32xf32, #tpu.memory_space<hbm>>
        %dma_start3A_696 = tpu.memref_slice %arg10[%dma_start3A_681] : memref<8x!tpu.dma_semaphore, #tpu.memory_space<semaphore_mem>> -> memref<1x!tpu.dma_semaphore, #tpu.memory_space<semaphore_mem>>
        %dma_start3A_697 = tpu.memref_squeeze %dma_start3A_696 : memref<1x!tpu.dma_semaphore, #tpu.memory_space<semaphore_mem>> -> memref<!tpu.dma_semaphore, #tpu.memory_space<semaphore_mem>>
        tpu.enqueue_indirect_dma source(%dma_start3A_695 : memref<10000x32xf32, #tpu.memory_space<hbm>>) target(%dma_start3A_685 : memref<128x32xf32, #tpu.memory_space<vmem>>) offsets(%dma_start3A_688 : memref<128xi32, #tpu.memory_space<vmem>>) semaphore(%dma_start3A_697 : memref<!tpu.dma_semaphore, #tpu.memory_space<semaphore_mem>>)
      } else {
      }
      %lt3A_646 = arith.constant 19 : i32
      %lt3A_647 = arith.cmpi slt, %scan3A_341, %lt3A_646 : i32
      %convert_element_type3A_648 = arith.extui %lt3A_647 : i1 to i32
      %cond3A_649 = arith.constant 0 : i32
      %cond3A_650 = arith.cmpi ne, %convert_element_type3A_648, %cond3A_649 : i32
      scf.if %cond3A_650 {
        %dma_wait3A_661 = arith.constant 5 : i32
        %dma_wait3A_662 = arith.constant 0 : i32
        %dma_wait3A_663 = arith.constant 5 : i32
        %dma_wait3A_664 = arith.constant 0 : i32
        %dma_wait3A_665 = arith.constant 0 : i32
        %dma_wait3A_666 = tpu.memref_slice %arg8[%dma_wait3A_661, %dma_wait3A_664, %dma_wait3A_665] : memref<8x128x32xf32, #tpu.memory_space<vmem>> -> memref<1x128x32xf32, #tpu.memory_space<vmem>>
        %dma_wait3A_667 = tpu.memref_squeeze %dma_wait3A_666 : memref<1x128x32xf32, #tpu.memory_space<vmem>> -> memref<128x32xf32, #tpu.memory_space<vmem>>
        %dma_wait3A_668 = arith.constant 0 : i32
        %dma_wait3A_669 = tpu.memref_slice %arg7[%dma_wait3A_662, %dma_wait3A_668] : memref<160x128xi32, #tpu.memory_space<vmem>> -> memref<1x128xi32, #tpu.memory_space<vmem>>
        %dma_wait3A_670 = tpu.memref_squeeze %dma_wait3A_669 : memref<1x128xi32, #tpu.memory_space<vmem>> -> memref<128xi32, #tpu.memory_space<vmem>>
        %dma_wait3A_671 = arith.constant 0 : i32
        %dma_wait3A_672 = arith.constant 0 : i32
        %dma_wait3A_673 = tpu.memref_slice %arg9[%dma_wait3A_671, %dma_wait3A_672] : memref<10016x32xf32, #tpu.memory_space<vmem_shared>> -> memref<10016x32xf32, #tpu.memory_space<vmem_shared>>
        %dma_wait3A_674 = tpu.memref_slice %arg11[%dma_wait3A_663] : memref<8x!tpu.dma_semaphore, #tpu.memory_space<semaphore_mem>> -> memref<1x!tpu.dma_semaphore, #tpu.memory_space<semaphore_mem>>
        %dma_wait3A_675 = tpu.memref_squeeze %dma_wait3A_674 : memref<1x!tpu.dma_semaphore, #tpu.memory_space<semaphore_mem>> -> memref<!tpu.dma_semaphore, #tpu.memory_space<semaphore_mem>>
        tpu.wait_indirect_dma semaphore(%dma_wait3A_675 : memref<!tpu.dma_semaphore, #tpu.memory_space<semaphore_mem>>) src(%dma_wait3A_667 : memref<128x32xf32, #tpu.memory_space<vmem>>) dst(%dma_wait3A_673 : memref<10016x32xf32, #tpu.memory_space<vmem_shared>>)
        %add3A_676 = arith.constant 8 : i32
        %add3A_677 = arith.addi %mul3A_343, %add3A_676 : i32
        %add3A_678 = arith.constant 5 : i32
        %add3A_679 = arith.addi %add3A_677, %add3A_678 : i32
        %dma_start3A_680 = arith.constant 5 : i32
        %dma_start3A_681 = arith.constant 5 : i32
        %dma_start3A_682 = arith.constant 0 : i32
        %dma_start3A_683 = arith.constant 0 : i32
        %dma_start3A_684 = tpu.memref_slice %arg8[%dma_start3A_680, %dma_start3A_682, %dma_start3A_683] : memref<8x128x32xf32, #tpu.memory_space<vmem>> -> memref<1x128x32xf32, #tpu.memory_space<vmem>>
        %dma_start3A_685 = tpu.memref_squeeze %dma_start3A_684 : memref<1x128x32xf32, #tpu.memory_space<vmem>> -> memref<128x32xf32, #tpu.memory_space<vmem>>
        %dma_start3A_686 = arith.constant 0 : i32
        %dma_start3A_687 = tpu.memref_slice %arg6[%add3A_679, %dma_start3A_686] : memref<160x128xi32, #tpu.memory_space<vmem>> -> memref<1x128xi32, #tpu.memory_space<vmem>>
        %dma_start3A_688 = tpu.memref_squeeze %dma_start3A_687 : memref<1x128xi32, #tpu.memory_space<vmem>> -> memref<128xi32, #tpu.memory_space<vmem>>
        %dma_start3A_689 = arith.constant 0 : i32
        %dma_start3A_690 = arith.constant 0 : i32
        %dma_start3A_691 = tpu.memref_slice %arg2[%arg0, %dma_start3A_689, %dma_start3A_690] : memref<2x10000x32xf32, #tpu.memory_space<hbm>> -> memref<1x10000x32xf32, #tpu.memory_space<hbm>>
        %dma_start3A_692 = tpu.memref_squeeze %dma_start3A_691 : memref<1x10000x32xf32, #tpu.memory_space<hbm>> -> memref<10000x32xf32, #tpu.memory_space<hbm>>
        %dma_start3A_693 = arith.constant 0 : i32
        %dma_start3A_694 = arith.constant 0 : i32
        %dma_start3A_695 = tpu.memref_slice %dma_start3A_692[%dma_start3A_693, %dma_start3A_694] : memref<10000x32xf32, #tpu.memory_space<hbm>> -> memref<10000x32xf32, #tpu.memory_space<hbm>>
        %dma_start3A_696 = tpu.memref_slice %arg10[%dma_start3A_681] : memref<8x!tpu.dma_semaphore, #tpu.memory_space<semaphore_mem>> -> memref<1x!tpu.dma_semaphore, #tpu.memory_space<semaphore_mem>>
        %dma_start3A_697 = tpu.memref_squeeze %dma_start3A_696 : memref<1x!tpu.dma_semaphore, #tpu.memory_space<semaphore_mem>> -> memref<!tpu.dma_semaphore, #tpu.memory_space<semaphore_mem>>
        tpu.enqueue_indirect_dma source(%dma_start3A_695 : memref<10000x32xf32, #tpu.memory_space<hbm>>) target(%dma_start3A_685 : memref<128x32xf32, #tpu.memory_space<vmem>>) offsets(%dma_start3A_688 : memref<128xi32, #tpu.memory_space<vmem>>) semaphore(%dma_start3A_697 : memref<!tpu.dma_semaphore, #tpu.memory_space<semaphore_mem>>)
      } else {
      }
      %lt3A_651 = arith.constant 19 : i32
      %lt3A_652 = arith.cmpi slt, %scan3A_341, %lt3A_651 : i32
      %convert_element_type3A_653 = arith.extui %lt3A_652 : i1 to i32
      %cond3A_654 = arith.constant 0 : i32
      %cond3A_655 = arith.cmpi ne, %convert_element_type3A_653, %cond3A_654 : i32
      scf.if %cond3A_655 {
        %dma_wait3A_661 = arith.constant 6 : i32
        %dma_wait3A_662 = arith.constant 0 : i32
        %dma_wait3A_663 = arith.constant 6 : i32
        %dma_wait3A_664 = arith.constant 0 : i32
        %dma_wait3A_665 = arith.constant 0 : i32
        %dma_wait3A_666 = tpu.memref_slice %arg8[%dma_wait3A_661, %dma_wait3A_664, %dma_wait3A_665] : memref<8x128x32xf32, #tpu.memory_space<vmem>> -> memref<1x128x32xf32, #tpu.memory_space<vmem>>
        %dma_wait3A_667 = tpu.memref_squeeze %dma_wait3A_666 : memref<1x128x32xf32, #tpu.memory_space<vmem>> -> memref<128x32xf32, #tpu.memory_space<vmem>>
        %dma_wait3A_668 = arith.constant 0 : i32
        %dma_wait3A_669 = tpu.memref_slice %arg7[%dma_wait3A_662, %dma_wait3A_668] : memref<160x128xi32, #tpu.memory_space<vmem>> -> memref<1x128xi32, #tpu.memory_space<vmem>>
        %dma_wait3A_670 = tpu.memref_squeeze %dma_wait3A_669 : memref<1x128xi32, #tpu.memory_space<vmem>> -> memref<128xi32, #tpu.memory_space<vmem>>
        %dma_wait3A_671 = arith.constant 0 : i32
        %dma_wait3A_672 = arith.constant 0 : i32
        %dma_wait3A_673 = tpu.memref_slice %arg9[%dma_wait3A_671, %dma_wait3A_672] : memref<10016x32xf32, #tpu.memory_space<vmem_shared>> -> memref<10016x32xf32, #tpu.memory_space<vmem_shared>>
        %dma_wait3A_674 = tpu.memref_slice %arg11[%dma_wait3A_663] : memref<8x!tpu.dma_semaphore, #tpu.memory_space<semaphore_mem>> -> memref<1x!tpu.dma_semaphore, #tpu.memory_space<semaphore_mem>>
        %dma_wait3A_675 = tpu.memref_squeeze %dma_wait3A_674 : memref<1x!tpu.dma_semaphore, #tpu.memory_space<semaphore_mem>> -> memref<!tpu.dma_semaphore, #tpu.memory_space<semaphore_mem>>
        tpu.wait_indirect_dma semaphore(%dma_wait3A_675 : memref<!tpu.dma_semaphore, #tpu.memory_space<semaphore_mem>>) src(%dma_wait3A_667 : memref<128x32xf32, #tpu.memory_space<vmem>>) dst(%dma_wait3A_673 : memref<10016x32xf32, #tpu.memory_space<vmem_shared>>)
        %add3A_676 = arith.constant 8 : i32
        %add3A_677 = arith.addi %mul3A_343, %add3A_676 : i32
        %add3A_678 = arith.constant 6 : i32
        %add3A_679 = arith.addi %add3A_677, %add3A_678 : i32
        %dma_start3A_680 = arith.constant 6 : i32
        %dma_start3A_681 = arith.constant 6 : i32
        %dma_start3A_682 = arith.constant 0 : i32
        %dma_start3A_683 = arith.constant 0 : i32
        %dma_start3A_684 = tpu.memref_slice %arg8[%dma_start3A_680, %dma_start3A_682, %dma_start3A_683] : memref<8x128x32xf32, #tpu.memory_space<vmem>> -> memref<1x128x32xf32, #tpu.memory_space<vmem>>
        %dma_start3A_685 = tpu.memref_squeeze %dma_start3A_684 : memref<1x128x32xf32, #tpu.memory_space<vmem>> -> memref<128x32xf32, #tpu.memory_space<vmem>>
        %dma_start3A_686 = arith.constant 0 : i32
        %dma_start3A_687 = tpu.memref_slice %arg6[%add3A_679, %dma_start3A_686] : memref<160x128xi32, #tpu.memory_space<vmem>> -> memref<1x128xi32, #tpu.memory_space<vmem>>
        %dma_start3A_688 = tpu.memref_squeeze %dma_start3A_687 : memref<1x128xi32, #tpu.memory_space<vmem>> -> memref<128xi32, #tpu.memory_space<vmem>>
        %dma_start3A_689 = arith.constant 0 : i32
        %dma_start3A_690 = arith.constant 0 : i32
        %dma_start3A_691 = tpu.memref_slice %arg2[%arg0, %dma_start3A_689, %dma_start3A_690] : memref<2x10000x32xf32, #tpu.memory_space<hbm>> -> memref<1x10000x32xf32, #tpu.memory_space<hbm>>
        %dma_start3A_692 = tpu.memref_squeeze %dma_start3A_691 : memref<1x10000x32xf32, #tpu.memory_space<hbm>> -> memref<10000x32xf32, #tpu.memory_space<hbm>>
        %dma_start3A_693 = arith.constant 0 : i32
        %dma_start3A_694 = arith.constant 0 : i32
        %dma_start3A_695 = tpu.memref_slice %dma_start3A_692[%dma_start3A_693, %dma_start3A_694] : memref<10000x32xf32, #tpu.memory_space<hbm>> -> memref<10000x32xf32, #tpu.memory_space<hbm>>
        %dma_start3A_696 = tpu.memref_slice %arg10[%dma_start3A_681] : memref<8x!tpu.dma_semaphore, #tpu.memory_space<semaphore_mem>> -> memref<1x!tpu.dma_semaphore, #tpu.memory_space<semaphore_mem>>
        %dma_start3A_697 = tpu.memref_squeeze %dma_start3A_696 : memref<1x!tpu.dma_semaphore, #tpu.memory_space<semaphore_mem>> -> memref<!tpu.dma_semaphore, #tpu.memory_space<semaphore_mem>>
        tpu.enqueue_indirect_dma source(%dma_start3A_695 : memref<10000x32xf32, #tpu.memory_space<hbm>>) target(%dma_start3A_685 : memref<128x32xf32, #tpu.memory_space<vmem>>) offsets(%dma_start3A_688 : memref<128xi32, #tpu.memory_space<vmem>>) semaphore(%dma_start3A_697 : memref<!tpu.dma_semaphore, #tpu.memory_space<semaphore_mem>>)
      } else {
      }
      %lt3A_656 = arith.constant 19 : i32
      %lt3A_657 = arith.cmpi slt, %scan3A_341, %lt3A_656 : i32
      %convert_element_type3A_658 = arith.extui %lt3A_657 : i1 to i32
      %cond3A_659 = arith.constant 0 : i32
      %cond3A_660 = arith.cmpi ne, %convert_element_type3A_658, %cond3A_659 : i32
      scf.if %cond3A_660 {
        %dma_wait3A_661 = arith.constant 7 : i32
        %dma_wait3A_662 = arith.constant 0 : i32
        %dma_wait3A_663 = arith.constant 7 : i32
        %dma_wait3A_664 = arith.constant 0 : i32
        %dma_wait3A_665 = arith.constant 0 : i32
        %dma_wait3A_666 = tpu.memref_slice %arg8[%dma_wait3A_661, %dma_wait3A_664, %dma_wait3A_665] : memref<8x128x32xf32, #tpu.memory_space<vmem>> -> memref<1x128x32xf32, #tpu.memory_space<vmem>>
        %dma_wait3A_667 = tpu.memref_squeeze %dma_wait3A_666 : memref<1x128x32xf32, #tpu.memory_space<vmem>> -> memref<128x32xf32, #tpu.memory_space<vmem>>
        %dma_wait3A_668 = arith.constant 0 : i32
        %dma_wait3A_669 = tpu.memref_slice %arg7[%dma_wait3A_662, %dma_wait3A_668] : memref<160x128xi32, #tpu.memory_space<vmem>> -> memref<1x128xi32, #tpu.memory_space<vmem>>
        %dma_wait3A_670 = tpu.memref_squeeze %dma_wait3A_669 : memref<1x128xi32, #tpu.memory_space<vmem>> -> memref<128xi32, #tpu.memory_space<vmem>>
        %dma_wait3A_671 = arith.constant 0 : i32
        %dma_wait3A_672 = arith.constant 0 : i32
        %dma_wait3A_673 = tpu.memref_slice %arg9[%dma_wait3A_671, %dma_wait3A_672] : memref<10016x32xf32, #tpu.memory_space<vmem_shared>> -> memref<10016x32xf32, #tpu.memory_space<vmem_shared>>
        %dma_wait3A_674 = tpu.memref_slice %arg11[%dma_wait3A_663] : memref<8x!tpu.dma_semaphore, #tpu.memory_space<semaphore_mem>> -> memref<1x!tpu.dma_semaphore, #tpu.memory_space<semaphore_mem>>
        %dma_wait3A_675 = tpu.memref_squeeze %dma_wait3A_674 : memref<1x!tpu.dma_semaphore, #tpu.memory_space<semaphore_mem>> -> memref<!tpu.dma_semaphore, #tpu.memory_space<semaphore_mem>>
        tpu.wait_indirect_dma semaphore(%dma_wait3A_675 : memref<!tpu.dma_semaphore, #tpu.memory_space<semaphore_mem>>) src(%dma_wait3A_667 : memref<128x32xf32, #tpu.memory_space<vmem>>) dst(%dma_wait3A_673 : memref<10016x32xf32, #tpu.memory_space<vmem_shared>>)
        %add3A_676 = arith.constant 8 : i32
        %add3A_677 = arith.addi %mul3A_343, %add3A_676 : i32
        %add3A_678 = arith.constant 7 : i32
        %add3A_679 = arith.addi %add3A_677, %add3A_678 : i32
        %dma_start3A_680 = arith.constant 7 : i32
        %dma_start3A_681 = arith.constant 7 : i32
        %dma_start3A_682 = arith.constant 0 : i32
        %dma_start3A_683 = arith.constant 0 : i32
        %dma_start3A_684 = tpu.memref_slice %arg8[%dma_start3A_680, %dma_start3A_682, %dma_start3A_683] : memref<8x128x32xf32, #tpu.memory_space<vmem>> -> memref<1x128x32xf32, #tpu.memory_space<vmem>>
        %dma_start3A_685 = tpu.memref_squeeze %dma_start3A_684 : memref<1x128x32xf32, #tpu.memory_space<vmem>> -> memref<128x32xf32, #tpu.memory_space<vmem>>
        %dma_start3A_686 = arith.constant 0 : i32
        %dma_start3A_687 = tpu.memref_slice %arg6[%add3A_679, %dma_start3A_686] : memref<160x128xi32, #tpu.memory_space<vmem>> -> memref<1x128xi32, #tpu.memory_space<vmem>>
        %dma_start3A_688 = tpu.memref_squeeze %dma_start3A_687 : memref<1x128xi32, #tpu.memory_space<vmem>> -> memref<128xi32, #tpu.memory_space<vmem>>
        %dma_start3A_689 = arith.constant 0 : i32
        %dma_start3A_690 = arith.constant 0 : i32
        %dma_start3A_691 = tpu.memref_slice %arg2[%arg0, %dma_start3A_689, %dma_start3A_690] : memref<2x10000x32xf32, #tpu.memory_space<hbm>> -> memref<1x10000x32xf32, #tpu.memory_space<hbm>>
        %dma_start3A_692 = tpu.memref_squeeze %dma_start3A_691 : memref<1x10000x32xf32, #tpu.memory_space<hbm>> -> memref<10000x32xf32, #tpu.memory_space<hbm>>
        %dma_start3A_693 = arith.constant 0 : i32
        %dma_start3A_694 = arith.constant 0 : i32
        %dma_start3A_695 = tpu.memref_slice %dma_start3A_692[%dma_start3A_693, %dma_start3A_694] : memref<10000x32xf32, #tpu.memory_space<hbm>> -> memref<10000x32xf32, #tpu.memory_space<hbm>>
        %dma_start3A_696 = tpu.memref_slice %arg10[%dma_start3A_681] : memref<8x!tpu.dma_semaphore, #tpu.memory_space<semaphore_mem>> -> memref<1x!tpu.dma_semaphore, #tpu.memory_space<semaphore_mem>>
        %dma_start3A_697 = tpu.memref_squeeze %dma_start3A_696 : memref<1x!tpu.dma_semaphore, #tpu.memory_space<semaphore_mem>> -> memref<!tpu.dma_semaphore, #tpu.memory_space<semaphore_mem>>
        tpu.enqueue_indirect_dma source(%dma_start3A_695 : memref<10000x32xf32, #tpu.memory_space<hbm>>) target(%dma_start3A_685 : memref<128x32xf32, #tpu.memory_space<vmem>>) offsets(%dma_start3A_688 : memref<128xi32, #tpu.memory_space<vmem>>) semaphore(%dma_start3A_697 : memref<!tpu.dma_semaphore, #tpu.memory_space<semaphore_mem>>)
      } else {
      }
    }
    %scan3A_219 = arith.constant 20 : i32
    %dma_wait3A_220 = arith.constant 0 : i32
    %dma_wait3A_221 = arith.constant 0 : i32
    %dma_wait3A_222 = arith.constant 0 : i32
    %dma_wait3A_223 = arith.constant 0 : i32
    %dma_wait3A_224 = arith.constant 0 : i32
    %dma_wait3A_225 = tpu.memref_slice %arg8[%dma_wait3A_220, %dma_wait3A_223, %dma_wait3A_224] : memref<8x128x32xf32, #tpu.memory_space<vmem>> -> memref<1x128x32xf32, #tpu.memory_space<vmem>>
    %dma_wait3A_226 = tpu.memref_squeeze %dma_wait3A_225 : memref<1x128x32xf32, #tpu.memory_space<vmem>> -> memref<128x32xf32, #tpu.memory_space<vmem>>
    %dma_wait3A_227 = arith.constant 0 : i32
    %dma_wait3A_228 = tpu.memref_slice %arg7[%dma_wait3A_221, %dma_wait3A_227] : memref<160x128xi32, #tpu.memory_space<vmem>> -> memref<1x128xi32, #tpu.memory_space<vmem>>
    %dma_wait3A_229 = tpu.memref_squeeze %dma_wait3A_228 : memref<1x128xi32, #tpu.memory_space<vmem>> -> memref<128xi32, #tpu.memory_space<vmem>>
    %dma_wait3A_230 = arith.constant 0 : i32
    %dma_wait3A_231 = arith.constant 0 : i32
    %dma_wait3A_232 = tpu.memref_slice %arg9[%dma_wait3A_230, %dma_wait3A_231] : memref<10016x32xf32, #tpu.memory_space<vmem_shared>> -> memref<10016x32xf32, #tpu.memory_space<vmem_shared>>
    %dma_wait3A_233 = tpu.memref_slice %arg11[%dma_wait3A_222] : memref<8x!tpu.dma_semaphore, #tpu.memory_space<semaphore_mem>> -> memref<1x!tpu.dma_semaphore, #tpu.memory_space<semaphore_mem>>
    %dma_wait3A_234 = tpu.memref_squeeze %dma_wait3A_233 : memref<1x!tpu.dma_semaphore, #tpu.memory_space<semaphore_mem>> -> memref<!tpu.dma_semaphore, #tpu.memory_space<semaphore_mem>>
    tpu.wait_indirect_dma semaphore(%dma_wait3A_234 : memref<!tpu.dma_semaphore, #tpu.memory_space<semaphore_mem>>) src(%dma_wait3A_226 : memref<128x32xf32, #tpu.memory_space<vmem>>) dst(%dma_wait3A_232 : memref<10016x32xf32, #tpu.memory_space<vmem_shared>>)
    %dma_wait3A_235 = arith.constant 1 : i32
    %dma_wait3A_236 = arith.constant 0 : i32
    %dma_wait3A_237 = arith.constant 1 : i32
    %dma_wait3A_238 = arith.constant 0 : i32
    %dma_wait3A_239 = arith.constant 0 : i32
    %dma_wait3A_240 = tpu.memref_slice %arg8[%dma_wait3A_235, %dma_wait3A_238, %dma_wait3A_239] : memref<8x128x32xf32, #tpu.memory_space<vmem>> -> memref<1x128x32xf32, #tpu.memory_space<vmem>>
    %dma_wait3A_241 = tpu.memref_squeeze %dma_wait3A_240 : memref<1x128x32xf32, #tpu.memory_space<vmem>> -> memref<128x32xf32, #tpu.memory_space<vmem>>
    %dma_wait3A_242 = arith.constant 0 : i32
    %dma_wait3A_243 = tpu.memref_slice %arg7[%dma_wait3A_236, %dma_wait3A_242] : memref<160x128xi32, #tpu.memory_space<vmem>> -> memref<1x128xi32, #tpu.memory_space<vmem>>
    %dma_wait3A_244 = tpu.memref_squeeze %dma_wait3A_243 : memref<1x128xi32, #tpu.memory_space<vmem>> -> memref<128xi32, #tpu.memory_space<vmem>>
    %dma_wait3A_245 = arith.constant 0 : i32
    %dma_wait3A_246 = arith.constant 0 : i32
    %dma_wait3A_247 = tpu.memref_slice %arg9[%dma_wait3A_245, %dma_wait3A_246] : memref<10016x32xf32, #tpu.memory_space<vmem_shared>> -> memref<10016x32xf32, #tpu.memory_space<vmem_shared>>
    %dma_wait3A_248 = tpu.memref_slice %arg11[%dma_wait3A_237] : memref<8x!tpu.dma_semaphore, #tpu.memory_space<semaphore_mem>> -> memref<1x!tpu.dma_semaphore, #tpu.memory_space<semaphore_mem>>
    %dma_wait3A_249 = tpu.memref_squeeze %dma_wait3A_248 : memref<1x!tpu.dma_semaphore, #tpu.memory_space<semaphore_mem>> -> memref<!tpu.dma_semaphore, #tpu.memory_space<semaphore_mem>>
    tpu.wait_indirect_dma semaphore(%dma_wait3A_249 : memref<!tpu.dma_semaphore, #tpu.memory_space<semaphore_mem>>) src(%dma_wait3A_241 : memref<128x32xf32, #tpu.memory_space<vmem>>) dst(%dma_wait3A_247 : memref<10016x32xf32, #tpu.memory_space<vmem_shared>>)
    %dma_wait3A_250 = arith.constant 2 : i32
    %dma_wait3A_251 = arith.constant 0 : i32
    %dma_wait3A_252 = arith.constant 2 : i32
    %dma_wait3A_253 = arith.constant 0 : i32
    %dma_wait3A_254 = arith.constant 0 : i32
    %dma_wait3A_255 = tpu.memref_slice %arg8[%dma_wait3A_250, %dma_wait3A_253, %dma_wait3A_254] : memref<8x128x32xf32, #tpu.memory_space<vmem>> -> memref<1x128x32xf32, #tpu.memory_space<vmem>>
    %dma_wait3A_256 = tpu.memref_squeeze %dma_wait3A_255 : memref<1x128x32xf32, #tpu.memory_space<vmem>> -> memref<128x32xf32, #tpu.memory_space<vmem>>
    %dma_wait3A_257 = arith.constant 0 : i32
    %dma_wait3A_258 = tpu.memref_slice %arg7[%dma_wait3A_251, %dma_wait3A_257] : memref<160x128xi32, #tpu.memory_space<vmem>> -> memref<1x128xi32, #tpu.memory_space<vmem>>
    %dma_wait3A_259 = tpu.memref_squeeze %dma_wait3A_258 : memref<1x128xi32, #tpu.memory_space<vmem>> -> memref<128xi32, #tpu.memory_space<vmem>>
    %dma_wait3A_260 = arith.constant 0 : i32
    %dma_wait3A_261 = arith.constant 0 : i32
    %dma_wait3A_262 = tpu.memref_slice %arg9[%dma_wait3A_260, %dma_wait3A_261] : memref<10016x32xf32, #tpu.memory_space<vmem_shared>> -> memref<10016x32xf32, #tpu.memory_space<vmem_shared>>
    %dma_wait3A_263 = tpu.memref_slice %arg11[%dma_wait3A_252] : memref<8x!tpu.dma_semaphore, #tpu.memory_space<semaphore_mem>> -> memref<1x!tpu.dma_semaphore, #tpu.memory_space<semaphore_mem>>
    %dma_wait3A_264 = tpu.memref_squeeze %dma_wait3A_263 : memref<1x!tpu.dma_semaphore, #tpu.memory_space<semaphore_mem>> -> memref<!tpu.dma_semaphore, #tpu.memory_space<semaphore_mem>>
    tpu.wait_indirect_dma semaphore(%dma_wait3A_264 : memref<!tpu.dma_semaphore, #tpu.memory_space<semaphore_mem>>) src(%dma_wait3A_256 : memref<128x32xf32, #tpu.memory_space<vmem>>) dst(%dma_wait3A_262 : memref<10016x32xf32, #tpu.memory_space<vmem_shared>>)
    %dma_wait3A_265 = arith.constant 3 : i32
    %dma_wait3A_266 = arith.constant 0 : i32
    %dma_wait3A_267 = arith.constant 3 : i32
    %dma_wait3A_268 = arith.constant 0 : i32
    %dma_wait3A_269 = arith.constant 0 : i32
    %dma_wait3A_270 = tpu.memref_slice %arg8[%dma_wait3A_265, %dma_wait3A_268, %dma_wait3A_269] : memref<8x128x32xf32, #tpu.memory_space<vmem>> -> memref<1x128x32xf32, #tpu.memory_space<vmem>>
    %dma_wait3A_271 = tpu.memref_squeeze %dma_wait3A_270 : memref<1x128x32xf32, #tpu.memory_space<vmem>> -> memref<128x32xf32, #tpu.memory_space<vmem>>
    %dma_wait3A_272 = arith.constant 0 : i32
    %dma_wait3A_273 = tpu.memref_slice %arg7[%dma_wait3A_266, %dma_wait3A_272] : memref<160x128xi32, #tpu.memory_space<vmem>> -> memref<1x128xi32, #tpu.memory_space<vmem>>
    %dma_wait3A_274 = tpu.memref_squeeze %dma_wait3A_273 : memref<1x128xi32, #tpu.memory_space<vmem>> -> memref<128xi32, #tpu.memory_space<vmem>>
    %dma_wait3A_275 = arith.constant 0 : i32
    %dma_wait3A_276 = arith.constant 0 : i32
    %dma_wait3A_277 = tpu.memref_slice %arg9[%dma_wait3A_275, %dma_wait3A_276] : memref<10016x32xf32, #tpu.memory_space<vmem_shared>> -> memref<10016x32xf32, #tpu.memory_space<vmem_shared>>
    %dma_wait3A_278 = tpu.memref_slice %arg11[%dma_wait3A_267] : memref<8x!tpu.dma_semaphore, #tpu.memory_space<semaphore_mem>> -> memref<1x!tpu.dma_semaphore, #tpu.memory_space<semaphore_mem>>
    %dma_wait3A_279 = tpu.memref_squeeze %dma_wait3A_278 : memref<1x!tpu.dma_semaphore, #tpu.memory_space<semaphore_mem>> -> memref<!tpu.dma_semaphore, #tpu.memory_space<semaphore_mem>>
    tpu.wait_indirect_dma semaphore(%dma_wait3A_279 : memref<!tpu.dma_semaphore, #tpu.memory_space<semaphore_mem>>) src(%dma_wait3A_271 : memref<128x32xf32, #tpu.memory_space<vmem>>) dst(%dma_wait3A_277 : memref<10016x32xf32, #tpu.memory_space<vmem_shared>>)
    %dma_wait3A_280 = arith.constant 4 : i32
    %dma_wait3A_281 = arith.constant 0 : i32
    %dma_wait3A_282 = arith.constant 4 : i32
    %dma_wait3A_283 = arith.constant 0 : i32
    %dma_wait3A_284 = arith.constant 0 : i32
    %dma_wait3A_285 = tpu.memref_slice %arg8[%dma_wait3A_280, %dma_wait3A_283, %dma_wait3A_284] : memref<8x128x32xf32, #tpu.memory_space<vmem>> -> memref<1x128x32xf32, #tpu.memory_space<vmem>>
    %dma_wait3A_286 = tpu.memref_squeeze %dma_wait3A_285 : memref<1x128x32xf32, #tpu.memory_space<vmem>> -> memref<128x32xf32, #tpu.memory_space<vmem>>
    %dma_wait3A_287 = arith.constant 0 : i32
    %dma_wait3A_288 = tpu.memref_slice %arg7[%dma_wait3A_281, %dma_wait3A_287] : memref<160x128xi32, #tpu.memory_space<vmem>> -> memref<1x128xi32, #tpu.memory_space<vmem>>
    %dma_wait3A_289 = tpu.memref_squeeze %dma_wait3A_288 : memref<1x128xi32, #tpu.memory_space<vmem>> -> memref<128xi32, #tpu.memory_space<vmem>>
    %dma_wait3A_290 = arith.constant 0 : i32
    %dma_wait3A_291 = arith.constant 0 : i32
    %dma_wait3A_292 = tpu.memref_slice %arg9[%dma_wait3A_290, %dma_wait3A_291] : memref<10016x32xf32, #tpu.memory_space<vmem_shared>> -> memref<10016x32xf32, #tpu.memory_space<vmem_shared>>
    %dma_wait3A_293 = tpu.memref_slice %arg11[%dma_wait3A_282] : memref<8x!tpu.dma_semaphore, #tpu.memory_space<semaphore_mem>> -> memref<1x!tpu.dma_semaphore, #tpu.memory_space<semaphore_mem>>
    %dma_wait3A_294 = tpu.memref_squeeze %dma_wait3A_293 : memref<1x!tpu.dma_semaphore, #tpu.memory_space<semaphore_mem>> -> memref<!tpu.dma_semaphore, #tpu.memory_space<semaphore_mem>>
    tpu.wait_indirect_dma semaphore(%dma_wait3A_294 : memref<!tpu.dma_semaphore, #tpu.memory_space<semaphore_mem>>) src(%dma_wait3A_286 : memref<128x32xf32, #tpu.memory_space<vmem>>) dst(%dma_wait3A_292 : memref<10016x32xf32, #tpu.memory_space<vmem_shared>>)
    %dma_wait3A_295 = arith.constant 5 : i32
    %dma_wait3A_296 = arith.constant 0 : i32
    %dma_wait3A_297 = arith.constant 5 : i32
    %dma_wait3A_298 = arith.constant 0 : i32
    %dma_wait3A_299 = arith.constant 0 : i32
    %dma_wait3A_300 = tpu.memref_slice %arg8[%dma_wait3A_295, %dma_wait3A_298, %dma_wait3A_299] : memref<8x128x32xf32, #tpu.memory_space<vmem>> -> memref<1x128x32xf32, #tpu.memory_space<vmem>>
    %dma_wait3A_301 = tpu.memref_squeeze %dma_wait3A_300 : memref<1x128x32xf32, #tpu.memory_space<vmem>> -> memref<128x32xf32, #tpu.memory_space<vmem>>
    %dma_wait3A_302 = arith.constant 0 : i32
    %dma_wait3A_303 = tpu.memref_slice %arg7[%dma_wait3A_296, %dma_wait3A_302] : memref<160x128xi32, #tpu.memory_space<vmem>> -> memref<1x128xi32, #tpu.memory_space<vmem>>
    %dma_wait3A_304 = tpu.memref_squeeze %dma_wait3A_303 : memref<1x128xi32, #tpu.memory_space<vmem>> -> memref<128xi32, #tpu.memory_space<vmem>>
    %dma_wait3A_305 = arith.constant 0 : i32
    %dma_wait3A_306 = arith.constant 0 : i32
    %dma_wait3A_307 = tpu.memref_slice %arg9[%dma_wait3A_305, %dma_wait3A_306] : memref<10016x32xf32, #tpu.memory_space<vmem_shared>> -> memref<10016x32xf32, #tpu.memory_space<vmem_shared>>
    %dma_wait3A_308 = tpu.memref_slice %arg11[%dma_wait3A_297] : memref<8x!tpu.dma_semaphore, #tpu.memory_space<semaphore_mem>> -> memref<1x!tpu.dma_semaphore, #tpu.memory_space<semaphore_mem>>
    %dma_wait3A_309 = tpu.memref_squeeze %dma_wait3A_308 : memref<1x!tpu.dma_semaphore, #tpu.memory_space<semaphore_mem>> -> memref<!tpu.dma_semaphore, #tpu.memory_space<semaphore_mem>>
    tpu.wait_indirect_dma semaphore(%dma_wait3A_309 : memref<!tpu.dma_semaphore, #tpu.memory_space<semaphore_mem>>) src(%dma_wait3A_301 : memref<128x32xf32, #tpu.memory_space<vmem>>) dst(%dma_wait3A_307 : memref<10016x32xf32, #tpu.memory_space<vmem_shared>>)
    %dma_wait3A_310 = arith.constant 6 : i32
    %dma_wait3A_311 = arith.constant 0 : i32
    %dma_wait3A_312 = arith.constant 6 : i32
    %dma_wait3A_313 = arith.constant 0 : i32
    %dma_wait3A_314 = arith.constant 0 : i32
    %dma_wait3A_315 = tpu.memref_slice %arg8[%dma_wait3A_310, %dma_wait3A_313, %dma_wait3A_314] : memref<8x128x32xf32, #tpu.memory_space<vmem>> -> memref<1x128x32xf32, #tpu.memory_space<vmem>>
    %dma_wait3A_316 = tpu.memref_squeeze %dma_wait3A_315 : memref<1x128x32xf32, #tpu.memory_space<vmem>> -> memref<128x32xf32, #tpu.memory_space<vmem>>
    %dma_wait3A_317 = arith.constant 0 : i32
    %dma_wait3A_318 = tpu.memref_slice %arg7[%dma_wait3A_311, %dma_wait3A_317] : memref<160x128xi32, #tpu.memory_space<vmem>> -> memref<1x128xi32, #tpu.memory_space<vmem>>
    %dma_wait3A_319 = tpu.memref_squeeze %dma_wait3A_318 : memref<1x128xi32, #tpu.memory_space<vmem>> -> memref<128xi32, #tpu.memory_space<vmem>>
    %dma_wait3A_320 = arith.constant 0 : i32
    %dma_wait3A_321 = arith.constant 0 : i32
    %dma_wait3A_322 = tpu.memref_slice %arg9[%dma_wait3A_320, %dma_wait3A_321] : memref<10016x32xf32, #tpu.memory_space<vmem_shared>> -> memref<10016x32xf32, #tpu.memory_space<vmem_shared>>
    %dma_wait3A_323 = tpu.memref_slice %arg11[%dma_wait3A_312] : memref<8x!tpu.dma_semaphore, #tpu.memory_space<semaphore_mem>> -> memref<1x!tpu.dma_semaphore, #tpu.memory_space<semaphore_mem>>
    %dma_wait3A_324 = tpu.memref_squeeze %dma_wait3A_323 : memref<1x!tpu.dma_semaphore, #tpu.memory_space<semaphore_mem>> -> memref<!tpu.dma_semaphore, #tpu.memory_space<semaphore_mem>>
    tpu.wait_indirect_dma semaphore(%dma_wait3A_324 : memref<!tpu.dma_semaphore, #tpu.memory_space<semaphore_mem>>) src(%dma_wait3A_316 : memref<128x32xf32, #tpu.memory_space<vmem>>) dst(%dma_wait3A_322 : memref<10016x32xf32, #tpu.memory_space<vmem_shared>>)
    %dma_wait3A_325 = arith.constant 7 : i32
    %dma_wait3A_326 = arith.constant 0 : i32
    %dma_wait3A_327 = arith.constant 7 : i32
    %dma_wait3A_328 = arith.constant 0 : i32
    %dma_wait3A_329 = arith.constant 0 : i32
    %dma_wait3A_330 = tpu.memref_slice %arg8[%dma_wait3A_325, %dma_wait3A_328, %dma_wait3A_329] : memref<8x128x32xf32, #tpu.memory_space<vmem>> -> memref<1x128x32xf32, #tpu.memory_space<vmem>>
    %dma_wait3A_331 = tpu.memref_squeeze %dma_wait3A_330 : memref<1x128x32xf32, #tpu.memory_space<vmem>> -> memref<128x32xf32, #tpu.memory_space<vmem>>
    %dma_wait3A_332 = arith.constant 0 : i32
    %dma_wait3A_333 = tpu.memref_slice %arg7[%dma_wait3A_326, %dma_wait3A_332] : memref<160x128xi32, #tpu.memory_space<vmem>> -> memref<1x128xi32, #tpu.memory_space<vmem>>
    %dma_wait3A_334 = tpu.memref_squeeze %dma_wait3A_333 : memref<1x128xi32, #tpu.memory_space<vmem>> -> memref<128xi32, #tpu.memory_space<vmem>>
    %dma_wait3A_335 = arith.constant 0 : i32
    %dma_wait3A_336 = arith.constant 0 : i32
    %dma_wait3A_337 = tpu.memref_slice %arg9[%dma_wait3A_335, %dma_wait3A_336] : memref<10016x32xf32, #tpu.memory_space<vmem_shared>> -> memref<10016x32xf32, #tpu.memory_space<vmem_shared>>
    %dma_wait3A_338 = tpu.memref_slice %arg11[%dma_wait3A_327] : memref<8x!tpu.dma_semaphore, #tpu.memory_space<semaphore_mem>> -> memref<1x!tpu.dma_semaphore, #tpu.memory_space<semaphore_mem>>
    %dma_wait3A_339 = tpu.memref_squeeze %dma_wait3A_338 : memref<1x!tpu.dma_semaphore, #tpu.memory_space<semaphore_mem>> -> memref<!tpu.dma_semaphore, #tpu.memory_space<semaphore_mem>>
    tpu.wait_indirect_dma semaphore(%dma_wait3A_339 : memref<!tpu.dma_semaphore, #tpu.memory_space<semaphore_mem>>) src(%dma_wait3A_331 : memref<128x32xf32, #tpu.memory_space<vmem>>) dst(%dma_wait3A_337 : memref<10016x32xf32, #tpu.memory_space<vmem_shared>>)
    %barrier3A_340 = arith.constant 0 : index
    tpu.barrier barrier_id(%barrier3A_340)
    "tpu.region"() ({
      %run_scoped3A_341 = tpu.sem_alloc : memref<!tpu.dma_semaphore, #tpu.memory_space<semaphore_mem>>
      %dma_start3A_342 = arith.constant 0 : i32
      %dma_start3A_343 = tpu.memref_slice %arg5[%arg0, %multiple_of3A, %dma_start3A_342] : memref<2x10016x32xf32, #tpu.memory_space<hbm>> -> memref<1x626x32xf32, #tpu.memory_space<hbm>>
      %dma_start3A_344 = tpu.memref_squeeze %dma_start3A_343 : memref<1x626x32xf32, #tpu.memory_space<hbm>> -> memref<626x32xf32, #tpu.memory_space<hbm>>
      %dma_start3A_345 = arith.constant 0 : i32
      %dma_start3A_346 = tpu.memref_slice %arg9[%multiple_of3A, %dma_start3A_345] : memref<10016x32xf32, #tpu.memory_space<vmem_shared>> -> memref<626x32xf32, #tpu.memory_space<vmem_shared>>
      tpu.enqueue_dma source(%dma_start3A_346 : memref<626x32xf32, #tpu.memory_space<vmem_shared>>) target(%dma_start3A_344 : memref<626x32xf32, #tpu.memory_space<hbm>>) target_semaphore(%run_scoped3A_341 : memref<!tpu.dma_semaphore, #tpu.memory_space<semaphore_mem>>)
      %dma_wait3A_347 = arith.constant 0 : i32
      %dma_wait3A_348 = tpu.memref_slice %arg5[%arg0, %multiple_of3A, %dma_wait3A_347] : memref<2x10016x32xf32, #tpu.memory_space<hbm>> -> memref<1x626x32xf32, #tpu.memory_space<hbm>>
      %dma_wait3A_349 = tpu.memref_squeeze %dma_wait3A_348 : memref<1x626x32xf32, #tpu.memory_space<hbm>> -> memref<626x32xf32, #tpu.memory_space<hbm>>
      %dma_wait3A_350 = arith.constant 0 : i32
      %dma_wait3A_351 = tpu.memref_slice %arg9[%multiple_of3A, %dma_wait3A_350] : memref<10016x32xf32, #tpu.memory_space<vmem_shared>> -> memref<626x32xf32, #tpu.memory_space<vmem_shared>>
      tpu.wait_dma2 semaphore(%run_scoped3A_341 : memref<!tpu.dma_semaphore, #tpu.memory_space<semaphore_mem>>) src(%dma_wait3A_351 : memref<626x32xf32, #tpu.memory_space<vmem_shared>>) dst(%dma_wait3A_349 : memref<626x32xf32, #tpu.memory_space<hbm>>)
      tpu.yield
    }) : () -> ()
    return
  }
}

module attributes {stable_mosaic.version = 14 : i64} {
  func.func @_mm_body(%arg0: i32, %arg1: memref<1000x128xf32, #tpu.memory_space<vmem>>, %arg2: memref<128x64xf32, #tpu.memory_space<vmem>>, %arg3: memref<2x1000x64xf32, #tpu.memory_space<vmem>>) attributes {dimension_semantics = [#tpu.dimension_semantics<arbitrary>], iteration_bounds = array<i64: 10>, scalar_prefetch = 0 : i64, scratch_operands = 0 : i64, tpu.core_type = #tpu.core_type<tc>, window_params = [{transform_indices = @transform_0, window_bounds = array<i64: 1000, 128>}, {pipeline_mode = #tpu.pipeline_mode<synchronous>, transform_indices = @transform_1, window_bounds = array<i64: 128, 64>}, {transform_indices = @transform_2, window_bounds = array<i64: 2, 1000, 64>}]} {
    %get3A = arith.constant 0 : index
    %get3A_0 = arith.constant 0 : index
    %get3A_1 = vector.load %arg1[%get3A, %get3A_0] : memref<1000x128xf32, #tpu.memory_space<vmem>>, vector<1000x128xf32>
    %get3A_2 = arith.constant 0 : index
    %get3A_3 = arith.constant 0 : index
    %get3A_4 = vector.load %arg2[%get3A_2, %get3A_3] : memref<128x64xf32, #tpu.memory_space<vmem>>, vector<128x64xf32>
    %dot_general3A = arith.constant dense<0.000000e+00> : vector<1000x64xf32>
    %dot_general3A_5 = tpu.matmul %get3A_1, %get3A_4, %dot_general3A {dimension_numbers = #tpu.dot_dimension_numbers<[1], [0], [0], [1], [0, 0, 1, 1], [], []>, transpose_lhs_hint = false} : vector<1000x128xf32>, vector<128x64xf32>, vector<1000x64xf32> -> vector<1000x64xf32>
    %swap3A = arith.constant 0 : index
    %swap3A_6 = arith.constant 0 : index
    %swap3A_7 = arith.constant 0 : index
    %swap3A_8 = vector.load %arg3[%swap3A, %swap3A_6, %swap3A_7] : memref<2x1000x64xf32, #tpu.memory_space<vmem>>, vector<1x1000x64xf32>
    %swap3A_9 = vector.shape_cast %swap3A_8 : vector<1x1000x64xf32> to vector<1000x64xf32>
    %swap3A_10 = vector.shape_cast %dot_general3A_5 : vector<1000x64xf32> to vector<1x1000x64xf32>
    tpu.vector_store %arg3[%swap3A, %swap3A_6, %swap3A_7], %swap3A_10 {strides = array<i32>} : memref<2x1000x64xf32, #tpu.memory_space<vmem>>, vector<1x1000x64xf32>,
    %swap3A_11 = arith.constant 1 : index
    %swap3A_12 = arith.constant 0 : index
    %swap3A_13 = arith.constant 0 : index
    %swap3A_14 = vector.load %arg3[%swap3A_11, %swap3A_12, %swap3A_13] : memref<2x1000x64xf32, #tpu.memory_space<vmem>>, vector<1x1000x64xf32>
    %swap3A_15 = vector.shape_cast %swap3A_14 : vector<1x1000x64xf32> to vector<1000x64xf32>
    %swap3A_16 = vector.shape_cast %dot_general3A_5 : vector<1000x64xf32> to vector<1x1000x64xf32>
    tpu.vector_store %arg3[%swap3A_11, %swap3A_12, %swap3A_13], %swap3A_16 {strides = array<i32>} : memref<2x1000x64xf32, #tpu.memory_space<vmem>>, vector<1x1000x64xf32>,
    return
  }
  func.func @transform_0(%arg0: i32) -> (i32, i32) {
    %c0_i32 = arith.constant 0 : i32
    %c0_i32_0 = arith.constant 0 : i32
    return %arg0, %c0_i32 : i32, i32
  }
  func.func @transform_1(%arg0: i32) -> (i32, i32) {
    %c0_i32 = arith.constant 0 : i32
    %c0_i32_0 = arith.constant 0 : i32
    %c0_i32_1 = arith.constant 0 : i32
    return %c0_i32, %c0_i32_0 : i32, i32
  }
  func.func @transform_2(%arg0: i32) -> (i32, i32, i32) {
    %c0_i32 = arith.constant 0 : i32
    %c0_i32_0 = arith.constant 0 : i32
    %c0_i32_1 = arith.constant 0 : i32
    return %c0_i32, %arg0, %c0_i32_0 : i32, i32, i32
  }
}

module attributes {stable_mosaic.version = 14 : i64} {
  func.func @_comb1_body(%arg0: i32, %arg1: memref<2x1000x64xf32, #tpu.memory_space<vmem>>, %arg2: memref<2x1000x16xf32, #tpu.memory_space<vmem>>, %arg3: memref<1000x128xf32, #tpu.memory_space<vmem>>, %arg4: memref<128x64xf32, #tpu.memory_space<vmem>>, %arg5: memref<1x64xf32, #tpu.memory_space<vmem>>, %arg6: memref<2x1000x32xf32, #tpu.memory_space<vmem>>, %arg7: memref<1000x64xf32, #tpu.memory_space<vmem>>) attributes {dimension_semantics = [#tpu.dimension_semantics<arbitrary>], iteration_bounds = array<i64: 10>, scalar_prefetch = 0 : i64, scratch_operands = 0 : i64, tpu.core_type = #tpu.core_type<tc>, window_params = [{transform_indices = @transform_0, window_bounds = array<i64: 2, 1000, 64>}, {transform_indices = @transform_1, window_bounds = array<i64: 2, 1000, 16>}, {transform_indices = @transform_2, window_bounds = array<i64: 1000, 128>}, {pipeline_mode = #tpu.pipeline_mode<synchronous>, transform_indices = @transform_3, window_bounds = array<i64: 128, 64>}, {pipeline_mode = #tpu.pipeline_mode<synchronous>, transform_indices = @transform_4, window_bounds = array<i64: 1, 64>}, {transform_indices = @transform_5, window_bounds = array<i64: 2, 1000, 32>}, {transform_indices = @transform_6, window_bounds = array<i64: 1000, 64>}]} {
    %get3A = arith.constant 0 : index
    %get3A_0 = arith.constant 0 : index
    %get3A_1 = arith.constant 0 : index
    %get3A_2 = vector.load %arg1[%get3A, %get3A_0, %get3A_1] : memref<2x1000x64xf32, #tpu.memory_space<vmem>>, vector<2x1000x64xf32>
    %slice3A = vector.extract_strided_slice %get3A_2 {offsets = [0, 0, 0], sizes = [1, 1000, 64], strides = [1, 1, 1]} : vector<2x1000x64xf32> to vector<1x1000x64xf32>
    %squeeze3A = vector.shape_cast %slice3A : vector<1x1000x64xf32> to vector<1000x64xf32>
    %slice3A_3 = vector.extract_strided_slice %get3A_2 {offsets = [1, 0, 0], sizes = [1, 1000, 64], strides = [1, 1, 1]} : vector<2x1000x64xf32> to vector<1x1000x64xf32>
    %squeeze3A_4 = vector.shape_cast %slice3A_3 : vector<1x1000x64xf32> to vector<1000x64xf32>
    %add3A = arith.addf %squeeze3A, %squeeze3A_4 : vector<1000x64xf32>
    %get3A_5 = arith.constant 0 : index
    %get3A_6 = arith.constant 0 : index
    %get3A_7 = arith.constant 0 : index
    %get3A_8 = vector.load %arg2[%get3A_5, %get3A_6, %get3A_7] : memref<2x1000x16xf32, #tpu.memory_space<vmem>>, vector<2x1000x16xf32>
    %slice3A_9 = vector.extract_strided_slice %get3A_8 {offsets = [0, 0, 0], sizes = [1, 1000, 1], strides = [1, 1, 1]} : vector<2x1000x16xf32> to vector<1x1000x1xf32>
    %squeeze3A_10 = vector.shape_cast %slice3A_9 : vector<1x1000x1xf32> to vector<1000x1xf32>
    %slice3A_11 = vector.extract_strided_slice %get3A_8 {offsets = [1, 0, 0], sizes = [1, 1000, 1], strides = [1, 1, 1]} : vector<2x1000x16xf32> to vector<1x1000x1xf32>
    %squeeze3A_12 = vector.shape_cast %slice3A_11 : vector<1x1000x1xf32> to vector<1000x1xf32>
    %add3A_13 = arith.addf %squeeze3A_10, %squeeze3A_12 : vector<1000x1xf32>
    %jit3A = arith.constant 1.000000e+00 : f32
    %max3A = vector.broadcast %jit3A : f32 to vector<1000x1xf32>
    %max3A_14 = arith.maximumf %max3A, %add3A_13 : vector<1000x1xf32>
    %div3A = arith.constant 1.000000e+00 : f32
    %div3A_15 = vector.broadcast %div3A : f32 to vector<1000x1xf32>
    %div3A_16 = arith.divf %div3A_15, %max3A_14 : vector<1000x1xf32>
    %mul3A = vector.broadcast %div3A_16 : vector<1000x1xf32> to vector<1000x64xf32>
    %mul3A_17 = arith.mulf %add3A, %mul3A : vector<1000x64xf32>
    %get3A_18 = arith.constant 0 : index
    %get3A_19 = arith.constant 0 : index
    %get3A_20 = vector.load %arg3[%get3A_18, %get3A_19] : memref<1000x128xf32, #tpu.memory_space<vmem>>, vector<1000x128xf32>
    %get3A_21 = arith.constant 0 : index
    %get3A_22 = arith.constant 0 : index
    %get3A_23 = vector.load %arg4[%get3A_21, %get3A_22] : memref<128x64xf32, #tpu.memory_space<vmem>>, vector<128x64xf32>
    %dot_general3A = arith.constant dense<0.000000e+00> : vector<1000x64xf32>
    %dot_general3A_24 = tpu.matmul %get3A_20, %get3A_23, %dot_general3A {dimension_numbers = #tpu.dot_dimension_numbers<[1], [0], [0], [1], [0, 0, 1, 1], [], []>, transpose_lhs_hint = false} : vector<1000x128xf32>, vector<128x64xf32>, vector<1000x64xf32> -> vector<1000x64xf32>
    %add3A_25 = arith.addf %mul3A_17, %dot_general3A_24 : vector<1000x64xf32>
    %get3A_26 = arith.constant 0 : index
    %get3A_27 = arith.constant 0 : index
    %get3A_28 = vector.load %arg5[%get3A_26, %get3A_27] : memref<1x64xf32, #tpu.memory_space<vmem>>, vector<1x64xf32>
    %add3A_29 = vector.broadcast %get3A_28 : vector<1x64xf32> to vector<1000x64xf32>
    %add3A_30 = arith.addf %add3A_25, %add3A_29 : vector<1000x64xf32>
    %max3A_31 = arith.constant 0.000000e+00 : f32
    %max3A_32 = vector.broadcast %max3A_31 : f32 to vector<1000x64xf32>
    %max3A_33 = arith.maximumf %add3A_30, %max3A_32 : vector<1000x64xf32>
    %slice3A_34 = vector.extract_strided_slice %max3A_33 {offsets = [0, 0], sizes = [1000, 32], strides = [1, 1]} : vector<1000x64xf32> to vector<1000x32xf32>
    %swap3A = arith.constant 0 : index
    %swap3A_35 = arith.constant 0 : index
    %swap3A_36 = arith.constant 0 : index
    %swap3A_37 = vector.load %arg6[%swap3A, %swap3A_35, %swap3A_36] : memref<2x1000x32xf32, #tpu.memory_space<vmem>>, vector<1x1000x32xf32>
    %swap3A_38 = vector.shape_cast %swap3A_37 : vector<1x1000x32xf32> to vector<1000x32xf32>
    %swap3A_39 = vector.shape_cast %slice3A_34 : vector<1000x32xf32> to vector<1x1000x32xf32>
    tpu.vector_store %arg6[%swap3A, %swap3A_35, %swap3A_36], %swap3A_39 {strides = array<i32>} : memref<2x1000x32xf32, #tpu.memory_space<vmem>>, vector<1x1000x32xf32>,
    %slice3A_40 = vector.extract_strided_slice %max3A_33 {offsets = [0, 32], sizes = [1000, 32], strides = [1, 1]} : vector<1000x64xf32> to vector<1000x32xf32>
    %swap3A_41 = arith.constant 1 : index
    %swap3A_42 = arith.constant 0 : index
    %swap3A_43 = arith.constant 0 : index
    %swap3A_44 = vector.load %arg6[%swap3A_41, %swap3A_42, %swap3A_43] : memref<2x1000x32xf32, #tpu.memory_space<vmem>>, vector<1x1000x32xf32>
    %swap3A_45 = vector.shape_cast %swap3A_44 : vector<1x1000x32xf32> to vector<1000x32xf32>
    %swap3A_46 = vector.shape_cast %slice3A_40 : vector<1000x32xf32> to vector<1x1000x32xf32>
    tpu.vector_store %arg6[%swap3A_41, %swap3A_42, %swap3A_43], %swap3A_46 {strides = array<i32>} : memref<2x1000x32xf32, #tpu.memory_space<vmem>>, vector<1x1000x32xf32>,
    %swap3A_47 = arith.constant 0 : index
    %swap3A_48 = arith.constant 0 : index
    %swap3A_49 = vector.load %arg7[%swap3A_47, %swap3A_48] : memref<1000x64xf32, #tpu.memory_space<vmem>>, vector<1000x64xf32>
    tpu.vector_store %arg7[%swap3A_47, %swap3A_48], %max3A_33 {strides = array<i32>} : memref<1000x64xf32, #tpu.memory_space<vmem>>, vector<1000x64xf32>,
    return
  }
  func.func @transform_0(%arg0: i32) -> (i32, i32, i32) {
    %c0_i32 = arith.constant 0 : i32
    %c0_i32_0 = arith.constant 0 : i32
    %c0_i32_1 = arith.constant 0 : i32
    return %c0_i32, %arg0, %c0_i32_0 : i32, i32, i32
  }
  func.func @transform_1(%arg0: i32) -> (i32, i32, i32) {
    %c0_i32 = arith.constant 0 : i32
    %c0_i32_0 = arith.constant 0 : i32
    %c0_i32_1 = arith.constant 0 : i32
    return %c0_i32, %arg0, %c0_i32_0 : i32, i32, i32
  }
  func.func @transform_2(%arg0: i32) -> (i32, i32) {
    %c0_i32 = arith.constant 0 : i32
    %c0_i32_0 = arith.constant 0 : i32
    return %arg0, %c0_i32 : i32, i32
  }
  func.func @transform_3(%arg0: i32) -> (i32, i32) {
    %c0_i32 = arith.constant 0 : i32
    %c0_i32_0 = arith.constant 0 : i32
    %c0_i32_1 = arith.constant 0 : i32
    return %c0_i32, %c0_i32_0 : i32, i32
  }
  func.func @transform_4(%arg0: i32) -> (i32, i32) {
    %c0_i32 = arith.constant 0 : i32
    %c0_i32_0 = arith.constant 0 : i32
    %c0_i32_1 = arith.constant 0 : i32
    return %c0_i32, %c0_i32_0 : i32, i32
  }
  func.func @transform_5(%arg0: i32) -> (i32, i32, i32) {
    %c0_i32 = arith.constant 0 : i32
    %c0_i32_0 = arith.constant 0 : i32
    %c0_i32_1 = arith.constant 0 : i32
    return %c0_i32, %arg0, %c0_i32_0 : i32, i32, i32
  }
  func.func @transform_6(%arg0: i32) -> (i32, i32) {
    %c0_i32 = arith.constant 0 : i32
    %c0_i32_0 = arith.constant 0 : i32
    return %arg0, %c0_i32 : i32, i32
  }
}

module attributes {stable_mosaic.version = 14 : i64} {
  func.func @_comb_body(%arg0: i32, %arg1: memref<2x1000x32xf32, #tpu.memory_space<vmem>>, %arg2: memref<2x1000x16xf32, #tpu.memory_space<vmem>>, %arg3: memref<1000x64xf32, #tpu.memory_space<vmem>>, %arg4: memref<64x128xf32, #tpu.memory_space<vmem>>, %arg5: memref<64x128xf32, #tpu.memory_space<vmem>>, %arg6: memref<1x128xf32, #tpu.memory_space<vmem>>, %arg7: memref<2x1000x64xf32, #tpu.memory_space<vmem>>, %arg8: memref<1000x128xf32, #tpu.memory_space<vmem>>) attributes {dimension_semantics = [#tpu.dimension_semantics<arbitrary>], iteration_bounds = array<i64: 10>, scalar_prefetch = 0 : i64, scratch_operands = 0 : i64, tpu.core_type = #tpu.core_type<tc>, window_params = [{transform_indices = @transform_0, window_bounds = array<i64: 2, 1000, 32>}, {transform_indices = @transform_1, window_bounds = array<i64: 2, 1000, 16>}, {transform_indices = @transform_2, window_bounds = array<i64: 1000, 64>}, {pipeline_mode = #tpu.pipeline_mode<synchronous>, transform_indices = @transform_3, window_bounds = array<i64: 64, 128>}, {pipeline_mode = #tpu.pipeline_mode<synchronous>, transform_indices = @transform_4, window_bounds = array<i64: 64, 128>}, {pipeline_mode = #tpu.pipeline_mode<synchronous>, transform_indices = @transform_5, window_bounds = array<i64: 1, 128>}, {transform_indices = @transform_6, window_bounds = array<i64: 2, 1000, 64>}, {transform_indices = @transform_7, window_bounds = array<i64: 1000, 128>}]} {
    %get3A = arith.constant 0 : index
    %get3A_0 = arith.constant 0 : index
    %get3A_1 = arith.constant 0 : index
    %get3A_2 = vector.load %arg1[%get3A, %get3A_0, %get3A_1] : memref<2x1000x32xf32, #tpu.memory_space<vmem>>, vector<2x1000x32xf32>
    %slice3A = vector.extract_strided_slice %get3A_2 {offsets = [0, 0, 0], sizes = [1, 1000, 32], strides = [1, 1, 1]} : vector<2x1000x32xf32> to vector<1x1000x32xf32>
    %squeeze3A = vector.shape_cast %slice3A : vector<1x1000x32xf32> to vector<1000x32xf32>
    %slice3A_3 = vector.extract_strided_slice %get3A_2 {offsets = [1, 0, 0], sizes = [1, 1000, 32], strides = [1, 1, 1]} : vector<2x1000x32xf32> to vector<1x1000x32xf32>
    %squeeze3A_4 = vector.shape_cast %slice3A_3 : vector<1x1000x32xf32> to vector<1000x32xf32>
    %concatenate3A = tpu.concatenate %squeeze3A, %squeeze3A_4 in 1 : vector<1000x32xf32>, vector<1000x32xf32> -> vector<1000x64xf32>
    %get3A_5 = arith.constant 0 : index
    %get3A_6 = arith.constant 0 : index
    %get3A_7 = arith.constant 0 : index
    %get3A_8 = vector.load %arg2[%get3A_5, %get3A_6, %get3A_7] : memref<2x1000x16xf32, #tpu.memory_space<vmem>>, vector<2x1000x16xf32>
    %slice3A_9 = vector.extract_strided_slice %get3A_8 {offsets = [0, 0, 0], sizes = [1, 1000, 1], strides = [1, 1, 1]} : vector<2x1000x16xf32> to vector<1x1000x1xf32>
    %squeeze3A_10 = vector.shape_cast %slice3A_9 : vector<1x1000x1xf32> to vector<1000x1xf32>
    %slice3A_11 = vector.extract_strided_slice %get3A_8 {offsets = [1, 0, 0], sizes = [1, 1000, 1], strides = [1, 1, 1]} : vector<2x1000x16xf32> to vector<1x1000x1xf32>
    %squeeze3A_12 = vector.shape_cast %slice3A_11 : vector<1x1000x1xf32> to vector<1000x1xf32>
    %add3A = arith.addf %squeeze3A_10, %squeeze3A_12 : vector<1000x1xf32>
    %jit3A = arith.constant 1.000000e+00 : f32
    %max3A = vector.broadcast %jit3A : f32 to vector<1000x1xf32>
    %max3A_13 = arith.maximumf %max3A, %add3A : vector<1000x1xf32>
    %div3A = arith.constant 1.000000e+00 : f32
    %div3A_14 = vector.broadcast %div3A : f32 to vector<1000x1xf32>
    %div3A_15 = arith.divf %div3A_14, %max3A_13 : vector<1000x1xf32>
    %mul3A = vector.broadcast %div3A_15 : vector<1000x1xf32> to vector<1000x64xf32>
    %mul3A_16 = arith.mulf %concatenate3A, %mul3A : vector<1000x64xf32>
    %get3A_17 = arith.constant 0 : index
    %get3A_18 = arith.constant 0 : index
    %get3A_19 = vector.load %arg4[%get3A_17, %get3A_18] : memref<64x128xf32, #tpu.memory_space<vmem>>, vector<64x128xf32>
    %dot_general3A = arith.constant dense<0.000000e+00> : vector<1000x128xf32>
    %dot_general3A_20 = tpu.matmul %mul3A_16, %get3A_19, %dot_general3A {dimension_numbers = #tpu.dot_dimension_numbers<[1], [0], [0], [1], [0, 0, 1, 1], [], []>, transpose_lhs_hint = false} : vector<1000x64xf32>, vector<64x128xf32>, vector<1000x128xf32> -> vector<1000x128xf32>
    %get3A_21 = arith.constant 0 : index
    %get3A_22 = arith.constant 0 : index
    %get3A_23 = vector.load %arg3[%get3A_21, %get3A_22] : memref<1000x64xf32, #tpu.memory_space<vmem>>, vector<1000x64xf32>
    %get3A_24 = arith.constant 0 : index
    %get3A_25 = arith.constant 0 : index
    %get3A_26 = vector.load %arg5[%get3A_24, %get3A_25] : memref<64x128xf32, #tpu.memory_space<vmem>>, vector<64x128xf32>
    %dot_general3A_27 = arith.constant dense<0.000000e+00> : vector<1000x128xf32>
    %dot_general3A_28 = tpu.matmul %get3A_23, %get3A_26, %dot_general3A_27 {dimension_numbers = #tpu.dot_dimension_numbers<[1], [0], [0], [1], [0, 0, 1, 1], [], []>, transpose_lhs_hint = false} : vector<1000x64xf32>, vector<64x128xf32>, vector<1000x128xf32> -> vector<1000x128xf32>
    %add3A_29 = arith.addf %dot_general3A_20, %dot_general3A_28 : vector<1000x128xf32>
    %get3A_30 = arith.constant 0 : index
    %get3A_31 = arith.constant 0 : index
    %get3A_32 = vector.load %arg6[%get3A_30, %get3A_31] : memref<1x128xf32, #tpu.memory_space<vmem>>, vector<1x128xf32>
    %add3A_33 = vector.broadcast %get3A_32 : vector<1x128xf32> to vector<1000x128xf32>
    %add3A_34 = arith.addf %add3A_29, %add3A_33 : vector<1000x128xf32>
    %max3A_35 = arith.constant 0.000000e+00 : f32
    %max3A_36 = vector.broadcast %max3A_35 : f32 to vector<1000x128xf32>
    %max3A_37 = arith.maximumf %add3A_34, %max3A_36 : vector<1000x128xf32>
    %slice3A_38 = vector.extract_strided_slice %max3A_37 {offsets = [0, 0], sizes = [1000, 64], strides = [1, 1]} : vector<1000x128xf32> to vector<1000x64xf32>
    %swap3A = arith.constant 0 : index
    %swap3A_39 = arith.constant 0 : index
    %swap3A_40 = arith.constant 0 : index
    %swap3A_41 = vector.load %arg7[%swap3A, %swap3A_39, %swap3A_40] : memref<2x1000x64xf32, #tpu.memory_space<vmem>>, vector<1x1000x64xf32>
    %swap3A_42 = vector.shape_cast %swap3A_41 : vector<1x1000x64xf32> to vector<1000x64xf32>
    %swap3A_43 = vector.shape_cast %slice3A_38 : vector<1000x64xf32> to vector<1x1000x64xf32>
    tpu.vector_store %arg7[%swap3A, %swap3A_39, %swap3A_40], %swap3A_43 {strides = array<i32>} : memref<2x1000x64xf32, #tpu.memory_space<vmem>>, vector<1x1000x64xf32>,
    %slice3A_44 = vector.extract_strided_slice %max3A_37 {offsets = [0, 64], sizes = [1000, 64], strides = [1, 1]} : vector<1000x128xf32> to vector<1000x64xf32>
    %swap3A_45 = arith.constant 1 : index
    %swap3A_46 = arith.constant 0 : index
    %swap3A_47 = arith.constant 0 : index
    %swap3A_48 = vector.load %arg7[%swap3A_45, %swap3A_46, %swap3A_47] : memref<2x1000x64xf32, #tpu.memory_space<vmem>>, vector<1x1000x64xf32>
    %swap3A_49 = vector.shape_cast %swap3A_48 : vector<1x1000x64xf32> to vector<1000x64xf32>
    %swap3A_50 = vector.shape_cast %slice3A_44 : vector<1000x64xf32> to vector<1x1000x64xf32>
    tpu.vector_store %arg7[%swap3A_45, %swap3A_46, %swap3A_47], %swap3A_50 {strides = array<i32>} : memref<2x1000x64xf32, #tpu.memory_space<vmem>>, vector<1x1000x64xf32>,
    %swap3A_51 = arith.constant 0 : index
    %swap3A_52 = arith.constant 0 : index
    %swap3A_53 = vector.load %arg8[%swap3A_51, %swap3A_52] : memref<1000x128xf32, #tpu.memory_space<vmem>>, vector<1000x128xf32>
    tpu.vector_store %arg8[%swap3A_51, %swap3A_52], %max3A_37 {strides = array<i32>} : memref<1000x128xf32, #tpu.memory_space<vmem>>, vector<1000x128xf32>,
    return
  }
  func.func @transform_0(%arg0: i32) -> (i32, i32, i32) {
    %c0_i32 = arith.constant 0 : i32
    %c0_i32_0 = arith.constant 0 : i32
    %c0_i32_1 = arith.constant 0 : i32
    return %c0_i32, %arg0, %c0_i32_0 : i32, i32, i32
  }
  func.func @transform_1(%arg0: i32) -> (i32, i32, i32) {
    %c0_i32 = arith.constant 0 : i32
    %c0_i32_0 = arith.constant 0 : i32
    %c0_i32_1 = arith.constant 0 : i32
    return %c0_i32, %arg0, %c0_i32_0 : i32, i32, i32
  }
  func.func @transform_2(%arg0: i32) -> (i32, i32) {
    %c0_i32 = arith.constant 0 : i32
    %c0_i32_0 = arith.constant 0 : i32
    return %arg0, %c0_i32 : i32, i32
  }
  func.func @transform_3(%arg0: i32) -> (i32, i32) {
    %c0_i32 = arith.constant 0 : i32
    %c0_i32_0 = arith.constant 0 : i32
    %c0_i32_1 = arith.constant 0 : i32
    return %c0_i32, %c0_i32_0 : i32, i32
  }
  func.func @transform_4(%arg0: i32) -> (i32, i32) {
    %c0_i32 = arith.constant 0 : i32
    %c0_i32_0 = arith.constant 0 : i32
    %c0_i32_1 = arith.constant 0 : i32
    return %c0_i32, %c0_i32_0 : i32, i32
  }
  func.func @transform_5(%arg0: i32) -> (i32, i32) {
    %c0_i32 = arith.constant 0 : i32
    %c0_i32_0 = arith.constant 0 : i32
    %c0_i32_1 = arith.constant 0 : i32
    return %c0_i32, %c0_i32_0 : i32, i32
  }
  func.func @transform_6(%arg0: i32) -> (i32, i32, i32) {
    %c0_i32 = arith.constant 0 : i32
    %c0_i32_0 = arith.constant 0 : i32
    %c0_i32_1 = arith.constant 0 : i32
    return %c0_i32, %arg0, %c0_i32_0 : i32, i32, i32
  }
  func.func @transform_7(%arg0: i32) -> (i32, i32) {
    %c0_i32 = arith.constant 0 : i32
    %c0_i32_0 = arith.constant 0 : i32
    return %arg0, %c0_i32 : i32, i32
  }
}

module attributes {stable_mosaic.version = 14 : i64} {
  func.func @_comb_body(%arg0: i32, %arg1: memref<2x1000x64xf32, #tpu.memory_space<vmem>>, %arg2: memref<2x1000x16xf32, #tpu.memory_space<vmem>>, %arg3: memref<1000x128xf32, #tpu.memory_space<vmem>>, %arg4: memref<128x128xf32, #tpu.memory_space<vmem>>, %arg5: memref<128x128xf32, #tpu.memory_space<vmem>>, %arg6: memref<1x128xf32, #tpu.memory_space<vmem>>, %arg7: memref<1000x128xf32, #tpu.memory_space<vmem>>) attributes {dimension_semantics = [#tpu.dimension_semantics<arbitrary>], iteration_bounds = array<i64: 10>, scalar_prefetch = 0 : i64, scratch_operands = 0 : i64, tpu.core_type = #tpu.core_type<tc>, window_params = [{transform_indices = @transform_0, window_bounds = array<i64: 2, 1000, 64>}, {transform_indices = @transform_1, window_bounds = array<i64: 2, 1000, 16>}, {transform_indices = @transform_2, window_bounds = array<i64: 1000, 128>}, {pipeline_mode = #tpu.pipeline_mode<synchronous>, transform_indices = @transform_3, window_bounds = array<i64: 128, 128>}, {pipeline_mode = #tpu.pipeline_mode<synchronous>, transform_indices = @transform_4, window_bounds = array<i64: 128, 128>}, {pipeline_mode = #tpu.pipeline_mode<synchronous>, transform_indices = @transform_5, window_bounds = array<i64: 1, 128>}, {transform_indices = @transform_6, window_bounds = array<i64: 1000, 128>}]} {
    %get3A = arith.constant 0 : index
    %get3A_0 = arith.constant 0 : index
    %get3A_1 = arith.constant 0 : index
    %get3A_2 = vector.load %arg1[%get3A, %get3A_0, %get3A_1] : memref<2x1000x64xf32, #tpu.memory_space<vmem>>, vector<2x1000x64xf32>
    %slice3A = vector.extract_strided_slice %get3A_2 {offsets = [0, 0, 0], sizes = [1, 1000, 64], strides = [1, 1, 1]} : vector<2x1000x64xf32> to vector<1x1000x64xf32>
    %squeeze3A = vector.shape_cast %slice3A : vector<1x1000x64xf32> to vector<1000x64xf32>
    %slice3A_3 = vector.extract_strided_slice %get3A_2 {offsets = [1, 0, 0], sizes = [1, 1000, 64], strides = [1, 1, 1]} : vector<2x1000x64xf32> to vector<1x1000x64xf32>
    %squeeze3A_4 = vector.shape_cast %slice3A_3 : vector<1x1000x64xf32> to vector<1000x64xf32>
    %concatenate3A = tpu.concatenate %squeeze3A, %squeeze3A_4 in 1 : vector<1000x64xf32>, vector<1000x64xf32> -> vector<1000x128xf32>
    %get3A_5 = arith.constant 0 : index
    %get3A_6 = arith.constant 0 : index
    %get3A_7 = arith.constant 0 : index
    %get3A_8 = vector.load %arg2[%get3A_5, %get3A_6, %get3A_7] : memref<2x1000x16xf32, #tpu.memory_space<vmem>>, vector<2x1000x16xf32>
    %slice3A_9 = vector.extract_strided_slice %get3A_8 {offsets = [0, 0, 0], sizes = [1, 1000, 1], strides = [1, 1, 1]} : vector<2x1000x16xf32> to vector<1x1000x1xf32>
    %squeeze3A_10 = vector.shape_cast %slice3A_9 : vector<1x1000x1xf32> to vector<1000x1xf32>
    %slice3A_11 = vector.extract_strided_slice %get3A_8 {offsets = [1, 0, 0], sizes = [1, 1000, 1], strides = [1, 1, 1]} : vector<2x1000x16xf32> to vector<1x1000x1xf32>
    %squeeze3A_12 = vector.shape_cast %slice3A_11 : vector<1x1000x1xf32> to vector<1000x1xf32>
    %add3A = arith.addf %squeeze3A_10, %squeeze3A_12 : vector<1000x1xf32>
    %jit3A = arith.constant 1.000000e+00 : f32
    %max3A = vector.broadcast %jit3A : f32 to vector<1000x1xf32>
    %max3A_13 = arith.maximumf %max3A, %add3A : vector<1000x1xf32>
    %div3A = arith.constant 1.000000e+00 : f32
    %div3A_14 = vector.broadcast %div3A : f32 to vector<1000x1xf32>
    %div3A_15 = arith.divf %div3A_14, %max3A_13 : vector<1000x1xf32>
    %mul3A = vector.broadcast %div3A_15 : vector<1000x1xf32> to vector<1000x128xf32>
    %mul3A_16 = arith.mulf %concatenate3A, %mul3A : vector<1000x128xf32>
    %get3A_17 = arith.constant 0 : index
    %get3A_18 = arith.constant 0 : index
    %get3A_19 = vector.load %arg4[%get3A_17, %get3A_18] : memref<128x128xf32, #tpu.memory_space<vmem>>, vector<128x128xf32>
    %dot_general3A = arith.constant dense<0.000000e+00> : vector<1000x128xf32>
    %dot_general3A_20 = tpu.matmul %mul3A_16, %get3A_19, %dot_general3A {dimension_numbers = #tpu.dot_dimension_numbers<[1], [0], [0], [1], [0, 0, 1, 1], [], []>, transpose_lhs_hint = false} : vector<1000x128xf32>, vector<128x128xf32>, vector<1000x128xf32> -> vector<1000x128xf32>
    %get3A_21 = arith.constant 0 : index
    %get3A_22 = arith.constant 0 : index
    %get3A_23 = vector.load %arg3[%get3A_21, %get3A_22] : memref<1000x128xf32, #tpu.memory_space<vmem>>, vector<1000x128xf32>
    %get3A_24 = arith.constant 0 : index
    %get3A_25 = arith.constant 0 : index
    %get3A_26 = vector.load %arg5[%get3A_24, %get3A_25] : memref<128x128xf32, #tpu.memory_space<vmem>>, vector<128x128xf32>
    %dot_general3A_27 = arith.constant dense<0.000000e+00> : vector<1000x128xf32>
    %dot_general3A_28 = tpu.matmul %get3A_23, %get3A_26, %dot_general3A_27 {dimension_numbers = #tpu.dot_dimension_numbers<[1], [0], [0], [1], [0, 0, 1, 1], [], []>, transpose_lhs_hint = false} : vector<1000x128xf32>, vector<128x128xf32>, vector<1000x128xf32> -> vector<1000x128xf32>
    %add3A_29 = arith.addf %dot_general3A_20, %dot_general3A_28 : vector<1000x128xf32>
    %get3A_30 = arith.constant 0 : index
    %get3A_31 = arith.constant 0 : index
    %get3A_32 = vector.load %arg6[%get3A_30, %get3A_31] : memref<1x128xf32, #tpu.memory_space<vmem>>, vector<1x128xf32>
    %add3A_33 = vector.broadcast %get3A_32 : vector<1x128xf32> to vector<1000x128xf32>
    %add3A_34 = arith.addf %add3A_29, %add3A_33 : vector<1000x128xf32>
    %swap3A = arith.constant 0 : index
    %swap3A_35 = arith.constant 0 : index
    %swap3A_36 = vector.load %arg7[%swap3A, %swap3A_35] : memref<1000x128xf32, #tpu.memory_space<vmem>>, vector<1000x128xf32>
    tpu.vector_store %arg7[%swap3A, %swap3A_35], %add3A_34 {strides = array<i32>} : memref<1000x128xf32, #tpu.memory_space<vmem>>, vector<1000x128xf32>,
    return
  }
  func.func @transform_0(%arg0: i32) -> (i32, i32, i32) {
    %c0_i32 = arith.constant 0 : i32
    %c0_i32_0 = arith.constant 0 : i32
    %c0_i32_1 = arith.constant 0 : i32
    return %c0_i32, %arg0, %c0_i32_0 : i32, i32, i32
  }
  func.func @transform_1(%arg0: i32) -> (i32, i32, i32) {
    %c0_i32 = arith.constant 0 : i32
    %c0_i32_0 = arith.constant 0 : i32
    %c0_i32_1 = arith.constant 0 : i32
    return %c0_i32, %arg0, %c0_i32_0 : i32, i32, i32
  }
  func.func @transform_2(%arg0: i32) -> (i32, i32) {
    %c0_i32 = arith.constant 0 : i32
    %c0_i32_0 = arith.constant 0 : i32
    return %arg0, %c0_i32 : i32, i32
  }
  func.func @transform_3(%arg0: i32) -> (i32, i32) {
    %c0_i32 = arith.constant 0 : i32
    %c0_i32_0 = arith.constant 0 : i32
    %c0_i32_1 = arith.constant 0 : i32
    return %c0_i32, %c0_i32_0 : i32, i32
  }
  func.func @transform_4(%arg0: i32) -> (i32, i32) {
    %c0_i32 = arith.constant 0 : i32
    %c0_i32_0 = arith.constant 0 : i32
    %c0_i32_1 = arith.constant 0 : i32
    return %c0_i32, %c0_i32_0 : i32, i32
  }
  func.func @transform_5(%arg0: i32) -> (i32, i32) {
    %c0_i32 = arith.constant 0 : i32
    %c0_i32_0 = arith.constant 0 : i32
    %c0_i32_1 = arith.constant 0 : i32
    return %c0_i32, %c0_i32_0 : i32, i32
  }
  func.func @transform_6(%arg0: i32) -> (i32, i32) {
    %c0_i32 = arith.constant 0 : i32
    %c0_i32_0 = arith.constant 0 : i32
    return %arg0, %c0_i32 : i32, i32
  }
}

</mosaic_0001>

<sc_bundles>
// kernel: kernel.12.cloned.1.call-start
scs
__scs_entry_jumppad:
0x0: {  	(pc) =	sbr.rel $0x88, $3  }
0x1: {  	(tag) =	ssettag $0x0;
	lr =	simm.s32 $0x1  }
0x2: {  	[smem:$0x3F96] =	sst lr;
	_ =	strace $0xD0000000  }
0x3: {  	_ = 	snop  }
0x4: {  	_ = 	snop  }
0x5: {  	_ = 	snop  }
0x6: {  	_ = 	snop  }
0x7: {  	_ = 	snop  }
__scs_overlays_trampoline_lowered:
0x8: {  	[smem:$0x3FA5] =	sst s0  }
0x9: {  	[smem:$0x3FA6] =	sst s1  }
0xa: {  	[smem:$0x3FA7] =	sst s2  }
0xb: {  	[smem:$0x3FA8] =	sst s3  }
0xc: {  	[smem:$0x3FA9] =	sst s4  }
0xd: {  	[smem:$0x3FAA] =	sst s5  }
0xe: {  	[smem:$0x3FAB] =	sst s6  }
0xf: {  	[smem:$0x3FAC] =	sst s7  }
0x10: {  	[smem:$0x3FAD] =	sst s8  }
0x11: {  	[smem:$0x3FAE] =	sst s9;
	s0 =	simm.s32 @!p0 $0x0  }
0x12: {  	s1 =	sld [smem:$0x3F94];
	s0 =	simm.s32 @p0 $0x1  }
0x13: {  	[smem:$0x3FAF] =	sst s0;
	s0 =	simm.s32 @!p1 $0x0  }
0x14: {  	s2 =	sld [smem:$0x3F93];
	s0 =	simm.s32 @p1 $0x1  }
0x15: {  	[smem:$0x3FB0] =	sst s0;
	s0 =	simm.s32 @!p2 $0x0  }
0x16: {  	s3 =	sld [smem:$0x3FDB];
	s0 =	simm.s32 @p2 $0x1  }
0x17: {  	s4 =	simm.s32 $0x1BF5;
	[smem:$0x3FB2] =	sst s0  }
0x18: {  	s0 =	sld [smem:$0x3F95];
	_ =	swait.ge [sflag:s4], $0x0  }
0x19: {  	s7 =	sld [smem:$0x3F96]  }
0x1a: {  	s8 =	sadd.s32 $0xFFFFE003, lr  }
0x1b: {  	s9 =	sadd.s32 $0xFFFFFEF7, lr;
	s5 =	simm.s32 $0xFFFFFFFF;
	p2 =	slt.u32 s8, $0xFFFFF086  }
0x1c: {  	p1 =	slt.u32 s9, $0xF7A;
	s5 =	simm.s32 @!p2 $0x0  }
0x1d: {  	s5 =	simm.s32 @p1 $0x1;
	p0 =	seq.s32 s7, s2  }
0x1e: {  	s7 =	smul.u32 @!p0 $0xF7A, s2;
	p2 =	seq.s32 @!p0 s5, $0x0  }
0x1f: {  	s9 =	smul.u32 $0xF7A, s1;
	s8 =	simm.s32 @!p0 $0x1BF5;
	p2 =	por !p2, p0  }
0x20: {  	[sflag:s8] =	ssyncset.s32 @!p0 $0xFFFFF086;
	s6 =	sadd.s32 @!p0 s3, s7;
	s7 =	simm.s32 @!p0 $0x108  }
0x21: {  	s3 =	sadd.s32 s3, s9;
	s6 =	sadd.s32 @!p0 $0x88, s6;
	s7 =	simm.s32 @p2 $0x1082  }
0x22: {  	[simem:s7], [sflag:s8] =	dma.local @!p0 [hbm:s6], $0xF7A  }
0x23: {  	s9 =	sor.u32 $0xD0000000, s2;
	s6 =	simm.s32 $0x108;
	_ =	swait.ge @!p0 [sflag:s8], $0x0  }
0x24: {  	s3 =	sadd.s32 $0x88, s3;
	s6 =	simm.s32 @!p1 $0x1082;
	[sflag:s4] =	ssyncset.s32 $0xFFFFF086  }
0x25: {  	[simem:s6], [sflag:s4] =	dma.local [hbm:s3], $0xF7A  }
0x26: {  	[smem:$0x3F96] =	sst s1;
	(tag) =	ssettag s2;
	_ =	strace s9  }
0x27: {  	s1 =	sld [smem:$0x3FA6]  }
0x28: {  	s2 =	sld [smem:$0x3FA7]  }
0x29: {  	s4 =	sld [smem:$0x3FA9]  }
0x2a: {  	p0 =	seq.s32 s5, $0x0;
	s5 =	sld [smem:$0x3FAA]  }
0x2b: {  	s6 =	sld [smem:$0x3FAB]  }
0x2c: {  	s7 =	sld [smem:$0x3FAC]  }
0x2d: {  	s3 =	simm.s32 $0x108;
	s8 =	sld [smem:$0x3FAD]  }
0x2e: {  	s3 =	simm.s32 @!p0 $0x1082;
	s9 =	sld [smem:$0x3FAE]  }
0x2f: {  	lr =	sadd.s32 s0, s3;
	s0 =	sld [smem:$0x3FA5]  }
0x30: {  	s3 =	sld [smem:$0x3FA8]  }
0x31: {  	[smem:$0x3FB1] =	sst s10  }
0x32: {  	s10 =	sld [smem:$0x3FAF];
	_ =	sdelay $0x3  }
0x33: {  	p0 =	seq.s32 s10, $0x1;
	s10 =	sld [smem:$0x3FB1];
	_ =	sdelay $0x3  }
0x34: {  	[smem:$0x3FB1] =	sst s10  }
0x35: {  	s10 =	sld [smem:$0x3FB0];
	_ =	sdelay $0x3  }
0x36: {  	p1 =	seq.s32 s10, $0x1;
	s10 =	sld [smem:$0x3FB1];
	_ =	sdelay $0x3  }
0x37: {  	[smem:$0x3FB1] =	sst s10  }
0x38: {  	s10 =	sld [smem:$0x3FB2]  }
0x39: {  	_ = 	snop;
	(pc) =	sbr.ind lr, $3  }
0x3a: {  	_ = 	snop  }
0x3b: {  	_ = 	snop  }
0x3c: {  	p2 =	seq.s32 s10, $0x1;
	s10 =	sld [smem:$0x3FB1]  }
0x3d: {  	_ =	shalt  }
0x3e: {  	_ =	shalt  }
0x3f: {  	_ =	shalt  }
0x40: {  	_ =	shalt  }
0x41: {  	_ =	shalt  }
0x42: {  	_ =	shalt  }
0x43: {  	_ =	shalt  }
0x44: {  	_ =	shalt  }
0x45: {  	_ =	shalt  }
0x46: {  	_ =	shalt  }
0x47: {  	_ =	shalt  }
0x48: {  	_ =	shalt  }
0x49: {  	_ =	shalt  }
0x4a: {  	_ =	shalt  }
0x4b: {  	_ =	shalt  }
0x4c: {  	_ =	shalt  }
0x4d: {  	_ =	shalt  }
0x4e: {  	_ =	shalt  }
0x4f: {  	_ =	shalt  }
0x50: {  	_ =	shalt  }
0x51: {  	_ =	shalt  }
0x52: {  	_ =	shalt  }
0x53: {  	_ =	shalt  }
0x54: {  	_ =	shalt  }
0x55: {  	_ =	shalt  }
0x56: {  	_ =	shalt  }
0x57: {  	_ =	shalt  }
0x58: {  	_ =	shalt  }
0x59: {  	_ =	shalt  }
0x5a: {  	_ =	shalt  }
0x5b: {  	_ =	shalt  }
0x5c: {  	_ =	shalt  }
0x5d: {  	_ =	shalt  }
0x5e: {  	_ =	shalt  }
0x5f: {  	_ =	shalt  }
0x60: {  	_ =	shalt  }
0x61: {  	_ =	shalt  }
0x62: {  	_ =	shalt  }
0x63: {  	_ =	shalt  }
0x64: {  	_ =	shalt  }
0x65: {  	_ =	shalt  }
0x66: {  	_ =	shalt  }
0x67: {  	_ =	shalt  }
0x68: {  	_ =	shalt  }
0x69: {  	_ =	shalt  }
0x6a: {  	_ =	shalt  }
0x6b: {  	_ =	shalt  }
0x6c: {  	_ =	shalt  }
0x6d: {  	_ =	shalt  }
0x6e: {  	_ =	shalt  }
0x6f: {  	_ =	shalt  }
0x70: {  	_ =	shalt  }
0x71: {  	_ =	shalt  }
0x72: {  	_ =	shalt  }
0x73: {  	_ =	shalt  }
0x74: {  	_ =	shalt  }
0x75: {  	_ =	shalt  }
0x76: {  	_ =	shalt  }
0x77: {  	_ =	shalt  }
0x78: {  	_ =	shalt  }
0x79: {  	_ =	shalt  }
0x7a: {  	_ =	shalt  }
0x7b: {  	_ =	shalt  }
0x7c: {  	_ =	shalt  }
0x7d: {  	_ =	shalt  }
0x7e: {  	_ =	shalt  }
0x7f: {  	_ =	shalt  }
0x80: {  	_ =	shalt  }
0x81: {  	_ =	shalt  }
0x82: {  	_ =	shalt  }
0x83: {  	_ =	shalt  }
0x84: {  	_ =	shalt  }
0x85: {  	_ =	shalt  }
0x86: {  	_ =	shalt  }
0x87: {  	_ =	shalt  }
.Lfunc_end0:
.L_simem_size_0:
called_computation.1_lowered:
.L_overlay_start_0:
0x88: {  	s2 =	sld [smem:$0x3FD9]  }
0x89: {  	s3 =	sld [smem:$0x3FFE];
	_ =	sdelay $0x1  }
0x8a: {  	s1 =	srdreg.scid  }
0x8b: {  	s0 =	sand.u32 $0x1, s1  }
0x8c: {  	s17 =	sshll.u32 s0, $0xA;
	s2 =	sadd.s32 s3, s2  }
0x8d: {  	s2 =	sadd.s32 s2, s17  }
0x8e: {  	[smem:$0x3FBD] =	sst s2  }
0x8f: {  	_ = 	snop  }
0x90: {  	s2 =	sld [smem:$0x3FD0];
	(tm) =	ssettm $0x1  }
0x91: {  	s18 =	sld [smem:$0x3FFB];
	_ =	sdelay $0x3  }
0x92: {  	_ =	strace s18  }
0x93: {  	s3 =	sld [smem:$0x3FFC];
	_ =	sdelay $0x3  }
0x94: {  	_ =	strace s3  }
0x95: {  	s3 =	sld [smem:$0x3FFD];
	_ =	sdelay $0x3  }
0x96: {  	_ =	strace s3  }
0x97: {  	_ =	strace $0x8FFFFFFF  }
0x98: {  	s19 =	sld [smem:$0x3FDB];
	_ =	sdelay $0x1  }
0x99: {  	s4 =	simm.s32 $_scs_section_size  }
0x9a: {  	s5 =	simm.s32 $_size__tile_overlayer_lowered;
	s6 =	simm.s32 $_tile_overlayer_lowered  }
0x9b: {  	s22 =	simm.s32 $0x1BFF;
	s21 =	sshll.u32 s6, $0x1;
	s3 =	sadd.s32 s4, s19  }
0x9c: {  	s7 =	simm.s32 $0x0;
	s20 =	sshll.u32 s5, $0x1;
	s5 =	sadd.s32 s21, s3  }
0x9d: {  	[timem:s7], [sflag:s22] =	dma.local [hbm:s5], s20  }
0x9e: {  	_ =	swait.ge [sflag:s22], s20  }
0x9f: {  	s4 =	ssub.s32 $0x0, s20;
	[sflag:s22] =	ssyncset.done $0x0  }
0xa0: {  	[sflag:s22] =	ssyncadd.s32 s4;
	_ =	sdelay $0x1  }
0xa1: {  	s23 =	simm.s32 $0x1B8B  }
0xa2: {  	_ =	swait.ge [sflag:s23], $0x1  }
0xa3: {  	[sflag:s23] =	ssyncset.done $0x0  }
0xa4: {  	s25 =	simm.s32 $0x1B8E;
	s24 =	sld [smem:$0x3FFE];
	[sflag:s23] =	ssyncadd.s32 $0xFFFFFFFF  }
0xa5: {  	s26 =	simm.s32 $execute0_lowered;
	[smem:$0x3FD2] =	sst s25  }
0xa6: {  	s5 =	sshll.u32 s26, $0x1;
	_ =	strace $0x80000049;
	[dreg:$0x1] =	wrdreg $0xFFFFFFFF  }
0xa7: {  	s28 =	simm.s32 $_size_execute0_lowered;
	s3 =	sadd.s32 s3, s5;
	[dreg:$0x0] =	wrdreg $0x0  }
0xa8: {  	s5 =	sshll.u32 s28, $0x1;
	[dreg:$0x2] =	wrdreg s3  }
0xa9: {  	[dreg:$0x3] =	wrdreg s5  }
0xaa: {  	[dreg:$0x4] =	wrdreg $0xC0  }
0xab: {  	_ =	task [dreg:s7], $0x5FFFF  }
0xac: {  	[dreg:$0x1] =	wrdreg $0xFFFFFFFF  }
0xad: {  	[dreg:$0x0] =	wrdreg $0x60  }
0xae: {  	[dreg:$0x2] =	wrdreg s24  }
0xaf: {  	[dreg:$0x3] =	wrdreg s2  }
0xb0: {  	[dreg:$0x4] =	wrdreg $0x120000  }
0xb1: {  	[dreg:$0x5] =	wrdreg $0x9  }
0xb2: {  	_ =	task.clear_ibuf [dreg:s7], $0x6FFFF;
	_ =	strace $0x90000049  }
0xb3: {  	s29 =	simm.s32 $0x9;
	_ =	strace $0x8000004B  }
0xb4: {  	_ =	swait.ge [sflag:s29], $0x1  }
0xb5: {  	[sflag:s29] =	ssyncadd.s32 $0xFFFFFFFF  }
0xb6: {  	_ =	strace $0x9000004B  }
0xb7: {  	_ =	sfence  }
0xb8: {  	s30 =	sld [smem:$0x0];
	_ =	sdelay $0x2  }
0xb9: {  	s31 =	sshll.u32 s1, $0xD;
	s1 =	sshrl.u32 s1, $0x2  }
0xba: {  	s3 =	sand.u32 $0x4000, s31;
	s1 =	sadd.s32 s1, s30  }
0xbb: {  	s0 =	sor.u32 s3, s0;
	s1 =	sshll.u32 s1, $0x11  }
0xbc: {  	s0 =	sor.u32 s1, s0  }
0xbd: {  	s0 =	sadd.s32 $0x8F2B, s0  }
0xbe: {  	[sflag:s0] =	ssyncadd.remote.s32 $0x1  }
0xbf: {  	_ =	sfence.sel $0xFFFF  }
0xc0: {  	[dreg:$0x0] =	wrdreg $0xFFFFFFFF;
	(pc) =	sbr.abs _section_cstart, $3  }
0xc1: {  	[dreg:$0x1] =	wrdreg $0xFFFFFFFF  }
0xc2: {  	_ =	task.clear_ibuf [dreg:s7], $0x2FFFF;
	_ =	strace $0x9FFFFFFF  }
0xc3: {  	(tm) =	ssettm $0x7FFFFFFF  }
tec
execute0_lowered:
.L_overlay_start_1:
0x0: {  	(tag) =	ssettag $0x1  }
0x1: {  	s0 =	rddreg [dreg:$0x0]  }
0x2: {  	s2 =	rddreg [dreg:$0x1]  }
0x3: {  	s1 =	rddreg [dreg:$0x2]  }
0x4: {  	s4 =	simm.s32 $0x0;
	s3 =	srdreg.scid;
	s9 =	stileid.u32  }
0x5: {  	s15 =	simm.s32 $0xA000;
	s29 =	simm.s32 $0xF000;
	s31 =	simm.s32 $0x10000  }
0x6: {  	s14 =	simm.s32 $0x11000;
	s28 =	simm.s32 $0x6;
	s5 =	smul.u32 $0xA00, s9  }
0x7: {  	s30 =	simm.s32 $0x7;
	s10 =	simm.s32 $0x10;
	s8 =	smul.u32 $0x13900, s9  }
0x8: {  	s12 =	simm.s32 $0x0;
	s3 =	sand.u32 $0x1, s3;
	s18 =	smul.u32 $0x4E40, s9  }
0x9: {  	[smem:$0x7FF] =	sst s4;
	s9 =	simm.s32 $0xF;
	s16 =	smul.u32 $0x9C40, s3  }
0xa: {  	_ =	strace $0x8000004A;
	s6 =	ssub.s32 $0x2, s3;
	s3 =	smul.u32 $0x4E400, s3  }
0xb: {  	s7 =	sshrl.u32 s6, $0x1;
	s20 =	sshrl.u32 s8, $0x2;
	s21 =	sadd.s32 s18, s1  }
0xc: {  	s8 =	simm.s32 $0xE;
	s4 =	sadd.s32 s16, s0;
	s0 =	sadd.s32 s5, s0  }
0xd: {  	s17 =	ssub.s32 s6, s7;
	[dreg:$0x6] =	wrdreg s21;
	s22 =	sadd.s32 s20, s1  }
0xe: {  	s3 =	sadd.s32 s18, s3;
	s16 =	simm.s32 $0x11;
	s18 =	simm.s32 $0x2  }
0xf: {  	s20 =	simm.s32 $0xB000;
	s21 =	simm.s32 $0x3;
	s19 =	sadd.s32 $0xC600, s0  }
0x10: {  	s5 =	simm.s32 $0xC;
	s0 =	sadd.s32 $0x2600, s0;
	[dreg:$0x4] =	wrdreg s19  }
0x11: {  	s7 =	sadd.s32 $0x1000, s22;
	s23 =	sadd.s32 $0x2000, s22;
	[dreg:$0x5] =	wrdreg s0  }
0x12: {  	s24 =	sadd.s32 $0x3000, s22;
	s25 =	sshrl.u32 s3, $0x3;
	[dreg:$0x7] =	wrdreg s7  }
0x13: {  	s11 =	sadd.s32 $0x16600, s4;
	s26 =	smax.u32 s17, $0x1;
	[dreg:$0x8] =	wrdreg s23  }
0x14: {  	s17 =	simm.s32 $0x1;
	s3 =	simm.s32 $0x9;
	[dreg:$0x9] =	wrdreg s24  }
0x15: {  	s4 =	simm.s32 $0xB;
	s0 =	sadd.s32 $0x4000, s22;
	[dreg:$0xc] =	wrdreg s26  }
0x16: {  	s19 =	simm.s32 $0x80;
	s22 =	simm.s32 $0xC000;
	s24 =	simm.s32 $0xD000  }
0x17: {  	s26 =	simm.s32 $0xE000;
	s23 =	simm.s32 $0x4;
	s7 =	simm.s32 $0xD  }
0x18: {  	[dreg:$0xa] =	wrdreg s0;
	s0 =	sadd.s32 s2, s25;
	s25 =	simm.s32 $0x5  }
0x19: {  	v0 =	vimm.f32 $0.0e+00;
	s2 =	simm.s32 $0xA;
	[dreg:$0xb] =	wrdreg s0;
	s0 =	simm.s32 $0x8  }
.LBB2_1:
0x1a: {  	[dreg:$0xd] =	wrdreg s12  }
0x1b: {  	s6 =	simm.s32 $0x0;
	s13 =	rddreg [dreg:$0x4]  }
0x1c: {  	[tilespmem:s6], [sflag:$0x1] =	stream.linear.gather [hbm4b:s13+s6], $0x5000, $0x38;
	[tilespmem:$0x16E40] =	vst v63  }
0x1d: {  	s12 =	rddreg [dreg:$0x5];
	s13 =	simm.s32 $0x5000  }
0x1e: {  	[tilespmem:s13], [sflag:$0x2] =	stream.linear.gather [hbm4b:s12+s6], $0x5000, $0x38;
	[tilespmem:$0x16E40] =	vst v63  }
0x1f: {  	s6 =	simm.s32 $0x80;
	s13 =	simm.s32 $0x0  }
.LBB2_2:
0x20: {  	p0 =	sne.s32 s6, $0x3F80;
	[tilespmem:s13+$0xA000] =	vst v0;
	s12 =	smov.u32 s6;
	s6 =	sadd.s32 $0x80, s6  }
.Ltmp0:
0x21: {  	[tilespmem:s13+$0xA010] =	vst v0;
	(pc) =	sbr.rel @p0 .LBB2_2-.Ltmp0, $2  }
0x22: {  	_ =	sdelay $0x2  }
0x23: {  	s13 =	sshra.s32 s12, $0x2  }
0x24: {  	[tilespmem:s13+$0xA000] =	vst v0  }
0x25: {  	[tilespmem:s13+$0xA010] =	vst v0;
	s6 =	rddreg [dreg:$0x6]  }
0x26: {  	[spmem:s6] =	stream.linear.scatter [tilespmem:s15], [sflag:$0x11], $0x1000, $0x38;
	[tilespmem:$0x16E40] =	vst v63  }
0x27: {  	_ =	swait.ge [sflag:s16], $0x1000  }
0x28: {  	[sflag:s16] =	ssyncset.done $0x0  }
0x29: {  	s12 =	rddreg [dreg:$0x7];
	[sflag:s16] =	ssyncadd.s32 $0xFFFFF000  }
0x2a: {  	[spmem:s12] =	stream.linear.scatter [tilespmem:s15], [sflag:$0x11], $0x1000, $0x38;
	[tilespmem:$0x16E40] =	vst v63  }
0x2b: {  	_ =	swait.ge [sflag:s16], $0x1000  }
0x2c: {  	[sflag:s16] =	ssyncset.done $0x0  }
0x2d: {  	s13 =	rddreg [dreg:$0x8];
	[sflag:s16] =	ssyncadd.s32 $0xFFFFF000  }
0x2e: {  	[spmem:s13] =	stream.linear.scatter [tilespmem:s15], [sflag:$0x11], $0x1000, $0x38;
	[tilespmem:$0x16E40] =	vst v63  }
0x2f: {  	_ =	swait.ge [sflag:s16], $0x1000  }
0x30: {  	[sflag:s16] =	ssyncset.done $0x0  }
0x31: {  	s12 =	rddreg [dreg:$0x9];
	[sflag:s16] =	ssyncadd.s32 $0xFFFFF000  }
0x32: {  	[spmem:s12] =	stream.linear.scatter [tilespmem:s15], [sflag:$0x11], $0x1000, $0x38;
	[tilespmem:$0x16E40] =	vst v63  }
0x33: {  	_ =	swait.ge [sflag:s16], $0x1000  }
0x34: {  	[sflag:s16] =	ssyncset.done $0x0  }
0x35: {  	s13 =	rddreg [dreg:$0xa];
	[sflag:s16] =	ssyncadd.s32 $0xFFFFF000  }
0x36: {  	[spmem:s13] =	stream.linear.scatter [tilespmem:s15], [sflag:$0x11], $0xE40, $0x38;
	[tilespmem:$0x16E40] =	vst v63  }
0x37: {  	_ =	swait.ge [sflag:s16], $0xE40  }
0x38: {  	[sflag:s16] =	ssyncset.done $0x0  }
0x39: {  	[sflag:s16] =	ssyncadd.s32 $0xFFFFF1C0  }
0x3a: {  	_ =	swait.ge [sflag:s17], $0x5000  }
0x3b: {  	[sflag:s17] =	ssyncset.done $0x0  }
0x3c: {  	[sflag:s17] =	ssyncadd.s32 $0xFFFFB000  }
0x3d: {  	_ =	swait.ge [sflag:s18], $0x5000  }
0x3e: {  	[sflag:s18] =	ssyncset.done $0x0  }
0x3f: {  	[sflag:s18] =	ssyncadd.s32 $0xFFFFB000  }
0x40: {  	s12 =	simm.s32 $0x0;
	[bflag:$0x0] =	sbarrier.arrive $0xFFFF  }
0x41: {  	[tilespmem:s15], [sflag:$0x1] =	stream.indirect.gather [hbm4b:s11+s19], $0x20, s12, s19, $0xb8;
	[tilespmem:$0x16E40] =	vst v63  }
0x42: {  	_ = 	snop  }
0x43: {  	[tilespmem:s20], [sflag:$0x2] =	stream.indirect.gather [hbm4b:s11+s19], $0x20, s19, s19, $0xb8;
	[tilespmem:$0x16E40] =	vst v63  }
0x44: {  	s13 =	simm.s32 $0x100  }
0x45: {  	[tilespmem:s22], [sflag:$0x3] =	stream.indirect.gather [hbm4b:s11+s19], $0x20, s13, s19, $0xb8;
	[tilespmem:$0x16E40] =	vst v63  }
0x46: {  	s12 =	simm.s32 $0x180  }
0x47: {  	[tilespmem:s24], [sflag:$0x4] =	stream.indirect.gather [hbm4b:s11+s19], $0x20, s12, s19, $0xb8;
	[tilespmem:$0x16E40] =	vst v63  }
0x48: {  	s13 =	simm.s32 $0x200  }
0x49: {  	[tilespmem:s26], [sflag:$0x5] =	stream.indirect.gather [hbm4b:s11+s19], $0x20, s13, s19, $0xb8;
	[tilespmem:$0x16E40] =	vst v63  }
0x4a: {  	s12 =	simm.s32 $0x280  }
0x4b: {  	[tilespmem:s29], [sflag:$0x6] =	stream.indirect.gather [hbm4b:s11+s19], $0x20, s12, s19, $0xb8;
	[tilespmem:$0x16E40] =	vst v63  }
0x4c: {  	s13 =	simm.s32 $0x300  }
0x4d: {  	[tilespmem:s31], [sflag:$0x7] =	stream.indirect.gather [hbm4b:s11+s19], $0x20, s13, s19, $0xb8;
	[tilespmem:$0x16E40] =	vst v63  }
0x4e: {  	s12 =	simm.s32 $0x380  }
0x4f: {  	[tilespmem:s14], [sflag:$0x8] =	stream.indirect.gather [hbm4b:s11+s19], $0x20, s12, s19, $0xb8;
	[tilespmem:$0x16E40] =	vst v63  }
0x50: {  	_ =	swait.ge [sflag:s17], $0x1000  }
0x51: {  	[sflag:s17] =	ssyncset.done $0x0  }
0x52: {  	s13 =	simm.s32 $0x5000;
	[sflag:s17] =	ssyncadd.s32 $0xFFFFF000  }
0x53: {  	[spmem:s1] =	stream.indirect.scatter.add.f32 [tilespmem:s15], [sflag:$0x9], $0x20, s13, s19, $0xb8;
	[tilespmem:$0x16E40] =	vst v63  }
0x54: {  	_ =	swait.ge [sflag:s18], $0x1000  }
0x55: {  	[sflag:s18] =	ssyncset.done $0x0  }
0x56: {  	s12 =	simm.s32 $0x5080;
	[sflag:s18] =	ssyncadd.s32 $0xFFFFF000  }
0x57: {  	[spmem:s1] =	stream.indirect.scatter.add.f32 [tilespmem:s20], [sflag:$0xA], $0x20, s12, s19, $0xb8;
	[tilespmem:$0x16E40] =	vst v63  }
0x58: {  	_ =	swait.ge [sflag:s21], $0x1000  }
0x59: {  	[sflag:s21] =	ssyncset.done $0x0  }
0x5a: {  	s13 =	simm.s32 $0x5100;
	[sflag:s21] =	ssyncadd.s32 $0xFFFFF000  }
0x5b: {  	[spmem:s1] =	stream.indirect.scatter.add.f32 [tilespmem:s22], [sflag:$0xB], $0x20, s13, s19, $0xb8;
	[tilespmem:$0x16E40] =	vst v63  }
0x5c: {  	_ =	swait.ge [sflag:s23], $0x1000  }
0x5d: {  	[sflag:s23] =	ssyncset.done $0x0  }
0x5e: {  	s12 =	simm.s32 $0x5180;
	[sflag:s23] =	ssyncadd.s32 $0xFFFFF000  }
0x5f: {  	[spmem:s1] =	stream.indirect.scatter.add.f32 [tilespmem:s24], [sflag:$0xC], $0x20, s12, s19, $0xb8;
	[tilespmem:$0x16E40] =	vst v63  }
0x60: {  	_ =	swait.ge [sflag:s25], $0x1000  }
0x61: {  	[sflag:s25] =	ssyncset.done $0x0  }
0x62: {  	s13 =	simm.s32 $0x5200;
	[sflag:s25] =	ssyncadd.s32 $0xFFFFF000  }
0x63: {  	[spmem:s1] =	stream.indirect.scatter.add.f32 [tilespmem:s26], [sflag:$0xD], $0x20, s13, s19, $0xb8;
	[tilespmem:$0x16E40] =	vst v63  }
0x64: {  	_ =	swait.ge [sflag:s28], $0x1000  }
0x65: {  	[sflag:s28] =	ssyncset.done $0x0  }
0x66: {  	s12 =	simm.s32 $0x5280;
	[sflag:s28] =	ssyncadd.s32 $0xFFFFF000  }
0x67: {  	[spmem:s1] =	stream.indirect.scatter.add.f32 [tilespmem:s29], [sflag:$0xE], $0x20, s12, s19, $0xb8;
	[tilespmem:$0x16E40] =	vst v63  }
0x68: {  	_ =	swait.ge [sflag:s30], $0x1000  }
0x69: {  	[sflag:s30] =	ssyncset.done $0x0  }
0x6a: {  	s13 =	simm.s32 $0x5300;
	[sflag:s30] =	ssyncadd.s32 $0xFFFFF000  }
0x6b: {  	[spmem:s1] =	stream.indirect.scatter.add.f32 [tilespmem:s31], [sflag:$0xF], $0x20, s13, s19, $0xb8;
	[tilespmem:$0x16E40] =	vst v63  }
0x6c: {  	_ =	swait.ge [sflag:s0], $0x1000  }
0x6d: {  	[sflag:s0] =	ssyncset.done $0x0  }
0x6e: {  	s12 =	simm.s32 $0x5380;
	[sflag:s0] =	ssyncadd.s32 $0xFFFFF000  }
0x6f: {  	[spmem:s1] =	stream.indirect.scatter.add.f32 [tilespmem:s14], [sflag:$0x10], $0x20, s12, s19, $0xb8;
	[tilespmem:$0x16E40] =	vst v63  }
0x70: {  	_ =	swait.ge [sflag:s3], $0x1000  }
0x71: {  	[sflag:s3] =	ssyncset.done $0x0  }
0x72: {  	s13 =	simm.s32 $0x400;
	[sflag:s3] =	ssyncadd.s32 $0xFFFFF000  }
0x73: {  	[tilespmem:s15], [sflag:$0x1] =	stream.indirect.gather [hbm4b:s11+s19], $0x20, s13, s19, $0xb8;
	[tilespmem:$0x16E40] =	vst v63  }
0x74: {  	_ =	swait.ge [sflag:s2], $0x1000  }
0x75: {  	[sflag:s2] =	ssyncset.done $0x0  }
0x76: {  	s12 =	simm.s32 $0x480;
	[sflag:s2] =	ssyncadd.s32 $0xFFFFF000  }
0x77: {  	[tilespmem:s20], [sflag:$0x2] =	stream.indirect.gather [hbm4b:s11+s19], $0x20, s12, s19, $0xb8;
	[tilespmem:$0x16E40] =	vst v63  }
0x78: {  	_ =	swait.ge [sflag:s4], $0x1000  }
0x79: {  	[sflag:s4] =	ssyncset.done $0x0  }
0x7a: {  	s13 =	simm.s32 $0x500;
	[sflag:s4] =	ssyncadd.s32 $0xFFFFF000  }
0x7b: {  	[tilespmem:s22], [sflag:$0x3] =	stream.indirect.gather [hbm4b:s11+s19], $0x20, s13, s19, $0xb8;
	[tilespmem:$0x16E40] =	vst v63  }
0x7c: {  	_ =	swait.ge [sflag:s5], $0x1000  }
0x7d: {  	[sflag:s5] =	ssyncset.done $0x0  }
0x7e: {  	s12 =	simm.s32 $0x580;
	[sflag:s5] =	ssyncadd.s32 $0xFFFFF000  }
0x7f: {  	[tilespmem:s24], [sflag:$0x4] =	stream.indirect.gather [hbm4b:s11+s19], $0x20, s12, s19, $0xb8;
	[tilespmem:$0x16E40] =	vst v63  }
0x80: {  	_ =	swait.ge [sflag:s7], $0x1000  }
0x81: {  	[sflag:s7] =	ssyncset.done $0x0  }
0x82: {  	s13 =	simm.s32 $0x600;
	[sflag:s7] =	ssyncadd.s32 $0xFFFFF000  }
0x83: {  	[tilespmem:s26], [sflag:$0x5] =	stream.indirect.gather [hbm4b:s11+s19], $0x20, s13, s19, $0xb8;
	[tilespmem:$0x16E40] =	vst v63  }
0x84: {  	_ =	swait.ge [sflag:s8], $0x1000  }
0x85: {  	[sflag:s8] =	ssyncset.done $0x0  }
0x86: {  	s12 =	simm.s32 $0x680;
	[sflag:s8] =	ssyncadd.s32 $0xFFFFF000  }
0x87: {  	[tilespmem:s29], [sflag:$0x6] =	stream.indirect.gather [hbm4b:s11+s19], $0x20, s12, s19, $0xb8;
	[tilespmem:$0x16E40] =	vst v63  }
0x88: {  	_ =	swait.ge [sflag:s9], $0x1000  }
0x89: {  	[sflag:s9] =	ssyncset.done $0x0  }
0x8a: {  	s13 =	simm.s32 $0x700;
	[sflag:s9] =	ssyncadd.s32 $0xFFFFF000  }
0x8b: {  	[tilespmem:s31], [sflag:$0x7] =	stream.indirect.gather [hbm4b:s11+s19], $0x20, s13, s19, $0xb8;
	[tilespmem:$0x16E40] =	vst v63  }
0x8c: {  	_ =	swait.ge [sflag:s10], $0x1000  }
0x8d: {  	[sflag:s10] =	ssyncset.done $0x0  }
0x8e: {  	s6 =	simm.s32 $0x780;
	s13 =	simm.s32 $0x1000;
	[sflag:s10] =	ssyncadd.s32 $0xFFFFF000  }
.LBB2_4:
0x8f: {  	[tilespmem:s14], [sflag:$0x8] =	stream.indirect.gather [hbm4b:s11+s19], $0x20, s6, s19, $0xb8;
	[tilespmem:$0x16E40] =	vst v63  }
0x90: {  	s6 =	smov.u32 s13  }
0x91: {  	p0 =	sne.s32 s13, $0x12000;
	s13 =	sadd.s32 $0x1000, s13;
	_ =	swait.ge [sflag:s17], $0x1000  }
0x92: {  	s6 =	sshra.s32 s6, $0x2;
	[sflag:s17] =	ssyncset.done $0x0  }
0x93: {  	s12 =	sadd.s32 $0x5000, s6;
	[sflag:s17] =	ssyncadd.s32 $0xFFFFF000  }
0x94: {  	[spmem:s1] =	stream.indirect.scatter.add.f32 [tilespmem:s15], [sflag:$0x9], $0x20, s12, s19, $0xb8;
	[tilespmem:$0x16E40] =	vst v63  }
0x95: {  	_ =	swait.ge [sflag:s18], $0x1000  }
0x96: {  	[sflag:s18] =	ssyncset.done $0x0  }
0x97: {  	s12 =	sadd.s32 $0x5080, s6;
	[sflag:s18] =	ssyncadd.s32 $0xFFFFF000  }
0x98: {  	[spmem:s1] =	stream.indirect.scatter.add.f32 [tilespmem:s20], [sflag:$0xA], $0x20, s12, s19, $0xb8;
	[tilespmem:$0x16E40] =	vst v63  }
0x99: {  	_ =	swait.ge [sflag:s21], $0x1000  }
0x9a: {  	[sflag:s21] =	ssyncset.done $0x0  }
0x9b: {  	s12 =	sadd.s32 $0x5100, s6;
	[sflag:s21] =	ssyncadd.s32 $0xFFFFF000  }
0x9c: {  	[spmem:s1] =	stream.indirect.scatter.add.f32 [tilespmem:s22], [sflag:$0xB], $0x20, s12, s19, $0xb8;
	[tilespmem:$0x16E40] =	vst v63  }
0x9d: {  	_ =	swait.ge [sflag:s23], $0x1000  }
0x9e: {  	[sflag:s23] =	ssyncset.done $0x0  }
0x9f: {  	s12 =	sadd.s32 $0x5180, s6;
	[sflag:s23] =	ssyncadd.s32 $0xFFFFF000  }
0xa0: {  	[spmem:s1] =	stream.indirect.scatter.add.f32 [tilespmem:s24], [sflag:$0xC], $0x20, s12, s19, $0xb8;
	[tilespmem:$0x16E40] =	vst v63  }
0xa1: {  	_ =	swait.ge [sflag:s25], $0x1000  }
0xa2: {  	[sflag:s25] =	ssyncset.done $0x0  }
0xa3: {  	s12 =	sadd.s32 $0x5200, s6;
	[sflag:s25] =	ssyncadd.s32 $0xFFFFF000  }
0xa4: {  	[spmem:s1] =	stream.indirect.scatter.add.f32 [tilespmem:s26], [sflag:$0xD], $0x20, s12, s19, $0xb8;
	[tilespmem:$0x16E40] =	vst v63  }
0xa5: {  	_ =	swait.ge [sflag:s28], $0x1000  }
0xa6: {  	[sflag:s28] =	ssyncset.done $0x0  }
0xa7: {  	s12 =	sadd.s32 $0x5280, s6;
	[sflag:s28] =	ssyncadd.s32 $0xFFFFF000  }
0xa8: {  	[spmem:s1] =	stream.indirect.scatter.add.f32 [tilespmem:s29], [sflag:$0xE], $0x20, s12, s19, $0xb8;
	[tilespmem:$0x16E40] =	vst v63  }
0xa9: {  	_ =	swait.ge [sflag:s30], $0x1000  }
0xaa: {  	[sflag:s30] =	ssyncset.done $0x0  }
0xab: {  	s12 =	sadd.s32 $0x5300, s6;
	[sflag:s30] =	ssyncadd.s32 $0xFFFFF000  }
0xac: {  	[spmem:s1] =	stream.indirect.scatter.add.f32 [tilespmem:s31], [sflag:$0xF], $0x20, s12, s19, $0xb8;
	[tilespmem:$0x16E40] =	vst v63  }
0xad: {  	_ =	swait.ge [sflag:s0], $0x1000  }
0xae: {  	[sflag:s0] =	ssyncset.done $0x0  }
0xaf: {  	s12 =	sadd.s32 $0x5380, s6;
	[sflag:s0] =	ssyncadd.s32 $0xFFFFF000  }
0xb0: {  	[spmem:s1] =	stream.indirect.scatter.add.f32 [tilespmem:s14], [sflag:$0x10], $0x20, s12, s19, $0xb8;
	[tilespmem:$0x16E40] =	vst v63  }
0xb1: {  	_ =	swait.ge [sflag:s3], $0x1000  }
0xb2: {  	[sflag:s3] =	ssyncset.done $0x0  }
0xb3: {  	s12 =	sadd.s32 $0x400, s6;
	[sflag:s3] =	ssyncadd.s32 $0xFFFFF000  }
0xb4: {  	[tilespmem:s15], [sflag:$0x1] =	stream.indirect.gather [hbm4b:s11+s19], $0x20, s12, s19, $0xb8;
	[tilespmem:$0x16E40] =	vst v63  }
0xb5: {  	_ =	swait.ge [sflag:s2], $0x1000  }
0xb6: {  	[sflag:s2] =	ssyncset.done $0x0  }
0xb7: {  	s12 =	sadd.s32 $0x480, s6;
	[sflag:s2] =	ssyncadd.s32 $0xFFFFF000  }
0xb8: {  	[tilespmem:s20], [sflag:$0x2] =	stream.indirect.gather [hbm4b:s11+s19], $0x20, s12, s19, $0xb8;
	[tilespmem:$0x16E40] =	vst v63  }
0xb9: {  	_ =	swait.ge [sflag:s4], $0x1000  }
0xba: {  	[sflag:s4] =	ssyncset.done $0x0  }
0xbb: {  	s12 =	sadd.s32 $0x500, s6;
	[sflag:s4] =	ssyncadd.s32 $0xFFFFF000  }
0xbc: {  	[tilespmem:s22], [sflag:$0x3] =	stream.indirect.gather [hbm4b:s11+s19], $0x20, s12, s19, $0xb8;
	[tilespmem:$0x16E40] =	vst v63  }
0xbd: {  	_ =	swait.ge [sflag:s5], $0x1000  }
0xbe: {  	[sflag:s5] =	ssyncset.done $0x0  }
0xbf: {  	s12 =	sadd.s32 $0x580, s6;
	[sflag:s5] =	ssyncadd.s32 $0xFFFFF000  }
0xc0: {  	[tilespmem:s24], [sflag:$0x4] =	stream.indirect.gather [hbm4b:s11+s19], $0x20, s12, s19, $0xb8;
	[tilespmem:$0x16E40] =	vst v63  }
0xc1: {  	_ =	swait.ge [sflag:s7], $0x1000  }
0xc2: {  	[sflag:s7] =	ssyncset.done $0x0  }
0xc3: {  	s12 =	sadd.s32 $0x600, s6;
	[sflag:s7] =	ssyncadd.s32 $0xFFFFF000  }
0xc4: {  	[tilespmem:s26], [sflag:$0x5] =	stream.indirect.gather [hbm4b:s11+s19], $0x20, s12, s19, $0xb8;
	[tilespmem:$0x16E40] =	vst v63  }
0xc5: {  	_ =	swait.ge [sflag:s8], $0x1000  }
0xc6: {  	[sflag:s8] =	ssyncset.done $0x0  }
0xc7: {  	s12 =	sadd.s32 $0x680, s6;
	[sflag:s8] =	ssyncadd.s32 $0xFFFFF000  }
0xc8: {  	[tilespmem:s29], [sflag:$0x6] =	stream.indirect.gather [hbm4b:s11+s19], $0x20, s12, s19, $0xb8;
	[tilespmem:$0x16E40] =	vst v63  }
0xc9: {  	_ =	swait.ge [sflag:s9], $0x1000  }
0xca: {  	[sflag:s9] =	ssyncset.done $0x0  }
.Ltmp1:
0xcb: {  	s12 =	sadd.s32 $0x700, s6;
	[sflag:s9] =	ssyncadd.s32 $0xFFFFF000;
	(pc) =	sbr.rel @p0 .LBB2_4-.Ltmp1, $4  }
0xcc: {  	[tilespmem:s31], [sflag:$0x7] =	stream.indirect.gather [hbm4b:s11+s19], $0x20, s12, s19, $0xb8;
	[tilespmem:$0x16E40] =	vst v63  }
0xcd: {  	_ =	swait.ge [sflag:s10], $0x1000  }
0xce: {  	[sflag:s10] =	ssyncset.done $0x0  }
0xcf: {  	s6 =	sadd.s32 $0x780, s6;
	[sflag:s10] =	ssyncadd.s32 $0xFFFFF000  }
0xd0: {  	[tilespmem:s14], [sflag:$0x8] =	stream.indirect.gather [hbm4b:s11+s19], $0x20, s6, s19, $0xb8;
	[tilespmem:$0x16E40] =	vst v63  }
0xd1: {  	_ =	swait.ge [sflag:s17], $0x1000  }
0xd2: {  	[sflag:s17] =	ssyncset.done $0x0  }
0xd3: {  	s13 =	simm.s32 $0x9C00;
	[sflag:s17] =	ssyncadd.s32 $0xFFFFF000  }
0xd4: {  	[spmem:s1] =	stream.indirect.scatter.add.f32 [tilespmem:s15], [sflag:$0x9], $0x20, s13, s19, $0xb8;
	[tilespmem:$0x16E40] =	vst v63  }
0xd5: {  	_ =	swait.ge [sflag:s18], $0x1000  }
0xd6: {  	[sflag:s18] =	ssyncset.done $0x0  }
0xd7: {  	s12 =	simm.s32 $0x9C80;
	[sflag:s18] =	ssyncadd.s32 $0xFFFFF000  }
0xd8: {  	[spmem:s1] =	stream.indirect.scatter.add.f32 [tilespmem:s20], [sflag:$0xA], $0x20, s12, s19, $0xb8;
	[tilespmem:$0x16E40] =	vst v63  }
0xd9: {  	_ =	swait.ge [sflag:s21], $0x1000  }
0xda: {  	[sflag:s21] =	ssyncset.done $0x0  }
0xdb: {  	s13 =	simm.s32 $0x9D00;
	[sflag:s21] =	ssyncadd.s32 $0xFFFFF000  }
0xdc: {  	[spmem:s1] =	stream.indirect.scatter.add.f32 [tilespmem:s22], [sflag:$0xB], $0x20, s13, s19, $0xb8;
	[tilespmem:$0x16E40] =	vst v63  }
0xdd: {  	_ =	swait.ge [sflag:s23], $0x1000  }
0xde: {  	[sflag:s23] =	ssyncset.done $0x0  }
0xdf: {  	s12 =	simm.s32 $0x9D80;
	[sflag:s23] =	ssyncadd.s32 $0xFFFFF000  }
0xe0: {  	[spmem:s1] =	stream.indirect.scatter.add.f32 [tilespmem:s24], [sflag:$0xC], $0x20, s12, s19, $0xb8;
	[tilespmem:$0x16E40] =	vst v63  }
0xe1: {  	_ =	swait.ge [sflag:s25], $0x1000  }
0xe2: {  	[sflag:s25] =	ssyncset.done $0x0  }
0xe3: {  	s13 =	simm.s32 $0x9E00;
	[sflag:s25] =	ssyncadd.s32 $0xFFFFF000  }
0xe4: {  	[spmem:s1] =	stream.indirect.scatter.add.f32 [tilespmem:s26], [sflag:$0xD], $0x20, s13, s19, $0xb8;
	[tilespmem:$0x16E40] =	vst v63  }
0xe5: {  	_ =	swait.ge [sflag:s28], $0x1000  }
0xe6: {  	[sflag:s28] =	ssyncset.done $0x0  }
0xe7: {  	s12 =	simm.s32 $0x9E80;
	[sflag:s28] =	ssyncadd.s32 $0xFFFFF000  }
0xe8: {  	[spmem:s1] =	stream.indirect.scatter.add.f32 [tilespmem:s29], [sflag:$0xE], $0x20, s12, s19, $0xb8;
	[tilespmem:$0x16E40] =	vst v63  }
0xe9: {  	_ =	swait.ge [sflag:s30], $0x1000  }
0xea: {  	[sflag:s30] =	ssyncset.done $0x0  }
0xeb: {  	s13 =	simm.s32 $0x9F00;
	[sflag:s30] =	ssyncadd.s32 $0xFFFFF000  }
0xec: {  	[spmem:s1] =	stream.indirect.scatter.add.f32 [tilespmem:s31], [sflag:$0xF], $0x20, s13, s19, $0xb8;
	[tilespmem:$0x16E40] =	vst v63  }
0xed: {  	_ =	swait.ge [sflag:s0], $0x1000  }
0xee: {  	[sflag:s0] =	ssyncset.done $0x0  }
0xef: {  	s12 =	simm.s32 $0x9F80;
	[sflag:s0] =	ssyncadd.s32 $0xFFFFF000  }
0xf0: {  	[spmem:s1] =	stream.indirect.scatter.add.f32 [tilespmem:s14], [sflag:$0x10], $0x20, s12, s19, $0xb8;
	[tilespmem:$0x16E40] =	vst v63  }
0xf1: {  	_ =	swait.ge [sflag:s3], $0x1000  }
0xf2: {  	[sflag:s3] =	ssyncset.done $0x0  }
0xf3: {  	[sflag:s3] =	ssyncadd.s32 $0xFFFFF000  }
0xf4: {  	_ =	swait.ge [sflag:s2], $0x1000  }
0xf5: {  	[sflag:s2] =	ssyncset.done $0x0  }
0xf6: {  	[sflag:s2] =	ssyncadd.s32 $0xFFFFF000  }
0xf7: {  	_ =	swait.ge [sflag:s4], $0x1000  }
0xf8: {  	[sflag:s4] =	ssyncset.done $0x0  }
0xf9: {  	[sflag:s4] =	ssyncadd.s32 $0xFFFFF000  }
0xfa: {  	_ =	swait.ge [sflag:s5], $0x1000  }
0xfb: {  	[sflag:s5] =	ssyncset.done $0x0  }
0xfc: {  	[sflag:s5] =	ssyncadd.s32 $0xFFFFF000  }
0xfd: {  	_ =	swait.ge [sflag:s7], $0x1000  }
0xfe: {  	[sflag:s7] =	ssyncset.done $0x0  }
0xff: {  	[sflag:s7] =	ssyncadd.s32 $0xFFFFF000  }
0x100: {  	_ =	swait.ge [sflag:s8], $0x1000  }
0x101: {  	[sflag:s8] =	ssyncset.done $0x0  }
0x102: {  	[sflag:s8] =	ssyncadd.s32 $0xFFFFF000  }
0x103: {  	_ =	swait.ge [sflag:s9], $0x1000  }
0x104: {  	[sflag:s9] =	ssyncset.done $0x0  }
0x105: {  	[sflag:s9] =	ssyncadd.s32 $0xFFFFF000  }
0x106: {  	_ =	swait.ge [sflag:s10], $0x1000  }
0x107: {  	[sflag:s10] =	ssyncset.done $0x0  }
0x108: {  	[sflag:s10] =	ssyncadd.s32 $0xFFFFF000  }
0x109: {  	s13 =	stileid.u32;
	[bflag:$0x0] =	sbarrier.arrive $0xFFFF  }
0x10a: {  	s6 =	sshll.u32 s13, $0x6;
	s12 =	rddreg [dreg:$0x6]  }
0x10b: {  	s6 =	sor.u32 $0x1C11, s6;
	s13 =	rddreg [dreg:$0xb];
	s12 =	sshrl.u32 s12, $0x3  }
0x10c: {  	[hbm:s13], [sflag:s6] =	dma.local [spmem:s12], $0x9C8  }
0x10d: {  	_ =	swait.ge [sflag:s16], $0x9C8  }
0x10e: {  	s6 =	rddreg [dreg:$0xd]  }
0x10f: {  	s13 =	rddreg [dreg:$0xc];
	s12 =	sadd.s32 $0x1, s6  }
0x110: {  	p0 =	sne.s32 s12, s13  }
.Ltmp2:
0x111: {  	_ = 	snop;
	(pc) =	sbr.rel @p0 .LBB2_1-.Ltmp2, $3  }
0x112: {  	_ =	sdelay $0x1  }
0x113: {  	[sflag:s16] =	ssyncset.done $0x0  }
0x114: {  	[sflag:s16] =	ssyncadd.s32 $0xFFFFF638  }
0x115: {  	_ =	sfence.sel $0x180000  }
0x116: {  	[bflag:$0x0] =	sbarrier.arrive $0xFFFF  }
0x117: {  	_ =	strace $0x9000004A  }
0x118: {  	s0 =	stileid.u32;
	[bflag:$0x2] =	sbarrier.arrive $0xFFFF  }
0x119: {  	p0 =	sne.s32 s0, $0x0;
	s0 =	rddreg [dreg:$0x3]  }
0x11a: {  	s0 =	sadd.s32 @!p0 $0x100000, s0  }
0x11b: {  	[sflag:s0] =	ssyncadd.tile.s32 @!p0 $0x1;
	_ =	shalt  }
.Lfunc_end2:
_tile_overlayer_lowered:
.L_overlay_start_2:
0x11c: {  	(tag) =	ssettag $0x2  }
0x11d: {  	s0 =	rddreg [dreg:$0x0];
	s2 =	stileid.u32  }
0x11e: {  	s1 =	rddreg [dreg:$0x1];
	p0 =	sne.s32 s2, $0x0  }
0x11f: {  	s3 =	rddreg [dreg:$0x2];
	[bflag:$0x3] =	sbarrier.arrive $0xFFFF;
	s2 =	simm.s32 @!p0 $0x1C11  }
0x120: {  	[timem:s3], [sflag:s2] =	dma.local @!p0 [hbm:s0], s1  }
0x121: {  	s0 =	simm.s32 @!p0 $0x11  }
0x122: {  	_ =	swait.ge @!p0 [sflag:s0], s1  }
0x123: {  	s1 =	ssub.s32 @!p0 $0x0, s1;
	[sflag:s0] =	ssyncset.done @!p0 $0x0  }
0x124: {  	[sflag:s0] =	ssyncadd.s32 @!p0 s1  }
0x125: {  	[bflag:$0x3] =	sbarrier.arrive $0xFFFF  }
0x126: {  	_ =	shalt  }

// kernel: kernel.15.cloned.1.call-start
scs
__scs_entry_jumppad:
0x0: {  	(pc) =	sbr.rel $0x88, $3  }
0x1: {  	(tag) =	ssettag $0x0;
	lr =	simm.s32 $0x1  }
0x2: {  	[smem:$0x3F96] =	sst lr;
	_ =	strace $0xD0000000  }
0x3: {  	_ = 	snop  }
0x4: {  	_ = 	snop  }
0x5: {  	_ = 	snop  }
0x6: {  	_ = 	snop  }
0x7: {  	_ = 	snop  }
__scs_overlays_trampoline_lowered:
0x8: {  	[smem:$0x3FA5] =	sst s0  }
0x9: {  	[smem:$0x3FA6] =	sst s1  }
0xa: {  	[smem:$0x3FA7] =	sst s2  }
0xb: {  	[smem:$0x3FA8] =	sst s3  }
0xc: {  	[smem:$0x3FA9] =	sst s4  }
0xd: {  	[smem:$0x3FAA] =	sst s5  }
0xe: {  	[smem:$0x3FAB] =	sst s6  }
0xf: {  	[smem:$0x3FAC] =	sst s7  }
0x10: {  	[smem:$0x3FAD] =	sst s8  }
0x11: {  	[smem:$0x3FAE] =	sst s9;
	s0 =	simm.s32 @!p0 $0x0  }
0x12: {  	s1 =	sld [smem:$0x3F94];
	s0 =	simm.s32 @p0 $0x1  }
0x13: {  	[smem:$0x3FAF] =	sst s0;
	s0 =	simm.s32 @!p1 $0x0  }
0x14: {  	s2 =	sld [smem:$0x3F93];
	s0 =	simm.s32 @p1 $0x1  }
0x15: {  	[smem:$0x3FB0] =	sst s0;
	s0 =	simm.s32 @!p2 $0x0  }
0x16: {  	s3 =	sld [smem:$0x3FDB];
	s0 =	simm.s32 @p2 $0x1  }
0x17: {  	s4 =	simm.s32 $0x1BF5;
	[smem:$0x3FB2] =	sst s0  }
0x18: {  	s0 =	sld [smem:$0x3F95];
	_ =	swait.ge [sflag:s4], $0x0  }
0x19: {  	s7 =	sld [smem:$0x3F96]  }
0x1a: {  	s8 =	sadd.s32 $0xFFFFE003, lr  }
0x1b: {  	s9 =	sadd.s32 $0xFFFFFEF7, lr;
	s5 =	simm.s32 $0xFFFFFFFF;
	p2 =	slt.u32 s8, $0xFFFFF086  }
0x1c: {  	p1 =	slt.u32 s9, $0xF7A;
	s5 =	simm.s32 @!p2 $0x0  }
0x1d: {  	s5 =	simm.s32 @p1 $0x1;
	p0 =	seq.s32 s7, s2  }
0x1e: {  	s7 =	smul.u32 @!p0 $0xF7A, s2;
	p2 =	seq.s32 @!p0 s5, $0x0  }
0x1f: {  	s9 =	smul.u32 $0xF7A, s1;
	s8 =	simm.s32 @!p0 $0x1BF5;
	p2 =	por !p2, p0  }
0x20: {  	[sflag:s8] =	ssyncset.s32 @!p0 $0xFFFFF086;
	s6 =	sadd.s32 @!p0 s3, s7;
	s7 =	simm.s32 @!p0 $0x108  }
0x21: {  	s3 =	sadd.s32 s3, s9;
	s6 =	sadd.s32 @!p0 $0x88, s6;
	s7 =	simm.s32 @p2 $0x1082  }
0x22: {  	[simem:s7], [sflag:s8] =	dma.local @!p0 [hbm:s6], $0xF7A  }
0x23: {  	s9 =	sor.u32 $0xD0000000, s2;
	s6 =	simm.s32 $0x108;
	_ =	swait.ge @!p0 [sflag:s8], $0x0  }
0x24: {  	s3 =	sadd.s32 $0x88, s3;
	s6 =	simm.s32 @!p1 $0x1082;
	[sflag:s4] =	ssyncset.s32 $0xFFFFF086  }
0x25: {  	[simem:s6], [sflag:s4] =	dma.local [hbm:s3], $0xF7A  }
0x26: {  	[smem:$0x3F96] =	sst s1;
	(tag) =	ssettag s2;
	_ =	strace s9  }
0x27: {  	s1 =	sld [smem:$0x3FA6]  }
0x28: {  	s2 =	sld [smem:$0x3FA7]  }
0x29: {  	s4 =	sld [smem:$0x3FA9]  }
0x2a: {  	p0 =	seq.s32 s5, $0x0;
	s5 =	sld [smem:$0x3FAA]  }
0x2b: {  	s6 =	sld [smem:$0x3FAB]  }
0x2c: {  	s7 =	sld [smem:$0x3FAC]  }
0x2d: {  	s3 =	simm.s32 $0x108;
	s8 =	sld [smem:$0x3FAD]  }
0x2e: {  	s3 =	simm.s32 @!p0 $0x1082;
	s9 =	sld [smem:$0x3FAE]  }
0x2f: {  	lr =	sadd.s32 s0, s3;
	s0 =	sld [smem:$0x3FA5]  }
0x30: {  	s3 =	sld [smem:$0x3FA8]  }
0x31: {  	[smem:$0x3FB1] =	sst s10  }
0x32: {  	s10 =	sld [smem:$0x3FAF];
	_ =	sdelay $0x3  }
0x33: {  	p0 =	seq.s32 s10, $0x1;
	s10 =	sld [smem:$0x3FB1];
	_ =	sdelay $0x3  }
0x34: {  	[smem:$0x3FB1] =	sst s10  }
0x35: {  	s10 =	sld [smem:$0x3FB0];
	_ =	sdelay $0x3  }
0x36: {  	p1 =	seq.s32 s10, $0x1;
	s10 =	sld [smem:$0x3FB1];
	_ =	sdelay $0x3  }
0x37: {  	[smem:$0x3FB1] =	sst s10  }
0x38: {  	s10 =	sld [smem:$0x3FB2]  }
0x39: {  	_ = 	snop;
	(pc) =	sbr.ind lr, $3  }
0x3a: {  	_ = 	snop  }
0x3b: {  	_ = 	snop  }
0x3c: {  	p2 =	seq.s32 s10, $0x1;
	s10 =	sld [smem:$0x3FB1]  }
0x3d: {  	_ =	shalt  }
0x3e: {  	_ =	shalt  }
0x3f: {  	_ =	shalt  }
0x40: {  	_ =	shalt  }
0x41: {  	_ =	shalt  }
0x42: {  	_ =	shalt  }
0x43: {  	_ =	shalt  }
0x44: {  	_ =	shalt  }
0x45: {  	_ =	shalt  }
0x46: {  	_ =	shalt  }
0x47: {  	_ =	shalt  }
0x48: {  	_ =	shalt  }
0x49: {  	_ =	shalt  }
0x4a: {  	_ =	shalt  }
0x4b: {  	_ =	shalt  }
0x4c: {  	_ =	shalt  }
0x4d: {  	_ =	shalt  }
0x4e: {  	_ =	shalt  }
0x4f: {  	_ =	shalt  }
0x50: {  	_ =	shalt  }
0x51: {  	_ =	shalt  }
0x52: {  	_ =	shalt  }
0x53: {  	_ =	shalt  }
0x54: {  	_ =	shalt  }
0x55: {  	_ =	shalt  }
0x56: {  	_ =	shalt  }
0x57: {  	_ =	shalt  }
0x58: {  	_ =	shalt  }
0x59: {  	_ =	shalt  }
0x5a: {  	_ =	shalt  }
0x5b: {  	_ =	shalt  }
0x5c: {  	_ =	shalt  }
0x5d: {  	_ =	shalt  }
0x5e: {  	_ =	shalt  }
0x5f: {  	_ =	shalt  }
0x60: {  	_ =	shalt  }
0x61: {  	_ =	shalt  }
0x62: {  	_ =	shalt  }
0x63: {  	_ =	shalt  }
0x64: {  	_ =	shalt  }
0x65: {  	_ =	shalt  }
0x66: {  	_ =	shalt  }
0x67: {  	_ =	shalt  }
0x68: {  	_ =	shalt  }
0x69: {  	_ =	shalt  }
0x6a: {  	_ =	shalt  }
0x6b: {  	_ =	shalt  }
0x6c: {  	_ =	shalt  }
0x6d: {  	_ =	shalt  }
0x6e: {  	_ =	shalt  }
0x6f: {  	_ =	shalt  }
0x70: {  	_ =	shalt  }
0x71: {  	_ =	shalt  }
0x72: {  	_ =	shalt  }
0x73: {  	_ =	shalt  }
0x74: {  	_ =	shalt  }
0x75: {  	_ =	shalt  }
0x76: {  	_ =	shalt  }
0x77: {  	_ =	shalt  }
0x78: {  	_ =	shalt  }
0x79: {  	_ =	shalt  }
0x7a: {  	_ =	shalt  }
0x7b: {  	_ =	shalt  }
0x7c: {  	_ =	shalt  }
0x7d: {  	_ =	shalt  }
0x7e: {  	_ =	shalt  }
0x7f: {  	_ =	shalt  }
0x80: {  	_ =	shalt  }
0x81: {  	_ =	shalt  }
0x82: {  	_ =	shalt  }
0x83: {  	_ =	shalt  }
0x84: {  	_ =	shalt  }
0x85: {  	_ =	shalt  }
0x86: {  	_ =	shalt  }
0x87: {  	_ =	shalt  }
.Lfunc_end0:
.L_simem_size_0:
called_computation.2_lowered:
.L_overlay_start_0:
0x88: {  	s2 =	sld [smem:$0x3FD9]  }
0x89: {  	s3 =	sld [smem:$0x3FFE];
	_ =	sdelay $0x1  }
0x8a: {  	s1 =	srdreg.scid  }
0x8b: {  	s0 =	sand.u32 $0x1, s1  }
0x8c: {  	s17 =	sshll.u32 s0, $0xA;
	s2 =	sadd.s32 s3, s2  }
0x8d: {  	s2 =	sadd.s32 s2, s17  }
0x8e: {  	[smem:$0x3FBD] =	sst s2  }
0x8f: {  	_ = 	snop  }
0x90: {  	s2 =	sld [smem:$0x3FD0];
	(tm) =	ssettm $0x1  }
0x91: {  	s18 =	sld [smem:$0x3FFB];
	_ =	sdelay $0x3  }
0x92: {  	_ =	strace s18  }
0x93: {  	s3 =	sld [smem:$0x3FFC];
	_ =	sdelay $0x3  }
0x94: {  	_ =	strace s3  }
0x95: {  	s3 =	sld [smem:$0x3FFD];
	_ =	sdelay $0x3  }
0x96: {  	_ =	strace s3  }
0x97: {  	_ =	strace $0x8FFFFFFF  }
0x98: {  	s19 =	sld [smem:$0x3FDB];
	_ =	sdelay $0x1  }
0x99: {  	s4 =	simm.s32 $_scs_section_size  }
0x9a: {  	s5 =	simm.s32 $_size__tile_overlayer_lowered;
	s6 =	simm.s32 $_tile_overlayer_lowered  }
0x9b: {  	s22 =	simm.s32 $0x1BFF;
	s21 =	sshll.u32 s6, $0x1;
	s3 =	sadd.s32 s4, s19  }
0x9c: {  	s7 =	simm.s32 $0x0;
	s20 =	sshll.u32 s5, $0x1;
	s5 =	sadd.s32 s21, s3  }
0x9d: {  	[timem:s7], [sflag:s22] =	dma.local [hbm:s5], s20  }
0x9e: {  	_ =	swait.ge [sflag:s22], s20  }
0x9f: {  	s4 =	ssub.s32 $0x0, s20;
	[sflag:s22] =	ssyncset.done $0x0  }
0xa0: {  	[sflag:s22] =	ssyncadd.s32 s4;
	_ =	sdelay $0x1  }
0xa1: {  	s23 =	simm.s32 $0x1B8B  }
0xa2: {  	_ =	swait.ge [sflag:s23], $0x1  }
0xa3: {  	[sflag:s23] =	ssyncset.done $0x0  }
0xa4: {  	s25 =	simm.s32 $0x1B8E;
	s24 =	sld [smem:$0x3FFE];
	[sflag:s23] =	ssyncadd.s32 $0xFFFFFFFF  }
0xa5: {  	s26 =	simm.s32 $execute0_lowered;
	[smem:$0x3FD2] =	sst s25  }
0xa6: {  	s5 =	sshll.u32 s26, $0x1;
	_ =	strace $0x8000004C;
	[dreg:$0x1] =	wrdreg $0xFFFFFFFF  }
0xa7: {  	s28 =	simm.s32 $_size_execute0_lowered;
	s3 =	sadd.s32 s3, s5;
	[dreg:$0x0] =	wrdreg $0x0  }
0xa8: {  	s5 =	sshll.u32 s28, $0x1;
	[dreg:$0x2] =	wrdreg s3  }
0xa9: {  	[dreg:$0x3] =	wrdreg s5  }
0xaa: {  	[dreg:$0x4] =	wrdreg $0xC0  }
0xab: {  	_ =	task [dreg:s7], $0x5FFFF  }
0xac: {  	[dreg:$0x1] =	wrdreg $0xFFFFFFFF  }
0xad: {  	[dreg:$0x0] =	wrdreg $0x60  }
0xae: {  	[dreg:$0x2] =	wrdreg s2  }
0xaf: {  	[dreg:$0x3] =	wrdreg s24  }
0xb0: {  	[dreg:$0x4] =	wrdreg $0x140000  }
0xb1: {  	[dreg:$0x5] =	wrdreg $0x9  }
0xb2: {  	_ =	task.clear_ibuf [dreg:s7], $0x6FFFF;
	_ =	strace $0x9000004C  }
0xb3: {  	s29 =	simm.s32 $0x9;
	_ =	strace $0x8000004E  }
0xb4: {  	_ =	swait.ge [sflag:s29], $0x1  }
0xb5: {  	[sflag:s29] =	ssyncadd.s32 $0xFFFFFFFF  }
0xb6: {  	_ =	strace $0x9000004E  }
0xb7: {  	_ =	sfence  }
0xb8: {  	s30 =	sld [smem:$0x0];
	_ =	sdelay $0x2  }
0xb9: {  	s31 =	sshll.u32 s1, $0xD;
	s1 =	sshrl.u32 s1, $0x2  }
0xba: {  	s3 =	sand.u32 $0x4000, s31;
	s1 =	sadd.s32 s1, s30  }
0xbb: {  	s0 =	sor.u32 s3, s0;
	s1 =	sshll.u32 s1, $0x11  }
0xbc: {  	s0 =	sor.u32 s1, s0  }
0xbd: {  	s0 =	sadd.s32 $0x8F2B, s0  }
0xbe: {  	[sflag:s0] =	ssyncadd.remote.s32 $0x1  }
0xbf: {  	_ =	sfence.sel $0xFFFF  }
0xc0: {  	[dreg:$0x0] =	wrdreg $0xFFFFFFFF;
	(pc) =	sbr.abs _section_cstart, $3  }
0xc1: {  	[dreg:$0x1] =	wrdreg $0xFFFFFFFF  }
0xc2: {  	_ =	task.clear_ibuf [dreg:s7], $0x2FFFF;
	_ =	strace $0x9FFFFFFF  }
0xc3: {  	(tm) =	ssettm $0x7FFFFFFF  }
tec
execute0_lowered:
.L_overlay_start_1:
0x0: {  	(tag) =	ssettag $0x1  }
0x1: {  	s0 =	rddreg [dreg:$0x0]  }
0x2: {  	s1 =	rddreg [dreg:$0x1]  }
0x3: {  	s2 =	rddreg [dreg:$0x2];
	s8 =	stileid.u32  }
0x4: {  	s3 =	srdreg.scid;
	s4 =	simm.s32 $0x0;
	s15 =	simm.s32 $0xA000  }
0x5: {  	s16 =	simm.s32 $0xB;
	s17 =	simm.s32 $0x1;
	s18 =	simm.s32 $0x2  }
0x6: {  	s19 =	simm.s32 $0x80;
	s20 =	simm.s32 $0xC000;
	s22 =	simm.s32 $0xE000  }
0x7: {  	s28 =	simm.s32 $0x3;
	s29 =	simm.s32 $0x4;
	s6 =	smul.u32 $0x9C80, s8  }
0x8: {  	s30 =	simm.s32 $0x5;
	s31 =	simm.s32 $0x6;
	s5 =	smul.u32 $0xA00, s8  }
0x9: {  	s14 =	simm.s32 $0x8;
	s3 =	sand.u32 $0x1, s3;
	s8 =	smul.u32 $0x27200, s8  }
0xa: {  	s21 =	simm.s32 $0xA;
	[smem:$0x7FF] =	sst s4;
	s24 =	smul.u32 $0x9C800, s3  }
0xb: {  	_ =	strace $0x8000004D;
	s7 =	ssub.s32 $0x2, s3;
	s3 =	smul.u32 $0x13880, s3  }
0xc: {  	s5 =	sadd.s32 s5, s1;
	s9 =	sshrl.u32 s7, $0x1;
	s25 =	sshrl.u32 s8, $0x2  }
0xd: {  	s4 =	sadd.s32 s6, s24;
	s13 =	ssub.s32 s7, s9;
	s26 =	sadd.s32 $0xC600, s5  }
0xe: {  	s5 =	sadd.s32 $0x2600, s5;
	s10 =	sadd.s32 s25, s2;
	s6 =	sadd.s32 s6, s2  }
0xf: {  	s11 =	sadd.s32 s0, s3;
	s24 =	simm.s32 $0x10000;
	s0 =	simm.s32 $0x7  }
0x10: {  	s25 =	simm.s32 $0x0;
	s4 =	sshrl.u32 s4, $0x3;
	[dreg:$0x4] =	wrdreg s26  }
0x11: {  	s7 =	sadd.s32 $0x2000, s10;
	s8 =	sadd.s32 $0x4000, s10;
	s9 =	sadd.s32 $0x6000, s10  }
0x12: {  	s10 =	sadd.s32 $0x8000, s10;
	s13 =	smax.u32 s13, $0x1;
	s1 =	sadd.s32 s4, s1  }
0x13: {  	v0 =	vimm.f32 $0.0e+00;
	s26 =	simm.s32 $0x12000;
	s12 =	sadd.s32 $0x16600, s1;
	s1 =	simm.s32 $0x9  }
.LBB2_1:
0x14: {  	s3 =	simm.s32 $0x0;
	s4 =	rddreg [dreg:$0x4]  }
0x15: {  	[tilespmem:s3], [sflag:$0x1] =	stream.linear.gather [hbm4b:s4+s3], $0x5000, $0x38;
	[tilespmem:$0x1DC80] =	vst v63  }
0x16: {  	s23 =	simm.s32 $0x5000  }
0x17: {  	[tilespmem:s23], [sflag:$0x2] =	stream.linear.gather [hbm4b:s5+s3], $0x5000, $0x38;
	[tilespmem:$0x1DC80] =	vst v63  }
0x18: {  	s23 =	simm.s32 $0x100;
	s3 =	simm.s32 $0x0  }
.LBB2_2:
0x19: {  	p0 =	sne.s32 s23, $0x7F00;
	[tilespmem:s3+$0xA030] =	vst v0;
	s4 =	smov.u32 s23;
	s23 =	sadd.s32 $0x100, s23  }
.Ltmp0:
0x1a: {  	[tilespmem:s3+$0xA020] =	vst v0;
	(pc) =	sbr.rel @p0 .LBB2_2-.Ltmp0, $3  }
0x1b: {  	[tilespmem:s3+$0xA000] =	vst v0  }
0x1c: {  	[tilespmem:s3+$0xA010] =	vst v0;
	_ =	sdelay $0x1  }
0x1d: {  	s3 =	sshra.s32 s4, $0x2  }
0x1e: {  	[tilespmem:s3+$0xA030] =	vst v0  }
0x1f: {  	[tilespmem:s3+$0xA020] =	vst v0  }
0x20: {  	[tilespmem:s3+$0xA000] =	vst v0  }
0x21: {  	[tilespmem:s3+$0xA010] =	vst v0  }
0x22: {  	[spmem:s6] =	stream.linear.scatter [tilespmem:s15], [sflag:$0xB], $0x2000, $0x38;
	[tilespmem:$0x1DC80] =	vst v63  }
0x23: {  	_ =	swait.ge [sflag:s16], $0x2000  }
0x24: {  	[sflag:s16] =	ssyncset.done $0x0  }
0x25: {  	[sflag:s16] =	ssyncadd.s32 $0xFFFFE000  }
0x26: {  	[spmem:s7] =	stream.linear.scatter [tilespmem:s15], [sflag:$0xB], $0x2000, $0x38;
	[tilespmem:$0x1DC80] =	vst v63  }
0x27: {  	_ =	swait.ge [sflag:s16], $0x2000  }
0x28: {  	[sflag:s16] =	ssyncset.done $0x0  }
0x29: {  	[sflag:s16] =	ssyncadd.s32 $0xFFFFE000  }
0x2a: {  	[spmem:s8] =	stream.linear.scatter [tilespmem:s15], [sflag:$0xB], $0x2000, $0x38;
	[tilespmem:$0x1DC80] =	vst v63  }
0x2b: {  	_ =	swait.ge [sflag:s16], $0x2000  }
0x2c: {  	[sflag:s16] =	ssyncset.done $0x0  }
0x2d: {  	[sflag:s16] =	ssyncadd.s32 $0xFFFFE000  }
0x2e: {  	[spmem:s9] =	stream.linear.scatter [tilespmem:s15], [sflag:$0xB], $0x2000, $0x38;
	[tilespmem:$0x1DC80] =	vst v63  }
0x2f: {  	_ =	swait.ge [sflag:s16], $0x2000  }
0x30: {  	[sflag:s16] =	ssyncset.done $0x0  }
0x31: {  	[sflag:s16] =	ssyncadd.s32 $0xFFFFE000  }
0x32: {  	[spmem:s10] =	stream.linear.scatter [tilespmem:s15], [sflag:$0xB], $0x1C80, $0x38;
	[tilespmem:$0x1DC80] =	vst v63  }
0x33: {  	_ =	swait.ge [sflag:s16], $0x1C80  }
0x34: {  	[sflag:s16] =	ssyncset.done $0x0  }
0x35: {  	[sflag:s16] =	ssyncadd.s32 $0xFFFFE380  }
0x36: {  	_ =	swait.ge [sflag:s17], $0x5000  }
0x37: {  	[sflag:s17] =	ssyncset.done $0x0  }
0x38: {  	[sflag:s17] =	ssyncadd.s32 $0xFFFFB000  }
0x39: {  	_ =	swait.ge [sflag:s18], $0x5000  }
0x3a: {  	[sflag:s18] =	ssyncset.done $0x0  }
0x3b: {  	[sflag:s18] =	ssyncadd.s32 $0xFFFFB000  }
0x3c: {  	s23 =	simm.s32 $0x0;
	[bflag:$0x0] =	sbarrier.arrive $0xFFFF  }
0x3d: {  	[tilespmem:s15], [sflag:$0x1] =	stream.indirect.gather [hbm4b:s11+s19], $0x40, s23, s19, $0xb8;
	[tilespmem:$0x1DC80] =	vst v63  }
0x3e: {  	_ = 	snop  }
0x3f: {  	[tilespmem:s20], [sflag:$0x2] =	stream.indirect.gather [hbm4b:s11+s19], $0x40, s19, s19, $0xb8;
	[tilespmem:$0x1DC80] =	vst v63  }
0x40: {  	s4 =	simm.s32 $0x100  }
0x41: {  	[tilespmem:s22], [sflag:$0x3] =	stream.indirect.gather [hbm4b:s11+s19], $0x40, s4, s19, $0xb8;
	[tilespmem:$0x1DC80] =	vst v63  }
0x42: {  	s23 =	simm.s32 $0x180  }
0x43: {  	[tilespmem:s24], [sflag:$0x4] =	stream.indirect.gather [hbm4b:s11+s19], $0x40, s23, s19, $0xb8;
	[tilespmem:$0x1DC80] =	vst v63  }
0x44: {  	s4 =	simm.s32 $0x200  }
0x45: {  	[tilespmem:s26], [sflag:$0x5] =	stream.indirect.gather [hbm4b:s11+s19], $0x40, s4, s19, $0xb8;
	[tilespmem:$0x1DC80] =	vst v63  }
0x46: {  	_ =	swait.ge [sflag:s17], $0x2000  }
0x47: {  	[sflag:s17] =	ssyncset.done $0x0  }
0x48: {  	s23 =	simm.s32 $0x5000;
	[sflag:s17] =	ssyncadd.s32 $0xFFFFE000  }
0x49: {  	[spmem:s2] =	stream.indirect.scatter.add.f32 [tilespmem:s15], [sflag:$0x6], $0x40, s23, s19, $0xb8;
	[tilespmem:$0x1DC80] =	vst v63  }
0x4a: {  	_ =	swait.ge [sflag:s18], $0x2000  }
0x4b: {  	[sflag:s18] =	ssyncset.done $0x0  }
0x4c: {  	s4 =	simm.s32 $0x5080;
	[sflag:s18] =	ssyncadd.s32 $0xFFFFE000  }
0x4d: {  	[spmem:s2] =	stream.indirect.scatter.add.f32 [tilespmem:s20], [sflag:$0x7], $0x40, s4, s19, $0xb8;
	[tilespmem:$0x1DC80] =	vst v63  }
0x4e: {  	_ =	swait.ge [sflag:s28], $0x2000  }
0x4f: {  	[sflag:s28] =	ssyncset.done $0x0  }
0x50: {  	s23 =	simm.s32 $0x5100;
	[sflag:s28] =	ssyncadd.s32 $0xFFFFE000  }
0x51: {  	[spmem:s2] =	stream.indirect.scatter.add.f32 [tilespmem:s22], [sflag:$0x8], $0x40, s23, s19, $0xb8;
	[tilespmem:$0x1DC80] =	vst v63  }
0x52: {  	_ =	swait.ge [sflag:s29], $0x2000  }
0x53: {  	[sflag:s29] =	ssyncset.done $0x0  }
0x54: {  	s4 =	simm.s32 $0x5180;
	[sflag:s29] =	ssyncadd.s32 $0xFFFFE000  }
0x55: {  	[spmem:s2] =	stream.indirect.scatter.add.f32 [tilespmem:s24], [sflag:$0x9], $0x40, s4, s19, $0xb8;
	[tilespmem:$0x1DC80] =	vst v63  }
0x56: {  	_ =	swait.ge [sflag:s30], $0x2000  }
0x57: {  	[sflag:s30] =	ssyncset.done $0x0  }
0x58: {  	s23 =	simm.s32 $0x5200;
	[sflag:s30] =	ssyncadd.s32 $0xFFFFE000  }
0x59: {  	[spmem:s2] =	stream.indirect.scatter.add.f32 [tilespmem:s26], [sflag:$0xA], $0x40, s23, s19, $0xb8;
	[tilespmem:$0x1DC80] =	vst v63  }
0x5a: {  	_ =	swait.ge [sflag:s31], $0x2000  }
0x5b: {  	[sflag:s31] =	ssyncset.done $0x0  }
0x5c: {  	s4 =	simm.s32 $0x280;
	[sflag:s31] =	ssyncadd.s32 $0xFFFFE000  }
0x5d: {  	[tilespmem:s15], [sflag:$0x1] =	stream.indirect.gather [hbm4b:s11+s19], $0x40, s4, s19, $0xb8;
	[tilespmem:$0x1DC80] =	vst v63  }
0x5e: {  	_ =	swait.ge [sflag:s0], $0x2000  }
0x5f: {  	[sflag:s0] =	ssyncset.done $0x0  }
0x60: {  	s23 =	simm.s32 $0x300;
	[sflag:s0] =	ssyncadd.s32 $0xFFFFE000  }
0x61: {  	[tilespmem:s20], [sflag:$0x2] =	stream.indirect.gather [hbm4b:s11+s19], $0x40, s23, s19, $0xb8;
	[tilespmem:$0x1DC80] =	vst v63  }
0x62: {  	_ =	swait.ge [sflag:s14], $0x2000  }
0x63: {  	[sflag:s14] =	ssyncset.done $0x0  }
0x64: {  	s4 =	simm.s32 $0x380;
	[sflag:s14] =	ssyncadd.s32 $0xFFFFE000  }
0x65: {  	[tilespmem:s22], [sflag:$0x3] =	stream.indirect.gather [hbm4b:s11+s19], $0x40, s4, s19, $0xb8;
	[tilespmem:$0x1DC80] =	vst v63  }
0x66: {  	_ =	swait.ge [sflag:s1], $0x2000  }
0x67: {  	[sflag:s1] =	ssyncset.done $0x0  }
0x68: {  	s23 =	simm.s32 $0x400;
	[sflag:s1] =	ssyncadd.s32 $0xFFFFE000  }
0x69: {  	[tilespmem:s24], [sflag:$0x4] =	stream.indirect.gather [hbm4b:s11+s19], $0x40, s23, s19, $0xb8;
	[tilespmem:$0x1DC80] =	vst v63  }
0x6a: {  	_ =	swait.ge [sflag:s21], $0x2000  }
0x6b: {  	[sflag:s21] =	ssyncset.done $0x0  }
0x6c: {  	s3 =	simm.s32 $0x480;
	s23 =	simm.s32 $0xA00;
	[sflag:s21] =	ssyncadd.s32 $0xFFFFE000  }
.LBB2_4:
0x6d: {  	[tilespmem:s26], [sflag:$0x5] =	stream.indirect.gather [hbm4b:s11+s19], $0x40, s3, s19, $0xb8;
	[tilespmem:$0x1DC80] =	vst v63  }
0x6e: {  	s3 =	smov.u32 s23  }
0x6f: {  	p0 =	sne.s32 s23, $0x12C00;
	s23 =	sadd.s32 $0xA00, s23;
	_ =	swait.ge [sflag:s17], $0x2000  }
0x70: {  	s3 =	sshra.s32 s3, $0x2;
	[sflag:s17] =	ssyncset.done $0x0  }
0x71: {  	s4 =	sadd.s32 $0x5000, s3;
	[sflag:s17] =	ssyncadd.s32 $0xFFFFE000  }
0x72: {  	[spmem:s2] =	stream.indirect.scatter.add.f32 [tilespmem:s15], [sflag:$0x6], $0x40, s4, s19, $0xb8;
	[tilespmem:$0x1DC80] =	vst v63  }
0x73: {  	_ =	swait.ge [sflag:s18], $0x2000  }
0x74: {  	[sflag:s18] =	ssyncset.done $0x0  }
0x75: {  	s4 =	sadd.s32 $0x5080, s3;
	[sflag:s18] =	ssyncadd.s32 $0xFFFFE000  }
0x76: {  	[spmem:s2] =	stream.indirect.scatter.add.f32 [tilespmem:s20], [sflag:$0x7], $0x40, s4, s19, $0xb8;
	[tilespmem:$0x1DC80] =	vst v63  }
0x77: {  	_ =	swait.ge [sflag:s28], $0x2000  }
0x78: {  	[sflag:s28] =	ssyncset.done $0x0  }
0x79: {  	s4 =	sadd.s32 $0x5100, s3;
	[sflag:s28] =	ssyncadd.s32 $0xFFFFE000  }
0x7a: {  	[spmem:s2] =	stream.indirect.scatter.add.f32 [tilespmem:s22], [sflag:$0x8], $0x40, s4, s19, $0xb8;
	[tilespmem:$0x1DC80] =	vst v63  }
0x7b: {  	_ =	swait.ge [sflag:s29], $0x2000  }
0x7c: {  	[sflag:s29] =	ssyncset.done $0x0  }
0x7d: {  	s4 =	sadd.s32 $0x5180, s3;
	[sflag:s29] =	ssyncadd.s32 $0xFFFFE000  }
0x7e: {  	[spmem:s2] =	stream.indirect.scatter.add.f32 [tilespmem:s24], [sflag:$0x9], $0x40, s4, s19, $0xb8;
	[tilespmem:$0x1DC80] =	vst v63  }
0x7f: {  	_ =	swait.ge [sflag:s30], $0x2000  }
0x80: {  	[sflag:s30] =	ssyncset.done $0x0  }
0x81: {  	s4 =	sadd.s32 $0x5200, s3;
	[sflag:s30] =	ssyncadd.s32 $0xFFFFE000  }
0x82: {  	[spmem:s2] =	stream.indirect.scatter.add.f32 [tilespmem:s26], [sflag:$0xA], $0x40, s4, s19, $0xb8;
	[tilespmem:$0x1DC80] =	vst v63  }
0x83: {  	_ =	swait.ge [sflag:s31], $0x2000  }
0x84: {  	[sflag:s31] =	ssyncset.done $0x0  }
0x85: {  	s4 =	sadd.s32 $0x280, s3;
	[sflag:s31] =	ssyncadd.s32 $0xFFFFE000  }
0x86: {  	[tilespmem:s15], [sflag:$0x1] =	stream.indirect.gather [hbm4b:s11+s19], $0x40, s4, s19, $0xb8;
	[tilespmem:$0x1DC80] =	vst v63  }
0x87: {  	_ =	swait.ge [sflag:s0], $0x2000  }
0x88: {  	[sflag:s0] =	ssyncset.done $0x0  }
0x89: {  	s4 =	sadd.s32 $0x300, s3;
	[sflag:s0] =	ssyncadd.s32 $0xFFFFE000  }
0x8a: {  	[tilespmem:s20], [sflag:$0x2] =	stream.indirect.gather [hbm4b:s11+s19], $0x40, s4, s19, $0xb8;
	[tilespmem:$0x1DC80] =	vst v63  }
0x8b: {  	_ =	swait.ge [sflag:s14], $0x2000  }
0x8c: {  	[sflag:s14] =	ssyncset.done $0x0  }
0x8d: {  	s4 =	sadd.s32 $0x380, s3;
	[sflag:s14] =	ssyncadd.s32 $0xFFFFE000  }
0x8e: {  	[tilespmem:s22], [sflag:$0x3] =	stream.indirect.gather [hbm4b:s11+s19], $0x40, s4, s19, $0xb8;
	[tilespmem:$0x1DC80] =	vst v63  }
0x8f: {  	_ =	swait.ge [sflag:s1], $0x2000  }
0x90: {  	[sflag:s1] =	ssyncset.done $0x0  }
.Ltmp1:
0x91: {  	s4 =	sadd.s32 $0x400, s3;
	[sflag:s1] =	ssyncadd.s32 $0xFFFFE000;
	(pc) =	sbr.rel @p0 .LBB2_4-.Ltmp1, $4  }
0x92: {  	[tilespmem:s24], [sflag:$0x4] =	stream.indirect.gather [hbm4b:s11+s19], $0x40, s4, s19, $0xb8;
	[tilespmem:$0x1DC80] =	vst v63  }
0x93: {  	_ =	swait.ge [sflag:s21], $0x2000  }
0x94: {  	[sflag:s21] =	ssyncset.done $0x0  }
0x95: {  	s3 =	sadd.s32 $0x480, s3;
	[sflag:s21] =	ssyncadd.s32 $0xFFFFE000  }
0x96: {  	[tilespmem:s26], [sflag:$0x5] =	stream.indirect.gather [hbm4b:s11+s19], $0x40, s3, s19, $0xb8;
	[tilespmem:$0x1DC80] =	vst v63  }
0x97: {  	_ =	swait.ge [sflag:s17], $0x2000  }
0x98: {  	[sflag:s17] =	ssyncset.done $0x0  }
0x99: {  	s4 =	simm.s32 $0x9D80;
	[sflag:s17] =	ssyncadd.s32 $0xFFFFE000  }
0x9a: {  	[spmem:s2] =	stream.indirect.scatter.add.f32 [tilespmem:s15], [sflag:$0x6], $0x40, s4, s19, $0xb8;
	[tilespmem:$0x1DC80] =	vst v63  }
0x9b: {  	_ =	swait.ge [sflag:s18], $0x2000  }
0x9c: {  	[sflag:s18] =	ssyncset.done $0x0  }
0x9d: {  	s23 =	simm.s32 $0x9E00;
	[sflag:s18] =	ssyncadd.s32 $0xFFFFE000  }
0x9e: {  	[spmem:s2] =	stream.indirect.scatter.add.f32 [tilespmem:s20], [sflag:$0x7], $0x40, s23, s19, $0xb8;
	[tilespmem:$0x1DC80] =	vst v63  }
0x9f: {  	_ =	swait.ge [sflag:s28], $0x2000  }
0xa0: {  	[sflag:s28] =	ssyncset.done $0x0  }
0xa1: {  	s4 =	simm.s32 $0x9E80;
	[sflag:s28] =	ssyncadd.s32 $0xFFFFE000  }
0xa2: {  	[spmem:s2] =	stream.indirect.scatter.add.f32 [tilespmem:s22], [sflag:$0x8], $0x40, s4, s19, $0xb8;
	[tilespmem:$0x1DC80] =	vst v63  }
0xa3: {  	_ =	swait.ge [sflag:s29], $0x2000  }
0xa4: {  	[sflag:s29] =	ssyncset.done $0x0  }
0xa5: {  	s23 =	simm.s32 $0x9F00;
	[sflag:s29] =	ssyncadd.s32 $0xFFFFE000  }
0xa6: {  	[spmem:s2] =	stream.indirect.scatter.add.f32 [tilespmem:s24], [sflag:$0x9], $0x40, s23, s19, $0xb8;
	[tilespmem:$0x1DC80] =	vst v63  }
0xa7: {  	_ =	swait.ge [sflag:s30], $0x2000  }
0xa8: {  	[sflag:s30] =	ssyncset.done $0x0  }
0xa9: {  	s4 =	simm.s32 $0x9F80;
	[sflag:s30] =	ssyncadd.s32 $0xFFFFE000  }
0xaa: {  	[spmem:s2] =	stream.indirect.scatter.add.f32 [tilespmem:s26], [sflag:$0xA], $0x40, s4, s19, $0xb8;
	[tilespmem:$0x1DC80] =	vst v63  }
0xab: {  	_ =	swait.ge [sflag:s31], $0x2000  }
0xac: {  	[sflag:s31] =	ssyncset.done $0x0  }
0xad: {  	[sflag:s31] =	ssyncadd.s32 $0xFFFFE000  }
0xae: {  	_ =	swait.ge [sflag:s0], $0x2000  }
0xaf: {  	[sflag:s0] =	ssyncset.done $0x0  }
0xb0: {  	[sflag:s0] =	ssyncadd.s32 $0xFFFFE000  }
0xb1: {  	_ =	swait.ge [sflag:s14], $0x2000  }
0xb2: {  	[sflag:s14] =	ssyncset.done $0x0  }
0xb3: {  	[sflag:s14] =	ssyncadd.s32 $0xFFFFE000  }
0xb4: {  	_ =	swait.ge [sflag:s1], $0x2000  }
0xb5: {  	[sflag:s1] =	ssyncset.done $0x0  }
0xb6: {  	[sflag:s1] =	ssyncadd.s32 $0xFFFFE000  }
0xb7: {  	s23 =	stileid.u32;
	_ =	swait.ge [sflag:s21], $0x2000  }
0xb8: {  	s25 =	sadd.s32 $0x1, s25;
	s3 =	sshll.u32 s23, $0x6;
	[sflag:s21] =	ssyncset.done $0x0  }
0xb9: {  	p0 =	sne.s32 s25, s13;
	s3 =	sor.u32 $0x1C0B, s3;
	[sflag:s21] =	ssyncadd.s32 $0xFFFFE000  }
.Ltmp2:
0xba: {  	s4 =	sshrl.u32 s6, $0x3;
	[bflag:$0x0] =	sbarrier.arrive $0xFFFF;
	(pc) =	sbr.rel @p0 .LBB2_1-.Ltmp2, $4  }
0xbb: {  	[hbm:s12], [sflag:s3] =	dma.local [spmem:s4], $0x1390  }
0xbc: {  	_ =	swait.ge [sflag:s16], $0x1390  }
0xbd: {  	[sflag:s16] =	ssyncset.done $0x0  }
0xbe: {  	[sflag:s16] =	ssyncadd.s32 $0xFFFFEC70  }
0xbf: {  	_ =	sfence.sel $0x180000  }
0xc0: {  	[bflag:$0x0] =	sbarrier.arrive $0xFFFF  }
0xc1: {  	_ =	strace $0x9000004D  }
0xc2: {  	s0 =	stileid.u32;
	[bflag:$0x2] =	sbarrier.arrive $0xFFFF  }
0xc3: {  	p0 =	sne.s32 s0, $0x0;
	s0 =	rddreg [dreg:$0x3]  }
0xc4: {  	s0 =	sadd.s32 @!p0 $0x100000, s0  }
0xc5: {  	[sflag:s0] =	ssyncadd.tile.s32 @!p0 $0x1;
	_ =	shalt  }
.Lfunc_end2:
_tile_overlayer_lowered:
.L_overlay_start_2:
0xc6: {  	(tag) =	ssettag $0x2  }
0xc7: {  	s0 =	rddreg [dreg:$0x0];
	s2 =	stileid.u32  }
0xc8: {  	s1 =	rddreg [dreg:$0x1];
	p0 =	sne.s32 s2, $0x0  }
0xc9: {  	s3 =	rddreg [dreg:$0x2];
	[bflag:$0x3] =	sbarrier.arrive $0xFFFF;
	s2 =	simm.s32 @!p0 $0x1C0B  }
0xca: {  	[timem:s3], [sflag:s2] =	dma.local @!p0 [hbm:s0], s1  }
0xcb: {  	s0 =	simm.s32 @!p0 $0xB  }
0xcc: {  	_ =	swait.ge @!p0 [sflag:s0], s1  }
0xcd: {  	s1 =	ssub.s32 @!p0 $0x0, s1;
	[sflag:s0] =	ssyncset.done @!p0 $0x0  }
0xce: {  	[sflag:s0] =	ssyncadd.s32 @!p0 s1  }
0xcf: {  	[bflag:$0x3] =	sbarrier.arrive $0xFFFF  }
0xd0: {  	_ =	shalt  }

// kernel: kernel.9.cloned.1.call-start
scs
__scs_entry_jumppad:
0x0: {  	(pc) =	sbr.rel $0x88, $3  }
0x1: {  	(tag) =	ssettag $0x0;
	lr =	simm.s32 $0x1  }
0x2: {  	[smem:$0x3F96] =	sst lr;
	_ =	strace $0xD0000000  }
0x3: {  	_ = 	snop  }
0x4: {  	_ = 	snop  }
0x5: {  	_ = 	snop  }
0x6: {  	_ = 	snop  }
0x7: {  	_ = 	snop  }
__scs_overlays_trampoline_lowered:
0x8: {  	[smem:$0x3FA5] =	sst s0  }
0x9: {  	[smem:$0x3FA6] =	sst s1  }
0xa: {  	[smem:$0x3FA7] =	sst s2  }
0xb: {  	[smem:$0x3FA8] =	sst s3  }
0xc: {  	[smem:$0x3FA9] =	sst s4  }
0xd: {  	[smem:$0x3FAA] =	sst s5  }
0xe: {  	[smem:$0x3FAB] =	sst s6  }
0xf: {  	[smem:$0x3FAC] =	sst s7  }
0x10: {  	[smem:$0x3FAD] =	sst s8  }
0x11: {  	[smem:$0x3FAE] =	sst s9;
	s0 =	simm.s32 @!p0 $0x0  }
0x12: {  	s1 =	sld [smem:$0x3F94];
	s0 =	simm.s32 @p0 $0x1  }
0x13: {  	[smem:$0x3FAF] =	sst s0;
	s0 =	simm.s32 @!p1 $0x0  }
0x14: {  	s2 =	sld [smem:$0x3F93];
	s0 =	simm.s32 @p1 $0x1  }
0x15: {  	[smem:$0x3FB0] =	sst s0;
	s0 =	simm.s32 @!p2 $0x0  }
0x16: {  	s3 =	sld [smem:$0x3FDB];
	s0 =	simm.s32 @p2 $0x1  }
0x17: {  	s4 =	simm.s32 $0x1BF5;
	[smem:$0x3FB2] =	sst s0  }
0x18: {  	s0 =	sld [smem:$0x3F95];
	_ =	swait.ge [sflag:s4], $0x0  }
0x19: {  	s7 =	sld [smem:$0x3F96]  }
0x1a: {  	s8 =	sadd.s32 $0xFFFFE003, lr  }
0x1b: {  	s9 =	sadd.s32 $0xFFFFFEF7, lr;
	s5 =	simm.s32 $0xFFFFFFFF;
	p2 =	slt.u32 s8, $0xFFFFF086  }
0x1c: {  	p1 =	slt.u32 s9, $0xF7A;
	s5 =	simm.s32 @!p2 $0x0  }
0x1d: {  	s5 =	simm.s32 @p1 $0x1;
	p0 =	seq.s32 s7, s2  }
0x1e: {  	s7 =	smul.u32 @!p0 $0xF7A, s2;
	p2 =	seq.s32 @!p0 s5, $0x0  }
0x1f: {  	s9 =	smul.u32 $0xF7A, s1;
	s8 =	simm.s32 @!p0 $0x1BF5;
	p2 =	por !p2, p0  }
0x20: {  	[sflag:s8] =	ssyncset.s32 @!p0 $0xFFFFF086;
	s6 =	sadd.s32 @!p0 s3, s7;
	s7 =	simm.s32 @!p0 $0x108  }
0x21: {  	s3 =	sadd.s32 s3, s9;
	s6 =	sadd.s32 @!p0 $0x88, s6;
	s7 =	simm.s32 @p2 $0x1082  }
0x22: {  	[simem:s7], [sflag:s8] =	dma.local @!p0 [hbm:s6], $0xF7A  }
0x23: {  	s9 =	sor.u32 $0xD0000000, s2;
	s6 =	simm.s32 $0x108;
	_ =	swait.ge @!p0 [sflag:s8], $0x0  }
0x24: {  	s3 =	sadd.s32 $0x88, s3;
	s6 =	simm.s32 @!p1 $0x1082;
	[sflag:s4] =	ssyncset.s32 $0xFFFFF086  }
0x25: {  	[simem:s6], [sflag:s4] =	dma.local [hbm:s3], $0xF7A  }
0x26: {  	[smem:$0x3F96] =	sst s1;
	(tag) =	ssettag s2;
	_ =	strace s9  }
0x27: {  	s1 =	sld [smem:$0x3FA6]  }
0x28: {  	s2 =	sld [smem:$0x3FA7]  }
0x29: {  	s4 =	sld [smem:$0x3FA9]  }
0x2a: {  	p0 =	seq.s32 s5, $0x0;
	s5 =	sld [smem:$0x3FAA]  }
0x2b: {  	s6 =	sld [smem:$0x3FAB]  }
0x2c: {  	s7 =	sld [smem:$0x3FAC]  }
0x2d: {  	s3 =	simm.s32 $0x108;
	s8 =	sld [smem:$0x3FAD]  }
0x2e: {  	s3 =	simm.s32 @!p0 $0x1082;
	s9 =	sld [smem:$0x3FAE]  }
0x2f: {  	lr =	sadd.s32 s0, s3;
	s0 =	sld [smem:$0x3FA5]  }
0x30: {  	s3 =	sld [smem:$0x3FA8]  }
0x31: {  	[smem:$0x3FB1] =	sst s10  }
0x32: {  	s10 =	sld [smem:$0x3FAF];
	_ =	sdelay $0x3  }
0x33: {  	p0 =	seq.s32 s10, $0x1;
	s10 =	sld [smem:$0x3FB1];
	_ =	sdelay $0x3  }
0x34: {  	[smem:$0x3FB1] =	sst s10  }
0x35: {  	s10 =	sld [smem:$0x3FB0];
	_ =	sdelay $0x3  }
0x36: {  	p1 =	seq.s32 s10, $0x1;
	s10 =	sld [smem:$0x3FB1];
	_ =	sdelay $0x3  }
0x37: {  	[smem:$0x3FB1] =	sst s10  }
0x38: {  	s10 =	sld [smem:$0x3FB2]  }
0x39: {  	_ = 	snop;
	(pc) =	sbr.ind lr, $3  }
0x3a: {  	_ = 	snop  }
0x3b: {  	_ = 	snop  }
0x3c: {  	p2 =	seq.s32 s10, $0x1;
	s10 =	sld [smem:$0x3FB1]  }
0x3d: {  	_ =	shalt  }
0x3e: {  	_ =	shalt  }
0x3f: {  	_ =	shalt  }
0x40: {  	_ =	shalt  }
0x41: {  	_ =	shalt  }
0x42: {  	_ =	shalt  }
0x43: {  	_ =	shalt  }
0x44: {  	_ =	shalt  }
0x45: {  	_ =	shalt  }
0x46: {  	_ =	shalt  }
0x47: {  	_ =	shalt  }
0x48: {  	_ =	shalt  }
0x49: {  	_ =	shalt  }
0x4a: {  	_ =	shalt  }
0x4b: {  	_ =	shalt  }
0x4c: {  	_ =	shalt  }
0x4d: {  	_ =	shalt  }
0x4e: {  	_ =	shalt  }
0x4f: {  	_ =	shalt  }
0x50: {  	_ =	shalt  }
0x51: {  	_ =	shalt  }
0x52: {  	_ =	shalt  }
0x53: {  	_ =	shalt  }
0x54: {  	_ =	shalt  }
0x55: {  	_ =	shalt  }
0x56: {  	_ =	shalt  }
0x57: {  	_ =	shalt  }
0x58: {  	_ =	shalt  }
0x59: {  	_ =	shalt  }
0x5a: {  	_ =	shalt  }
0x5b: {  	_ =	shalt  }
0x5c: {  	_ =	shalt  }
0x5d: {  	_ =	shalt  }
0x5e: {  	_ =	shalt  }
0x5f: {  	_ =	shalt  }
0x60: {  	_ =	shalt  }
0x61: {  	_ =	shalt  }
0x62: {  	_ =	shalt  }
0x63: {  	_ =	shalt  }
0x64: {  	_ =	shalt  }
0x65: {  	_ =	shalt  }
0x66: {  	_ =	shalt  }
0x67: {  	_ =	shalt  }
0x68: {  	_ =	shalt  }
0x69: {  	_ =	shalt  }
0x6a: {  	_ =	shalt  }
0x6b: {  	_ =	shalt  }
0x6c: {  	_ =	shalt  }
0x6d: {  	_ =	shalt  }
0x6e: {  	_ =	shalt  }
0x6f: {  	_ =	shalt  }
0x70: {  	_ =	shalt  }
0x71: {  	_ =	shalt  }
0x72: {  	_ =	shalt  }
0x73: {  	_ =	shalt  }
0x74: {  	_ =	shalt  }
0x75: {  	_ =	shalt  }
0x76: {  	_ =	shalt  }
0x77: {  	_ =	shalt  }
0x78: {  	_ =	shalt  }
0x79: {  	_ =	shalt  }
0x7a: {  	_ =	shalt  }
0x7b: {  	_ =	shalt  }
0x7c: {  	_ =	shalt  }
0x7d: {  	_ =	shalt  }
0x7e: {  	_ =	shalt  }
0x7f: {  	_ =	shalt  }
0x80: {  	_ =	shalt  }
0x81: {  	_ =	shalt  }
0x82: {  	_ =	shalt  }
0x83: {  	_ =	shalt  }
0x84: {  	_ =	shalt  }
0x85: {  	_ =	shalt  }
0x86: {  	_ =	shalt  }
0x87: {  	_ =	shalt  }
.Lfunc_end0:
.L_simem_size_0:
called_computation_lowered:
.L_overlay_start_0:
0x88: {  	s2 =	sld [smem:$0x3FD9]  }
0x89: {  	s3 =	sld [smem:$0x3FFE];
	_ =	sdelay $0x1  }
0x8a: {  	s1 =	srdreg.scid  }
0x8b: {  	s0 =	sand.u32 $0x1, s1  }
0x8c: {  	s17 =	sshll.u32 s0, $0xA;
	s2 =	sadd.s32 s3, s2  }
0x8d: {  	s2 =	sadd.s32 s2, s17  }
0x8e: {  	[smem:$0x3FBD] =	sst s2  }
0x8f: {  	_ = 	snop  }
0x90: {  	s2 =	sld [smem:$0x3FD0];
	(tm) =	ssettm $0x1  }
0x91: {  	s18 =	sld [smem:$0x3FFB];
	_ =	sdelay $0x3  }
0x92: {  	_ =	strace s18  }
0x93: {  	s3 =	sld [smem:$0x3FFC];
	_ =	sdelay $0x3  }
0x94: {  	_ =	strace s3  }
0x95: {  	s3 =	sld [smem:$0x3FFD];
	_ =	sdelay $0x3  }
0x96: {  	_ =	strace s3  }
0x97: {  	_ =	strace $0x8FFFFFFF  }
0x98: {  	s19 =	sld [smem:$0x3FDB];
	_ =	sdelay $0x1  }
0x99: {  	s4 =	simm.s32 $_scs_section_size  }
0x9a: {  	s5 =	simm.s32 $_size__tile_overlayer_lowered;
	s6 =	simm.s32 $_tile_overlayer_lowered  }
0x9b: {  	s22 =	simm.s32 $0x1BFF;
	s21 =	sshll.u32 s6, $0x1;
	s3 =	sadd.s32 s4, s19  }
0x9c: {  	s7 =	simm.s32 $0x0;
	s20 =	sshll.u32 s5, $0x1;
	s5 =	sadd.s32 s21, s3  }
0x9d: {  	[timem:s7], [sflag:s22] =	dma.local [hbm:s5], s20  }
0x9e: {  	_ =	swait.ge [sflag:s22], s20  }
0x9f: {  	s4 =	ssub.s32 $0x0, s20;
	[sflag:s22] =	ssyncset.done $0x0  }
0xa0: {  	[sflag:s22] =	ssyncadd.s32 s4;
	_ =	sdelay $0x1  }
0xa1: {  	s23 =	simm.s32 $0x1B8B  }
0xa2: {  	_ =	swait.ge [sflag:s23], $0x1  }
0xa3: {  	[sflag:s23] =	ssyncset.done $0x0  }
0xa4: {  	s25 =	simm.s32 $0x1B8E;
	s24 =	sld [smem:$0x3FFE];
	[sflag:s23] =	ssyncadd.s32 $0xFFFFFFFF  }
0xa5: {  	s26 =	simm.s32 $execute0_lowered;
	[smem:$0x3FD2] =	sst s25  }
0xa6: {  	s5 =	sshll.u32 s26, $0x1;
	_ =	strace $0x80000046;
	[dreg:$0x1] =	wrdreg $0xFFFFFFFF  }
0xa7: {  	s28 =	simm.s32 $_size_execute0_lowered;
	s3 =	sadd.s32 s3, s5;
	[dreg:$0x0] =	wrdreg $0x0  }
0xa8: {  	s5 =	sshll.u32 s28, $0x1;
	[dreg:$0x2] =	wrdreg s3  }
0xa9: {  	[dreg:$0x3] =	wrdreg s5  }
0xaa: {  	[dreg:$0x4] =	wrdreg $0xC0  }
0xab: {  	_ =	task [dreg:s7], $0x5FFFF  }
0xac: {  	[dreg:$0x1] =	wrdreg $0xFFFFFFFF  }
0xad: {  	[dreg:$0x0] =	wrdreg $0x60  }
0xae: {  	[dreg:$0x2] =	wrdreg s2  }
0xaf: {  	[dreg:$0x3] =	wrdreg s24  }
0xb0: {  	[dreg:$0x4] =	wrdreg $0xF0000  }
0xb1: {  	[dreg:$0x5] =	wrdreg $0x194800  }
0xb2: {  	[dreg:$0x6] =	wrdreg $0x9  }
0xb3: {  	_ =	task.clear_ibuf [dreg:s7], $0x7FFFF;
	_ =	strace $0x90000046  }
0xb4: {  	s29 =	simm.s32 $0x9;
	_ =	strace $0x80000048  }
0xb5: {  	_ =	swait.ge [sflag:s29], $0x1  }
0xb6: {  	[sflag:s29] =	ssyncadd.s32 $0xFFFFFFFF  }
0xb7: {  	_ =	strace $0x90000048  }
0xb8: {  	_ =	sfence  }
0xb9: {  	s30 =	sld [smem:$0x0];
	_ =	sdelay $0x2  }
0xba: {  	s31 =	sshll.u32 s1, $0xD;
	s1 =	sshrl.u32 s1, $0x2  }
0xbb: {  	s3 =	sand.u32 $0x4000, s31;
	s1 =	sadd.s32 s1, s30  }
0xbc: {  	s0 =	sor.u32 s3, s0;
	s1 =	sshll.u32 s1, $0x11  }
0xbd: {  	s0 =	sor.u32 s1, s0  }
0xbe: {  	s0 =	sadd.s32 $0x8F2B, s0  }
0xbf: {  	[sflag:s0] =	ssyncadd.remote.s32 $0x1  }
0xc0: {  	_ =	sfence.sel $0xFFFF  }
0xc1: {  	[dreg:$0x0] =	wrdreg $0xFFFFFFFF;
	(pc) =	sbr.abs _section_cstart, $3  }
0xc2: {  	[dreg:$0x1] =	wrdreg $0xFFFFFFFF  }
0xc3: {  	_ =	task.clear_ibuf [dreg:s7], $0x2FFFF;
	_ =	strace $0x9FFFFFFF  }
0xc4: {  	(tm) =	ssettm $0x7FFFFFFF  }
0xc5: {  	_ =	shalt  }
tec
execute0_lowered:
.L_overlay_start_1:
0x0: {  	(tag) =	ssettag $0x1  }
0x1: {  	s4 =	rddreg [dreg:$0x0]  }
0x2: {  	s5 =	rddreg [dreg:$0x1]  }
0x3: {  	s0 =	srdreg.scid;
	s2 =	rddreg [dreg:$0x2]  }
0x4: {  	s12 =	stileid.u32;
	s3 =	rddreg [dreg:$0x3]  }
0x5: {  	s9 =	simm.s32 $0x0;
	s28 =	simm.s32 $0x80;
	s6 =	smul.u32 $0x9C80, s12  }
0x6: {  	s29 =	simm.s32 $0x7000;
	s0 =	sand.u32 $0x1, s0;
	s8 =	smul.u32 $0x2720, s12  }
0x7: {  	s31 =	simm.s32 $0x9000;
	s30 =	simm.s32 $0xD000;
	s7 =	smul.u32 $0x9C800, s0  }
0x8: {  	[smem:$0x7FF] =	sst s9;
	s1 =	sshll.u32 s0, $0x4;
	s25 =	smul.u32 $0x27200, s0  }
0x9: {  	_ =	strace $0x80000047;
	s10 =	ssub.s32 $0x2, s0;
	s0 =	smul.u32 $0x13880, s0  }
0xa: {  	s1 =	sor.u32 s12, s1;
	s11 =	sshrl.u32 s10, $0x1;
	s12 =	smul.u32 $0x272, s12  }
0xb: {  	s1 =	smul.u32 $0x500, s1;
	s7 =	sadd.s32 s6, s7;
	s9 =	sadd.s32 s8, s25  }
0xc: {  	s26 =	ssub.s32 s10, s11;
	s7 =	sshrl.u32 s7, $0x3;
	s9 =	sshrl.u32 s9, $0x3  }
0xd: {  	s11 =	sadd.s32 $0x80, s12;
	s15 =	sadd.s32 $0x100, s12;
	s17 =	sadd.s32 $0x180, s12  }
0xe: {  	s26 =	smax.u32 s26, $0x1;
	s1 =	sadd.s32 s1, s5;
	s13 =	sadd.s32 s7, s5  }
0xf: {  	s5 =	sadd.s32 s9, s5;
	s7 =	sadd.s32 s6, s2;
	s14 =	sshll.u32 s11, $0x6  }
0x10: {  	s16 =	sshll.u32 s15, $0x6;
	s18 =	sshll.u32 s17, $0x6;
	s20 =	sshll.u32 s15, $0x4  }
0x11: {  	s21 =	sshll.u32 s17, $0x4;
	s17 =	sadd.s32 s4, s0;
	[dreg:$0x11] =	wrdreg s26  }
0x12: {  	s26 =	simm.s32 $0x2;
	s0 =	simm.s32 $0x4;
	s4 =	simm.s32 $0x5  }
0x13: {  	s9 =	simm.s32 $0x9;
	s15 =	simm.s32 $0x4F00;
	s10 =	sadd.s32 $0xC600, s1  }
0x14: {  	s1 =	sadd.s32 $0x2600, s1;
	s6 =	sadd.s32 s14, s2;
	s14 =	sadd.s32 $0x200, s12  }
0x15: {  	s12 =	sadd.s32 s8, s3;
	s22 =	sadd.s32 s21, s3;
	[dreg:$0x5] =	wrdreg s10  }
0x16: {  	s24 =	sadd.s32 $0x16600, s13;
	s25 =	sadd.s32 $0x3D800, s5;
	[dreg:$0x6] =	wrdreg s1  }
0x17: {  	s21 =	simm.s32 $0xB000;
	s5 =	simm.s32 $0x6;
	[dreg:$0x7] =	wrdreg s6  }
0x18: {  	s8 =	simm.s32 $0x8;
	s13 =	simm.s32 $0x4E00;
	[dreg:$0xd] =	wrdreg s22  }
0x19: {  	s6 =	sadd.s32 s16, s2;
	s19 =	sshll.u32 s14, $0x6;
	[dreg:$0xf] =	wrdreg s24  }
0x1a: {  	s1 =	sshll.u32 s11, $0x4;
	s23 =	sshll.u32 s14, $0x4;
	[dreg:$0x10] =	wrdreg s25  }
0x1b: {  	s22 =	simm.s32 $0x5000;
	s24 =	simm.s32 $0x18C80;
	s25 =	simm.s32 $0x1  }
0x1c: {  	s10 =	simm.s32 $0xA;
	[dreg:$0x8] =	wrdreg s6;
	s6 =	sadd.s32 s18, s2  }
0x1d: {  	s14 =	simm.s32 $0x4E80;
	s1 =	sadd.s32 s1, s3;
	[dreg:$0x9] =	wrdreg s6  }
0x1e: {  	s16 =	simm.s32 $0x4F80;
	s6 =	sadd.s32 s19, s2;
	[dreg:$0xb] =	wrdreg s1  }
0x1f: {  	s18 =	simm.s32 $0x0;
	s1 =	sadd.s32 s20, s3;
	[dreg:$0xa] =	wrdreg s6  }
0x20: {  	[dreg:$0xc] =	wrdreg s1;
	s1 =	sadd.s32 s23, s3;
	s23 =	simm.s32 $0xB  }
0x21: {  	v0 =	vimm.f32 $0.0e+00;
	v1 =	vimm.f32 $1.000000000e+00;
	s6 =	simm.s32 $0x7;
	[dreg:$0xe] =	wrdreg s1;
	s1 =	simm.s32 $0x3  }
.LBB2_1:
0x22: {  	s11 =	simm.s32 $0x0;
	s19 =	rddreg [dreg:$0x5]  }
0x23: {  	[tilespmem:s11], [sflag:$0x1] =	stream.linear.gather [hbm4b:s19+s11], $0x2800, $0x38;
	[tilespmem:$0x1BBA0] =	vst v63  }
0x24: {  	s20 =	simm.s32 $0x2800;
	s19 =	rddreg [dreg:$0x6]  }
0x25: {  	[tilespmem:s20], [sflag:$0x2] =	stream.linear.gather [hbm4b:s19+s11], $0x2800, $0x38;
	[tilespmem:$0x1BBA0] =	vst v63  }
0x26: {  	s20 =	simm.s32 $0x100;
	s19 =	simm.s32 $0x0  }
.LBB2_2:
0x27: {  	p0 =	sne.s32 s20, $0x7F00;
	[tilespmem:s19+$0x5030] =	vst v0;
	s11 =	smov.u32 s20;
	s20 =	sadd.s32 $0x100, s20  }
.Ltmp0:
0x28: {  	[tilespmem:s19+$0x5020] =	vst v0;
	(pc) =	sbr.rel @p0 .LBB2_2-.Ltmp0, $3  }
0x29: {  	[tilespmem:s19+$0x5000] =	vst v0  }
0x2a: {  	[tilespmem:s19+$0x5010] =	vst v0;
	_ =	sdelay $0x1  }
0x2b: {  	s19 =	sshra.s32 s11, $0x2  }
0x2c: {  	[tilespmem:s19+$0x5030] =	vst v0  }
0x2d: {  	[tilespmem:s19+$0x5020] =	vst v0  }
0x2e: {  	[tilespmem:s19+$0x5000] =	vst v0  }
0x2f: {  	[tilespmem:s19+$0x5010] =	vst v0  }
0x30: {  	[spmem:s7] =	stream.linear.scatter [tilespmem:s22], [sflag:$0xB], $0x2000, $0x38;
	[tilespmem:$0x1BBA0] =	vst v63  }
0x31: {  	_ =	swait.ge [sflag:s23], $0x2000  }
0x32: {  	[sflag:s23] =	ssyncset.done $0x0  }
0x33: {  	s11 =	rddreg [dreg:$0x7];
	[sflag:s23] =	ssyncadd.s32 $0xFFFFE000  }
0x34: {  	[spmem:s11] =	stream.linear.scatter [tilespmem:s22], [sflag:$0xB], $0x2000, $0x38;
	[tilespmem:$0x1BBA0] =	vst v63  }
0x35: {  	_ =	swait.ge [sflag:s23], $0x2000  }
0x36: {  	[sflag:s23] =	ssyncset.done $0x0  }
0x37: {  	s20 =	rddreg [dreg:$0x8];
	[sflag:s23] =	ssyncadd.s32 $0xFFFFE000  }
0x38: {  	[spmem:s20] =	stream.linear.scatter [tilespmem:s22], [sflag:$0xB], $0x2000, $0x38;
	[tilespmem:$0x1BBA0] =	vst v63  }
0x39: {  	_ =	swait.ge [sflag:s23], $0x2000  }
0x3a: {  	[sflag:s23] =	ssyncset.done $0x0  }
0x3b: {  	s19 =	rddreg [dreg:$0x9];
	[sflag:s23] =	ssyncadd.s32 $0xFFFFE000  }
0x3c: {  	[spmem:s19] =	stream.linear.scatter [tilespmem:s22], [sflag:$0xB], $0x2000, $0x38;
	[tilespmem:$0x1BBA0] =	vst v63  }
0x3d: {  	_ =	swait.ge [sflag:s23], $0x2000  }
0x3e: {  	[sflag:s23] =	ssyncset.done $0x0  }
0x3f: {  	s20 =	rddreg [dreg:$0xa];
	[sflag:s23] =	ssyncadd.s32 $0xFFFFE000  }
0x40: {  	[spmem:s20] =	stream.linear.scatter [tilespmem:s22], [sflag:$0xB], $0x1C80, $0x38;
	[tilespmem:$0x1BBA0] =	vst v63  }
0x41: {  	_ =	swait.ge [sflag:s23], $0x1C80  }
0x42: {  	[sflag:s23] =	ssyncset.done $0x0  }
0x43: {  	s19 =	simm.s32 $0x40;
	s20 =	simm.s32 $0x0;
	[sflag:s23] =	ssyncadd.s32 $0xFFFFE380  }
.LBB2_4:
0x44: {  	p0 =	sne.s32 s19, $0x1FC0;
	[tilespmem:s20+$0x18C80] =	vst v0;
	s11 =	smov.u32 s19;
	s19 =	sadd.s32 $0x40, s19  }
.Ltmp1:
0x45: {  	(pc) =	sbr.rel @p0 .LBB2_4-.Ltmp1, $2  }
0x46: {  	_ =	sdelay $0x2  }
0x47: {  	s20 =	sshra.s32 s11, $0x2  }
0x48: {  	[tilespmem:s20+$0x18C80] =	vst v0  }
0x49: {  	[spmem:s12] =	stream.linear.scatter [tilespmem:s24], [sflag:$0xB], $0x800, $0x38;
	[tilespmem:$0x1BBA0] =	vst v63  }
0x4a: {  	_ =	swait.ge [sflag:s23], $0x800  }
0x4b: {  	[sflag:s23] =	ssyncset.done $0x0  }
0x4c: {  	s11 =	rddreg [dreg:$0xb];
	[sflag:s23] =	ssyncadd.s32 $0xFFFFF800  }
0x4d: {  	[spmem:s11] =	stream.linear.scatter [tilespmem:s24], [sflag:$0xB], $0x800, $0x38;
	[tilespmem:$0x1BBA0] =	vst v63  }
0x4e: {  	_ =	swait.ge [sflag:s23], $0x800  }
0x4f: {  	[sflag:s23] =	ssyncset.done $0x0  }
0x50: {  	s20 =	rddreg [dreg:$0xc];
	[sflag:s23] =	ssyncadd.s32 $0xFFFFF800  }
0x51: {  	[spmem:s20] =	stream.linear.scatter [tilespmem:s24], [sflag:$0xB], $0x800, $0x38;
	[tilespmem:$0x1BBA0] =	vst v63  }
0x52: {  	_ =	swait.ge [sflag:s23], $0x800  }
0x53: {  	[sflag:s23] =	ssyncset.done $0x0  }
0x54: {  	s19 =	rddreg [dreg:$0xd];
	[sflag:s23] =	ssyncadd.s32 $0xFFFFF800  }
0x55: {  	[spmem:s19] =	stream.linear.scatter [tilespmem:s24], [sflag:$0xB], $0x800, $0x38;
	[tilespmem:$0x1BBA0] =	vst v63  }
0x56: {  	_ =	swait.ge [sflag:s23], $0x800  }
0x57: {  	[sflag:s23] =	ssyncset.done $0x0  }
0x58: {  	s20 =	rddreg [dreg:$0xe];
	[sflag:s23] =	ssyncadd.s32 $0xFFFFF800  }
0x59: {  	[spmem:s20] =	stream.linear.scatter [tilespmem:s24], [sflag:$0xB], $0x720, $0x38;
	[tilespmem:$0x1BBA0] =	vst v63  }
0x5a: {  	_ =	swait.ge [sflag:s23], $0x720  }
0x5b: {  	[sflag:s23] =	ssyncset.done $0x0  }
0x5c: {  	s19 =	simm.s32 $0x40;
	s20 =	simm.s32 $0x0;
	[sflag:s23] =	ssyncadd.s32 $0xFFFFF8E0  }
.LBB2_6:
0x5d: {  	p0 =	sne.s32 s19, $0x1FC0;
	[tilespmem:s20+$0x18C80] =	vst v1;
	s11 =	smov.u32 s19;
	s19 =	sadd.s32 $0x40, s19  }
.Ltmp2:
0x5e: {  	(pc) =	sbr.rel @p0 .LBB2_6-.Ltmp2, $2  }
0x5f: {  	_ =	sdelay $0x2  }
0x60: {  	s20 =	sshra.s32 s11, $0x2  }
0x61: {  	[tilespmem:s20+$0x18C80] =	vst v1  }
0x62: {  	_ =	swait.ge [sflag:s25], $0x2800  }
0x63: {  	[sflag:s25] =	ssyncset.done $0x0  }
0x64: {  	[sflag:s25] =	ssyncadd.s32 $0xFFFFD800  }
0x65: {  	_ =	swait.ge [sflag:s26], $0x2800  }
0x66: {  	[sflag:s26] =	ssyncset.done $0x0  }
0x67: {  	[sflag:s26] =	ssyncadd.s32 $0xFFFFD800  }
0x68: {  	s11 =	simm.s32 $0x0;
	[bflag:$0x0] =	sbarrier.arrive $0xFFFF  }
0x69: {  	[tilespmem:s22], [sflag:$0x1] =	stream.indirect.gather [hbm4b:s17+s28], $0x40, s11, s28, $0xb8;
	[tilespmem:$0x1BBA0] =	vst v63  }
0x6a: {  	_ = 	snop  }
0x6b: {  	[tilespmem:s29], [sflag:$0x2] =	stream.indirect.gather [hbm4b:s17+s28], $0x40, s28, s28, $0xb8;
	[tilespmem:$0x1BBA0] =	vst v63  }
0x6c: {  	s19 =	simm.s32 $0x100  }
0x6d: {  	[tilespmem:s31], [sflag:$0x3] =	stream.indirect.gather [hbm4b:s17+s28], $0x40, s19, s28, $0xb8;
	[tilespmem:$0x1BBA0] =	vst v63  }
0x6e: {  	s20 =	simm.s32 $0x180  }
0x6f: {  	[tilespmem:s21], [sflag:$0x4] =	stream.indirect.gather [hbm4b:s17+s28], $0x40, s20, s28, $0xb8;
	[tilespmem:$0x1BBA0] =	vst v63  }
0x70: {  	s19 =	simm.s32 $0x200  }
0x71: {  	[tilespmem:s30], [sflag:$0x5] =	stream.indirect.gather [hbm4b:s17+s28], $0x40, s19, s28, $0xb8;
	[tilespmem:$0x1BBA0] =	vst v63  }
0x72: {  	_ =	swait.ge [sflag:s25], $0x2000  }
0x73: {  	[sflag:s25] =	ssyncset.done $0x0  }
0x74: {  	s20 =	simm.s32 $0x2800;
	[sflag:s25] =	ssyncadd.s32 $0xFFFFE000  }
0x75: {  	[spmem:s2] =	stream.indirect.scatter.add.f32 [tilespmem:s22], [sflag:$0x6], $0x40, s20, s28, $0xb8;
	[tilespmem:$0x1BBA0] =	vst v63  }
0x76: {  	_ = 	snop  }
0x77: {  	[spmem:s3] =	stream.indirect.scatter.add.f32 [tilespmem:s24], [sflag:$0x6], $0x10, s20, s28, $0xb8;
	[tilespmem:$0x1BBA0] =	vst v63  }
0x78: {  	_ =	swait.ge [sflag:s26], $0x2000  }
0x79: {  	[sflag:s26] =	ssyncset.done $0x0  }
0x7a: {  	s19 =	simm.s32 $0x2880;
	[sflag:s26] =	ssyncadd.s32 $0xFFFFE000  }
0x7b: {  	[spmem:s2] =	stream.indirect.scatter.add.f32 [tilespmem:s29], [sflag:$0x7], $0x40, s19, s28, $0xb8;
	[tilespmem:$0x1BBA0] =	vst v63  }
0x7c: {  	_ = 	snop  }
0x7d: {  	[spmem:s3] =	stream.indirect.scatter.add.f32 [tilespmem:s24], [sflag:$0x7], $0x10, s19, s28, $0xb8;
	[tilespmem:$0x1BBA0] =	vst v63  }
0x7e: {  	_ =	swait.ge [sflag:s1], $0x2000  }
0x7f: {  	[sflag:s1] =	ssyncset.done $0x0  }
0x80: {  	s20 =	simm.s32 $0x2900;
	[sflag:s1] =	ssyncadd.s32 $0xFFFFE000  }
0x81: {  	[spmem:s2] =	stream.indirect.scatter.add.f32 [tilespmem:s31], [sflag:$0x8], $0x40, s20, s28, $0xb8;
	[tilespmem:$0x1BBA0] =	vst v63  }
0x82: {  	_ = 	snop  }
0x83: {  	[spmem:s3] =	stream.indirect.scatter.add.f32 [tilespmem:s24], [sflag:$0x8], $0x10, s20, s28, $0xb8;
	[tilespmem:$0x1BBA0] =	vst v63  }
0x84: {  	_ =	swait.ge [sflag:s0], $0x2000  }
0x85: {  	[sflag:s0] =	ssyncset.done $0x0  }
0x86: {  	s19 =	simm.s32 $0x2980;
	[sflag:s0] =	ssyncadd.s32 $0xFFFFE000  }
0x87: {  	[spmem:s2] =	stream.indirect.scatter.add.f32 [tilespmem:s21], [sflag:$0x9], $0x40, s19, s28, $0xb8;
	[tilespmem:$0x1BBA0] =	vst v63  }
0x88: {  	_ = 	snop  }
0x89: {  	[spmem:s3] =	stream.indirect.scatter.add.f32 [tilespmem:s24], [sflag:$0x9], $0x10, s19, s28, $0xb8;
	[tilespmem:$0x1BBA0] =	vst v63  }
0x8a: {  	_ =	swait.ge [sflag:s4], $0x2000  }
0x8b: {  	[sflag:s4] =	ssyncset.done $0x0  }
0x8c: {  	s20 =	simm.s32 $0x2A00;
	[sflag:s4] =	ssyncadd.s32 $0xFFFFE000  }
0x8d: {  	[spmem:s2] =	stream.indirect.scatter.add.f32 [tilespmem:s30], [sflag:$0xA], $0x40, s20, s28, $0xb8;
	[tilespmem:$0x1BBA0] =	vst v63  }
0x8e: {  	_ = 	snop  }
0x8f: {  	[spmem:s3] =	stream.indirect.scatter.add.f32 [tilespmem:s24], [sflag:$0xA], $0x10, s20, s28, $0xb8;
	[tilespmem:$0x1BBA0] =	vst v63  }
0x90: {  	_ =	swait.ge [sflag:s5], $0x2000  }
0x91: {  	[sflag:s5] =	ssyncset.done $0x0  }
0x92: {  	[sflag:s5] =	ssyncadd.s32 $0xFFFFE000  }
0x93: {  	_ =	swait.ge [sflag:s5], $0x800  }
0x94: {  	[sflag:s5] =	ssyncset.done $0x0  }
0x95: {  	s19 =	simm.s32 $0x280;
	[sflag:s5] =	ssyncadd.s32 $0xFFFFF800  }
0x96: {  	[tilespmem:s22], [sflag:$0x1] =	stream.indirect.gather [hbm4b:s17+s28], $0x40, s19, s28, $0xb8;
	[tilespmem:$0x1BBA0] =	vst v63  }
0x97: {  	_ =	swait.ge [sflag:s6], $0x2000  }
0x98: {  	[sflag:s6] =	ssyncset.done $0x0  }
0x99: {  	[sflag:s6] =	ssyncadd.s32 $0xFFFFE000  }
0x9a: {  	_ =	swait.ge [sflag:s6], $0x800  }
0x9b: {  	[sflag:s6] =	ssyncset.done $0x0  }
0x9c: {  	s20 =	simm.s32 $0x300;
	[sflag:s6] =	ssyncadd.s32 $0xFFFFF800  }
0x9d: {  	[tilespmem:s29], [sflag:$0x2] =	stream.indirect.gather [hbm4b:s17+s28], $0x40, s20, s28, $0xb8;
	[tilespmem:$0x1BBA0] =	vst v63  }
0x9e: {  	_ =	swait.ge [sflag:s8], $0x2000  }
0x9f: {  	[sflag:s8] =	ssyncset.done $0x0  }
0xa0: {  	[sflag:s8] =	ssyncadd.s32 $0xFFFFE000  }
0xa1: {  	_ =	swait.ge [sflag:s8], $0x800  }
0xa2: {  	[sflag:s8] =	ssyncset.done $0x0  }
0xa3: {  	s19 =	simm.s32 $0x380;
	[sflag:s8] =	ssyncadd.s32 $0xFFFFF800  }
0xa4: {  	[tilespmem:s31], [sflag:$0x3] =	stream.indirect.gather [hbm4b:s17+s28], $0x40, s19, s28, $0xb8;
	[tilespmem:$0x1BBA0] =	vst v63  }
0xa5: {  	_ =	swait.ge [sflag:s9], $0x2000  }
0xa6: {  	[sflag:s9] =	ssyncset.done $0x0  }
0xa7: {  	[sflag:s9] =	ssyncadd.s32 $0xFFFFE000  }
0xa8: {  	_ =	swait.ge [sflag:s9], $0x800  }
0xa9: {  	[sflag:s9] =	ssyncset.done $0x0  }
0xaa: {  	s20 =	simm.s32 $0x400;
	[sflag:s9] =	ssyncadd.s32 $0xFFFFF800  }
0xab: {  	[tilespmem:s21], [sflag:$0x4] =	stream.indirect.gather [hbm4b:s17+s28], $0x40, s20, s28, $0xb8;
	[tilespmem:$0x1BBA0] =	vst v63  }
0xac: {  	_ =	swait.ge [sflag:s10], $0x2000  }
0xad: {  	[sflag:s10] =	ssyncset.done $0x0  }
0xae: {  	[sflag:s10] =	ssyncadd.s32 $0xFFFFE000  }
0xaf: {  	_ =	swait.ge [sflag:s10], $0x800  }
0xb0: {  	[sflag:s10] =	ssyncset.done $0x0  }
0xb1: {  	s19 =	simm.s32 $0xA00;
	s20 =	simm.s32 $0x480;
	[sflag:s10] =	ssyncadd.s32 $0xFFFFF800  }
.LBB2_8:
0xb2: {  	[tilespmem:s30], [sflag:$0x5] =	stream.indirect.gather [hbm4b:s17+s28], $0x40, s20, s28, $0xb8;
	[tilespmem:$0x1BBA0] =	vst v63  }
0xb3: {  	s11 =	smov.u32 s19  }
0xb4: {  	p0 =	sne.s32 s19, $0x8C00;
	s19 =	sadd.s32 $0xA00, s19;
	_ =	swait.ge [sflag:s25], $0x2000  }
0xb5: {  	s20 =	sshra.s32 s11, $0x2;
	[sflag:s25] =	ssyncset.done $0x0  }
0xb6: {  	s11 =	sadd.s32 $0x2800, s20;
	[sflag:s25] =	ssyncadd.s32 $0xFFFFE000  }
0xb7: {  	[spmem:s2] =	stream.indirect.scatter.add.f32 [tilespmem:s22], [sflag:$0x6], $0x40, s11, s28, $0xb8;
	[tilespmem:$0x1BBA0] =	vst v63  }
0xb8: {  	_ = 	snop  }
0xb9: {  	[spmem:s3] =	stream.indirect.scatter.add.f32 [tilespmem:s24], [sflag:$0x6], $0x10, s11, s28, $0xb8;
	[tilespmem:$0x1BBA0] =	vst v63  }
0xba: {  	_ =	swait.ge [sflag:s26], $0x2000  }
0xbb: {  	[sflag:s26] =	ssyncset.done $0x0  }
0xbc: {  	s11 =	sadd.s32 $0x2880, s20;
	[sflag:s26] =	ssyncadd.s32 $0xFFFFE000  }
0xbd: {  	[spmem:s2] =	stream.indirect.scatter.add.f32 [tilespmem:s29], [sflag:$0x7], $0x40, s11, s28, $0xb8;
	[tilespmem:$0x1BBA0] =	vst v63  }
0xbe: {  	_ = 	snop  }
0xbf: {  	[spmem:s3] =	stream.indirect.scatter.add.f32 [tilespmem:s24], [sflag:$0x7], $0x10, s11, s28, $0xb8;
	[tilespmem:$0x1BBA0] =	vst v63  }
0xc0: {  	_ =	swait.ge [sflag:s1], $0x2000  }
0xc1: {  	[sflag:s1] =	ssyncset.done $0x0  }
0xc2: {  	s11 =	sadd.s32 $0x2900, s20;
	[sflag:s1] =	ssyncadd.s32 $0xFFFFE000  }
0xc3: {  	[spmem:s2] =	stream.indirect.scatter.add.f32 [tilespmem:s31], [sflag:$0x8], $0x40, s11, s28, $0xb8;
	[tilespmem:$0x1BBA0] =	vst v63  }
0xc4: {  	_ = 	snop  }
0xc5: {  	[spmem:s3] =	stream.indirect.scatter.add.f32 [tilespmem:s24], [sflag:$0x8], $0x10, s11, s28, $0xb8;
	[tilespmem:$0x1BBA0] =	vst v63  }
0xc6: {  	_ =	swait.ge [sflag:s0], $0x2000  }
0xc7: {  	[sflag:s0] =	ssyncset.done $0x0  }
0xc8: {  	s11 =	sadd.s32 $0x2980, s20;
	[sflag:s0] =	ssyncadd.s32 $0xFFFFE000  }
0xc9: {  	[spmem:s2] =	stream.indirect.scatter.add.f32 [tilespmem:s21], [sflag:$0x9], $0x40, s11, s28, $0xb8;
	[tilespmem:$0x1BBA0] =	vst v63  }
0xca: {  	_ = 	snop  }
0xcb: {  	[spmem:s3] =	stream.indirect.scatter.add.f32 [tilespmem:s24], [sflag:$0x9], $0x10, s11, s28, $0xb8;
	[tilespmem:$0x1BBA0] =	vst v63  }
0xcc: {  	_ =	swait.ge [sflag:s4], $0x2000  }
0xcd: {  	[sflag:s4] =	ssyncset.done $0x0  }
0xce: {  	s11 =	sadd.s32 $0x2A00, s20;
	[sflag:s4] =	ssyncadd.s32 $0xFFFFE000  }
0xcf: {  	[spmem:s2] =	stream.indirect.scatter.add.f32 [tilespmem:s30], [sflag:$0xA], $0x40, s11, s28, $0xb8;
	[tilespmem:$0x1BBA0] =	vst v63  }
0xd0: {  	_ = 	snop  }
0xd1: {  	[spmem:s3] =	stream.indirect.scatter.add.f32 [tilespmem:s24], [sflag:$0xA], $0x10, s11, s28, $0xb8;
	[tilespmem:$0x1BBA0] =	vst v63  }
0xd2: {  	_ =	swait.ge [sflag:s5], $0x2000  }
0xd3: {  	[sflag:s5] =	ssyncset.done $0x0  }
0xd4: {  	[sflag:s5] =	ssyncadd.s32 $0xFFFFE000  }
0xd5: {  	_ =	swait.ge [sflag:s5], $0x800  }
0xd6: {  	[sflag:s5] =	ssyncset.done $0x0  }
0xd7: {  	s11 =	sadd.s32 $0x280, s20;
	[sflag:s5] =	ssyncadd.s32 $0xFFFFF800  }
0xd8: {  	[tilespmem:s22], [sflag:$0x1] =	stream.indirect.gather [hbm4b:s17+s28], $0x40, s11, s28, $0xb8;
	[tilespmem:$0x1BBA0] =	vst v63  }
0xd9: {  	_ =	swait.ge [sflag:s6], $0x2000  }
0xda: {  	[sflag:s6] =	ssyncset.done $0x0  }
0xdb: {  	[sflag:s6] =	ssyncadd.s32 $0xFFFFE000  }
0xdc: {  	_ =	swait.ge [sflag:s6], $0x800  }
0xdd: {  	[sflag:s6] =	ssyncset.done $0x0  }
0xde: {  	s11 =	sadd.s32 $0x300, s20;
	[sflag:s6] =	ssyncadd.s32 $0xFFFFF800  }
0xdf: {  	[tilespmem:s29], [sflag:$0x2] =	stream.indirect.gather [hbm4b:s17+s28], $0x40, s11, s28, $0xb8;
	[tilespmem:$0x1BBA0] =	vst v63  }
0xe0: {  	_ =	swait.ge [sflag:s8], $0x2000  }
0xe1: {  	[sflag:s8] =	ssyncset.done $0x0  }
0xe2: {  	[sflag:s8] =	ssyncadd.s32 $0xFFFFE000  }
0xe3: {  	_ =	swait.ge [sflag:s8], $0x800  }
0xe4: {  	[sflag:s8] =	ssyncset.done $0x0  }
0xe5: {  	s11 =	sadd.s32 $0x380, s20;
	[sflag:s8] =	ssyncadd.s32 $0xFFFFF800  }
0xe6: {  	[tilespmem:s31], [sflag:$0x3] =	stream.indirect.gather [hbm4b:s17+s28], $0x40, s11, s28, $0xb8;
	[tilespmem:$0x1BBA0] =	vst v63  }
0xe7: {  	_ =	swait.ge [sflag:s9], $0x2000  }
0xe8: {  	[sflag:s9] =	ssyncset.done $0x0  }
0xe9: {  	[sflag:s9] =	ssyncadd.s32 $0xFFFFE000  }
0xea: {  	_ =	swait.ge [sflag:s9], $0x800  }
0xeb: {  	[sflag:s9] =	ssyncset.done $0x0  }
0xec: {  	s11 =	sadd.s32 $0x400, s20;
	[sflag:s9] =	ssyncadd.s32 $0xFFFFF800  }
0xed: {  	[tilespmem:s21], [sflag:$0x4] =	stream.indirect.gather [hbm4b:s17+s28], $0x40, s11, s28, $0xb8;
	[tilespmem:$0x1BBA0] =	vst v63  }
0xee: {  	_ =	swait.ge [sflag:s10], $0x2000  }
.Ltmp3:
0xef: {  	[sflag:s10] =	ssyncset.done $0x0;
	(pc) =	sbr.rel @p0 .LBB2_8-.Ltmp3, $4  }
0xf0: {  	[sflag:s10] =	ssyncadd.s32 $0xFFFFE000  }
0xf1: {  	_ =	swait.ge [sflag:s10], $0x800  }
0xf2: {  	[sflag:s10] =	ssyncset.done $0x0  }
0xf3: {  	s20 =	sadd.s32 $0x480, s20;
	[sflag:s10] =	ssyncadd.s32 $0xFFFFF800  }
0xf4: {  	[tilespmem:s30], [sflag:$0x5] =	stream.indirect.gather [hbm4b:s17+s28], $0x40, s20, s28, $0xb8;
	[tilespmem:$0x1BBA0] =	vst v63  }
0xf5: {  	_ =	swait.ge [sflag:s25], $0x2000  }
0xf6: {  	[sflag:s25] =	ssyncset.done $0x0  }
0xf7: {  	s11 =	simm.s32 $0x4D80;
	[sflag:s25] =	ssyncadd.s32 $0xFFFFE000  }
0xf8: {  	[spmem:s2] =	stream.indirect.scatter.add.f32 [tilespmem:s22], [sflag:$0x6], $0x40, s11, s28, $0xb8;
	[tilespmem:$0x1BBA0] =	vst v63  }
0xf9: {  	_ = 	snop  }
0xfa: {  	[spmem:s3] =	stream.indirect.scatter.add.f32 [tilespmem:s24], [sflag:$0x6], $0x10, s11, s28, $0xb8;
	[tilespmem:$0x1BBA0] =	vst v63  }
0xfb: {  	_ =	swait.ge [sflag:s26], $0x2000  }
0xfc: {  	[sflag:s26] =	ssyncset.done $0x0  }
0xfd: {  	[sflag:s26] =	ssyncadd.s32 $0xFFFFE000  }
0xfe: {  	[spmem:s2] =	stream.indirect.scatter.add.f32 [tilespmem:s29], [sflag:$0x7], $0x40, s13, s28, $0xb8;
	[tilespmem:$0x1BBA0] =	vst v63  }
0xff: {  	_ = 	snop  }
0x100: {  	[spmem:s3] =	stream.indirect.scatter.add.f32 [tilespmem:s24], [sflag:$0x7], $0x10, s13, s28, $0xb8;
	[tilespmem:$0x1BBA0] =	vst v63  }
0x101: {  	_ =	swait.ge [sflag:s1], $0x2000  }
0x102: {  	[sflag:s1] =	ssyncset.done $0x0  }
0x103: {  	[sflag:s1] =	ssyncadd.s32 $0xFFFFE000  }
0x104: {  	[spmem:s2] =	stream.indirect.scatter.add.f32 [tilespmem:s31], [sflag:$0x8], $0x40, s14, s28, $0xb8;
	[tilespmem:$0x1BBA0] =	vst v63  }
0x105: {  	_ = 	snop  }
0x106: {  	[spmem:s3] =	stream.indirect.scatter.add.f32 [tilespmem:s24], [sflag:$0x8], $0x10, s14, s28, $0xb8;
	[tilespmem:$0x1BBA0] =	vst v63  }
0x107: {  	_ =	swait.ge [sflag:s0], $0x2000  }
0x108: {  	[sflag:s0] =	ssyncset.done $0x0  }
0x109: {  	[sflag:s0] =	ssyncadd.s32 $0xFFFFE000  }
0x10a: {  	[spmem:s2] =	stream.indirect.scatter.add.f32 [tilespmem:s21], [sflag:$0x9], $0x40, s15, s28, $0xb8;
	[tilespmem:$0x1BBA0] =	vst v63  }
0x10b: {  	_ = 	snop  }
0x10c: {  	[spmem:s3] =	stream.indirect.scatter.add.f32 [tilespmem:s24], [sflag:$0x9], $0x10, s15, s28, $0xb8;
	[tilespmem:$0x1BBA0] =	vst v63  }
0x10d: {  	_ =	swait.ge [sflag:s4], $0x2000  }
0x10e: {  	[sflag:s4] =	ssyncset.done $0x0  }
0x10f: {  	[sflag:s4] =	ssyncadd.s32 $0xFFFFE000  }
0x110: {  	[spmem:s2] =	stream.indirect.scatter.add.f32 [tilespmem:s30], [sflag:$0xA], $0x40, s16, s28, $0xb8;
	[tilespmem:$0x1BBA0] =	vst v63  }
0x111: {  	_ = 	snop  }
0x112: {  	[spmem:s3] =	stream.indirect.scatter.add.f32 [tilespmem:s24], [sflag:$0xA], $0x10, s16, s28, $0xb8;
	[tilespmem:$0x1BBA0] =	vst v63  }
0x113: {  	_ =	swait.ge [sflag:s5], $0x2000  }
0x114: {  	[sflag:s5] =	ssyncset.done $0x0  }
0x115: {  	[sflag:s5] =	ssyncadd.s32 $0xFFFFE000  }
0x116: {  	_ =	swait.ge [sflag:s5], $0x800  }
0x117: {  	[sflag:s5] =	ssyncset.done $0x0  }
0x118: {  	[sflag:s5] =	ssyncadd.s32 $0xFFFFF800  }
0x119: {  	_ =	swait.ge [sflag:s6], $0x2000  }
0x11a: {  	[sflag:s6] =	ssyncset.done $0x0  }
0x11b: {  	[sflag:s6] =	ssyncadd.s32 $0xFFFFE000  }
0x11c: {  	_ =	swait.ge [sflag:s6], $0x800  }
0x11d: {  	[sflag:s6] =	ssyncset.done $0x0  }
0x11e: {  	[sflag:s6] =	ssyncadd.s32 $0xFFFFF800  }
0x11f: {  	_ =	swait.ge [sflag:s8], $0x2000  }
0x120: {  	[sflag:s8] =	ssyncset.done $0x0  }
0x121: {  	[sflag:s8] =	ssyncadd.s32 $0xFFFFE000  }
0x122: {  	_ =	swait.ge [sflag:s8], $0x800  }
0x123: {  	[sflag:s8] =	ssyncset.done $0x0  }
0x124: {  	[sflag:s8] =	ssyncadd.s32 $0xFFFFF800  }
0x125: {  	_ =	swait.ge [sflag:s9], $0x2000  }
0x126: {  	[sflag:s9] =	ssyncset.done $0x0  }
0x127: {  	[sflag:s9] =	ssyncadd.s32 $0xFFFFE000  }
0x128: {  	_ =	swait.ge [sflag:s9], $0x800  }
0x129: {  	[sflag:s9] =	ssyncset.done $0x0  }
0x12a: {  	[sflag:s9] =	ssyncadd.s32 $0xFFFFF800  }
0x12b: {  	_ =	swait.ge [sflag:s10], $0x2000  }
0x12c: {  	[sflag:s10] =	ssyncset.done $0x0  }
0x12d: {  	[sflag:s10] =	ssyncadd.s32 $0xFFFFE000  }
0x12e: {  	_ =	swait.ge [sflag:s10], $0x800  }
0x12f: {  	[sflag:s10] =	ssyncset.done $0x0  }
0x130: {  	s19 =	stileid.u32;
	[sflag:s10] =	ssyncadd.s32 $0xFFFFF800  }
0x131: {  	s11 =	sshll.u32 s19, $0x6;
	[bflag:$0x0] =	sbarrier.arrive $0xFFFF  }
0x132: {  	s19 =	sshrl.u32 s7, $0x3;
	s11 =	sor.u32 $0x1C0B, s11;
	s20 =	rddreg [dreg:$0xf]  }
0x133: {  	[hbm:s20], [sflag:s11] =	dma.local [spmem:s19], $0x1390  }
0x134: {  	_ =	swait.ge [sflag:s23], $0x1390  }
0x135: {  	[sflag:s23] =	ssyncset.done $0x0  }
0x136: {  	s19 =	sshrl.u32 s12, $0x3;
	s20 =	rddreg [dreg:$0x10];
	[sflag:s23] =	ssyncadd.s32 $0xFFFFEC70  }
0x137: {  	[hbm:s20], [sflag:s11] =	dma.local [spmem:s19], $0x4E4  }
0x138: {  	_ =	swait.ge [sflag:s23], $0x4E4  }
0x139: {  	s18 =	sadd.s32 $0x1, s18;
	s20 =	rddreg [dreg:$0x11]  }
0x13a: {  	p0 =	sne.s32 s18, s20  }
.Ltmp4:
0x13b: {  	_ = 	snop;
	(pc) =	sbr.rel @p0 .LBB2_1-.Ltmp4, $3  }
0x13c: {  	_ =	sdelay $0x1  }
0x13d: {  	[sflag:s23] =	ssyncset.done $0x0  }
0x13e: {  	[sflag:s23] =	ssyncadd.s32 $0xFFFFFB1C  }
0x13f: {  	_ =	sfence.sel $0x180000  }
0x140: {  	[bflag:$0x0] =	sbarrier.arrive $0xFFFF  }
0x141: {  	_ =	strace $0x90000047  }
0x142: {  	s0 =	stileid.u32;
	[bflag:$0x2] =	sbarrier.arrive $0xFFFF  }
0x143: {  	p0 =	sne.s32 s0, $0x0;
	s0 =	rddreg [dreg:$0x4]  }
0x144: {  	s0 =	sadd.s32 @!p0 $0x100000, s0  }
0x145: {  	[sflag:s0] =	ssyncadd.tile.s32 @!p0 $0x1;
	_ =	shalt  }
.Lfunc_end2:
_tile_overlayer_lowered:
.L_overlay_start_2:
0x146: {  	(tag) =	ssettag $0x2  }
0x147: {  	s0 =	rddreg [dreg:$0x0];
	s2 =	stileid.u32  }
0x148: {  	s1 =	rddreg [dreg:$0x1];
	p0 =	sne.s32 s2, $0x0  }
0x149: {  	s3 =	rddreg [dreg:$0x2];
	[bflag:$0x3] =	sbarrier.arrive $0xFFFF;
	s2 =	simm.s32 @!p0 $0x1C0B  }
0x14a: {  	[timem:s3], [sflag:s2] =	dma.local @!p0 [hbm:s0], s1  }
0x14b: {  	s0 =	simm.s32 @!p0 $0xB  }
0x14c: {  	_ =	swait.ge @!p0 [sflag:s0], s1  }
0x14d: {  	s1 =	ssub.s32 @!p0 $0x0, s1;
	[sflag:s0] =	ssyncset.done @!p0 $0x0  }
0x14e: {  	[sflag:s0] =	ssyncadd.s32 @!p0 s1  }
0x14f: {  	[bflag:$0x3] =	sbarrier.arrive $0xFFFF  }
0x150: {  	_ =	shalt  }

</sc_bundles>
